<compile_context>
chip_gen: v7x
topology: tpu7x:2x2x1
jax: 0.10.2.dev20260603
libtpu: 0.0.44.dev20260713+nightly
codegen_flags: <defaults>
</compile_context>

<pallas_src>
import functools

import jax
import jax.numpy as jnp
import numpy as np
from jax import lax
from jax.experimental import pallas as pl
from jax.experimental.pallas import tpu as pltpu
from jax.experimental.pallas import tpu_sc as plsc

_STRIDE = 16
_NEG_OV = 0.3
_POS_OV = 0.7
_NC = 2
_NS = 16
_NW = _NC * _NS
_L = 16


def _base_anchors(base_size=16, ratios=(0.5, 1.0, 2.0), scales=(8, 16, 32)):
    base = np.array([1, 1, base_size, base_size], dtype=np.float64) - 1
    w = base[2] - base[0] + 1
    h = base[3] - base[1] + 1
    x_ctr = base[0] + 0.5 * (w - 1)
    y_ctr = base[1] + 0.5 * (h - 1)
    size = w * h
    out = []
    for r in ratios:
        ws = np.round(np.sqrt(size / r))
        hs = np.round(ws * r)
        for s in scales:
            wss = ws * s
            hss = hs * s
            out.append([x_ctr - 0.5 * (wss - 1), y_ctr - 0.5 * (hss - 1),
                        x_ctr + 0.5 * (wss - 1), y_ctr + 0.5 * (hss - 1)])
    return np.array(out, dtype=np.float32)


def _inside_anchors(shape, stride):
    rr, cc = shape
    shift_x = np.arange(0, cc) * stride
    shift_y = np.arange(0, rr) * stride
    sx, sy = np.meshgrid(shift_x, shift_y)
    shifts = np.stack([sx.ravel(), sy.ravel(), sx.ravel(), sy.ravel()],
                      axis=1).astype(np.float32)
    base = _base_anchors(base_size=stride)
    all_anchors = (base.reshape(1, -1, 4) + shifts.reshape(-1, 1, 4)).reshape(-1, 4)
    all_anchors = all_anchors.astype(np.float32)
    mask = ((all_anchors[:, 0] >= 0) & (all_anchors[:, 1] >= 0) &
            (all_anchors[:, 2] < 800.0) & (all_anchors[:, 3] < 800.0))
    return all_anchors[np.where(mask)[0]]


def _sc_body(aw, n_gt, g_pad,
             a_hbm, gtb_hbm, gp_hbm,
             rowmax_hbm, bb_hbm, cmax_hbm, carg_hbm,
             av, gtv, gpv, area_v, rm_v, ra_v, cm_v, ca_v, ga_v,
             gw_v, gh_v, gcx_v, gcy_v, bb_v):
    wid = lax.axis_index("s") * _NC + lax.axis_index("c")
    nvec = aw // _L
    gvec = g_pad // _L
    lane = lax.broadcasted_iota(jnp.int32, (_L,), 0)

    pltpu.sync_copy(a_hbm.at[wid], av)
    pltpu.sync_copy(gtb_hbm, gtv)
    pltpu.sync_copy(gp_hbm, gpv)

    for v in range(nvec):
        sl = pl.ds(v * _L, _L)
        ax1 = av[0, sl]
        ay1 = av[1, sl]
        ax2 = av[2, sl]
        ay2 = av[3, sl]
        area_v[sl] = (ax2 - ax1 + 1.0) * (ay2 - ay1 + 1.0)
        rm_v[sl] = jnp.full((_L,), -3.0e38, jnp.float32)
        ra_v[sl] = jnp.zeros((_L,), jnp.int32)
    for v in range(gvec):
        sl = pl.ds(v * _L, _L)
        gx1 = gpv[0, sl]
        gy1 = gpv[1, sl]
        gx2 = gpv[2, sl]
        gy2 = gpv[3, sl]
        gw_v[sl] = gx2 - gx1 + 1.0
        gh_v[sl] = gy2 - gy1 + 1.0
        gcx_v[sl] = gx1 + 0.5 * (gx2 - gx1 + 1.0)
        gcy_v[sl] = gy1 + 0.5 * (gy2 - gy1 + 1.0)
        ga_v[sl] = (gx2 - gx1 + 1.0) * (gy2 - gy1 + 1.0)

    base = wid * aw

    def g_step(gp_i, _):
        g0 = gp_i * 2
        g1 = g0 + 1
        gt0 = [gtv[g0, c, :] for c in range(4)]
        gt1 = [gtv[g1, c, :] for c in range(4)]
        area0 = plsc.load_gather(ga_v, [jnp.full((_L,), g0, jnp.int32)])
        area1 = plsc.load_gather(ga_v, [jnp.full((_L,), g1, jnp.int32)])
        cmax0 = jnp.full((_L,), -3.0e38, jnp.float32)
        cvec0 = jnp.zeros((_L,), jnp.int32)
        cmax1 = jnp.full((_L,), -3.0e38, jnp.float32)
        cvec1 = jnp.zeros((_L,), jnp.int32)
        for v in range(nvec):
            sl = pl.ds(v * _L, _L)
            ax1 = av[0, sl]
            ay1 = av[1, sl]
            ax2 = av[2, sl]
            ay2 = av[3, sl]
            area_a = area_v[sl]

            def iou(gt, area_g):
                x1 = jnp.maximum(ax1, gt[0])
                y1 = jnp.maximum(ay1, gt[1])
                x2 = jnp.minimum(ax2, gt[2])
                y2 = jnp.minimum(ay2, gt[3])
                iw = jnp.maximum(x2 - x1 + 1.0, 0.0)
                ih = jnp.maximum(y2 - y1 + 1.0, 0.0)
                inter = iw * ih
                return inter / (area_a + area_g - inter)

            ov0 = iou(gt0, area0)
            ov1 = iou(gt1, area1)
            swap = ov1 > ov0
            obest = jnp.where(swap, ov1, ov0)
            gbest = jnp.where(swap, g1, g0)
            rm = rm_v[sl]
            upd = obest > rm
            rm_v[sl] = jnp.where(upd, obest, rm)
            ra_v[sl] = jnp.where(upd, gbest, ra_v[sl])
            c0 = ov0 > cmax0
            cvec0 = jnp.where(c0, v, cvec0)
            cmax0 = jnp.where(c0, ov0, cmax0)
            c1 = ov1 > cmax1
            cvec1 = jnp.where(c1, v, cvec1)
            cmax1 = jnp.where(c1, ov1, cmax1)
        cm_v[g0, :] = cmax0
        ca_v[g0, :] = base + cvec0 * _L + lane
        cm_v[g1, :] = cmax1
        ca_v[g1, :] = base + cvec1 * _L + lane
        return _

    lax.fori_loop(0, n_gt // 2, g_step, None)

    for v in range(nvec):
        sl = pl.ds(v * _L, _L)
        ra = ra_v[sl]
        scx = plsc.load_gather(gcx_v, [ra])
        scy = plsc.load_gather(gcy_v, [ra])
        sw = plsc.load_gather(gw_v, [ra])
        sh = plsc.load_gather(gh_v, [ra])
        ax1 = av[0, sl]
        ay1 = av[1, sl]
        ax2 = av[2, sl]
        ay2 = av[3, sl]
        ew = ax2 - ax1 + 1.0
        eh = ay2 - ay1 + 1.0
        ecx = ax1 + 0.5 * ew
        ecy = ay1 + 0.5 * eh
        bb_v[0, sl] = (scx - ecx) / ew
        bb_v[1, sl] = (scy - ecy) / eh
        bb_v[2, sl] = sw / ew
        bb_v[3, sl] = sh / eh

    pltpu.sync_copy(rm_v, rowmax_hbm.at[wid])
    pltpu.sync_copy(bb_v, bb_hbm.at[wid])
    pltpu.sync_copy(cm_v, cmax_hbm.at[wid])
    pltpu.sync_copy(ca_v, carg_hbm.at[wid])


def _tc_merge_body(n_valid, g_valid, rm_ref, bb_ref, cm_ref, ca_ref,
                   a_ref, meta_ref, labels_ref, bbox_ref):
    cm = cm_ref[:, :]
    m = jnp.max(cm, axis=0, keepdims=True)
    cand = jnp.where(cm == m, ca_ref[:, :], jnp.int32(2 ** 30))
    carg_i = jnp.min(cand, axis=0, keepdims=True)

    n_pad = rm_ref.shape[0]
    g_pad = cm.shape[1]
    row_i = lax.broadcasted_iota(jnp.int32, (n_pad, g_pad), 0)
    pos_gt = jnp.any(row_i == carg_i, axis=1, keepdims=True)

    rm = rm_ref[:, :]
    labels = jnp.where(rm < _NEG_OV, 0.0, -1.0)
    labels = jnp.where(pos_gt, 1.0, labels)
    labels = jnp.where(rm >= _POS_OV, 1.0, labels)

    h = meta_ref[0, 0]
    w = meta_ref[0, 1]
    inside = ((a_ref[:, 0:1] >= 0.0) & (a_ref[:, 1:2] >= 0.0) &
              (a_ref[:, 2:3] < w) & (a_ref[:, 3:4] < h))
    labels_ref[:, :] = jnp.where(inside, labels, -1.0)

    bbox_ref[:, 0:2] = bb_ref[:, 0:2]
    bbox_ref[:, 2:3] = jnp.log(bb_ref[:, 2:3])
    bbox_ref[:, 3:4] = jnp.log(bb_ref[:, 3:4])


@functools.partial(jax.jit, static_argnums=(4, 5))
def _run(anchors_w, anchors_pad, gt_boxes, metadata, n_valid, g_valid):
    aw = anchors_w.shape[2]
    n_pad = _NW * aw
    g_pad = ((g_valid + _L - 1) // _L) * _L

    gtb = jnp.broadcast_to(gt_boxes[:, :, None], (g_valid, 4, _L))
    gp = jnp.zeros((4, g_pad), jnp.float32).at[:, :g_valid].set(gt_boxes.T)

    mesh = plsc.VectorSubcoreMesh(core_axis_name="c", subcore_axis_name="s",
                                  num_cores=_NC, num_subcores=_NS)
    sc = pl.kernel(
        functools.partial(_sc_body, aw, g_valid, g_pad),
        out_type=[
            jax.ShapeDtypeStruct((_NW, aw), jnp.float32),
            jax.ShapeDtypeStruct((_NW, 4, aw), jnp.float32),
            jax.ShapeDtypeStruct((_NW, g_valid, _L), jnp.float32),
            jax.ShapeDtypeStruct((_NW, g_valid, _L), jnp.int32),
        ],
        mesh=mesh,
        compiler_params=pltpu.CompilerParams(needs_layout_passes=False),
        scratch_types=[
            pltpu.VMEM((4, aw), jnp.float32),
            pltpu.VMEM((g_valid, 4, _L), jnp.float32),
            pltpu.VMEM((4, g_pad), jnp.float32),
            pltpu.VMEM((aw,), jnp.float32),
            pltpu.VMEM((aw,), jnp.float32),
            pltpu.VMEM((aw,), jnp.int32),
            pltpu.VMEM((g_valid, _L), jnp.float32),
            pltpu.VMEM((g_valid, _L), jnp.int32),
            pltpu.VMEM((g_pad,), jnp.float32),
            pltpu.VMEM((g_pad,), jnp.float32),
            pltpu.VMEM((g_pad,), jnp.float32),
            pltpu.VMEM((g_pad,), jnp.float32),
            pltpu.VMEM((g_pad,), jnp.float32),
            pltpu.VMEM((4, aw), jnp.float32),
        ],
    )
    rowmax, bb, cmax_w, carg_w = sc(anchors_w, gtb, gp)

    rowmax = rowmax.reshape(n_pad, 1)
    bb = jnp.transpose(bb, (0, 2, 1)).reshape(n_pad, 4)
    cmax_w = jnp.transpose(cmax_w, (0, 2, 1)).reshape(_NW * _L, g_valid)
    carg_w = jnp.transpose(carg_w, (0, 2, 1)).reshape(_NW * _L, g_valid)

    labels, bbox = pl.pallas_call(
        functools.partial(_tc_merge_body, n_valid, g_valid),
        out_shape=[
            jax.ShapeDtypeStruct((n_pad, 1), jnp.float32),
            jax.ShapeDtypeStruct((n_pad, 4), jnp.float32),
        ],
        in_specs=[
            pl.BlockSpec(memory_space=pltpu.VMEM),
            pl.BlockSpec(memory_space=pltpu.VMEM),
            pl.BlockSpec(memory_space=pltpu.VMEM),
            pl.BlockSpec(memory_space=pltpu.VMEM),
            pl.BlockSpec(memory_space=pltpu.VMEM),
            pl.BlockSpec(memory_space=pltpu.SMEM),
        ],
        out_specs=[
            pl.BlockSpec(memory_space=pltpu.VMEM),
            pl.BlockSpec(memory_space=pltpu.VMEM),
        ],
    )(rowmax, bb, cmax_w, carg_w, anchors_pad, metadata)
    return labels[:n_valid, 0], bbox[:n_valid, :]


def kernel(scores, gt_boxes, metadata):
    rr, cc = scores.shape[1], scores.shape[2]
    anchors_in = _inside_anchors((rr, cc), _STRIDE)
    n_valid = anchors_in.shape[0]
    aw = ((n_valid + _NW * _L - 1) // (_NW * _L)) * _L
    n_pad = _NW * aw
    pad = np.full((n_pad - n_valid, 4), -1.0e6, dtype=np.float32)
    pad[:, 2:] += 1.0
    a_full = np.concatenate([anchors_in, pad], axis=0)
    anchors_w = jnp.asarray(
        a_full.reshape(_NW, aw, 4).transpose(0, 2, 1).copy())
    anchors_pad = jnp.asarray(a_full)
    return _run(anchors_w, anchors_pad, gt_boxes, metadata,
                n_valid, gt_boxes.shape[0])

# --- scband reference (transcript-rebuilt; emitter-appended) ---
"""Pipeline reference for scband-anchor-target-67491116089801 (READ-ONLY COPY).

The authoritative reference and input builder live on the scoring server;
editing this copy changes nothing except your own understanding.
"""

import jax, jax.numpy as jnp
import numpy as np

ALLOWED_BORDER = 0
CLOBBER_POSITIVES = False
NEGATIVE_OVERLAP = 0.3
POSITIVE_OVERLAP = 0.7
STRIDE = 16


def _generate_anchors(base_size=16, ratios=(0.5, 1.0, 2.0), scales=(8, 16, 32)):
    base = np.array([1, 1, base_size, base_size], dtype=np.float64) - 1
    w = base[2] - base[0] + 1
    h = base[3] - base[1] + 1
    x_ctr = base[0] + 0.5 * (w - 1)
    y_ctr = base[1] + 0.5 * (h - 1)
    size = w * h
    anchors = []
    for r in ratios:
        ws = np.round(np.sqrt(size / r))
        hs = np.round(ws * r)
        for s in scales:
            wss = ws * s
            hss = hs * s
            anchors.append([x_ctr - 0.5 * (wss - 1), y_ctr - 0.5 * (hss - 1), x_ctr + 0.5 * (wss - 1), y_ctr + 0.5 * (hss - 1)])
    return np.array(anchors, dtype=np.float32)


def _shift(shape, stride):
    rr, cc = shape
    shift_x = np.arange(0, cc) * stride
    shift_y = np.arange(0, rr) * stride
    sx, sy = np.meshgrid(shift_x, shift_y)
    shifts = np.stack([sx.ravel(), sy.ravel(), sx.ravel(), sy.ravel()], axis=1).astype(np.float32)
    base = _generate_anchors(base_size=stride)
    A = base.shape[0]
    K = shifts.shape[0]
    all_anchors = base.reshape(1, A, 4) + shifts.reshape(K, 1, 4)
    return all_anchors.reshape(K * A, 4).astype(np.float32)


def _inside_image(anchors, meta, allowed_border):
    # meta = [height, width, scale]
    mask = ((anchors[:, 0] >= -allowed_border) & (anchors[:, 1] >= -allowed_border) &
            (anchors[:, 2] < float(meta[1]) + allowed_border) & (anchors[:, 3] < float(meta[0]) + allowed_border))
    idx = np.where(mask)[0]
    return idx, anchors[idx]


def _overlaps(anchors, gt):
    a = jnp.asarray(anchors)
    x1 = jnp.maximum(a[:, None, 0], gt[None, :, 0])
    y1 = jnp.maximum(a[:, None, 1], gt[None, :, 1])
    x2 = jnp.minimum(a[:, None, 2], gt[None, :, 2])
    y2 = jnp.minimum(a[:, None, 3], gt[None, :, 3])
    iw = jnp.clip(x2 - x1 + 1.0, 0.0)
    ih = jnp.clip(y2 - y1 + 1.0, 0.0)
    inter = iw * ih
    area_a = (a[:, 2] - a[:, 0] + 1.0) * (a[:, 3] - a[:, 1] + 1.0)
    area_g = (gt[:, 2] - gt[:, 0] + 1.0) * (gt[:, 3] - gt[:, 1] + 1.0)
    union = area_a[:, None] + area_g[None, :] - inter
    return inter / union


def _label(anchors_in, gt_boxes, negative_overlap, positive_overlap, clobber_positives):
    ov = _overlaps(anchors_in, gt_boxes)
    argmax_overlaps_inds = jnp.argmax(ov, axis=1)
    max_overlaps = jnp.max(ov, axis=1)
    gt_argmax_overlaps_inds = jnp.argmax(ov, axis=0)
    labels = -jnp.ones((anchors_in.shape[0],), dtype=jnp.float32)
    if not clobber_positives:
        labels = jnp.where(max_overlaps < negative_overlap, 0.0, labels)
    labels = labels.at[gt_argmax_overlaps_inds].set(1.0)
    labels = jnp.where(max_overlaps >= positive_overlap, 1.0, labels)
    if clobber_positives:
        labels = jnp.where(max_overlaps < negative_overlap, 0.0, labels)
    return argmax_overlaps_inds, labels


def _bbox_transform(ex, gt):
    ew = ex[:, 2] - ex[:, 0] + 1.0
    eh = ex[:, 3] - ex[:, 1] + 1.0
    ecx = ex[:, 0] + 0.5 * ew
    ecy = ex[:, 1] + 0.5 * eh
    gw = gt[:, 2] - gt[:, 0] + 1.0
    gh = gt[:, 3] - gt[:, 1] + 1.0
    gcx = gt[:, 0] + 0.5 * gw
    gcy = gt[:, 1] + 0.5 * gh
    return jnp.stack([(gcx - ecx) / ew, (gcy - ecy) / eh, jnp.log(gw / ew), jnp.log(gh / eh)], axis=1)


def setup_inputs(seed: int = 0) -> dict:
    key = jax.random.key(seed)
    k1, k2, k3 = jax.random.split(key, 3)
    scores = jax.random.normal(k1, (1, 50, 50, 18), dtype=jnp.float32)
    xy = jax.random.uniform(k2, (100, 2), minval=0.0, maxval=672.0)
    wh = jax.random.uniform(k3, (100, 2), minval=16.0, maxval=128.0)
    gt_boxes = jnp.concatenate([xy, xy + wh], axis=1).astype(jnp.float32)
    metadata = jnp.array([[800.0, 800.0, 1.0]], dtype=jnp.float32)
    return {"scores": scores, "gt_boxes": gt_boxes, "metadata": metadata}


def reference(scores, gt_boxes, metadata):
    rr, cc = scores.shape[1], scores.shape[2]
    anchors = _shift((rr, cc), STRIDE)
    meta0 = np.array([800.0, 800.0, 1.0], dtype=np.float32)
    indices, anchors_in = _inside_image(anchors, meta0, ALLOWED_BORDER)
    argmax_overlaps_inds, labels = _label(anchors_in, gt_boxes, NEGATIVE_OVERLAP, POSITIVE_OVERLAP, CLOBBER_POSITIVES)
    anchors_in_j = jnp.asarray(anchors_in)
    meta_t = metadata[0]
    inside_t = ((anchors_in_j[:, 0] >= -ALLOWED_BORDER) & (anchors_in_j[:, 1] >= -ALLOWED_BORDER) &
                (anchors_in_j[:, 2] < meta_t[1] + ALLOWED_BORDER) & (anchors_in_j[:, 3] < meta_t[0] + ALLOWED_BORDER))
    labels = jnp.where(inside_t, labels, -1.0)
    gt_sel = jnp.take(gt_boxes, argmax_overlaps_inds, axis=0)
    bbox_reg_targets = _bbox_transform(anchors_in_j, gt_sel).reshape(-1, 4)
    return labels, bbox_reg_targets

if __name__ == "__main__":
    import jax
    _d = setup_inputs()
    print(jax.jit(kernel)(*tuple(_d.values())))

</pallas_src>

<mosaic_0001>
#map = affine_map<(d0, d1) -> (0, 0, 0)>
#map1 = affine_map<(d0, d1) -> (0, 0)>
module attributes {stable_mosaic.version = 14 : i64} {
  func.func @_sc_body(%arg0: i32, %arg1: i32, %arg2: memref<32x4x288xf32, #tpu.memory_space<hbm>>, %arg3: memref<100x4x16xf32, #tpu.memory_space<hbm>>, %arg4: memref<4x112xf32, #tpu.memory_space<hbm>>, %arg5: memref<32x288xf32, #tpu.memory_space<hbm>>, %arg6: memref<32x4x288xf32, #tpu.memory_space<hbm>>, %arg7: memref<32x100x16xf32, #tpu.memory_space<hbm>>, %arg8: memref<32x100x16xi32, #tpu.memory_space<hbm>>, %arg9: memref<4x288xf32, #tpu.memory_space<vmem>>, %arg10: memref<100x4x16xf32, #tpu.memory_space<vmem>>, %arg11: memref<4x112xf32, #tpu.memory_space<vmem>>, %arg12: memref<288xf32, #tpu.memory_space<vmem>>, %arg13: memref<288xf32, #tpu.memory_space<vmem>>, %arg14: memref<288xi32, #tpu.memory_space<vmem>>, %arg15: memref<100x16xf32, #tpu.memory_space<vmem>>, %arg16: memref<100x16xi32, #tpu.memory_space<vmem>>, %arg17: memref<112xf32, #tpu.memory_space<vmem>>, %arg18: memref<112xf32, #tpu.memory_space<vmem>>, %arg19: memref<112xf32, #tpu.memory_space<vmem>>, %arg20: memref<112xf32, #tpu.memory_space<vmem>>, %arg21: memref<112xf32, #tpu.memory_space<vmem>>, %arg22: memref<4x288xf32, #tpu.memory_space<vmem>>) attributes {dimension_semantics = [#tpu.dimension_semantics<core_parallel>, #tpu.dimension_semantics<subcore_parallel>], iteration_bounds = array<i64: 2, 16>, scalar_prefetch = 0 : i64, scratch_operands = 14 : i64, tpu.core_type = #tpu.core_type<sc_vector_subcore>, window_params = [{transform_indices = #map}, {transform_indices = #map}, {transform_indices = #map1}, {transform_indices = #map1}, {transform_indices = #map}, {transform_indices = #map}, {transform_indices = #map}]} {
    %mul3A = arith.constant 2 : i32
    %mul3A_0 = arith.muli %arg1, %mul3A : i32
    %add3A = arith.addi %mul3A_0, %arg0 : i32
    %iota3A = tpu.iota {dimensions = array<i32: 0>} : vector<16xi32>
    "tpu.region"() ({
      %run_scoped3A = tpu.sem_alloc : memref<!tpu.dma_semaphore, #tpu.memory_space<semaphore_mem>>
      %dma_start3A = arith.constant 0 : i32
      %dma_start3A_2124 = arith.constant 0 : i32
      %dma_start3A_2125 = tpu.memref_slice %arg2[%add3A, %dma_start3A, %dma_start3A_2124] : memref<32x4x288xf32, #tpu.memory_space<hbm>> -> memref<1x4x288xf32, #tpu.memory_space<hbm>>
      %dma_start3A_2126 = tpu.memref_squeeze %dma_start3A_2125 : memref<1x4x288xf32, #tpu.memory_space<hbm>> -> memref<4x288xf32, #tpu.memory_space<hbm>>
      %dma_start3A_2127 = arith.constant 0 : i32
      %dma_start3A_2128 = arith.constant 0 : i32
      %dma_start3A_2129 = tpu.memref_slice %arg2[%add3A, %dma_start3A_2127, %dma_start3A_2128] : memref<32x4x288xf32, #tpu.memory_space<hbm>> -> memref<1x4x288xf32, #tpu.memory_space<hbm>>
      %dma_start3A_2130 = tpu.memref_squeeze %dma_start3A_2129 : memref<1x4x288xf32, #tpu.memory_space<hbm>> -> memref<4x288xf32, #tpu.memory_space<hbm>>
      tpu.enqueue_dma source(%dma_start3A_2130 : memref<4x288xf32, #tpu.memory_space<hbm>>) target(%arg9 : memref<4x288xf32, #tpu.memory_space<vmem>>) target_semaphore(%run_scoped3A : memref<!tpu.dma_semaphore, #tpu.memory_space<semaphore_mem>>)
      %dma_wait3A = arith.constant 0 : i32
      %dma_wait3A_2131 = arith.constant 0 : i32
      %dma_wait3A_2132 = tpu.memref_slice %arg2[%add3A, %dma_wait3A, %dma_wait3A_2131] : memref<32x4x288xf32, #tpu.memory_space<hbm>> -> memref<1x4x288xf32, #tpu.memory_space<hbm>>
      %dma_wait3A_2133 = tpu.memref_squeeze %dma_wait3A_2132 : memref<1x4x288xf32, #tpu.memory_space<hbm>> -> memref<4x288xf32, #tpu.memory_space<hbm>>
      %dma_wait3A_2134 = arith.constant 0 : i32
      %dma_wait3A_2135 = arith.constant 0 : i32
      %dma_wait3A_2136 = tpu.memref_slice %arg2[%add3A, %dma_wait3A_2134, %dma_wait3A_2135] : memref<32x4x288xf32, #tpu.memory_space<hbm>> -> memref<1x4x288xf32, #tpu.memory_space<hbm>>
      %dma_wait3A_2137 = tpu.memref_squeeze %dma_wait3A_2136 : memref<1x4x288xf32, #tpu.memory_space<hbm>> -> memref<4x288xf32, #tpu.memory_space<hbm>>
      tpu.wait_dma2 semaphore(%run_scoped3A : memref<!tpu.dma_semaphore, #tpu.memory_space<semaphore_mem>>) src(%dma_wait3A_2137 : memref<4x288xf32, #tpu.memory_space<hbm>>) dst(%arg9 : memref<4x288xf32, #tpu.memory_space<vmem>>)
      tpu.yield
    }) : () -> ()
    "tpu.region"() ({
      %run_scoped3A = tpu.sem_alloc : memref<!tpu.dma_semaphore, #tpu.memory_space<semaphore_mem>>
      tpu.enqueue_dma source(%arg3 : memref<100x4x16xf32, #tpu.memory_space<hbm>>) target(%arg10 : memref<100x4x16xf32, #tpu.memory_space<vmem>>) target_semaphore(%run_scoped3A : memref<!tpu.dma_semaphore, #tpu.memory_space<semaphore_mem>>)
      tpu.wait_dma2 semaphore(%run_scoped3A : memref<!tpu.dma_semaphore, #tpu.memory_space<semaphore_mem>>) src(%arg3 : memref<100x4x16xf32, #tpu.memory_space<hbm>>) dst(%arg10 : memref<100x4x16xf32, #tpu.memory_space<vmem>>)
      tpu.yield
    }) : () -> ()
    "tpu.region"() ({
      %run_scoped3A = tpu.sem_alloc : memref<!tpu.dma_semaphore, #tpu.memory_space<semaphore_mem>>
      tpu.enqueue_dma source(%arg4 : memref<4x112xf32, #tpu.memory_space<hbm>>) target(%arg11 : memref<4x112xf32, #tpu.memory_space<vmem>>) target_semaphore(%run_scoped3A : memref<!tpu.dma_semaphore, #tpu.memory_space<semaphore_mem>>)
      tpu.wait_dma2 semaphore(%run_scoped3A : memref<!tpu.dma_semaphore, #tpu.memory_space<semaphore_mem>>) src(%arg4 : memref<4x112xf32, #tpu.memory_space<hbm>>) dst(%arg11 : memref<4x112xf32, #tpu.memory_space<vmem>>)
      tpu.yield
    }) : () -> ()
    %get3A = arith.constant 0 : i32
    %get3A_1 = arith.index_cast %get3A : i32 to index
    %get3A_2 = arith.constant 0 : index
    %get3A_3 = tpu.vector_load %arg9[%get3A_1, %get3A_2] {strides = array<i32>} : memref<4x288xf32, #tpu.memory_space<vmem>>, vector<16xf32>,
    %get3A_4 = arith.constant 1 : i32
    %get3A_5 = arith.index_cast %get3A_4 : i32 to index
    %get3A_6 = arith.constant 0 : index
    %get3A_7 = tpu.vector_load %arg9[%get3A_5, %get3A_6] {strides = array<i32>} : memref<4x288xf32, #tpu.memory_space<vmem>>, vector<16xf32>,
    %get3A_8 = arith.constant 2 : i32
    %get3A_9 = arith.index_cast %get3A_8 : i32 to index
    %get3A_10 = arith.constant 0 : index
    %get3A_11 = tpu.vector_load %arg9[%get3A_9, %get3A_10] {strides = array<i32>} : memref<4x288xf32, #tpu.memory_space<vmem>>, vector<16xf32>,
    %get3A_12 = arith.constant 3 : i32
    %get3A_13 = arith.index_cast %get3A_12 : i32 to index
    %get3A_14 = arith.constant 0 : index
    %get3A_15 = tpu.vector_load %arg9[%get3A_13, %get3A_14] {strides = array<i32>} : memref<4x288xf32, #tpu.memory_space<vmem>>, vector<16xf32>,
    %sub3A = arith.subf %get3A_11, %get3A_3 : vector<16xf32>
    %add3A_16 = arith.constant 1.000000e+00 : f32
    %add3A_17 = vector.broadcast %add3A_16 : f32 to vector<16xf32>
    %add3A_18 = arith.addf %sub3A, %add3A_17 : vector<16xf32>
    %sub3A_19 = arith.subf %get3A_15, %get3A_7 : vector<16xf32>
    %add3A_20 = arith.constant 1.000000e+00 : f32
    %add3A_21 = vector.broadcast %add3A_20 : f32 to vector<16xf32>
    %add3A_22 = arith.addf %sub3A_19, %add3A_21 : vector<16xf32>
    %mul3A_23 = arith.mulf %add3A_18, %add3A_22 : vector<16xf32>
    %swap3A = arith.constant 0 : index
    %swap3A_24 = tpu.vector_load %arg12[%swap3A] {strides = array<i32>} : memref<288xf32, #tpu.memory_space<vmem>>, vector<16xf32>,
    tpu.vector_store %arg12[%swap3A], %mul3A_23 {strides = array<i32>} : memref<288xf32, #tpu.memory_space<vmem>>, vector<16xf32>,
    %broadcast_in_dim3A = arith.constant -3.000000e+38 : f32
    %broadcast_in_dim3A_25 = vector.broadcast %broadcast_in_dim3A : f32 to vector<16xf32>
    %swap3A_26 = arith.constant 0 : index
    %swap3A_27 = tpu.vector_load %arg13[%swap3A_26] {strides = array<i32>} : memref<288xf32, #tpu.memory_space<vmem>>, vector<16xf32>,
    tpu.vector_store %arg13[%swap3A_26], %broadcast_in_dim3A_25 {strides = array<i32>} : memref<288xf32, #tpu.memory_space<vmem>>, vector<16xf32>,
    %broadcast_in_dim3A_28 = arith.constant 0 : i32
    %broadcast_in_dim3A_29 = vector.broadcast %broadcast_in_dim3A_28 : i32 to vector<16xi32>
    %swap3A_30 = arith.constant 0 : index
    %swap3A_31 = tpu.vector_load %arg14[%swap3A_30] {strides = array<i32>} : memref<288xi32, #tpu.memory_space<vmem>>, vector<16xi32>,
    tpu.vector_store %arg14[%swap3A_30], %broadcast_in_dim3A_29 {strides = array<i32>} : memref<288xi32, #tpu.memory_space<vmem>>, vector<16xi32>,
    %get3A_32 = arith.constant 0 : i32
    %get3A_33 = arith.index_cast %get3A_32 : i32 to index
    %get3A_34 = arith.constant 16 : index
    %get3A_35 = tpu.vector_load %arg9[%get3A_33, %get3A_34] {strides = array<i32>} : memref<4x288xf32, #tpu.memory_space<vmem>>, vector<16xf32>,
    %get3A_36 = arith.constant 1 : i32
    %get3A_37 = arith.index_cast %get3A_36 : i32 to index
    %get3A_38 = arith.constant 16 : index
    %get3A_39 = tpu.vector_load %arg9[%get3A_37, %get3A_38] {strides = array<i32>} : memref<4x288xf32, #tpu.memory_space<vmem>>, vector<16xf32>,
    %get3A_40 = arith.constant 2 : i32
    %get3A_41 = arith.index_cast %get3A_40 : i32 to index
    %get3A_42 = arith.constant 16 : index
    %get3A_43 = tpu.vector_load %arg9[%get3A_41, %get3A_42] {strides = array<i32>} : memref<4x288xf32, #tpu.memory_space<vmem>>, vector<16xf32>,
    %get3A_44 = arith.constant 3 : i32
    %get3A_45 = arith.index_cast %get3A_44 : i32 to index
    %get3A_46 = arith.constant 16 : index
    %get3A_47 = tpu.vector_load %arg9[%get3A_45, %get3A_46] {strides = array<i32>} : memref<4x288xf32, #tpu.memory_space<vmem>>, vector<16xf32>,
    %sub3A_48 = arith.subf %get3A_43, %get3A_35 : vector<16xf32>
    %add3A_49 = arith.constant 1.000000e+00 : f32
    %add3A_50 = vector.broadcast %add3A_49 : f32 to vector<16xf32>
    %add3A_51 = arith.addf %sub3A_48, %add3A_50 : vector<16xf32>
    %sub3A_52 = arith.subf %get3A_47, %get3A_39 : vector<16xf32>
    %add3A_53 = arith.constant 1.000000e+00 : f32
    %add3A_54 = vector.broadcast %add3A_53 : f32 to vector<16xf32>
    %add3A_55 = arith.addf %sub3A_52, %add3A_54 : vector<16xf32>
    %mul3A_56 = arith.mulf %add3A_51, %add3A_55 : vector<16xf32>
    %swap3A_57 = arith.constant 16 : index
    %swap3A_58 = tpu.vector_load %arg12[%swap3A_57] {strides = array<i32>} : memref<288xf32, #tpu.memory_space<vmem>>, vector<16xf32>,
    tpu.vector_store %arg12[%swap3A_57], %mul3A_56 {strides = array<i32>} : memref<288xf32, #tpu.memory_space<vmem>>, vector<16xf32>,
    %broadcast_in_dim3A_59 = arith.constant -3.000000e+38 : f32
    %broadcast_in_dim3A_60 = vector.broadcast %broadcast_in_dim3A_59 : f32 to vector<16xf32>
    %swap3A_61 = arith.constant 16 : index
    %swap3A_62 = tpu.vector_load %arg13[%swap3A_61] {strides = array<i32>} : memref<288xf32, #tpu.memory_space<vmem>>, vector<16xf32>,
    tpu.vector_store %arg13[%swap3A_61], %broadcast_in_dim3A_60 {strides = array<i32>} : memref<288xf32, #tpu.memory_space<vmem>>, vector<16xf32>,
    %broadcast_in_dim3A_63 = arith.constant 0 : i32
    %broadcast_in_dim3A_64 = vector.broadcast %broadcast_in_dim3A_63 : i32 to vector<16xi32>
    %swap3A_65 = arith.constant 16 : index
    %swap3A_66 = tpu.vector_load %arg14[%swap3A_65] {strides = array<i32>} : memref<288xi32, #tpu.memory_space<vmem>>, vector<16xi32>,
    tpu.vector_store %arg14[%swap3A_65], %broadcast_in_dim3A_64 {strides = array<i32>} : memref<288xi32, #tpu.memory_space<vmem>>, vector<16xi32>,
    %get3A_67 = arith.constant 0 : i32
    %get3A_68 = arith.index_cast %get3A_67 : i32 to index
    %get3A_69 = arith.constant 32 : index
    %get3A_70 = tpu.vector_load %arg9[%get3A_68, %get3A_69] {strides = array<i32>} : memref<4x288xf32, #tpu.memory_space<vmem>>, vector<16xf32>,
    %get3A_71 = arith.constant 1 : i32
    %get3A_72 = arith.index_cast %get3A_71 : i32 to index
    %get3A_73 = arith.constant 32 : index
    %get3A_74 = tpu.vector_load %arg9[%get3A_72, %get3A_73] {strides = array<i32>} : memref<4x288xf32, #tpu.memory_space<vmem>>, vector<16xf32>,
    %get3A_75 = arith.constant 2 : i32
    %get3A_76 = arith.index_cast %get3A_75 : i32 to index
    %get3A_77 = arith.constant 32 : index
    %get3A_78 = tpu.vector_load %arg9[%get3A_76, %get3A_77] {strides = array<i32>} : memref<4x288xf32, #tpu.memory_space<vmem>>, vector<16xf32>,
    %get3A_79 = arith.constant 3 : i32
    %get3A_80 = arith.index_cast %get3A_79 : i32 to index
    %get3A_81 = arith.constant 32 : index
    %get3A_82 = tpu.vector_load %arg9[%get3A_80, %get3A_81] {strides = array<i32>} : memref<4x288xf32, #tpu.memory_space<vmem>>, vector<16xf32>,
    %sub3A_83 = arith.subf %get3A_78, %get3A_70 : vector<16xf32>
    %add3A_84 = arith.constant 1.000000e+00 : f32
    %add3A_85 = vector.broadcast %add3A_84 : f32 to vector<16xf32>
    %add3A_86 = arith.addf %sub3A_83, %add3A_85 : vector<16xf32>
    %sub3A_87 = arith.subf %get3A_82, %get3A_74 : vector<16xf32>
    %add3A_88 = arith.constant 1.000000e+00 : f32
    %add3A_89 = vector.broadcast %add3A_88 : f32 to vector<16xf32>
    %add3A_90 = arith.addf %sub3A_87, %add3A_89 : vector<16xf32>
    %mul3A_91 = arith.mulf %add3A_86, %add3A_90 : vector<16xf32>
    %swap3A_92 = arith.constant 32 : index
    %swap3A_93 = tpu.vector_load %arg12[%swap3A_92] {strides = array<i32>} : memref<288xf32, #tpu.memory_space<vmem>>, vector<16xf32>,
    tpu.vector_store %arg12[%swap3A_92], %mul3A_91 {strides = array<i32>} : memref<288xf32, #tpu.memory_space<vmem>>, vector<16xf32>,
    %broadcast_in_dim3A_94 = arith.constant -3.000000e+38 : f32
    %broadcast_in_dim3A_95 = vector.broadcast %broadcast_in_dim3A_94 : f32 to vector<16xf32>
    %swap3A_96 = arith.constant 32 : index
    %swap3A_97 = tpu.vector_load %arg13[%swap3A_96] {strides = array<i32>} : memref<288xf32, #tpu.memory_space<vmem>>, vector<16xf32>,
    tpu.vector_store %arg13[%swap3A_96], %broadcast_in_dim3A_95 {strides = array<i32>} : memref<288xf32, #tpu.memory_space<vmem>>, vector<16xf32>,
    %broadcast_in_dim3A_98 = arith.constant 0 : i32
    %broadcast_in_dim3A_99 = vector.broadcast %broadcast_in_dim3A_98 : i32 to vector<16xi32>
    %swap3A_100 = arith.constant 32 : index
    %swap3A_101 = tpu.vector_load %arg14[%swap3A_100] {strides = array<i32>} : memref<288xi32, #tpu.memory_space<vmem>>, vector<16xi32>,
    tpu.vector_store %arg14[%swap3A_100], %broadcast_in_dim3A_99 {strides = array<i32>} : memref<288xi32, #tpu.memory_space<vmem>>, vector<16xi32>,
    %get3A_102 = arith.constant 0 : i32
    %get3A_103 = arith.index_cast %get3A_102 : i32 to index
    %get3A_104 = arith.constant 48 : index
    %get3A_105 = tpu.vector_load %arg9[%get3A_103, %get3A_104] {strides = array<i32>} : memref<4x288xf32, #tpu.memory_space<vmem>>, vector<16xf32>,
    %get3A_106 = arith.constant 1 : i32
    %get3A_107 = arith.index_cast %get3A_106 : i32 to index
    %get3A_108 = arith.constant 48 : index
    %get3A_109 = tpu.vector_load %arg9[%get3A_107, %get3A_108] {strides = array<i32>} : memref<4x288xf32, #tpu.memory_space<vmem>>, vector<16xf32>,
    %get3A_110 = arith.constant 2 : i32
    %get3A_111 = arith.index_cast %get3A_110 : i32 to index
    %get3A_112 = arith.constant 48 : index
    %get3A_113 = tpu.vector_load %arg9[%get3A_111, %get3A_112] {strides = array<i32>} : memref<4x288xf32, #tpu.memory_space<vmem>>, vector<16xf32>,
    %get3A_114 = arith.constant 3 : i32
    %get3A_115 = arith.index_cast %get3A_114 : i32 to index
    %get3A_116 = arith.constant 48 : index
    %get3A_117 = tpu.vector_load %arg9[%get3A_115, %get3A_116] {strides = array<i32>} : memref<4x288xf32, #tpu.memory_space<vmem>>, vector<16xf32>,
    %sub3A_118 = arith.subf %get3A_113, %get3A_105 : vector<16xf32>
    %add3A_119 = arith.constant 1.000000e+00 : f32
    %add3A_120 = vector.broadcast %add3A_119 : f32 to vector<16xf32>
    %add3A_121 = arith.addf %sub3A_118, %add3A_120 : vector<16xf32>
    %sub3A_122 = arith.subf %get3A_117, %get3A_109 : vector<16xf32>
    %add3A_123 = arith.constant 1.000000e+00 : f32
    %add3A_124 = vector.broadcast %add3A_123 : f32 to vector<16xf32>
    %add3A_125 = arith.addf %sub3A_122, %add3A_124 : vector<16xf32>
    %mul3A_126 = arith.mulf %add3A_121, %add3A_125 : vector<16xf32>
    %swap3A_127 = arith.constant 48 : index
    %swap3A_128 = tpu.vector_load %arg12[%swap3A_127] {strides = array<i32>} : memref<288xf32, #tpu.memory_space<vmem>>, vector<16xf32>,
    tpu.vector_store %arg12[%swap3A_127], %mul3A_126 {strides = array<i32>} : memref<288xf32, #tpu.memory_space<vmem>>, vector<16xf32>,
    %broadcast_in_dim3A_129 = arith.constant -3.000000e+38 : f32
    %broadcast_in_dim3A_130 = vector.broadcast %broadcast_in_dim3A_129 : f32 to vector<16xf32>
    %swap3A_131 = arith.constant 48 : index
    %swap3A_132 = tpu.vector_load %arg13[%swap3A_131] {strides = array<i32>} : memref<288xf32, #tpu.memory_space<vmem>>, vector<16xf32>,
    tpu.vector_store %arg13[%swap3A_131], %broadcast_in_dim3A_130 {strides = array<i32>} : memref<288xf32, #tpu.memory_space<vmem>>, vector<16xf32>,
    %broadcast_in_dim3A_133 = arith.constant 0 : i32
    %broadcast_in_dim3A_134 = vector.broadcast %broadcast_in_dim3A_133 : i32 to vector<16xi32>
    %swap3A_135 = arith.constant 48 : index
    %swap3A_136 = tpu.vector_load %arg14[%swap3A_135] {strides = array<i32>} : memref<288xi32, #tpu.memory_space<vmem>>, vector<16xi32>,
    tpu.vector_store %arg14[%swap3A_135], %broadcast_in_dim3A_134 {strides = array<i32>} : memref<288xi32, #tpu.memory_space<vmem>>, vector<16xi32>,
    %get3A_137 = arith.constant 0 : i32
    %get3A_138 = arith.index_cast %get3A_137 : i32 to index
    %get3A_139 = arith.constant 64 : index
    %get3A_140 = tpu.vector_load %arg9[%get3A_138, %get3A_139] {strides = array<i32>} : memref<4x288xf32, #tpu.memory_space<vmem>>, vector<16xf32>,
    %get3A_141 = arith.constant 1 : i32
    %get3A_142 = arith.index_cast %get3A_141 : i32 to index
    %get3A_143 = arith.constant 64 : index
    %get3A_144 = tpu.vector_load %arg9[%get3A_142, %get3A_143] {strides = array<i32>} : memref<4x288xf32, #tpu.memory_space<vmem>>, vector<16xf32>,
    %get3A_145 = arith.constant 2 : i32
    %get3A_146 = arith.index_cast %get3A_145 : i32 to index
    %get3A_147 = arith.constant 64 : index
    %get3A_148 = tpu.vector_load %arg9[%get3A_146, %get3A_147] {strides = array<i32>} : memref<4x288xf32, #tpu.memory_space<vmem>>, vector<16xf32>,
    %get3A_149 = arith.constant 3 : i32
    %get3A_150 = arith.index_cast %get3A_149 : i32 to index
    %get3A_151 = arith.constant 64 : index
    %get3A_152 = tpu.vector_load %arg9[%get3A_150, %get3A_151] {strides = array<i32>} : memref<4x288xf32, #tpu.memory_space<vmem>>, vector<16xf32>,
    %sub3A_153 = arith.subf %get3A_148, %get3A_140 : vector<16xf32>
    %add3A_154 = arith.constant 1.000000e+00 : f32
    %add3A_155 = vector.broadcast %add3A_154 : f32 to vector<16xf32>
    %add3A_156 = arith.addf %sub3A_153, %add3A_155 : vector<16xf32>
    %sub3A_157 = arith.subf %get3A_152, %get3A_144 : vector<16xf32>
    %add3A_158 = arith.constant 1.000000e+00 : f32
    %add3A_159 = vector.broadcast %add3A_158 : f32 to vector<16xf32>
    %add3A_160 = arith.addf %sub3A_157, %add3A_159 : vector<16xf32>
    %mul3A_161 = arith.mulf %add3A_156, %add3A_160 : vector<16xf32>
    %swap3A_162 = arith.constant 64 : index
    %swap3A_163 = tpu.vector_load %arg12[%swap3A_162] {strides = array<i32>} : memref<288xf32, #tpu.memory_space<vmem>>, vector<16xf32>,
    tpu.vector_store %arg12[%swap3A_162], %mul3A_161 {strides = array<i32>} : memref<288xf32, #tpu.memory_space<vmem>>, vector<16xf32>,
    %broadcast_in_dim3A_164 = arith.constant -3.000000e+38 : f32
    %broadcast_in_dim3A_165 = vector.broadcast %broadcast_in_dim3A_164 : f32 to vector<16xf32>
    %swap3A_166 = arith.constant 64 : index
    %swap3A_167 = tpu.vector_load %arg13[%swap3A_166] {strides = array<i32>} : memref<288xf32, #tpu.memory_space<vmem>>, vector<16xf32>,
    tpu.vector_store %arg13[%swap3A_166], %broadcast_in_dim3A_165 {strides = array<i32>} : memref<288xf32, #tpu.memory_space<vmem>>, vector<16xf32>,
    %broadcast_in_dim3A_168 = arith.constant 0 : i32
    %broadcast_in_dim3A_169 = vector.broadcast %broadcast_in_dim3A_168 : i32 to vector<16xi32>
    %swap3A_170 = arith.constant 64 : index
    %swap3A_171 = tpu.vector_load %arg14[%swap3A_170] {strides = array<i32>} : memref<288xi32, #tpu.memory_space<vmem>>, vector<16xi32>,
    tpu.vector_store %arg14[%swap3A_170], %broadcast_in_dim3A_169 {strides = array<i32>} : memref<288xi32, #tpu.memory_space<vmem>>, vector<16xi32>,
    %get3A_172 = arith.constant 0 : i32
    %get3A_173 = arith.index_cast %get3A_172 : i32 to index
    %get3A_174 = arith.constant 80 : index
    %get3A_175 = tpu.vector_load %arg9[%get3A_173, %get3A_174] {strides = array<i32>} : memref<4x288xf32, #tpu.memory_space<vmem>>, vector<16xf32>,
    %get3A_176 = arith.constant 1 : i32
    %get3A_177 = arith.index_cast %get3A_176 : i32 to index
    %get3A_178 = arith.constant 80 : index
    %get3A_179 = tpu.vector_load %arg9[%get3A_177, %get3A_178] {strides = array<i32>} : memref<4x288xf32, #tpu.memory_space<vmem>>, vector<16xf32>,
    %get3A_180 = arith.constant 2 : i32
    %get3A_181 = arith.index_cast %get3A_180 : i32 to index
    %get3A_182 = arith.constant 80 : index
    %get3A_183 = tpu.vector_load %arg9[%get3A_181, %get3A_182] {strides = array<i32>} : memref<4x288xf32, #tpu.memory_space<vmem>>, vector<16xf32>,
    %get3A_184 = arith.constant 3 : i32
    %get3A_185 = arith.index_cast %get3A_184 : i32 to index
    %get3A_186 = arith.constant 80 : index
    %get3A_187 = tpu.vector_load %arg9[%get3A_185, %get3A_186] {strides = array<i32>} : memref<4x288xf32, #tpu.memory_space<vmem>>, vector<16xf32>,
    %sub3A_188 = arith.subf %get3A_183, %get3A_175 : vector<16xf32>
    %add3A_189 = arith.constant 1.000000e+00 : f32
    %add3A_190 = vector.broadcast %add3A_189 : f32 to vector<16xf32>
    %add3A_191 = arith.addf %sub3A_188, %add3A_190 : vector<16xf32>
    %sub3A_192 = arith.subf %get3A_187, %get3A_179 : vector<16xf32>
    %add3A_193 = arith.constant 1.000000e+00 : f32
    %add3A_194 = vector.broadcast %add3A_193 : f32 to vector<16xf32>
    %add3A_195 = arith.addf %sub3A_192, %add3A_194 : vector<16xf32>
    %mul3A_196 = arith.mulf %add3A_191, %add3A_195 : vector<16xf32>
    %swap3A_197 = arith.constant 80 : index
    %swap3A_198 = tpu.vector_load %arg12[%swap3A_197] {strides = array<i32>} : memref<288xf32, #tpu.memory_space<vmem>>, vector<16xf32>,
    tpu.vector_store %arg12[%swap3A_197], %mul3A_196 {strides = array<i32>} : memref<288xf32, #tpu.memory_space<vmem>>, vector<16xf32>,
    %broadcast_in_dim3A_199 = arith.constant -3.000000e+38 : f32
    %broadcast_in_dim3A_200 = vector.broadcast %broadcast_in_dim3A_199 : f32 to vector<16xf32>
    %swap3A_201 = arith.constant 80 : index
    %swap3A_202 = tpu.vector_load %arg13[%swap3A_201] {strides = array<i32>} : memref<288xf32, #tpu.memory_space<vmem>>, vector<16xf32>,
    tpu.vector_store %arg13[%swap3A_201], %broadcast_in_dim3A_200 {strides = array<i32>} : memref<288xf32, #tpu.memory_space<vmem>>, vector<16xf32>,
    %broadcast_in_dim3A_203 = arith.constant 0 : i32
    %broadcast_in_dim3A_204 = vector.broadcast %broadcast_in_dim3A_203 : i32 to vector<16xi32>
    %swap3A_205 = arith.constant 80 : index
    %swap3A_206 = tpu.vector_load %arg14[%swap3A_205] {strides = array<i32>} : memref<288xi32, #tpu.memory_space<vmem>>, vector<16xi32>,
    tpu.vector_store %arg14[%swap3A_205], %broadcast_in_dim3A_204 {strides = array<i32>} : memref<288xi32, #tpu.memory_space<vmem>>, vector<16xi32>,
    %get3A_207 = arith.constant 0 : i32
    %get3A_208 = arith.index_cast %get3A_207 : i32 to index
    %get3A_209 = arith.constant 96 : index
    %get3A_210 = tpu.vector_load %arg9[%get3A_208, %get3A_209] {strides = array<i32>} : memref<4x288xf32, #tpu.memory_space<vmem>>, vector<16xf32>,
    %get3A_211 = arith.constant 1 : i32
    %get3A_212 = arith.index_cast %get3A_211 : i32 to index
    %get3A_213 = arith.constant 96 : index
    %get3A_214 = tpu.vector_load %arg9[%get3A_212, %get3A_213] {strides = array<i32>} : memref<4x288xf32, #tpu.memory_space<vmem>>, vector<16xf32>,
    %get3A_215 = arith.constant 2 : i32
    %get3A_216 = arith.index_cast %get3A_215 : i32 to index
    %get3A_217 = arith.constant 96 : index
    %get3A_218 = tpu.vector_load %arg9[%get3A_216, %get3A_217] {strides = array<i32>} : memref<4x288xf32, #tpu.memory_space<vmem>>, vector<16xf32>,
    %get3A_219 = arith.constant 3 : i32
    %get3A_220 = arith.index_cast %get3A_219 : i32 to index
    %get3A_221 = arith.constant 96 : index
    %get3A_222 = tpu.vector_load %arg9[%get3A_220, %get3A_221] {strides = array<i32>} : memref<4x288xf32, #tpu.memory_space<vmem>>, vector<16xf32>,
    %sub3A_223 = arith.subf %get3A_218, %get3A_210 : vector<16xf32>
    %add3A_224 = arith.constant 1.000000e+00 : f32
    %add3A_225 = vector.broadcast %add3A_224 : f32 to vector<16xf32>
    %add3A_226 = arith.addf %sub3A_223, %add3A_225 : vector<16xf32>
    %sub3A_227 = arith.subf %get3A_222, %get3A_214 : vector<16xf32>
    %add3A_228 = arith.constant 1.000000e+00 : f32
    %add3A_229 = vector.broadcast %add3A_228 : f32 to vector<16xf32>
    %add3A_230 = arith.addf %sub3A_227, %add3A_229 : vector<16xf32>
    %mul3A_231 = arith.mulf %add3A_226, %add3A_230 : vector<16xf32>
    %swap3A_232 = arith.constant 96 : index
    %swap3A_233 = tpu.vector_load %arg12[%swap3A_232] {strides = array<i32>} : memref<288xf32, #tpu.memory_space<vmem>>, vector<16xf32>,
    tpu.vector_store %arg12[%swap3A_232], %mul3A_231 {strides = array<i32>} : memref<288xf32, #tpu.memory_space<vmem>>, vector<16xf32>,
    %broadcast_in_dim3A_234 = arith.constant -3.000000e+38 : f32
    %broadcast_in_dim3A_235 = vector.broadcast %broadcast_in_dim3A_234 : f32 to vector<16xf32>
    %swap3A_236 = arith.constant 96 : index
    %swap3A_237 = tpu.vector_load %arg13[%swap3A_236] {strides = array<i32>} : memref<288xf32, #tpu.memory_space<vmem>>, vector<16xf32>,
    tpu.vector_store %arg13[%swap3A_236], %broadcast_in_dim3A_235 {strides = array<i32>} : memref<288xf32, #tpu.memory_space<vmem>>, vector<16xf32>,
    %broadcast_in_dim3A_238 = arith.constant 0 : i32
    %broadcast_in_dim3A_239 = vector.broadcast %broadcast_in_dim3A_238 : i32 to vector<16xi32>
    %swap3A_240 = arith.constant 96 : index
    %swap3A_241 = tpu.vector_load %arg14[%swap3A_240] {strides = array<i32>} : memref<288xi32, #tpu.memory_space<vmem>>, vector<16xi32>,
    tpu.vector_store %arg14[%swap3A_240], %broadcast_in_dim3A_239 {strides = array<i32>} : memref<288xi32, #tpu.memory_space<vmem>>, vector<16xi32>,
    %get3A_242 = arith.constant 0 : i32
    %get3A_243 = arith.index_cast %get3A_242 : i32 to index
    %get3A_244 = arith.constant 112 : index
    %get3A_245 = tpu.vector_load %arg9[%get3A_243, %get3A_244] {strides = array<i32>} : memref<4x288xf32, #tpu.memory_space<vmem>>, vector<16xf32>,
    %get3A_246 = arith.constant 1 : i32
    %get3A_247 = arith.index_cast %get3A_246 : i32 to index
    %get3A_248 = arith.constant 112 : index
    %get3A_249 = tpu.vector_load %arg9[%get3A_247, %get3A_248] {strides = array<i32>} : memref<4x288xf32, #tpu.memory_space<vmem>>, vector<16xf32>,
    %get3A_250 = arith.constant 2 : i32
    %get3A_251 = arith.index_cast %get3A_250 : i32 to index
    %get3A_252 = arith.constant 112 : index
    %get3A_253 = tpu.vector_load %arg9[%get3A_251, %get3A_252] {strides = array<i32>} : memref<4x288xf32, #tpu.memory_space<vmem>>, vector<16xf32>,
    %get3A_254 = arith.constant 3 : i32
    %get3A_255 = arith.index_cast %get3A_254 : i32 to index
    %get3A_256 = arith.constant 112 : index
    %get3A_257 = tpu.vector_load %arg9[%get3A_255, %get3A_256] {strides = array<i32>} : memref<4x288xf32, #tpu.memory_space<vmem>>, vector<16xf32>,
    %sub3A_258 = arith.subf %get3A_253, %get3A_245 : vector<16xf32>
    %add3A_259 = arith.constant 1.000000e+00 : f32
    %add3A_260 = vector.broadcast %add3A_259 : f32 to vector<16xf32>
    %add3A_261 = arith.addf %sub3A_258, %add3A_260 : vector<16xf32>
    %sub3A_262 = arith.subf %get3A_257, %get3A_249 : vector<16xf32>
    %add3A_263 = arith.constant 1.000000e+00 : f32
    %add3A_264 = vector.broadcast %add3A_263 : f32 to vector<16xf32>
    %add3A_265 = arith.addf %sub3A_262, %add3A_264 : vector<16xf32>
    %mul3A_266 = arith.mulf %add3A_261, %add3A_265 : vector<16xf32>
    %swap3A_267 = arith.constant 112 : index
    %swap3A_268 = tpu.vector_load %arg12[%swap3A_267] {strides = array<i32>} : memref<288xf32, #tpu.memory_space<vmem>>, vector<16xf32>,
    tpu.vector_store %arg12[%swap3A_267], %mul3A_266 {strides = array<i32>} : memref<288xf32, #tpu.memory_space<vmem>>, vector<16xf32>,
    %broadcast_in_dim3A_269 = arith.constant -3.000000e+38 : f32
    %broadcast_in_dim3A_270 = vector.broadcast %broadcast_in_dim3A_269 : f32 to vector<16xf32>
    %swap3A_271 = arith.constant 112 : index
    %swap3A_272 = tpu.vector_load %arg13[%swap3A_271] {strides = array<i32>} : memref<288xf32, #tpu.memory_space<vmem>>, vector<16xf32>,
    tpu.vector_store %arg13[%swap3A_271], %broadcast_in_dim3A_270 {strides = array<i32>} : memref<288xf32, #tpu.memory_space<vmem>>, vector<16xf32>,
    %broadcast_in_dim3A_273 = arith.constant 0 : i32
    %broadcast_in_dim3A_274 = vector.broadcast %broadcast_in_dim3A_273 : i32 to vector<16xi32>
    %swap3A_275 = arith.constant 112 : index
    %swap3A_276 = tpu.vector_load %arg14[%swap3A_275] {strides = array<i32>} : memref<288xi32, #tpu.memory_space<vmem>>, vector<16xi32>,
    tpu.vector_store %arg14[%swap3A_275], %broadcast_in_dim3A_274 {strides = array<i32>} : memref<288xi32, #tpu.memory_space<vmem>>, vector<16xi32>,
    %get3A_277 = arith.constant 0 : i32
    %get3A_278 = arith.index_cast %get3A_277 : i32 to index
    %get3A_279 = arith.constant 128 : index
    %get3A_280 = tpu.vector_load %arg9[%get3A_278, %get3A_279] {strides = array<i32>} : memref<4x288xf32, #tpu.memory_space<vmem>>, vector<16xf32>,
    %get3A_281 = arith.constant 1 : i32
    %get3A_282 = arith.index_cast %get3A_281 : i32 to index
    %get3A_283 = arith.constant 128 : index
    %get3A_284 = tpu.vector_load %arg9[%get3A_282, %get3A_283] {strides = array<i32>} : memref<4x288xf32, #tpu.memory_space<vmem>>, vector<16xf32>,
    %get3A_285 = arith.constant 2 : i32
    %get3A_286 = arith.index_cast %get3A_285 : i32 to index
    %get3A_287 = arith.constant 128 : index
    %get3A_288 = tpu.vector_load %arg9[%get3A_286, %get3A_287] {strides = array<i32>} : memref<4x288xf32, #tpu.memory_space<vmem>>, vector<16xf32>,
    %get3A_289 = arith.constant 3 : i32
    %get3A_290 = arith.index_cast %get3A_289 : i32 to index
    %get3A_291 = arith.constant 128 : index
    %get3A_292 = tpu.vector_load %arg9[%get3A_290, %get3A_291] {strides = array<i32>} : memref<4x288xf32, #tpu.memory_space<vmem>>, vector<16xf32>,
    %sub3A_293 = arith.subf %get3A_288, %get3A_280 : vector<16xf32>
    %add3A_294 = arith.constant 1.000000e+00 : f32
    %add3A_295 = vector.broadcast %add3A_294 : f32 to vector<16xf32>
    %add3A_296 = arith.addf %sub3A_293, %add3A_295 : vector<16xf32>
    %sub3A_297 = arith.subf %get3A_292, %get3A_284 : vector<16xf32>
    %add3A_298 = arith.constant 1.000000e+00 : f32
    %add3A_299 = vector.broadcast %add3A_298 : f32 to vector<16xf32>
    %add3A_300 = arith.addf %sub3A_297, %add3A_299 : vector<16xf32>
    %mul3A_301 = arith.mulf %add3A_296, %add3A_300 : vector<16xf32>
    %swap3A_302 = arith.constant 128 : index
    %swap3A_303 = tpu.vector_load %arg12[%swap3A_302] {strides = array<i32>} : memref<288xf32, #tpu.memory_space<vmem>>, vector<16xf32>,
    tpu.vector_store %arg12[%swap3A_302], %mul3A_301 {strides = array<i32>} : memref<288xf32, #tpu.memory_space<vmem>>, vector<16xf32>,
    %broadcast_in_dim3A_304 = arith.constant -3.000000e+38 : f32
    %broadcast_in_dim3A_305 = vector.broadcast %broadcast_in_dim3A_304 : f32 to vector<16xf32>
    %swap3A_306 = arith.constant 128 : index
    %swap3A_307 = tpu.vector_load %arg13[%swap3A_306] {strides = array<i32>} : memref<288xf32, #tpu.memory_space<vmem>>, vector<16xf32>,
    tpu.vector_store %arg13[%swap3A_306], %broadcast_in_dim3A_305 {strides = array<i32>} : memref<288xf32, #tpu.memory_space<vmem>>, vector<16xf32>,
    %broadcast_in_dim3A_308 = arith.constant 0 : i32
    %broadcast_in_dim3A_309 = vector.broadcast %broadcast_in_dim3A_308 : i32 to vector<16xi32>
    %swap3A_310 = arith.constant 128 : index
    %swap3A_311 = tpu.vector_load %arg14[%swap3A_310] {strides = array<i32>} : memref<288xi32, #tpu.memory_space<vmem>>, vector<16xi32>,
    tpu.vector_store %arg14[%swap3A_310], %broadcast_in_dim3A_309 {strides = array<i32>} : memref<288xi32, #tpu.memory_space<vmem>>, vector<16xi32>,
    %get3A_312 = arith.constant 0 : i32
    %get3A_313 = arith.index_cast %get3A_312 : i32 to index
    %get3A_314 = arith.constant 144 : index
    %get3A_315 = tpu.vector_load %arg9[%get3A_313, %get3A_314] {strides = array<i32>} : memref<4x288xf32, #tpu.memory_space<vmem>>, vector<16xf32>,
    %get3A_316 = arith.constant 1 : i32
    %get3A_317 = arith.index_cast %get3A_316 : i32 to index
    %get3A_318 = arith.constant 144 : index
    %get3A_319 = tpu.vector_load %arg9[%get3A_317, %get3A_318] {strides = array<i32>} : memref<4x288xf32, #tpu.memory_space<vmem>>, vector<16xf32>,
    %get3A_320 = arith.constant 2 : i32
    %get3A_321 = arith.index_cast %get3A_320 : i32 to index
    %get3A_322 = arith.constant 144 : index
    %get3A_323 = tpu.vector_load %arg9[%get3A_321, %get3A_322] {strides = array<i32>} : memref<4x288xf32, #tpu.memory_space<vmem>>, vector<16xf32>,
    %get3A_324 = arith.constant 3 : i32
    %get3A_325 = arith.index_cast %get3A_324 : i32 to index
    %get3A_326 = arith.constant 144 : index
    %get3A_327 = tpu.vector_load %arg9[%get3A_325, %get3A_326] {strides = array<i32>} : memref<4x288xf32, #tpu.memory_space<vmem>>, vector<16xf32>,
    %sub3A_328 = arith.subf %get3A_323, %get3A_315 : vector<16xf32>
    %add3A_329 = arith.constant 1.000000e+00 : f32
    %add3A_330 = vector.broadcast %add3A_329 : f32 to vector<16xf32>
    %add3A_331 = arith.addf %sub3A_328, %add3A_330 : vector<16xf32>
    %sub3A_332 = arith.subf %get3A_327, %get3A_319 : vector<16xf32>
    %add3A_333 = arith.constant 1.000000e+00 : f32
    %add3A_334 = vector.broadcast %add3A_333 : f32 to vector<16xf32>
    %add3A_335 = arith.addf %sub3A_332, %add3A_334 : vector<16xf32>
    %mul3A_336 = arith.mulf %add3A_331, %add3A_335 : vector<16xf32>
    %swap3A_337 = arith.constant 144 : index
    %swap3A_338 = tpu.vector_load %arg12[%swap3A_337] {strides = array<i32>} : memref<288xf32, #tpu.memory_space<vmem>>, vector<16xf32>,
    tpu.vector_store %arg12[%swap3A_337], %mul3A_336 {strides = array<i32>} : memref<288xf32, #tpu.memory_space<vmem>>, vector<16xf32>,
    %broadcast_in_dim3A_339 = arith.constant -3.000000e+38 : f32
    %broadcast_in_dim3A_340 = vector.broadcast %broadcast_in_dim3A_339 : f32 to vector<16xf32>
    %swap3A_341 = arith.constant 144 : index
    %swap3A_342 = tpu.vector_load %arg13[%swap3A_341] {strides = array<i32>} : memref<288xf32, #tpu.memory_space<vmem>>, vector<16xf32>,
    tpu.vector_store %arg13[%swap3A_341], %broadcast_in_dim3A_340 {strides = array<i32>} : memref<288xf32, #tpu.memory_space<vmem>>, vector<16xf32>,
    %broadcast_in_dim3A_343 = arith.constant 0 : i32
    %broadcast_in_dim3A_344 = vector.broadcast %broadcast_in_dim3A_343 : i32 to vector<16xi32>
    %swap3A_345 = arith.constant 144 : index
    %swap3A_346 = tpu.vector_load %arg14[%swap3A_345] {strides = array<i32>} : memref<288xi32, #tpu.memory_space<vmem>>, vector<16xi32>,
    tpu.vector_store %arg14[%swap3A_345], %broadcast_in_dim3A_344 {strides = array<i32>} : memref<288xi32, #tpu.memory_space<vmem>>, vector<16xi32>,
    %get3A_347 = arith.constant 0 : i32
    %get3A_348 = arith.index_cast %get3A_347 : i32 to index
    %get3A_349 = arith.constant 160 : index
    %get3A_350 = tpu.vector_load %arg9[%get3A_348, %get3A_349] {strides = array<i32>} : memref<4x288xf32, #tpu.memory_space<vmem>>, vector<16xf32>,
    %get3A_351 = arith.constant 1 : i32
    %get3A_352 = arith.index_cast %get3A_351 : i32 to index
    %get3A_353 = arith.constant 160 : index
    %get3A_354 = tpu.vector_load %arg9[%get3A_352, %get3A_353] {strides = array<i32>} : memref<4x288xf32, #tpu.memory_space<vmem>>, vector<16xf32>,
    %get3A_355 = arith.constant 2 : i32
    %get3A_356 = arith.index_cast %get3A_355 : i32 to index
    %get3A_357 = arith.constant 160 : index
    %get3A_358 = tpu.vector_load %arg9[%get3A_356, %get3A_357] {strides = array<i32>} : memref<4x288xf32, #tpu.memory_space<vmem>>, vector<16xf32>,
    %get3A_359 = arith.constant 3 : i32
    %get3A_360 = arith.index_cast %get3A_359 : i32 to index
    %get3A_361 = arith.constant 160 : index
    %get3A_362 = tpu.vector_load %arg9[%get3A_360, %get3A_361] {strides = array<i32>} : memref<4x288xf32, #tpu.memory_space<vmem>>, vector<16xf32>,
    %sub3A_363 = arith.subf %get3A_358, %get3A_350 : vector<16xf32>
    %add3A_364 = arith.constant 1.000000e+00 : f32
    %add3A_365 = vector.broadcast %add3A_364 : f32 to vector<16xf32>
    %add3A_366 = arith.addf %sub3A_363, %add3A_365 : vector<16xf32>
    %sub3A_367 = arith.subf %get3A_362, %get3A_354 : vector<16xf32>
    %add3A_368 = arith.constant 1.000000e+00 : f32
    %add3A_369 = vector.broadcast %add3A_368 : f32 to vector<16xf32>
    %add3A_370 = arith.addf %sub3A_367, %add3A_369 : vector<16xf32>
    %mul3A_371 = arith.mulf %add3A_366, %add3A_370 : vector<16xf32>
    %swap3A_372 = arith.constant 160 : index
    %swap3A_373 = tpu.vector_load %arg12[%swap3A_372] {strides = array<i32>} : memref<288xf32, #tpu.memory_space<vmem>>, vector<16xf32>,
    tpu.vector_store %arg12[%swap3A_372], %mul3A_371 {strides = array<i32>} : memref<288xf32, #tpu.memory_space<vmem>>, vector<16xf32>,
    %broadcast_in_dim3A_374 = arith.constant -3.000000e+38 : f32
    %broadcast_in_dim3A_375 = vector.broadcast %broadcast_in_dim3A_374 : f32 to vector<16xf32>
    %swap3A_376 = arith.constant 160 : index
    %swap3A_377 = tpu.vector_load %arg13[%swap3A_376] {strides = array<i32>} : memref<288xf32, #tpu.memory_space<vmem>>, vector<16xf32>,
    tpu.vector_store %arg13[%swap3A_376], %broadcast_in_dim3A_375 {strides = array<i32>} : memref<288xf32, #tpu.memory_space<vmem>>, vector<16xf32>,
    %broadcast_in_dim3A_378 = arith.constant 0 : i32
    %broadcast_in_dim3A_379 = vector.broadcast %broadcast_in_dim3A_378 : i32 to vector<16xi32>
    %swap3A_380 = arith.constant 160 : index
    %swap3A_381 = tpu.vector_load %arg14[%swap3A_380] {strides = array<i32>} : memref<288xi32, #tpu.memory_space<vmem>>, vector<16xi32>,
    tpu.vector_store %arg14[%swap3A_380], %broadcast_in_dim3A_379 {strides = array<i32>} : memref<288xi32, #tpu.memory_space<vmem>>, vector<16xi32>,
    %get3A_382 = arith.constant 0 : i32
    %get3A_383 = arith.index_cast %get3A_382 : i32 to index
    %get3A_384 = arith.constant 176 : index
    %get3A_385 = tpu.vector_load %arg9[%get3A_383, %get3A_384] {strides = array<i32>} : memref<4x288xf32, #tpu.memory_space<vmem>>, vector<16xf32>,
    %get3A_386 = arith.constant 1 : i32
    %get3A_387 = arith.index_cast %get3A_386 : i32 to index
    %get3A_388 = arith.constant 176 : index
    %get3A_389 = tpu.vector_load %arg9[%get3A_387, %get3A_388] {strides = array<i32>} : memref<4x288xf32, #tpu.memory_space<vmem>>, vector<16xf32>,
    %get3A_390 = arith.constant 2 : i32
    %get3A_391 = arith.index_cast %get3A_390 : i32 to index
    %get3A_392 = arith.constant 176 : index
    %get3A_393 = tpu.vector_load %arg9[%get3A_391, %get3A_392] {strides = array<i32>} : memref<4x288xf32, #tpu.memory_space<vmem>>, vector<16xf32>,
    %get3A_394 = arith.constant 3 : i32
    %get3A_395 = arith.index_cast %get3A_394 : i32 to index
    %get3A_396 = arith.constant 176 : index
    %get3A_397 = tpu.vector_load %arg9[%get3A_395, %get3A_396] {strides = array<i32>} : memref<4x288xf32, #tpu.memory_space<vmem>>, vector<16xf32>,
    %sub3A_398 = arith.subf %get3A_393, %get3A_385 : vector<16xf32>
    %add3A_399 = arith.constant 1.000000e+00 : f32
    %add3A_400 = vector.broadcast %add3A_399 : f32 to vector<16xf32>
    %add3A_401 = arith.addf %sub3A_398, %add3A_400 : vector<16xf32>
    %sub3A_402 = arith.subf %get3A_397, %get3A_389 : vector<16xf32>
    %add3A_403 = arith.constant 1.000000e+00 : f32
    %add3A_404 = vector.broadcast %add3A_403 : f32 to vector<16xf32>
    %add3A_405 = arith.addf %sub3A_402, %add3A_404 : vector<16xf32>
    %mul3A_406 = arith.mulf %add3A_401, %add3A_405 : vector<16xf32>
    %swap3A_407 = arith.constant 176 : index
    %swap3A_408 = tpu.vector_load %arg12[%swap3A_407] {strides = array<i32>} : memref<288xf32, #tpu.memory_space<vmem>>, vector<16xf32>,
    tpu.vector_store %arg12[%swap3A_407], %mul3A_406 {strides = array<i32>} : memref<288xf32, #tpu.memory_space<vmem>>, vector<16xf32>,
    %broadcast_in_dim3A_409 = arith.constant -3.000000e+38 : f32
    %broadcast_in_dim3A_410 = vector.broadcast %broadcast_in_dim3A_409 : f32 to vector<16xf32>
    %swap3A_411 = arith.constant 176 : index
    %swap3A_412 = tpu.vector_load %arg13[%swap3A_411] {strides = array<i32>} : memref<288xf32, #tpu.memory_space<vmem>>, vector<16xf32>,
    tpu.vector_store %arg13[%swap3A_411], %broadcast_in_dim3A_410 {strides = array<i32>} : memref<288xf32, #tpu.memory_space<vmem>>, vector<16xf32>,
    %broadcast_in_dim3A_413 = arith.constant 0 : i32
    %broadcast_in_dim3A_414 = vector.broadcast %broadcast_in_dim3A_413 : i32 to vector<16xi32>
    %swap3A_415 = arith.constant 176 : index
    %swap3A_416 = tpu.vector_load %arg14[%swap3A_415] {strides = array<i32>} : memref<288xi32, #tpu.memory_space<vmem>>, vector<16xi32>,
    tpu.vector_store %arg14[%swap3A_415], %broadcast_in_dim3A_414 {strides = array<i32>} : memref<288xi32, #tpu.memory_space<vmem>>, vector<16xi32>,
    %get3A_417 = arith.constant 0 : i32
    %get3A_418 = arith.index_cast %get3A_417 : i32 to index
    %get3A_419 = arith.constant 192 : index
    %get3A_420 = tpu.vector_load %arg9[%get3A_418, %get3A_419] {strides = array<i32>} : memref<4x288xf32, #tpu.memory_space<vmem>>, vector<16xf32>,
    %get3A_421 = arith.constant 1 : i32
    %get3A_422 = arith.index_cast %get3A_421 : i32 to index
    %get3A_423 = arith.constant 192 : index
    %get3A_424 = tpu.vector_load %arg9[%get3A_422, %get3A_423] {strides = array<i32>} : memref<4x288xf32, #tpu.memory_space<vmem>>, vector<16xf32>,
    %get3A_425 = arith.constant 2 : i32
    %get3A_426 = arith.index_cast %get3A_425 : i32 to index
    %get3A_427 = arith.constant 192 : index
    %get3A_428 = tpu.vector_load %arg9[%get3A_426, %get3A_427] {strides = array<i32>} : memref<4x288xf32, #tpu.memory_space<vmem>>, vector<16xf32>,
    %get3A_429 = arith.constant 3 : i32
    %get3A_430 = arith.index_cast %get3A_429 : i32 to index
    %get3A_431 = arith.constant 192 : index
    %get3A_432 = tpu.vector_load %arg9[%get3A_430, %get3A_431] {strides = array<i32>} : memref<4x288xf32, #tpu.memory_space<vmem>>, vector<16xf32>,
    %sub3A_433 = arith.subf %get3A_428, %get3A_420 : vector<16xf32>
    %add3A_434 = arith.constant 1.000000e+00 : f32
    %add3A_435 = vector.broadcast %add3A_434 : f32 to vector<16xf32>
    %add3A_436 = arith.addf %sub3A_433, %add3A_435 : vector<16xf32>
    %sub3A_437 = arith.subf %get3A_432, %get3A_424 : vector<16xf32>
    %add3A_438 = arith.constant 1.000000e+00 : f32
    %add3A_439 = vector.broadcast %add3A_438 : f32 to vector<16xf32>
    %add3A_440 = arith.addf %sub3A_437, %add3A_439 : vector<16xf32>
    %mul3A_441 = arith.mulf %add3A_436, %add3A_440 : vector<16xf32>
    %swap3A_442 = arith.constant 192 : index
    %swap3A_443 = tpu.vector_load %arg12[%swap3A_442] {strides = array<i32>} : memref<288xf32, #tpu.memory_space<vmem>>, vector<16xf32>,
    tpu.vector_store %arg12[%swap3A_442], %mul3A_441 {strides = array<i32>} : memref<288xf32, #tpu.memory_space<vmem>>, vector<16xf32>,
    %broadcast_in_dim3A_444 = arith.constant -3.000000e+38 : f32
    %broadcast_in_dim3A_445 = vector.broadcast %broadcast_in_dim3A_444 : f32 to vector<16xf32>
    %swap3A_446 = arith.constant 192 : index
    %swap3A_447 = tpu.vector_load %arg13[%swap3A_446] {strides = array<i32>} : memref<288xf32, #tpu.memory_space<vmem>>, vector<16xf32>,
    tpu.vector_store %arg13[%swap3A_446], %broadcast_in_dim3A_445 {strides = array<i32>} : memref<288xf32, #tpu.memory_space<vmem>>, vector<16xf32>,
    %broadcast_in_dim3A_448 = arith.constant 0 : i32
    %broadcast_in_dim3A_449 = vector.broadcast %broadcast_in_dim3A_448 : i32 to vector<16xi32>
    %swap3A_450 = arith.constant 192 : index
    %swap3A_451 = tpu.vector_load %arg14[%swap3A_450] {strides = array<i32>} : memref<288xi32, #tpu.memory_space<vmem>>, vector<16xi32>,
    tpu.vector_store %arg14[%swap3A_450], %broadcast_in_dim3A_449 {strides = array<i32>} : memref<288xi32, #tpu.memory_space<vmem>>, vector<16xi32>,
    %get3A_452 = arith.constant 0 : i32
    %get3A_453 = arith.index_cast %get3A_452 : i32 to index
    %get3A_454 = arith.constant 208 : index
    %get3A_455 = tpu.vector_load %arg9[%get3A_453, %get3A_454] {strides = array<i32>} : memref<4x288xf32, #tpu.memory_space<vmem>>, vector<16xf32>,
    %get3A_456 = arith.constant 1 : i32
    %get3A_457 = arith.index_cast %get3A_456 : i32 to index
    %get3A_458 = arith.constant 208 : index
    %get3A_459 = tpu.vector_load %arg9[%get3A_457, %get3A_458] {strides = array<i32>} : memref<4x288xf32, #tpu.memory_space<vmem>>, vector<16xf32>,
    %get3A_460 = arith.constant 2 : i32
    %get3A_461 = arith.index_cast %get3A_460 : i32 to index
    %get3A_462 = arith.constant 208 : index
    %get3A_463 = tpu.vector_load %arg9[%get3A_461, %get3A_462] {strides = array<i32>} : memref<4x288xf32, #tpu.memory_space<vmem>>, vector<16xf32>,
    %get3A_464 = arith.constant 3 : i32
    %get3A_465 = arith.index_cast %get3A_464 : i32 to index
    %get3A_466 = arith.constant 208 : index
    %get3A_467 = tpu.vector_load %arg9[%get3A_465, %get3A_466] {strides = array<i32>} : memref<4x288xf32, #tpu.memory_space<vmem>>, vector<16xf32>,
    %sub3A_468 = arith.subf %get3A_463, %get3A_455 : vector<16xf32>
    %add3A_469 = arith.constant 1.000000e+00 : f32
    %add3A_470 = vector.broadcast %add3A_469 : f32 to vector<16xf32>
    %add3A_471 = arith.addf %sub3A_468, %add3A_470 : vector<16xf32>
    %sub3A_472 = arith.subf %get3A_467, %get3A_459 : vector<16xf32>
    %add3A_473 = arith.constant 1.000000e+00 : f32
    %add3A_474 = vector.broadcast %add3A_473 : f32 to vector<16xf32>
    %add3A_475 = arith.addf %sub3A_472, %add3A_474 : vector<16xf32>
    %mul3A_476 = arith.mulf %add3A_471, %add3A_475 : vector<16xf32>
    %swap3A_477 = arith.constant 208 : index
    %swap3A_478 = tpu.vector_load %arg12[%swap3A_477] {strides = array<i32>} : memref<288xf32, #tpu.memory_space<vmem>>, vector<16xf32>,
    tpu.vector_store %arg12[%swap3A_477], %mul3A_476 {strides = array<i32>} : memref<288xf32, #tpu.memory_space<vmem>>, vector<16xf32>,
    %broadcast_in_dim3A_479 = arith.constant -3.000000e+38 : f32
    %broadcast_in_dim3A_480 = vector.broadcast %broadcast_in_dim3A_479 : f32 to vector<16xf32>
    %swap3A_481 = arith.constant 208 : index
    %swap3A_482 = tpu.vector_load %arg13[%swap3A_481] {strides = array<i32>} : memref<288xf32, #tpu.memory_space<vmem>>, vector<16xf32>,
    tpu.vector_store %arg13[%swap3A_481], %broadcast_in_dim3A_480 {strides = array<i32>} : memref<288xf32, #tpu.memory_space<vmem>>, vector<16xf32>,
    %broadcast_in_dim3A_483 = arith.constant 0 : i32
    %broadcast_in_dim3A_484 = vector.broadcast %broadcast_in_dim3A_483 : i32 to vector<16xi32>
    %swap3A_485 = arith.constant 208 : index
    %swap3A_486 = tpu.vector_load %arg14[%swap3A_485] {strides = array<i32>} : memref<288xi32, #tpu.memory_space<vmem>>, vector<16xi32>,
    tpu.vector_store %arg14[%swap3A_485], %broadcast_in_dim3A_484 {strides = array<i32>} : memref<288xi32, #tpu.memory_space<vmem>>, vector<16xi32>,
    %get3A_487 = arith.constant 0 : i32
    %get3A_488 = arith.index_cast %get3A_487 : i32 to index
    %get3A_489 = arith.constant 224 : index
    %get3A_490 = tpu.vector_load %arg9[%get3A_488, %get3A_489] {strides = array<i32>} : memref<4x288xf32, #tpu.memory_space<vmem>>, vector<16xf32>,
    %get3A_491 = arith.constant 1 : i32
    %get3A_492 = arith.index_cast %get3A_491 : i32 to index
    %get3A_493 = arith.constant 224 : index
    %get3A_494 = tpu.vector_load %arg9[%get3A_492, %get3A_493] {strides = array<i32>} : memref<4x288xf32, #tpu.memory_space<vmem>>, vector<16xf32>,
    %get3A_495 = arith.constant 2 : i32
    %get3A_496 = arith.index_cast %get3A_495 : i32 to index
    %get3A_497 = arith.constant 224 : index
    %get3A_498 = tpu.vector_load %arg9[%get3A_496, %get3A_497] {strides = array<i32>} : memref<4x288xf32, #tpu.memory_space<vmem>>, vector<16xf32>,
    %get3A_499 = arith.constant 3 : i32
    %get3A_500 = arith.index_cast %get3A_499 : i32 to index
    %get3A_501 = arith.constant 224 : index
    %get3A_502 = tpu.vector_load %arg9[%get3A_500, %get3A_501] {strides = array<i32>} : memref<4x288xf32, #tpu.memory_space<vmem>>, vector<16xf32>,
    %sub3A_503 = arith.subf %get3A_498, %get3A_490 : vector<16xf32>
    %add3A_504 = arith.constant 1.000000e+00 : f32
    %add3A_505 = vector.broadcast %add3A_504 : f32 to vector<16xf32>
    %add3A_506 = arith.addf %sub3A_503, %add3A_505 : vector<16xf32>
    %sub3A_507 = arith.subf %get3A_502, %get3A_494 : vector<16xf32>
    %add3A_508 = arith.constant 1.000000e+00 : f32
    %add3A_509 = vector.broadcast %add3A_508 : f32 to vector<16xf32>
    %add3A_510 = arith.addf %sub3A_507, %add3A_509 : vector<16xf32>
    %mul3A_511 = arith.mulf %add3A_506, %add3A_510 : vector<16xf32>
    %swap3A_512 = arith.constant 224 : index
    %swap3A_513 = tpu.vector_load %arg12[%swap3A_512] {strides = array<i32>} : memref<288xf32, #tpu.memory_space<vmem>>, vector<16xf32>,
    tpu.vector_store %arg12[%swap3A_512], %mul3A_511 {strides = array<i32>} : memref<288xf32, #tpu.memory_space<vmem>>, vector<16xf32>,
    %broadcast_in_dim3A_514 = arith.constant -3.000000e+38 : f32
    %broadcast_in_dim3A_515 = vector.broadcast %broadcast_in_dim3A_514 : f32 to vector<16xf32>
    %swap3A_516 = arith.constant 224 : index
    %swap3A_517 = tpu.vector_load %arg13[%swap3A_516] {strides = array<i32>} : memref<288xf32, #tpu.memory_space<vmem>>, vector<16xf32>,
    tpu.vector_store %arg13[%swap3A_516], %broadcast_in_dim3A_515 {strides = array<i32>} : memref<288xf32, #tpu.memory_space<vmem>>, vector<16xf32>,
    %broadcast_in_dim3A_518 = arith.constant 0 : i32
    %broadcast_in_dim3A_519 = vector.broadcast %broadcast_in_dim3A_518 : i32 to vector<16xi32>
    %swap3A_520 = arith.constant 224 : index
    %swap3A_521 = tpu.vector_load %arg14[%swap3A_520] {strides = array<i32>} : memref<288xi32, #tpu.memory_space<vmem>>, vector<16xi32>,
    tpu.vector_store %arg14[%swap3A_520], %broadcast_in_dim3A_519 {strides = array<i32>} : memref<288xi32, #tpu.memory_space<vmem>>, vector<16xi32>,
    %get3A_522 = arith.constant 0 : i32
    %get3A_523 = arith.index_cast %get3A_522 : i32 to index
    %get3A_524 = arith.constant 240 : index
    %get3A_525 = tpu.vector_load %arg9[%get3A_523, %get3A_524] {strides = array<i32>} : memref<4x288xf32, #tpu.memory_space<vmem>>, vector<16xf32>,
    %get3A_526 = arith.constant 1 : i32
    %get3A_527 = arith.index_cast %get3A_526 : i32 to index
    %get3A_528 = arith.constant 240 : index
    %get3A_529 = tpu.vector_load %arg9[%get3A_527, %get3A_528] {strides = array<i32>} : memref<4x288xf32, #tpu.memory_space<vmem>>, vector<16xf32>,
    %get3A_530 = arith.constant 2 : i32
    %get3A_531 = arith.index_cast %get3A_530 : i32 to index
    %get3A_532 = arith.constant 240 : index
    %get3A_533 = tpu.vector_load %arg9[%get3A_531, %get3A_532] {strides = array<i32>} : memref<4x288xf32, #tpu.memory_space<vmem>>, vector<16xf32>,
    %get3A_534 = arith.constant 3 : i32
    %get3A_535 = arith.index_cast %get3A_534 : i32 to index
    %get3A_536 = arith.constant 240 : index
    %get3A_537 = tpu.vector_load %arg9[%get3A_535, %get3A_536] {strides = array<i32>} : memref<4x288xf32, #tpu.memory_space<vmem>>, vector<16xf32>,
    %sub3A_538 = arith.subf %get3A_533, %get3A_525 : vector<16xf32>
    %add3A_539 = arith.constant 1.000000e+00 : f32
    %add3A_540 = vector.broadcast %add3A_539 : f32 to vector<16xf32>
    %add3A_541 = arith.addf %sub3A_538, %add3A_540 : vector<16xf32>
    %sub3A_542 = arith.subf %get3A_537, %get3A_529 : vector<16xf32>
    %add3A_543 = arith.constant 1.000000e+00 : f32
    %add3A_544 = vector.broadcast %add3A_543 : f32 to vector<16xf32>
    %add3A_545 = arith.addf %sub3A_542, %add3A_544 : vector<16xf32>
    %mul3A_546 = arith.mulf %add3A_541, %add3A_545 : vector<16xf32>
    %swap3A_547 = arith.constant 240 : index
    %swap3A_548 = tpu.vector_load %arg12[%swap3A_547] {strides = array<i32>} : memref<288xf32, #tpu.memory_space<vmem>>, vector<16xf32>,
    tpu.vector_store %arg12[%swap3A_547], %mul3A_546 {strides = array<i32>} : memref<288xf32, #tpu.memory_space<vmem>>, vector<16xf32>,
    %broadcast_in_dim3A_549 = arith.constant -3.000000e+38 : f32
    %broadcast_in_dim3A_550 = vector.broadcast %broadcast_in_dim3A_549 : f32 to vector<16xf32>
    %swap3A_551 = arith.constant 240 : index
    %swap3A_552 = tpu.vector_load %arg13[%swap3A_551] {strides = array<i32>} : memref<288xf32, #tpu.memory_space<vmem>>, vector<16xf32>,
    tpu.vector_store %arg13[%swap3A_551], %broadcast_in_dim3A_550 {strides = array<i32>} : memref<288xf32, #tpu.memory_space<vmem>>, vector<16xf32>,
    %broadcast_in_dim3A_553 = arith.constant 0 : i32
    %broadcast_in_dim3A_554 = vector.broadcast %broadcast_in_dim3A_553 : i32 to vector<16xi32>
    %swap3A_555 = arith.constant 240 : index
    %swap3A_556 = tpu.vector_load %arg14[%swap3A_555] {strides = array<i32>} : memref<288xi32, #tpu.memory_space<vmem>>, vector<16xi32>,
    tpu.vector_store %arg14[%swap3A_555], %broadcast_in_dim3A_554 {strides = array<i32>} : memref<288xi32, #tpu.memory_space<vmem>>, vector<16xi32>,
    %get3A_557 = arith.constant 0 : i32
    %get3A_558 = arith.index_cast %get3A_557 : i32 to index
    %get3A_559 = arith.constant 256 : index
    %get3A_560 = tpu.vector_load %arg9[%get3A_558, %get3A_559] {strides = array<i32>} : memref<4x288xf32, #tpu.memory_space<vmem>>, vector<16xf32>,
    %get3A_561 = arith.constant 1 : i32
    %get3A_562 = arith.index_cast %get3A_561 : i32 to index
    %get3A_563 = arith.constant 256 : index
    %get3A_564 = tpu.vector_load %arg9[%get3A_562, %get3A_563] {strides = array<i32>} : memref<4x288xf32, #tpu.memory_space<vmem>>, vector<16xf32>,
    %get3A_565 = arith.constant 2 : i32
    %get3A_566 = arith.index_cast %get3A_565 : i32 to index
    %get3A_567 = arith.constant 256 : index
    %get3A_568 = tpu.vector_load %arg9[%get3A_566, %get3A_567] {strides = array<i32>} : memref<4x288xf32, #tpu.memory_space<vmem>>, vector<16xf32>,
    %get3A_569 = arith.constant 3 : i32
    %get3A_570 = arith.index_cast %get3A_569 : i32 to index
    %get3A_571 = arith.constant 256 : index
    %get3A_572 = tpu.vector_load %arg9[%get3A_570, %get3A_571] {strides = array<i32>} : memref<4x288xf32, #tpu.memory_space<vmem>>, vector<16xf32>,
    %sub3A_573 = arith.subf %get3A_568, %get3A_560 : vector<16xf32>
    %add3A_574 = arith.constant 1.000000e+00 : f32
    %add3A_575 = vector.broadcast %add3A_574 : f32 to vector<16xf32>
    %add3A_576 = arith.addf %sub3A_573, %add3A_575 : vector<16xf32>
    %sub3A_577 = arith.subf %get3A_572, %get3A_564 : vector<16xf32>
    %add3A_578 = arith.constant 1.000000e+00 : f32
    %add3A_579 = vector.broadcast %add3A_578 : f32 to vector<16xf32>
    %add3A_580 = arith.addf %sub3A_577, %add3A_579 : vector<16xf32>
    %mul3A_581 = arith.mulf %add3A_576, %add3A_580 : vector<16xf32>
    %swap3A_582 = arith.constant 256 : index
    %swap3A_583 = tpu.vector_load %arg12[%swap3A_582] {strides = array<i32>} : memref<288xf32, #tpu.memory_space<vmem>>, vector<16xf32>,
    tpu.vector_store %arg12[%swap3A_582], %mul3A_581 {strides = array<i32>} : memref<288xf32, #tpu.memory_space<vmem>>, vector<16xf32>,
    %broadcast_in_dim3A_584 = arith.constant -3.000000e+38 : f32
    %broadcast_in_dim3A_585 = vector.broadcast %broadcast_in_dim3A_584 : f32 to vector<16xf32>
    %swap3A_586 = arith.constant 256 : index
    %swap3A_587 = tpu.vector_load %arg13[%swap3A_586] {strides = array<i32>} : memref<288xf32, #tpu.memory_space<vmem>>, vector<16xf32>,
    tpu.vector_store %arg13[%swap3A_586], %broadcast_in_dim3A_585 {strides = array<i32>} : memref<288xf32, #tpu.memory_space<vmem>>, vector<16xf32>,
    %broadcast_in_dim3A_588 = arith.constant 0 : i32
    %broadcast_in_dim3A_589 = vector.broadcast %broadcast_in_dim3A_588 : i32 to vector<16xi32>
    %swap3A_590 = arith.constant 256 : index
    %swap3A_591 = tpu.vector_load %arg14[%swap3A_590] {strides = array<i32>} : memref<288xi32, #tpu.memory_space<vmem>>, vector<16xi32>,
    tpu.vector_store %arg14[%swap3A_590], %broadcast_in_dim3A_589 {strides = array<i32>} : memref<288xi32, #tpu.memory_space<vmem>>, vector<16xi32>,
    %get3A_592 = arith.constant 0 : i32
    %get3A_593 = arith.index_cast %get3A_592 : i32 to index
    %get3A_594 = arith.constant 272 : index
    %get3A_595 = tpu.vector_load %arg9[%get3A_593, %get3A_594] {strides = array<i32>} : memref<4x288xf32, #tpu.memory_space<vmem>>, vector<16xf32>,
    %get3A_596 = arith.constant 1 : i32
    %get3A_597 = arith.index_cast %get3A_596 : i32 to index
    %get3A_598 = arith.constant 272 : index
    %get3A_599 = tpu.vector_load %arg9[%get3A_597, %get3A_598] {strides = array<i32>} : memref<4x288xf32, #tpu.memory_space<vmem>>, vector<16xf32>,
    %get3A_600 = arith.constant 2 : i32
    %get3A_601 = arith.index_cast %get3A_600 : i32 to index
    %get3A_602 = arith.constant 272 : index
    %get3A_603 = tpu.vector_load %arg9[%get3A_601, %get3A_602] {strides = array<i32>} : memref<4x288xf32, #tpu.memory_space<vmem>>, vector<16xf32>,
    %get3A_604 = arith.constant 3 : i32
    %get3A_605 = arith.index_cast %get3A_604 : i32 to index
    %get3A_606 = arith.constant 272 : index
    %get3A_607 = tpu.vector_load %arg9[%get3A_605, %get3A_606] {strides = array<i32>} : memref<4x288xf32, #tpu.memory_space<vmem>>, vector<16xf32>,
    %sub3A_608 = arith.subf %get3A_603, %get3A_595 : vector<16xf32>
    %add3A_609 = arith.constant 1.000000e+00 : f32
    %add3A_610 = vector.broadcast %add3A_609 : f32 to vector<16xf32>
    %add3A_611 = arith.addf %sub3A_608, %add3A_610 : vector<16xf32>
    %sub3A_612 = arith.subf %get3A_607, %get3A_599 : vector<16xf32>
    %add3A_613 = arith.constant 1.000000e+00 : f32
    %add3A_614 = vector.broadcast %add3A_613 : f32 to vector<16xf32>
    %add3A_615 = arith.addf %sub3A_612, %add3A_614 : vector<16xf32>
    %mul3A_616 = arith.mulf %add3A_611, %add3A_615 : vector<16xf32>
    %swap3A_617 = arith.constant 272 : index
    %swap3A_618 = tpu.vector_load %arg12[%swap3A_617] {strides = array<i32>} : memref<288xf32, #tpu.memory_space<vmem>>, vector<16xf32>,
    tpu.vector_store %arg12[%swap3A_617], %mul3A_616 {strides = array<i32>} : memref<288xf32, #tpu.memory_space<vmem>>, vector<16xf32>,
    %broadcast_in_dim3A_619 = arith.constant -3.000000e+38 : f32
    %broadcast_in_dim3A_620 = vector.broadcast %broadcast_in_dim3A_619 : f32 to vector<16xf32>
    %swap3A_621 = arith.constant 272 : index
    %swap3A_622 = tpu.vector_load %arg13[%swap3A_621] {strides = array<i32>} : memref<288xf32, #tpu.memory_space<vmem>>, vector<16xf32>,
    tpu.vector_store %arg13[%swap3A_621], %broadcast_in_dim3A_620 {strides = array<i32>} : memref<288xf32, #tpu.memory_space<vmem>>, vector<16xf32>,
    %broadcast_in_dim3A_623 = arith.constant 0 : i32
    %broadcast_in_dim3A_624 = vector.broadcast %broadcast_in_dim3A_623 : i32 to vector<16xi32>
    %swap3A_625 = arith.constant 272 : index
    %swap3A_626 = tpu.vector_load %arg14[%swap3A_625] {strides = array<i32>} : memref<288xi32, #tpu.memory_space<vmem>>, vector<16xi32>,
    tpu.vector_store %arg14[%swap3A_625], %broadcast_in_dim3A_624 {strides = array<i32>} : memref<288xi32, #tpu.memory_space<vmem>>, vector<16xi32>,
    %get3A_627 = arith.constant 0 : i32
    %get3A_628 = arith.index_cast %get3A_627 : i32 to index
    %get3A_629 = arith.constant 0 : index
    %get3A_630 = tpu.vector_load %arg11[%get3A_628, %get3A_629] {strides = array<i32>} : memref<4x112xf32, #tpu.memory_space<vmem>>, vector<16xf32>,
    %get3A_631 = arith.constant 1 : i32
    %get3A_632 = arith.index_cast %get3A_631 : i32 to index
    %get3A_633 = arith.constant 0 : index
    %get3A_634 = tpu.vector_load %arg11[%get3A_632, %get3A_633] {strides = array<i32>} : memref<4x112xf32, #tpu.memory_space<vmem>>, vector<16xf32>,
    %get3A_635 = arith.constant 2 : i32
    %get3A_636 = arith.index_cast %get3A_635 : i32 to index
    %get3A_637 = arith.constant 0 : index
    %get3A_638 = tpu.vector_load %arg11[%get3A_636, %get3A_637] {strides = array<i32>} : memref<4x112xf32, #tpu.memory_space<vmem>>, vector<16xf32>,
    %get3A_639 = arith.constant 3 : i32
    %get3A_640 = arith.index_cast %get3A_639 : i32 to index
    %get3A_641 = arith.constant 0 : index
    %get3A_642 = tpu.vector_load %arg11[%get3A_640, %get3A_641] {strides = array<i32>} : memref<4x112xf32, #tpu.memory_space<vmem>>, vector<16xf32>,
    %sub3A_643 = arith.subf %get3A_638, %get3A_630 : vector<16xf32>
    %add3A_644 = arith.constant 1.000000e+00 : f32
    %add3A_645 = vector.broadcast %add3A_644 : f32 to vector<16xf32>
    %add3A_646 = arith.addf %sub3A_643, %add3A_645 : vector<16xf32>
    %swap3A_647 = arith.constant 0 : index
    %swap3A_648 = tpu.vector_load %arg18[%swap3A_647] {strides = array<i32>} : memref<112xf32, #tpu.memory_space<vmem>>, vector<16xf32>,
    tpu.vector_store %arg18[%swap3A_647], %add3A_646 {strides = array<i32>} : memref<112xf32, #tpu.memory_space<vmem>>, vector<16xf32>,
    %sub3A_649 = arith.subf %get3A_642, %get3A_634 : vector<16xf32>
    %add3A_650 = arith.constant 1.000000e+00 : f32
    %add3A_651 = vector.broadcast %add3A_650 : f32 to vector<16xf32>
    %add3A_652 = arith.addf %sub3A_649, %add3A_651 : vector<16xf32>
    %swap3A_653 = arith.constant 0 : index
    %swap3A_654 = tpu.vector_load %arg19[%swap3A_653] {strides = array<i32>} : memref<112xf32, #tpu.memory_space<vmem>>, vector<16xf32>,
    tpu.vector_store %arg19[%swap3A_653], %add3A_652 {strides = array<i32>} : memref<112xf32, #tpu.memory_space<vmem>>, vector<16xf32>,
    %sub3A_655 = arith.subf %get3A_638, %get3A_630 : vector<16xf32>
    %add3A_656 = arith.constant 1.000000e+00 : f32
    %add3A_657 = vector.broadcast %add3A_656 : f32 to vector<16xf32>
    %add3A_658 = arith.addf %sub3A_655, %add3A_657 : vector<16xf32>
    %mul3A_659 = arith.constant 5.000000e-01 : f32
    %mul3A_660 = vector.broadcast %mul3A_659 : f32 to vector<16xf32>
    %mul3A_661 = arith.mulf %mul3A_660, %add3A_658 : vector<16xf32>
    %add3A_662 = arith.addf %get3A_630, %mul3A_661 : vector<16xf32>
    %swap3A_663 = arith.constant 0 : index
    %swap3A_664 = tpu.vector_load %arg20[%swap3A_663] {strides = array<i32>} : memref<112xf32, #tpu.memory_space<vmem>>, vector<16xf32>,
    tpu.vector_store %arg20[%swap3A_663], %add3A_662 {strides = array<i32>} : memref<112xf32, #tpu.memory_space<vmem>>, vector<16xf32>,
    %sub3A_665 = arith.subf %get3A_642, %get3A_634 : vector<16xf32>
    %add3A_666 = arith.constant 1.000000e+00 : f32
    %add3A_667 = vector.broadcast %add3A_666 : f32 to vector<16xf32>
    %add3A_668 = arith.addf %sub3A_665, %add3A_667 : vector<16xf32>
    %mul3A_669 = arith.constant 5.000000e-01 : f32
    %mul3A_670 = vector.broadcast %mul3A_669 : f32 to vector<16xf32>
    %mul3A_671 = arith.mulf %mul3A_670, %add3A_668 : vector<16xf32>
    %add3A_672 = arith.addf %get3A_634, %mul3A_671 : vector<16xf32>
    %swap3A_673 = arith.constant 0 : index
    %swap3A_674 = tpu.vector_load %arg21[%swap3A_673] {strides = array<i32>} : memref<112xf32, #tpu.memory_space<vmem>>, vector<16xf32>,
    tpu.vector_store %arg21[%swap3A_673], %add3A_672 {strides = array<i32>} : memref<112xf32, #tpu.memory_space<vmem>>, vector<16xf32>,
    %sub3A_675 = arith.subf %get3A_638, %get3A_630 : vector<16xf32>
    %add3A_676 = arith.constant 1.000000e+00 : f32
    %add3A_677 = vector.broadcast %add3A_676 : f32 to vector<16xf32>
    %add3A_678 = arith.addf %sub3A_675, %add3A_677 : vector<16xf32>
    %sub3A_679 = arith.subf %get3A_642, %get3A_634 : vector<16xf32>
    %add3A_680 = arith.constant 1.000000e+00 : f32
    %add3A_681 = vector.broadcast %add3A_680 : f32 to vector<16xf32>
    %add3A_682 = arith.addf %sub3A_679, %add3A_681 : vector<16xf32>
    %mul3A_683 = arith.mulf %add3A_678, %add3A_682 : vector<16xf32>
    %swap3A_684 = arith.constant 0 : index
    %swap3A_685 = tpu.vector_load %arg17[%swap3A_684] {strides = array<i32>} : memref<112xf32, #tpu.memory_space<vmem>>, vector<16xf32>,
    tpu.vector_store %arg17[%swap3A_684], %mul3A_683 {strides = array<i32>} : memref<112xf32, #tpu.memory_space<vmem>>, vector<16xf32>,
    %get3A_686 = arith.constant 0 : i32
    %get3A_687 = arith.index_cast %get3A_686 : i32 to index
    %get3A_688 = arith.constant 16 : index
    %get3A_689 = tpu.vector_load %arg11[%get3A_687, %get3A_688] {strides = array<i32>} : memref<4x112xf32, #tpu.memory_space<vmem>>, vector<16xf32>,
    %get3A_690 = arith.constant 1 : i32
    %get3A_691 = arith.index_cast %get3A_690 : i32 to index
    %get3A_692 = arith.constant 16 : index
    %get3A_693 = tpu.vector_load %arg11[%get3A_691, %get3A_692] {strides = array<i32>} : memref<4x112xf32, #tpu.memory_space<vmem>>, vector<16xf32>,
    %get3A_694 = arith.constant 2 : i32
    %get3A_695 = arith.index_cast %get3A_694 : i32 to index
    %get3A_696 = arith.constant 16 : index
    %get3A_697 = tpu.vector_load %arg11[%get3A_695, %get3A_696] {strides = array<i32>} : memref<4x112xf32, #tpu.memory_space<vmem>>, vector<16xf32>,
    %get3A_698 = arith.constant 3 : i32
    %get3A_699 = arith.index_cast %get3A_698 : i32 to index
    %get3A_700 = arith.constant 16 : index
    %get3A_701 = tpu.vector_load %arg11[%get3A_699, %get3A_700] {strides = array<i32>} : memref<4x112xf32, #tpu.memory_space<vmem>>, vector<16xf32>,
    %sub3A_702 = arith.subf %get3A_697, %get3A_689 : vector<16xf32>
    %add3A_703 = arith.constant 1.000000e+00 : f32
    %add3A_704 = vector.broadcast %add3A_703 : f32 to vector<16xf32>
    %add3A_705 = arith.addf %sub3A_702, %add3A_704 : vector<16xf32>
    %swap3A_706 = arith.constant 16 : index
    %swap3A_707 = tpu.vector_load %arg18[%swap3A_706] {strides = array<i32>} : memref<112xf32, #tpu.memory_space<vmem>>, vector<16xf32>,
    tpu.vector_store %arg18[%swap3A_706], %add3A_705 {strides = array<i32>} : memref<112xf32, #tpu.memory_space<vmem>>, vector<16xf32>,
    %sub3A_708 = arith.subf %get3A_701, %get3A_693 : vector<16xf32>
    %add3A_709 = arith.constant 1.000000e+00 : f32
    %add3A_710 = vector.broadcast %add3A_709 : f32 to vector<16xf32>
    %add3A_711 = arith.addf %sub3A_708, %add3A_710 : vector<16xf32>
    %swap3A_712 = arith.constant 16 : index
    %swap3A_713 = tpu.vector_load %arg19[%swap3A_712] {strides = array<i32>} : memref<112xf32, #tpu.memory_space<vmem>>, vector<16xf32>,
    tpu.vector_store %arg19[%swap3A_712], %add3A_711 {strides = array<i32>} : memref<112xf32, #tpu.memory_space<vmem>>, vector<16xf32>,
    %sub3A_714 = arith.subf %get3A_697, %get3A_689 : vector<16xf32>
    %add3A_715 = arith.constant 1.000000e+00 : f32
    %add3A_716 = vector.broadcast %add3A_715 : f32 to vector<16xf32>
    %add3A_717 = arith.addf %sub3A_714, %add3A_716 : vector<16xf32>
    %mul3A_718 = arith.constant 5.000000e-01 : f32
    %mul3A_719 = vector.broadcast %mul3A_718 : f32 to vector<16xf32>
    %mul3A_720 = arith.mulf %mul3A_719, %add3A_717 : vector<16xf32>
    %add3A_721 = arith.addf %get3A_689, %mul3A_720 : vector<16xf32>
    %swap3A_722 = arith.constant 16 : index
    %swap3A_723 = tpu.vector_load %arg20[%swap3A_722] {strides = array<i32>} : memref<112xf32, #tpu.memory_space<vmem>>, vector<16xf32>,
    tpu.vector_store %arg20[%swap3A_722], %add3A_721 {strides = array<i32>} : memref<112xf32, #tpu.memory_space<vmem>>, vector<16xf32>,
    %sub3A_724 = arith.subf %get3A_701, %get3A_693 : vector<16xf32>
    %add3A_725 = arith.constant 1.000000e+00 : f32
    %add3A_726 = vector.broadcast %add3A_725 : f32 to vector<16xf32>
    %add3A_727 = arith.addf %sub3A_724, %add3A_726 : vector<16xf32>
    %mul3A_728 = arith.constant 5.000000e-01 : f32
    %mul3A_729 = vector.broadcast %mul3A_728 : f32 to vector<16xf32>
    %mul3A_730 = arith.mulf %mul3A_729, %add3A_727 : vector<16xf32>
    %add3A_731 = arith.addf %get3A_693, %mul3A_730 : vector<16xf32>
    %swap3A_732 = arith.constant 16 : index
    %swap3A_733 = tpu.vector_load %arg21[%swap3A_732] {strides = array<i32>} : memref<112xf32, #tpu.memory_space<vmem>>, vector<16xf32>,
    tpu.vector_store %arg21[%swap3A_732], %add3A_731 {strides = array<i32>} : memref<112xf32, #tpu.memory_space<vmem>>, vector<16xf32>,
    %sub3A_734 = arith.subf %get3A_697, %get3A_689 : vector<16xf32>
    %add3A_735 = arith.constant 1.000000e+00 : f32
    %add3A_736 = vector.broadcast %add3A_735 : f32 to vector<16xf32>
    %add3A_737 = arith.addf %sub3A_734, %add3A_736 : vector<16xf32>
    %sub3A_738 = arith.subf %get3A_701, %get3A_693 : vector<16xf32>
    %add3A_739 = arith.constant 1.000000e+00 : f32
    %add3A_740 = vector.broadcast %add3A_739 : f32 to vector<16xf32>
    %add3A_741 = arith.addf %sub3A_738, %add3A_740 : vector<16xf32>
    %mul3A_742 = arith.mulf %add3A_737, %add3A_741 : vector<16xf32>
    %swap3A_743 = arith.constant 16 : index
    %swap3A_744 = tpu.vector_load %arg17[%swap3A_743] {strides = array<i32>} : memref<112xf32, #tpu.memory_space<vmem>>, vector<16xf32>,
    tpu.vector_store %arg17[%swap3A_743], %mul3A_742 {strides = array<i32>} : memref<112xf32, #tpu.memory_space<vmem>>, vector<16xf32>,
    %get3A_745 = arith.constant 0 : i32
    %get3A_746 = arith.index_cast %get3A_745 : i32 to index
    %get3A_747 = arith.constant 32 : index
    %get3A_748 = tpu.vector_load %arg11[%get3A_746, %get3A_747] {strides = array<i32>} : memref<4x112xf32, #tpu.memory_space<vmem>>, vector<16xf32>,
    %get3A_749 = arith.constant 1 : i32
    %get3A_750 = arith.index_cast %get3A_749 : i32 to index
    %get3A_751 = arith.constant 32 : index
    %get3A_752 = tpu.vector_load %arg11[%get3A_750, %get3A_751] {strides = array<i32>} : memref<4x112xf32, #tpu.memory_space<vmem>>, vector<16xf32>,
    %get3A_753 = arith.constant 2 : i32
    %get3A_754 = arith.index_cast %get3A_753 : i32 to index
    %get3A_755 = arith.constant 32 : index
    %get3A_756 = tpu.vector_load %arg11[%get3A_754, %get3A_755] {strides = array<i32>} : memref<4x112xf32, #tpu.memory_space<vmem>>, vector<16xf32>,
    %get3A_757 = arith.constant 3 : i32
    %get3A_758 = arith.index_cast %get3A_757 : i32 to index
    %get3A_759 = arith.constant 32 : index
    %get3A_760 = tpu.vector_load %arg11[%get3A_758, %get3A_759] {strides = array<i32>} : memref<4x112xf32, #tpu.memory_space<vmem>>, vector<16xf32>,
    %sub3A_761 = arith.subf %get3A_756, %get3A_748 : vector<16xf32>
    %add3A_762 = arith.constant 1.000000e+00 : f32
    %add3A_763 = vector.broadcast %add3A_762 : f32 to vector<16xf32>
    %add3A_764 = arith.addf %sub3A_761, %add3A_763 : vector<16xf32>
    %swap3A_765 = arith.constant 32 : index
    %swap3A_766 = tpu.vector_load %arg18[%swap3A_765] {strides = array<i32>} : memref<112xf32, #tpu.memory_space<vmem>>, vector<16xf32>,
    tpu.vector_store %arg18[%swap3A_765], %add3A_764 {strides = array<i32>} : memref<112xf32, #tpu.memory_space<vmem>>, vector<16xf32>,
    %sub3A_767 = arith.subf %get3A_760, %get3A_752 : vector<16xf32>
    %add3A_768 = arith.constant 1.000000e+00 : f32
    %add3A_769 = vector.broadcast %add3A_768 : f32 to vector<16xf32>
    %add3A_770 = arith.addf %sub3A_767, %add3A_769 : vector<16xf32>
    %swap3A_771 = arith.constant 32 : index
    %swap3A_772 = tpu.vector_load %arg19[%swap3A_771] {strides = array<i32>} : memref<112xf32, #tpu.memory_space<vmem>>, vector<16xf32>,
    tpu.vector_store %arg19[%swap3A_771], %add3A_770 {strides = array<i32>} : memref<112xf32, #tpu.memory_space<vmem>>, vector<16xf32>,
    %sub3A_773 = arith.subf %get3A_756, %get3A_748 : vector<16xf32>
    %add3A_774 = arith.constant 1.000000e+00 : f32
    %add3A_775 = vector.broadcast %add3A_774 : f32 to vector<16xf32>
    %add3A_776 = arith.addf %sub3A_773, %add3A_775 : vector<16xf32>
    %mul3A_777 = arith.constant 5.000000e-01 : f32
    %mul3A_778 = vector.broadcast %mul3A_777 : f32 to vector<16xf32>
    %mul3A_779 = arith.mulf %mul3A_778, %add3A_776 : vector<16xf32>
    %add3A_780 = arith.addf %get3A_748, %mul3A_779 : vector<16xf32>
    %swap3A_781 = arith.constant 32 : index
    %swap3A_782 = tpu.vector_load %arg20[%swap3A_781] {strides = array<i32>} : memref<112xf32, #tpu.memory_space<vmem>>, vector<16xf32>,
    tpu.vector_store %arg20[%swap3A_781], %add3A_780 {strides = array<i32>} : memref<112xf32, #tpu.memory_space<vmem>>, vector<16xf32>,
    %sub3A_783 = arith.subf %get3A_760, %get3A_752 : vector<16xf32>
    %add3A_784 = arith.constant 1.000000e+00 : f32
    %add3A_785 = vector.broadcast %add3A_784 : f32 to vector<16xf32>
    %add3A_786 = arith.addf %sub3A_783, %add3A_785 : vector<16xf32>
    %mul3A_787 = arith.constant 5.000000e-01 : f32
    %mul3A_788 = vector.broadcast %mul3A_787 : f32 to vector<16xf32>
    %mul3A_789 = arith.mulf %mul3A_788, %add3A_786 : vector<16xf32>
    %add3A_790 = arith.addf %get3A_752, %mul3A_789 : vector<16xf32>
    %swap3A_791 = arith.constant 32 : index
    %swap3A_792 = tpu.vector_load %arg21[%swap3A_791] {strides = array<i32>} : memref<112xf32, #tpu.memory_space<vmem>>, vector<16xf32>,
    tpu.vector_store %arg21[%swap3A_791], %add3A_790 {strides = array<i32>} : memref<112xf32, #tpu.memory_space<vmem>>, vector<16xf32>,
    %sub3A_793 = arith.subf %get3A_756, %get3A_748 : vector<16xf32>
    %add3A_794 = arith.constant 1.000000e+00 : f32
    %add3A_795 = vector.broadcast %add3A_794 : f32 to vector<16xf32>
    %add3A_796 = arith.addf %sub3A_793, %add3A_795 : vector<16xf32>
    %sub3A_797 = arith.subf %get3A_760, %get3A_752 : vector<16xf32>
    %add3A_798 = arith.constant 1.000000e+00 : f32
    %add3A_799 = vector.broadcast %add3A_798 : f32 to vector<16xf32>
    %add3A_800 = arith.addf %sub3A_797, %add3A_799 : vector<16xf32>
    %mul3A_801 = arith.mulf %add3A_796, %add3A_800 : vector<16xf32>
    %swap3A_802 = arith.constant 32 : index
    %swap3A_803 = tpu.vector_load %arg17[%swap3A_802] {strides = array<i32>} : memref<112xf32, #tpu.memory_space<vmem>>, vector<16xf32>,
    tpu.vector_store %arg17[%swap3A_802], %mul3A_801 {strides = array<i32>} : memref<112xf32, #tpu.memory_space<vmem>>, vector<16xf32>,
    %get3A_804 = arith.constant 0 : i32
    %get3A_805 = arith.index_cast %get3A_804 : i32 to index
    %get3A_806 = arith.constant 48 : index
    %get3A_807 = tpu.vector_load %arg11[%get3A_805, %get3A_806] {strides = array<i32>} : memref<4x112xf32, #tpu.memory_space<vmem>>, vector<16xf32>,
    %get3A_808 = arith.constant 1 : i32
    %get3A_809 = arith.index_cast %get3A_808 : i32 to index
    %get3A_810 = arith.constant 48 : index
    %get3A_811 = tpu.vector_load %arg11[%get3A_809, %get3A_810] {strides = array<i32>} : memref<4x112xf32, #tpu.memory_space<vmem>>, vector<16xf32>,
    %get3A_812 = arith.constant 2 : i32
    %get3A_813 = arith.index_cast %get3A_812 : i32 to index
    %get3A_814 = arith.constant 48 : index
    %get3A_815 = tpu.vector_load %arg11[%get3A_813, %get3A_814] {strides = array<i32>} : memref<4x112xf32, #tpu.memory_space<vmem>>, vector<16xf32>,
    %get3A_816 = arith.constant 3 : i32
    %get3A_817 = arith.index_cast %get3A_816 : i32 to index
    %get3A_818 = arith.constant 48 : index
    %get3A_819 = tpu.vector_load %arg11[%get3A_817, %get3A_818] {strides = array<i32>} : memref<4x112xf32, #tpu.memory_space<vmem>>, vector<16xf32>,
    %sub3A_820 = arith.subf %get3A_815, %get3A_807 : vector<16xf32>
    %add3A_821 = arith.constant 1.000000e+00 : f32
    %add3A_822 = vector.broadcast %add3A_821 : f32 to vector<16xf32>
    %add3A_823 = arith.addf %sub3A_820, %add3A_822 : vector<16xf32>
    %swap3A_824 = arith.constant 48 : index
    %swap3A_825 = tpu.vector_load %arg18[%swap3A_824] {strides = array<i32>} : memref<112xf32, #tpu.memory_space<vmem>>, vector<16xf32>,
    tpu.vector_store %arg18[%swap3A_824], %add3A_823 {strides = array<i32>} : memref<112xf32, #tpu.memory_space<vmem>>, vector<16xf32>,
    %sub3A_826 = arith.subf %get3A_819, %get3A_811 : vector<16xf32>
    %add3A_827 = arith.constant 1.000000e+00 : f32
    %add3A_828 = vector.broadcast %add3A_827 : f32 to vector<16xf32>
    %add3A_829 = arith.addf %sub3A_826, %add3A_828 : vector<16xf32>
    %swap3A_830 = arith.constant 48 : index
    %swap3A_831 = tpu.vector_load %arg19[%swap3A_830] {strides = array<i32>} : memref<112xf32, #tpu.memory_space<vmem>>, vector<16xf32>,
    tpu.vector_store %arg19[%swap3A_830], %add3A_829 {strides = array<i32>} : memref<112xf32, #tpu.memory_space<vmem>>, vector<16xf32>,
    %sub3A_832 = arith.subf %get3A_815, %get3A_807 : vector<16xf32>
    %add3A_833 = arith.constant 1.000000e+00 : f32
    %add3A_834 = vector.broadcast %add3A_833 : f32 to vector<16xf32>
    %add3A_835 = arith.addf %sub3A_832, %add3A_834 : vector<16xf32>
    %mul3A_836 = arith.constant 5.000000e-01 : f32
    %mul3A_837 = vector.broadcast %mul3A_836 : f32 to vector<16xf32>
    %mul3A_838 = arith.mulf %mul3A_837, %add3A_835 : vector<16xf32>
    %add3A_839 = arith.addf %get3A_807, %mul3A_838 : vector<16xf32>
    %swap3A_840 = arith.constant 48 : index
    %swap3A_841 = tpu.vector_load %arg20[%swap3A_840] {strides = array<i32>} : memref<112xf32, #tpu.memory_space<vmem>>, vector<16xf32>,
    tpu.vector_store %arg20[%swap3A_840], %add3A_839 {strides = array<i32>} : memref<112xf32, #tpu.memory_space<vmem>>, vector<16xf32>,
    %sub3A_842 = arith.subf %get3A_819, %get3A_811 : vector<16xf32>
    %add3A_843 = arith.constant 1.000000e+00 : f32
    %add3A_844 = vector.broadcast %add3A_843 : f32 to vector<16xf32>
    %add3A_845 = arith.addf %sub3A_842, %add3A_844 : vector<16xf32>
    %mul3A_846 = arith.constant 5.000000e-01 : f32
    %mul3A_847 = vector.broadcast %mul3A_846 : f32 to vector<16xf32>
    %mul3A_848 = arith.mulf %mul3A_847, %add3A_845 : vector<16xf32>
    %add3A_849 = arith.addf %get3A_811, %mul3A_848 : vector<16xf32>
    %swap3A_850 = arith.constant 48 : index
    %swap3A_851 = tpu.vector_load %arg21[%swap3A_850] {strides = array<i32>} : memref<112xf32, #tpu.memory_space<vmem>>, vector<16xf32>,
    tpu.vector_store %arg21[%swap3A_850], %add3A_849 {strides = array<i32>} : memref<112xf32, #tpu.memory_space<vmem>>, vector<16xf32>,
    %sub3A_852 = arith.subf %get3A_815, %get3A_807 : vector<16xf32>
    %add3A_853 = arith.constant 1.000000e+00 : f32
    %add3A_854 = vector.broadcast %add3A_853 : f32 to vector<16xf32>
    %add3A_855 = arith.addf %sub3A_852, %add3A_854 : vector<16xf32>
    %sub3A_856 = arith.subf %get3A_819, %get3A_811 : vector<16xf32>
    %add3A_857 = arith.constant 1.000000e+00 : f32
    %add3A_858 = vector.broadcast %add3A_857 : f32 to vector<16xf32>
    %add3A_859 = arith.addf %sub3A_856, %add3A_858 : vector<16xf32>
    %mul3A_860 = arith.mulf %add3A_855, %add3A_859 : vector<16xf32>
    %swap3A_861 = arith.constant 48 : index
    %swap3A_862 = tpu.vector_load %arg17[%swap3A_861] {strides = array<i32>} : memref<112xf32, #tpu.memory_space<vmem>>, vector<16xf32>,
    tpu.vector_store %arg17[%swap3A_861], %mul3A_860 {strides = array<i32>} : memref<112xf32, #tpu.memory_space<vmem>>, vector<16xf32>,
    %get3A_863 = arith.constant 0 : i32
    %get3A_864 = arith.index_cast %get3A_863 : i32 to index
    %get3A_865 = arith.constant 64 : index
    %get3A_866 = tpu.vector_load %arg11[%get3A_864, %get3A_865] {strides = array<i32>} : memref<4x112xf32, #tpu.memory_space<vmem>>, vector<16xf32>,
    %get3A_867 = arith.constant 1 : i32
    %get3A_868 = arith.index_cast %get3A_867 : i32 to index
    %get3A_869 = arith.constant 64 : index
    %get3A_870 = tpu.vector_load %arg11[%get3A_868, %get3A_869] {strides = array<i32>} : memref<4x112xf32, #tpu.memory_space<vmem>>, vector<16xf32>,
    %get3A_871 = arith.constant 2 : i32
    %get3A_872 = arith.index_cast %get3A_871 : i32 to index
    %get3A_873 = arith.constant 64 : index
    %get3A_874 = tpu.vector_load %arg11[%get3A_872, %get3A_873] {strides = array<i32>} : memref<4x112xf32, #tpu.memory_space<vmem>>, vector<16xf32>,
    %get3A_875 = arith.constant 3 : i32
    %get3A_876 = arith.index_cast %get3A_875 : i32 to index
    %get3A_877 = arith.constant 64 : index
    %get3A_878 = tpu.vector_load %arg11[%get3A_876, %get3A_877] {strides = array<i32>} : memref<4x112xf32, #tpu.memory_space<vmem>>, vector<16xf32>,
    %sub3A_879 = arith.subf %get3A_874, %get3A_866 : vector<16xf32>
    %add3A_880 = arith.constant 1.000000e+00 : f32
    %add3A_881 = vector.broadcast %add3A_880 : f32 to vector<16xf32>
    %add3A_882 = arith.addf %sub3A_879, %add3A_881 : vector<16xf32>
    %swap3A_883 = arith.constant 64 : index
    %swap3A_884 = tpu.vector_load %arg18[%swap3A_883] {strides = array<i32>} : memref<112xf32, #tpu.memory_space<vmem>>, vector<16xf32>,
    tpu.vector_store %arg18[%swap3A_883], %add3A_882 {strides = array<i32>} : memref<112xf32, #tpu.memory_space<vmem>>, vector<16xf32>,
    %sub3A_885 = arith.subf %get3A_878, %get3A_870 : vector<16xf32>
    %add3A_886 = arith.constant 1.000000e+00 : f32
    %add3A_887 = vector.broadcast %add3A_886 : f32 to vector<16xf32>
    %add3A_888 = arith.addf %sub3A_885, %add3A_887 : vector<16xf32>
    %swap3A_889 = arith.constant 64 : index
    %swap3A_890 = tpu.vector_load %arg19[%swap3A_889] {strides = array<i32>} : memref<112xf32, #tpu.memory_space<vmem>>, vector<16xf32>,
    tpu.vector_store %arg19[%swap3A_889], %add3A_888 {strides = array<i32>} : memref<112xf32, #tpu.memory_space<vmem>>, vector<16xf32>,
    %sub3A_891 = arith.subf %get3A_874, %get3A_866 : vector<16xf32>
    %add3A_892 = arith.constant 1.000000e+00 : f32
    %add3A_893 = vector.broadcast %add3A_892 : f32 to vector<16xf32>
    %add3A_894 = arith.addf %sub3A_891, %add3A_893 : vector<16xf32>
    %mul3A_895 = arith.constant 5.000000e-01 : f32
    %mul3A_896 = vector.broadcast %mul3A_895 : f32 to vector<16xf32>
    %mul3A_897 = arith.mulf %mul3A_896, %add3A_894 : vector<16xf32>
    %add3A_898 = arith.addf %get3A_866, %mul3A_897 : vector<16xf32>
    %swap3A_899 = arith.constant 64 : index
    %swap3A_900 = tpu.vector_load %arg20[%swap3A_899] {strides = array<i32>} : memref<112xf32, #tpu.memory_space<vmem>>, vector<16xf32>,
    tpu.vector_store %arg20[%swap3A_899], %add3A_898 {strides = array<i32>} : memref<112xf32, #tpu.memory_space<vmem>>, vector<16xf32>,
    %sub3A_901 = arith.subf %get3A_878, %get3A_870 : vector<16xf32>
    %add3A_902 = arith.constant 1.000000e+00 : f32
    %add3A_903 = vector.broadcast %add3A_902 : f32 to vector<16xf32>
    %add3A_904 = arith.addf %sub3A_901, %add3A_903 : vector<16xf32>
    %mul3A_905 = arith.constant 5.000000e-01 : f32
    %mul3A_906 = vector.broadcast %mul3A_905 : f32 to vector<16xf32>
    %mul3A_907 = arith.mulf %mul3A_906, %add3A_904 : vector<16xf32>
    %add3A_908 = arith.addf %get3A_870, %mul3A_907 : vector<16xf32>
    %swap3A_909 = arith.constant 64 : index
    %swap3A_910 = tpu.vector_load %arg21[%swap3A_909] {strides = array<i32>} : memref<112xf32, #tpu.memory_space<vmem>>, vector<16xf32>,
    tpu.vector_store %arg21[%swap3A_909], %add3A_908 {strides = array<i32>} : memref<112xf32, #tpu.memory_space<vmem>>, vector<16xf32>,
    %sub3A_911 = arith.subf %get3A_874, %get3A_866 : vector<16xf32>
    %add3A_912 = arith.constant 1.000000e+00 : f32
    %add3A_913 = vector.broadcast %add3A_912 : f32 to vector<16xf32>
    %add3A_914 = arith.addf %sub3A_911, %add3A_913 : vector<16xf32>
    %sub3A_915 = arith.subf %get3A_878, %get3A_870 : vector<16xf32>
    %add3A_916 = arith.constant 1.000000e+00 : f32
    %add3A_917 = vector.broadcast %add3A_916 : f32 to vector<16xf32>
    %add3A_918 = arith.addf %sub3A_915, %add3A_917 : vector<16xf32>
    %mul3A_919 = arith.mulf %add3A_914, %add3A_918 : vector<16xf32>
    %swap3A_920 = arith.constant 64 : index
    %swap3A_921 = tpu.vector_load %arg17[%swap3A_920] {strides = array<i32>} : memref<112xf32, #tpu.memory_space<vmem>>, vector<16xf32>,
    tpu.vector_store %arg17[%swap3A_920], %mul3A_919 {strides = array<i32>} : memref<112xf32, #tpu.memory_space<vmem>>, vector<16xf32>,
    %get3A_922 = arith.constant 0 : i32
    %get3A_923 = arith.index_cast %get3A_922 : i32 to index
    %get3A_924 = arith.constant 80 : index
    %get3A_925 = tpu.vector_load %arg11[%get3A_923, %get3A_924] {strides = array<i32>} : memref<4x112xf32, #tpu.memory_space<vmem>>, vector<16xf32>,
    %get3A_926 = arith.constant 1 : i32
    %get3A_927 = arith.index_cast %get3A_926 : i32 to index
    %get3A_928 = arith.constant 80 : index
    %get3A_929 = tpu.vector_load %arg11[%get3A_927, %get3A_928] {strides = array<i32>} : memref<4x112xf32, #tpu.memory_space<vmem>>, vector<16xf32>,
    %get3A_930 = arith.constant 2 : i32
    %get3A_931 = arith.index_cast %get3A_930 : i32 to index
    %get3A_932 = arith.constant 80 : index
    %get3A_933 = tpu.vector_load %arg11[%get3A_931, %get3A_932] {strides = array<i32>} : memref<4x112xf32, #tpu.memory_space<vmem>>, vector<16xf32>,
    %get3A_934 = arith.constant 3 : i32
    %get3A_935 = arith.index_cast %get3A_934 : i32 to index
    %get3A_936 = arith.constant 80 : index
    %get3A_937 = tpu.vector_load %arg11[%get3A_935, %get3A_936] {strides = array<i32>} : memref<4x112xf32, #tpu.memory_space<vmem>>, vector<16xf32>,
    %sub3A_938 = arith.subf %get3A_933, %get3A_925 : vector<16xf32>
    %add3A_939 = arith.constant 1.000000e+00 : f32
    %add3A_940 = vector.broadcast %add3A_939 : f32 to vector<16xf32>
    %add3A_941 = arith.addf %sub3A_938, %add3A_940 : vector<16xf32>
    %swap3A_942 = arith.constant 80 : index
    %swap3A_943 = tpu.vector_load %arg18[%swap3A_942] {strides = array<i32>} : memref<112xf32, #tpu.memory_space<vmem>>, vector<16xf32>,
    tpu.vector_store %arg18[%swap3A_942], %add3A_941 {strides = array<i32>} : memref<112xf32, #tpu.memory_space<vmem>>, vector<16xf32>,
    %sub3A_944 = arith.subf %get3A_937, %get3A_929 : vector<16xf32>
    %add3A_945 = arith.constant 1.000000e+00 : f32
    %add3A_946 = vector.broadcast %add3A_945 : f32 to vector<16xf32>
    %add3A_947 = arith.addf %sub3A_944, %add3A_946 : vector<16xf32>
    %swap3A_948 = arith.constant 80 : index
    %swap3A_949 = tpu.vector_load %arg19[%swap3A_948] {strides = array<i32>} : memref<112xf32, #tpu.memory_space<vmem>>, vector<16xf32>,
    tpu.vector_store %arg19[%swap3A_948], %add3A_947 {strides = array<i32>} : memref<112xf32, #tpu.memory_space<vmem>>, vector<16xf32>,
    %sub3A_950 = arith.subf %get3A_933, %get3A_925 : vector<16xf32>
    %add3A_951 = arith.constant 1.000000e+00 : f32
    %add3A_952 = vector.broadcast %add3A_951 : f32 to vector<16xf32>
    %add3A_953 = arith.addf %sub3A_950, %add3A_952 : vector<16xf32>
    %mul3A_954 = arith.constant 5.000000e-01 : f32
    %mul3A_955 = vector.broadcast %mul3A_954 : f32 to vector<16xf32>
    %mul3A_956 = arith.mulf %mul3A_955, %add3A_953 : vector<16xf32>
    %add3A_957 = arith.addf %get3A_925, %mul3A_956 : vector<16xf32>
    %swap3A_958 = arith.constant 80 : index
    %swap3A_959 = tpu.vector_load %arg20[%swap3A_958] {strides = array<i32>} : memref<112xf32, #tpu.memory_space<vmem>>, vector<16xf32>,
    tpu.vector_store %arg20[%swap3A_958], %add3A_957 {strides = array<i32>} : memref<112xf32, #tpu.memory_space<vmem>>, vector<16xf32>,
    %sub3A_960 = arith.subf %get3A_937, %get3A_929 : vector<16xf32>
    %add3A_961 = arith.constant 1.000000e+00 : f32
    %add3A_962 = vector.broadcast %add3A_961 : f32 to vector<16xf32>
    %add3A_963 = arith.addf %sub3A_960, %add3A_962 : vector<16xf32>
    %mul3A_964 = arith.constant 5.000000e-01 : f32
    %mul3A_965 = vector.broadcast %mul3A_964 : f32 to vector<16xf32>
    %mul3A_966 = arith.mulf %mul3A_965, %add3A_963 : vector<16xf32>
    %add3A_967 = arith.addf %get3A_929, %mul3A_966 : vector<16xf32>
    %swap3A_968 = arith.constant 80 : index
    %swap3A_969 = tpu.vector_load %arg21[%swap3A_968] {strides = array<i32>} : memref<112xf32, #tpu.memory_space<vmem>>, vector<16xf32>,
    tpu.vector_store %arg21[%swap3A_968], %add3A_967 {strides = array<i32>} : memref<112xf32, #tpu.memory_space<vmem>>, vector<16xf32>,
    %sub3A_970 = arith.subf %get3A_933, %get3A_925 : vector<16xf32>
    %add3A_971 = arith.constant 1.000000e+00 : f32
    %add3A_972 = vector.broadcast %add3A_971 : f32 to vector<16xf32>
    %add3A_973 = arith.addf %sub3A_970, %add3A_972 : vector<16xf32>
    %sub3A_974 = arith.subf %get3A_937, %get3A_929 : vector<16xf32>
    %add3A_975 = arith.constant 1.000000e+00 : f32
    %add3A_976 = vector.broadcast %add3A_975 : f32 to vector<16xf32>
    %add3A_977 = arith.addf %sub3A_974, %add3A_976 : vector<16xf32>
    %mul3A_978 = arith.mulf %add3A_973, %add3A_977 : vector<16xf32>
    %swap3A_979 = arith.constant 80 : index
    %swap3A_980 = tpu.vector_load %arg17[%swap3A_979] {strides = array<i32>} : memref<112xf32, #tpu.memory_space<vmem>>, vector<16xf32>,
    tpu.vector_store %arg17[%swap3A_979], %mul3A_978 {strides = array<i32>} : memref<112xf32, #tpu.memory_space<vmem>>, vector<16xf32>,
    %get3A_981 = arith.constant 0 : i32
    %get3A_982 = arith.index_cast %get3A_981 : i32 to index
    %get3A_983 = arith.constant 96 : index
    %get3A_984 = tpu.vector_load %arg11[%get3A_982, %get3A_983] {strides = array<i32>} : memref<4x112xf32, #tpu.memory_space<vmem>>, vector<16xf32>,
    %get3A_985 = arith.constant 1 : i32
    %get3A_986 = arith.index_cast %get3A_985 : i32 to index
    %get3A_987 = arith.constant 96 : index
    %get3A_988 = tpu.vector_load %arg11[%get3A_986, %get3A_987] {strides = array<i32>} : memref<4x112xf32, #tpu.memory_space<vmem>>, vector<16xf32>,
    %get3A_989 = arith.constant 2 : i32
    %get3A_990 = arith.index_cast %get3A_989 : i32 to index
    %get3A_991 = arith.constant 96 : index
    %get3A_992 = tpu.vector_load %arg11[%get3A_990, %get3A_991] {strides = array<i32>} : memref<4x112xf32, #tpu.memory_space<vmem>>, vector<16xf32>,
    %get3A_993 = arith.constant 3 : i32
    %get3A_994 = arith.index_cast %get3A_993 : i32 to index
    %get3A_995 = arith.constant 96 : index
    %get3A_996 = tpu.vector_load %arg11[%get3A_994, %get3A_995] {strides = array<i32>} : memref<4x112xf32, #tpu.memory_space<vmem>>, vector<16xf32>,
    %sub3A_997 = arith.subf %get3A_992, %get3A_984 : vector<16xf32>
    %add3A_998 = arith.constant 1.000000e+00 : f32
    %add3A_999 = vector.broadcast %add3A_998 : f32 to vector<16xf32>
    %add3A_1000 = arith.addf %sub3A_997, %add3A_999 : vector<16xf32>
    %swap3A_1001 = arith.constant 96 : index
    %swap3A_1002 = tpu.vector_load %arg18[%swap3A_1001] {strides = array<i32>} : memref<112xf32, #tpu.memory_space<vmem>>, vector<16xf32>,
    tpu.vector_store %arg18[%swap3A_1001], %add3A_1000 {strides = array<i32>} : memref<112xf32, #tpu.memory_space<vmem>>, vector<16xf32>,
    %sub3A_1003 = arith.subf %get3A_996, %get3A_988 : vector<16xf32>
    %add3A_1004 = arith.constant 1.000000e+00 : f32
    %add3A_1005 = vector.broadcast %add3A_1004 : f32 to vector<16xf32>
    %add3A_1006 = arith.addf %sub3A_1003, %add3A_1005 : vector<16xf32>
    %swap3A_1007 = arith.constant 96 : index
    %swap3A_1008 = tpu.vector_load %arg19[%swap3A_1007] {strides = array<i32>} : memref<112xf32, #tpu.memory_space<vmem>>, vector<16xf32>,
    tpu.vector_store %arg19[%swap3A_1007], %add3A_1006 {strides = array<i32>} : memref<112xf32, #tpu.memory_space<vmem>>, vector<16xf32>,
    %sub3A_1009 = arith.subf %get3A_992, %get3A_984 : vector<16xf32>
    %add3A_1010 = arith.constant 1.000000e+00 : f32
    %add3A_1011 = vector.broadcast %add3A_1010 : f32 to vector<16xf32>
    %add3A_1012 = arith.addf %sub3A_1009, %add3A_1011 : vector<16xf32>
    %mul3A_1013 = arith.constant 5.000000e-01 : f32
    %mul3A_1014 = vector.broadcast %mul3A_1013 : f32 to vector<16xf32>
    %mul3A_1015 = arith.mulf %mul3A_1014, %add3A_1012 : vector<16xf32>
    %add3A_1016 = arith.addf %get3A_984, %mul3A_1015 : vector<16xf32>
    %swap3A_1017 = arith.constant 96 : index
    %swap3A_1018 = tpu.vector_load %arg20[%swap3A_1017] {strides = array<i32>} : memref<112xf32, #tpu.memory_space<vmem>>, vector<16xf32>,
    tpu.vector_store %arg20[%swap3A_1017], %add3A_1016 {strides = array<i32>} : memref<112xf32, #tpu.memory_space<vmem>>, vector<16xf32>,
    %sub3A_1019 = arith.subf %get3A_996, %get3A_988 : vector<16xf32>
    %add3A_1020 = arith.constant 1.000000e+00 : f32
    %add3A_1021 = vector.broadcast %add3A_1020 : f32 to vector<16xf32>
    %add3A_1022 = arith.addf %sub3A_1019, %add3A_1021 : vector<16xf32>
    %mul3A_1023 = arith.constant 5.000000e-01 : f32
    %mul3A_1024 = vector.broadcast %mul3A_1023 : f32 to vector<16xf32>
    %mul3A_1025 = arith.mulf %mul3A_1024, %add3A_1022 : vector<16xf32>
    %add3A_1026 = arith.addf %get3A_988, %mul3A_1025 : vector<16xf32>
    %swap3A_1027 = arith.constant 96 : index
    %swap3A_1028 = tpu.vector_load %arg21[%swap3A_1027] {strides = array<i32>} : memref<112xf32, #tpu.memory_space<vmem>>, vector<16xf32>,
    tpu.vector_store %arg21[%swap3A_1027], %add3A_1026 {strides = array<i32>} : memref<112xf32, #tpu.memory_space<vmem>>, vector<16xf32>,
    %sub3A_1029 = arith.subf %get3A_992, %get3A_984 : vector<16xf32>
    %add3A_1030 = arith.constant 1.000000e+00 : f32
    %add3A_1031 = vector.broadcast %add3A_1030 : f32 to vector<16xf32>
    %add3A_1032 = arith.addf %sub3A_1029, %add3A_1031 : vector<16xf32>
    %sub3A_1033 = arith.subf %get3A_996, %get3A_988 : vector<16xf32>
    %add3A_1034 = arith.constant 1.000000e+00 : f32
    %add3A_1035 = vector.broadcast %add3A_1034 : f32 to vector<16xf32>
    %add3A_1036 = arith.addf %sub3A_1033, %add3A_1035 : vector<16xf32>
    %mul3A_1037 = arith.mulf %add3A_1032, %add3A_1036 : vector<16xf32>
    %swap3A_1038 = arith.constant 96 : index
    %swap3A_1039 = tpu.vector_load %arg17[%swap3A_1038] {strides = array<i32>} : memref<112xf32, #tpu.memory_space<vmem>>, vector<16xf32>,
    tpu.vector_store %arg17[%swap3A_1038], %mul3A_1037 {strides = array<i32>} : memref<112xf32, #tpu.memory_space<vmem>>, vector<16xf32>,
    %mul3A_1040 = arith.constant 288 : i32
    %mul3A_1041 = arith.muli %add3A, %mul3A_1040 : i32
    %scan3A = arith.constant 0 : i32
    %scan3A_1042 = arith.constant 50 : i32
    %scan3A_1043 = arith.addi %scan3A, %scan3A_1042 : i32
    %scan3A_1044 = arith.constant 1 : i32
    scf.for %scan3A_2124 = %scan3A to %scan3A_1043 step %scan3A_1044  : i32 {
      %mul3A_2125 = arith.constant 2 : i32
      %mul3A_2126 = arith.muli %scan3A_2124, %mul3A_2125 : i32
      %add3A_2127 = arith.constant 1 : i32
      %add3A_2128 = arith.addi %mul3A_2126, %add3A_2127 : i32
      %get3A_2129 = arith.constant 0 : i32
      %get3A_2130 = arith.index_cast %mul3A_2126 : i32 to index
      %get3A_2131 = arith.index_cast %get3A_2129 : i32 to index
      %get3A_2132 = arith.constant 0 : index
      %get3A_2133 = tpu.vector_load %arg10[%get3A_2130, %get3A_2131, %get3A_2132] {strides = array<i32>} : memref<100x4x16xf32, #tpu.memory_space<vmem>>, vector<16xf32>,
      %get3A_2134 = arith.constant 1 : i32
      %get3A_2135 = arith.index_cast %mul3A_2126 : i32 to index
      %get3A_2136 = arith.index_cast %get3A_2134 : i32 to index
      %get3A_2137 = arith.constant 0 : index
      %get3A_2138 = tpu.vector_load %arg10[%get3A_2135, %get3A_2136, %get3A_2137] {strides = array<i32>} : memref<100x4x16xf32, #tpu.memory_space<vmem>>, vector<16xf32>,
      %get3A_2139 = arith.constant 2 : i32
      %get3A_2140 = arith.index_cast %mul3A_2126 : i32 to index
      %get3A_2141 = arith.index_cast %get3A_2139 : i32 to index
      %get3A_2142 = arith.constant 0 : index
      %get3A_2143 = tpu.vector_load %arg10[%get3A_2140, %get3A_2141, %get3A_2142] {strides = array<i32>} : memref<100x4x16xf32, #tpu.memory_space<vmem>>, vector<16xf32>,
      %get3A_2144 = arith.constant 3 : i32
      %get3A_2145 = arith.index_cast %mul3A_2126 : i32 to index
      %get3A_2146 = arith.index_cast %get3A_2144 : i32 to index
      %get3A_2147 = arith.constant 0 : index
      %get3A_2148 = tpu.vector_load %arg10[%get3A_2145, %get3A_2146, %get3A_2147] {strides = array<i32>} : memref<100x4x16xf32, #tpu.memory_space<vmem>>, vector<16xf32>,
      %get3A_2149 = arith.constant 0 : i32
      %get3A_2150 = arith.index_cast %add3A_2128 : i32 to index
      %get3A_2151 = arith.index_cast %get3A_2149 : i32 to index
      %get3A_2152 = arith.constant 0 : index
      %get3A_2153 = tpu.vector_load %arg10[%get3A_2150, %get3A_2151, %get3A_2152] {strides = array<i32>} : memref<100x4x16xf32, #tpu.memory_space<vmem>>, vector<16xf32>,
      %get3A_2154 = arith.constant 1 : i32
      %get3A_2155 = arith.index_cast %add3A_2128 : i32 to index
      %get3A_2156 = arith.index_cast %get3A_2154 : i32 to index
      %get3A_2157 = arith.constant 0 : index
      %get3A_2158 = tpu.vector_load %arg10[%get3A_2155, %get3A_2156, %get3A_2157] {strides = array<i32>} : memref<100x4x16xf32, #tpu.memory_space<vmem>>, vector<16xf32>,
      %get3A_2159 = arith.constant 2 : i32
      %get3A_2160 = arith.index_cast %add3A_2128 : i32 to index
      %get3A_2161 = arith.index_cast %get3A_2159 : i32 to index
      %get3A_2162 = arith.constant 0 : index
      %get3A_2163 = tpu.vector_load %arg10[%get3A_2160, %get3A_2161, %get3A_2162] {strides = array<i32>} : memref<100x4x16xf32, #tpu.memory_space<vmem>>, vector<16xf32>,
      %get3A_2164 = arith.constant 3 : i32
      %get3A_2165 = arith.index_cast %add3A_2128 : i32 to index
      %get3A_2166 = arith.index_cast %get3A_2164 : i32 to index
      %get3A_2167 = arith.constant 0 : index
      %get3A_2168 = tpu.vector_load %arg10[%get3A_2165, %get3A_2166, %get3A_2167] {strides = array<i32>} : memref<100x4x16xf32, #tpu.memory_space<vmem>>, vector<16xf32>,
      %broadcast_in_dim3A_2169 = vector.broadcast %mul3A_2126 : i32 to vector<16xi32>
      %gather3A_2170 = tpu.vector_load_idx %arg17[%broadcast_in_dim3A_2169] : memref<112xf32, #tpu.memory_space<vmem>>[vector<16xi32>], vector<16xf32>,
      %broadcast_in_dim3A_2171 = vector.broadcast %add3A_2128 : i32 to vector<16xi32>
      %gather3A_2172 = tpu.vector_load_idx %arg17[%broadcast_in_dim3A_2171] : memref<112xf32, #tpu.memory_space<vmem>>[vector<16xi32>], vector<16xf32>,
      %broadcast_in_dim3A_2173 = arith.constant -3.000000e+38 : f32
      %broadcast_in_dim3A_2174 = vector.broadcast %broadcast_in_dim3A_2173 : f32 to vector<16xf32>
      %broadcast_in_dim3A_2175 = arith.constant 0 : i32
      %broadcast_in_dim3A_2176 = vector.broadcast %broadcast_in_dim3A_2175 : i32 to vector<16xi32>
      %broadcast_in_dim3A_2177 = arith.constant -3.000000e+38 : f32
      %broadcast_in_dim3A_2178 = vector.broadcast %broadcast_in_dim3A_2177 : f32 to vector<16xf32>
      %broadcast_in_dim3A_2179 = arith.constant 0 : i32
      %broadcast_in_dim3A_2180 = vector.broadcast %broadcast_in_dim3A_2179 : i32 to vector<16xi32>
      %get3A_2181 = arith.constant 0 : i32
      %get3A_2182 = arith.index_cast %get3A_2181 : i32 to index
      %get3A_2183 = arith.constant 0 : index
      %get3A_2184 = tpu.vector_load %arg9[%get3A_2182, %get3A_2183] {strides = array<i32>} : memref<4x288xf32, #tpu.memory_space<vmem>>, vector<16xf32>,
      %get3A_2185 = arith.constant 1 : i32
      %get3A_2186 = arith.index_cast %get3A_2185 : i32 to index
      %get3A_2187 = arith.constant 0 : index
      %get3A_2188 = tpu.vector_load %arg9[%get3A_2186, %get3A_2187] {strides = array<i32>} : memref<4x288xf32, #tpu.memory_space<vmem>>, vector<16xf32>,
      %get3A_2189 = arith.constant 2 : i32
      %get3A_2190 = arith.index_cast %get3A_2189 : i32 to index
      %get3A_2191 = arith.constant 0 : index
      %get3A_2192 = tpu.vector_load %arg9[%get3A_2190, %get3A_2191] {strides = array<i32>} : memref<4x288xf32, #tpu.memory_space<vmem>>, vector<16xf32>,
      %get3A_2193 = arith.constant 3 : i32
      %get3A_2194 = arith.index_cast %get3A_2193 : i32 to index
      %get3A_2195 = arith.constant 0 : index
      %get3A_2196 = tpu.vector_load %arg9[%get3A_2194, %get3A_2195] {strides = array<i32>} : memref<4x288xf32, #tpu.memory_space<vmem>>, vector<16xf32>,
      %get3A_2197 = arith.constant 0 : index
      %get3A_2198 = tpu.vector_load %arg12[%get3A_2197] {strides = array<i32>} : memref<288xf32, #tpu.memory_space<vmem>>, vector<16xf32>,
      %max3A = arith.maximumf %get3A_2184, %get3A_2133 : vector<16xf32>
      %max3A_2199 = arith.maximumf %get3A_2188, %get3A_2138 : vector<16xf32>
      %min3A = arith.minimumf %get3A_2192, %get3A_2143 : vector<16xf32>
      %min3A_2200 = arith.minimumf %get3A_2196, %get3A_2148 : vector<16xf32>
      %sub3A_2201 = arith.subf %min3A, %max3A : vector<16xf32>
      %add3A_2202 = arith.constant 1.000000e+00 : f32
      %add3A_2203 = vector.broadcast %add3A_2202 : f32 to vector<16xf32>
      %add3A_2204 = arith.addf %sub3A_2201, %add3A_2203 : vector<16xf32>
      %max3A_2205 = arith.constant 0.000000e+00 : f32
      %max3A_2206 = vector.broadcast %max3A_2205 : f32 to vector<16xf32>
      %max3A_2207 = arith.maximumf %add3A_2204, %max3A_2206 : vector<16xf32>
      %sub3A_2208 = arith.subf %min3A_2200, %max3A_2199 : vector<16xf32>
      %add3A_2209 = arith.constant 1.000000e+00 : f32
      %add3A_2210 = vector.broadcast %add3A_2209 : f32 to vector<16xf32>
      %add3A_2211 = arith.addf %sub3A_2208, %add3A_2210 : vector<16xf32>
      %max3A_2212 = arith.constant 0.000000e+00 : f32
      %max3A_2213 = vector.broadcast %max3A_2212 : f32 to vector<16xf32>
      %max3A_2214 = arith.maximumf %add3A_2211, %max3A_2213 : vector<16xf32>
      %mul3A_2215 = arith.mulf %max3A_2207, %max3A_2214 : vector<16xf32>
      %add3A_2216 = arith.addf %get3A_2198, %gather3A_2170 : vector<16xf32>
      %sub3A_2217 = arith.subf %add3A_2216, %mul3A_2215 : vector<16xf32>
      %div3A_2218 = arith.divf %mul3A_2215, %sub3A_2217 : vector<16xf32>
      %max3A_2219 = arith.maximumf %get3A_2184, %get3A_2153 : vector<16xf32>
      %max3A_2220 = arith.maximumf %get3A_2188, %get3A_2158 : vector<16xf32>
      %min3A_2221 = arith.minimumf %get3A_2192, %get3A_2163 : vector<16xf32>
      %min3A_2222 = arith.minimumf %get3A_2196, %get3A_2168 : vector<16xf32>
      %sub3A_2223 = arith.subf %min3A_2221, %max3A_2219 : vector<16xf32>
      %add3A_2224 = arith.constant 1.000000e+00 : f32
      %add3A_2225 = vector.broadcast %add3A_2224 : f32 to vector<16xf32>
      %add3A_2226 = arith.addf %sub3A_2223, %add3A_2225 : vector<16xf32>
      %max3A_2227 = arith.constant 0.000000e+00 : f32
      %max3A_2228 = vector.broadcast %max3A_2227 : f32 to vector<16xf32>
      %max3A_2229 = arith.maximumf %add3A_2226, %max3A_2228 : vector<16xf32>
      %sub3A_2230 = arith.subf %min3A_2222, %max3A_2220 : vector<16xf32>
      %add3A_2231 = arith.constant 1.000000e+00 : f32
      %add3A_2232 = vector.broadcast %add3A_2231 : f32 to vector<16xf32>
      %add3A_2233 = arith.addf %sub3A_2230, %add3A_2232 : vector<16xf32>
      %max3A_2234 = arith.constant 0.000000e+00 : f32
      %max3A_2235 = vector.broadcast %max3A_2234 : f32 to vector<16xf32>
      %max3A_2236 = arith.maximumf %add3A_2233, %max3A_2235 : vector<16xf32>
      %mul3A_2237 = arith.mulf %max3A_2229, %max3A_2236 : vector<16xf32>
      %add3A_2238 = arith.addf %get3A_2198, %gather3A_2172 : vector<16xf32>
      %sub3A_2239 = arith.subf %add3A_2238, %mul3A_2237 : vector<16xf32>
      %div3A_2240 = arith.divf %mul3A_2237, %sub3A_2239 : vector<16xf32>
      %gt3A = arith.cmpf ogt, %div3A_2240, %div3A_2218 : vector<16xf32>
      %select_n3A = arith.select %gt3A, %div3A_2240, %div3A_2218 : vector<16xi1>, vector<16xf32>
      %broadcast_in_dim3A_2241 = vector.broadcast %add3A_2128 : i32 to vector<16xi32>
      %broadcast_in_dim3A_2242 = vector.broadcast %mul3A_2126 : i32 to vector<16xi32>
      %select_n3A_2243 = arith.select %gt3A, %broadcast_in_dim3A_2241, %broadcast_in_dim3A_2242 : vector<16xi1>, vector<16xi32>
      %get3A_2244 = arith.constant 0 : index
      %get3A_2245 = tpu.vector_load %arg13[%get3A_2244] {strides = array<i32>} : memref<288xf32, #tpu.memory_space<vmem>>, vector<16xf32>,
      %gt3A_2246 = arith.cmpf ogt, %select_n3A, %get3A_2245 : vector<16xf32>
      %select_n3A_2247 = arith.select %gt3A_2246, %select_n3A, %get3A_2245 : vector<16xi1>, vector<16xf32>
      %swap3A_2248 = arith.constant 0 : index
      %swap3A_2249 = tpu.vector_load %arg13[%swap3A_2248] {strides = array<i32>} : memref<288xf32, #tpu.memory_space<vmem>>, vector<16xf32>,
      tpu.vector_store %arg13[%swap3A_2248], %select_n3A_2247 {strides = array<i32>} : memref<288xf32, #tpu.memory_space<vmem>>, vector<16xf32>,
      %get3A_2250 = arith.constant 0 : index
      %get3A_2251 = tpu.vector_load %arg14[%get3A_2250] {strides = array<i32>} : memref<288xi32, #tpu.memory_space<vmem>>, vector<16xi32>,
      %select_n3A_2252 = arith.select %gt3A_2246, %select_n3A_2243, %get3A_2251 : vector<16xi1>, vector<16xi32>
      %swap3A_2253 = arith.constant 0 : index
      %swap3A_2254 = tpu.vector_load %arg14[%swap3A_2253] {strides = array<i32>} : memref<288xi32, #tpu.memory_space<vmem>>, vector<16xi32>,
      tpu.vector_store %arg14[%swap3A_2253], %select_n3A_2252 {strides = array<i32>} : memref<288xi32, #tpu.memory_space<vmem>>, vector<16xi32>,
      %gt3A_2255 = arith.cmpf ogt, %div3A_2218, %broadcast_in_dim3A_2174 : vector<16xf32>
      %jit3A = arith.constant 0 : i32
      %broadcast_in_dim3A_2256 = vector.broadcast %jit3A : i32 to vector<16xi32>
      %select_n3A_2257 = arith.select %gt3A_2255, %broadcast_in_dim3A_2256, %broadcast_in_dim3A_2176 : vector<16xi1>, vector<16xi32>
      %select_n3A_2258 = arith.select %gt3A_2255, %div3A_2218, %broadcast_in_dim3A_2174 : vector<16xi1>, vector<16xf32>
      %gt3A_2259 = arith.cmpf ogt, %div3A_2240, %broadcast_in_dim3A_2178 : vector<16xf32>
      %jit3A_2260 = arith.constant 0 : i32
      %broadcast_in_dim3A_2261 = vector.broadcast %jit3A_2260 : i32 to vector<16xi32>
      %select_n3A_2262 = arith.select %gt3A_2259, %broadcast_in_dim3A_2261, %broadcast_in_dim3A_2180 : vector<16xi1>, vector<16xi32>
      %select_n3A_2263 = arith.select %gt3A_2259, %div3A_2240, %broadcast_in_dim3A_2178 : vector<16xi1>, vector<16xf32>
      %get3A_2264 = arith.constant 0 : i32
      %get3A_2265 = arith.index_cast %get3A_2264 : i32 to index
      %get3A_2266 = arith.constant 16 : index
      %get3A_2267 = tpu.vector_load %arg9[%get3A_2265, %get3A_2266] {strides = array<i32>} : memref<4x288xf32, #tpu.memory_space<vmem>>, vector<16xf32>,
      %get3A_2268 = arith.constant 1 : i32
      %get3A_2269 = arith.index_cast %get3A_2268 : i32 to index
      %get3A_2270 = arith.constant 16 : index
      %get3A_2271 = tpu.vector_load %arg9[%get3A_2269, %get3A_2270] {strides = array<i32>} : memref<4x288xf32, #tpu.memory_space<vmem>>, vector<16xf32>,
      %get3A_2272 = arith.constant 2 : i32
      %get3A_2273 = arith.index_cast %get3A_2272 : i32 to index
      %get3A_2274 = arith.constant 16 : index
      %get3A_2275 = tpu.vector_load %arg9[%get3A_2273, %get3A_2274] {strides = array<i32>} : memref<4x288xf32, #tpu.memory_space<vmem>>, vector<16xf32>,
      %get3A_2276 = arith.constant 3 : i32
      %get3A_2277 = arith.index_cast %get3A_2276 : i32 to index
      %get3A_2278 = arith.constant 16 : index
      %get3A_2279 = tpu.vector_load %arg9[%get3A_2277, %get3A_2278] {strides = array<i32>} : memref<4x288xf32, #tpu.memory_space<vmem>>, vector<16xf32>,
      %get3A_2280 = arith.constant 16 : index
      %get3A_2281 = tpu.vector_load %arg12[%get3A_2280] {strides = array<i32>} : memref<288xf32, #tpu.memory_space<vmem>>, vector<16xf32>,
      %max3A_2282 = arith.maximumf %get3A_2267, %get3A_2133 : vector<16xf32>
      %max3A_2283 = arith.maximumf %get3A_2271, %get3A_2138 : vector<16xf32>
      %min3A_2284 = arith.minimumf %get3A_2275, %get3A_2143 : vector<16xf32>
      %min3A_2285 = arith.minimumf %get3A_2279, %get3A_2148 : vector<16xf32>
      %sub3A_2286 = arith.subf %min3A_2284, %max3A_2282 : vector<16xf32>
      %add3A_2287 = arith.constant 1.000000e+00 : f32
      %add3A_2288 = vector.broadcast %add3A_2287 : f32 to vector<16xf32>
      %add3A_2289 = arith.addf %sub3A_2286, %add3A_2288 : vector<16xf32>
      %max3A_2290 = arith.constant 0.000000e+00 : f32
      %max3A_2291 = vector.broadcast %max3A_2290 : f32 to vector<16xf32>
      %max3A_2292 = arith.maximumf %add3A_2289, %max3A_2291 : vector<16xf32>
      %sub3A_2293 = arith.subf %min3A_2285, %max3A_2283 : vector<16xf32>
      %add3A_2294 = arith.constant 1.000000e+00 : f32
      %add3A_2295 = vector.broadcast %add3A_2294 : f32 to vector<16xf32>
      %add3A_2296 = arith.addf %sub3A_2293, %add3A_2295 : vector<16xf32>
      %max3A_2297 = arith.constant 0.000000e+00 : f32
      %max3A_2298 = vector.broadcast %max3A_2297 : f32 to vector<16xf32>
      %max3A_2299 = arith.maximumf %add3A_2296, %max3A_2298 : vector<16xf32>
      %mul3A_2300 = arith.mulf %max3A_2292, %max3A_2299 : vector<16xf32>
      %add3A_2301 = arith.addf %get3A_2281, %gather3A_2170 : vector<16xf32>
      %sub3A_2302 = arith.subf %add3A_2301, %mul3A_2300 : vector<16xf32>
      %div3A_2303 = arith.divf %mul3A_2300, %sub3A_2302 : vector<16xf32>
      %max3A_2304 = arith.maximumf %get3A_2267, %get3A_2153 : vector<16xf32>
      %max3A_2305 = arith.maximumf %get3A_2271, %get3A_2158 : vector<16xf32>
      %min3A_2306 = arith.minimumf %get3A_2275, %get3A_2163 : vector<16xf32>
      %min3A_2307 = arith.minimumf %get3A_2279, %get3A_2168 : vector<16xf32>
      %sub3A_2308 = arith.subf %min3A_2306, %max3A_2304 : vector<16xf32>
      %add3A_2309 = arith.constant 1.000000e+00 : f32
      %add3A_2310 = vector.broadcast %add3A_2309 : f32 to vector<16xf32>
      %add3A_2311 = arith.addf %sub3A_2308, %add3A_2310 : vector<16xf32>
      %max3A_2312 = arith.constant 0.000000e+00 : f32
      %max3A_2313 = vector.broadcast %max3A_2312 : f32 to vector<16xf32>
      %max3A_2314 = arith.maximumf %add3A_2311, %max3A_2313 : vector<16xf32>
      %sub3A_2315 = arith.subf %min3A_2307, %max3A_2305 : vector<16xf32>
      %add3A_2316 = arith.constant 1.000000e+00 : f32
      %add3A_2317 = vector.broadcast %add3A_2316 : f32 to vector<16xf32>
      %add3A_2318 = arith.addf %sub3A_2315, %add3A_2317 : vector<16xf32>
      %max3A_2319 = arith.constant 0.000000e+00 : f32
      %max3A_2320 = vector.broadcast %max3A_2319 : f32 to vector<16xf32>
      %max3A_2321 = arith.maximumf %add3A_2318, %max3A_2320 : vector<16xf32>
      %mul3A_2322 = arith.mulf %max3A_2314, %max3A_2321 : vector<16xf32>
      %add3A_2323 = arith.addf %get3A_2281, %gather3A_2172 : vector<16xf32>
      %sub3A_2324 = arith.subf %add3A_2323, %mul3A_2322 : vector<16xf32>
      %div3A_2325 = arith.divf %mul3A_2322, %sub3A_2324 : vector<16xf32>
      %gt3A_2326 = arith.cmpf ogt, %div3A_2325, %div3A_2303 : vector<16xf32>
      %select_n3A_2327 = arith.select %gt3A_2326, %div3A_2325, %div3A_2303 : vector<16xi1>, vector<16xf32>
      %broadcast_in_dim3A_2328 = vector.broadcast %add3A_2128 : i32 to vector<16xi32>
      %broadcast_in_dim3A_2329 = vector.broadcast %mul3A_2126 : i32 to vector<16xi32>
      %select_n3A_2330 = arith.select %gt3A_2326, %broadcast_in_dim3A_2328, %broadcast_in_dim3A_2329 : vector<16xi1>, vector<16xi32>
      %get3A_2331 = arith.constant 16 : index
      %get3A_2332 = tpu.vector_load %arg13[%get3A_2331] {strides = array<i32>} : memref<288xf32, #tpu.memory_space<vmem>>, vector<16xf32>,
      %gt3A_2333 = arith.cmpf ogt, %select_n3A_2327, %get3A_2332 : vector<16xf32>
      %select_n3A_2334 = arith.select %gt3A_2333, %select_n3A_2327, %get3A_2332 : vector<16xi1>, vector<16xf32>
      %swap3A_2335 = arith.constant 16 : index
      %swap3A_2336 = tpu.vector_load %arg13[%swap3A_2335] {strides = array<i32>} : memref<288xf32, #tpu.memory_space<vmem>>, vector<16xf32>,
      tpu.vector_store %arg13[%swap3A_2335], %select_n3A_2334 {strides = array<i32>} : memref<288xf32, #tpu.memory_space<vmem>>, vector<16xf32>,
      %get3A_2337 = arith.constant 16 : index
      %get3A_2338 = tpu.vector_load %arg14[%get3A_2337] {strides = array<i32>} : memref<288xi32, #tpu.memory_space<vmem>>, vector<16xi32>,
      %select_n3A_2339 = arith.select %gt3A_2333, %select_n3A_2330, %get3A_2338 : vector<16xi1>, vector<16xi32>
      %swap3A_2340 = arith.constant 16 : index
      %swap3A_2341 = tpu.vector_load %arg14[%swap3A_2340] {strides = array<i32>} : memref<288xi32, #tpu.memory_space<vmem>>, vector<16xi32>,
      tpu.vector_store %arg14[%swap3A_2340], %select_n3A_2339 {strides = array<i32>} : memref<288xi32, #tpu.memory_space<vmem>>, vector<16xi32>,
      %gt3A_2342 = arith.cmpf ogt, %div3A_2303, %select_n3A_2258 : vector<16xf32>
      %jit3A_2343 = arith.constant 1 : i32
      %broadcast_in_dim3A_2344 = vector.broadcast %jit3A_2343 : i32 to vector<16xi32>
      %select_n3A_2345 = arith.select %gt3A_2342, %broadcast_in_dim3A_2344, %select_n3A_2257 : vector<16xi1>, vector<16xi32>
      %select_n3A_2346 = arith.select %gt3A_2342, %div3A_2303, %select_n3A_2258 : vector<16xi1>, vector<16xf32>
      %gt3A_2347 = arith.cmpf ogt, %div3A_2325, %select_n3A_2263 : vector<16xf32>
      %jit3A_2348 = arith.constant 1 : i32
      %broadcast_in_dim3A_2349 = vector.broadcast %jit3A_2348 : i32 to vector<16xi32>
      %select_n3A_2350 = arith.select %gt3A_2347, %broadcast_in_dim3A_2349, %select_n3A_2262 : vector<16xi1>, vector<16xi32>
      %select_n3A_2351 = arith.select %gt3A_2347, %div3A_2325, %select_n3A_2263 : vector<16xi1>, vector<16xf32>
      %get3A_2352 = arith.constant 0 : i32
      %get3A_2353 = arith.index_cast %get3A_2352 : i32 to index
      %get3A_2354 = arith.constant 32 : index
      %get3A_2355 = tpu.vector_load %arg9[%get3A_2353, %get3A_2354] {strides = array<i32>} : memref<4x288xf32, #tpu.memory_space<vmem>>, vector<16xf32>,
      %get3A_2356 = arith.constant 1 : i32
      %get3A_2357 = arith.index_cast %get3A_2356 : i32 to index
      %get3A_2358 = arith.constant 32 : index
      %get3A_2359 = tpu.vector_load %arg9[%get3A_2357, %get3A_2358] {strides = array<i32>} : memref<4x288xf32, #tpu.memory_space<vmem>>, vector<16xf32>,
      %get3A_2360 = arith.constant 2 : i32
      %get3A_2361 = arith.index_cast %get3A_2360 : i32 to index
      %get3A_2362 = arith.constant 32 : index
      %get3A_2363 = tpu.vector_load %arg9[%get3A_2361, %get3A_2362] {strides = array<i32>} : memref<4x288xf32, #tpu.memory_space<vmem>>, vector<16xf32>,
      %get3A_2364 = arith.constant 3 : i32
      %get3A_2365 = arith.index_cast %get3A_2364 : i32 to index
      %get3A_2366 = arith.constant 32 : index
      %get3A_2367 = tpu.vector_load %arg9[%get3A_2365, %get3A_2366] {strides = array<i32>} : memref<4x288xf32, #tpu.memory_space<vmem>>, vector<16xf32>,
      %get3A_2368 = arith.constant 32 : index
      %get3A_2369 = tpu.vector_load %arg12[%get3A_2368] {strides = array<i32>} : memref<288xf32, #tpu.memory_space<vmem>>, vector<16xf32>,
      %max3A_2370 = arith.maximumf %get3A_2355, %get3A_2133 : vector<16xf32>
      %max3A_2371 = arith.maximumf %get3A_2359, %get3A_2138 : vector<16xf32>
      %min3A_2372 = arith.minimumf %get3A_2363, %get3A_2143 : vector<16xf32>
      %min3A_2373 = arith.minimumf %get3A_2367, %get3A_2148 : vector<16xf32>
      %sub3A_2374 = arith.subf %min3A_2372, %max3A_2370 : vector<16xf32>
      %add3A_2375 = arith.constant 1.000000e+00 : f32
      %add3A_2376 = vector.broadcast %add3A_2375 : f32 to vector<16xf32>
      %add3A_2377 = arith.addf %sub3A_2374, %add3A_2376 : vector<16xf32>
      %max3A_2378 = arith.constant 0.000000e+00 : f32
      %max3A_2379 = vector.broadcast %max3A_2378 : f32 to vector<16xf32>
      %max3A_2380 = arith.maximumf %add3A_2377, %max3A_2379 : vector<16xf32>
      %sub3A_2381 = arith.subf %min3A_2373, %max3A_2371 : vector<16xf32>
      %add3A_2382 = arith.constant 1.000000e+00 : f32
      %add3A_2383 = vector.broadcast %add3A_2382 : f32 to vector<16xf32>
      %add3A_2384 = arith.addf %sub3A_2381, %add3A_2383 : vector<16xf32>
      %max3A_2385 = arith.constant 0.000000e+00 : f32
      %max3A_2386 = vector.broadcast %max3A_2385 : f32 to vector<16xf32>
      %max3A_2387 = arith.maximumf %add3A_2384, %max3A_2386 : vector<16xf32>
      %mul3A_2388 = arith.mulf %max3A_2380, %max3A_2387 : vector<16xf32>
      %add3A_2389 = arith.addf %get3A_2369, %gather3A_2170 : vector<16xf32>
      %sub3A_2390 = arith.subf %add3A_2389, %mul3A_2388 : vector<16xf32>
      %div3A_2391 = arith.divf %mul3A_2388, %sub3A_2390 : vector<16xf32>
      %max3A_2392 = arith.maximumf %get3A_2355, %get3A_2153 : vector<16xf32>
      %max3A_2393 = arith.maximumf %get3A_2359, %get3A_2158 : vector<16xf32>
      %min3A_2394 = arith.minimumf %get3A_2363, %get3A_2163 : vector<16xf32>
      %min3A_2395 = arith.minimumf %get3A_2367, %get3A_2168 : vector<16xf32>
      %sub3A_2396 = arith.subf %min3A_2394, %max3A_2392 : vector<16xf32>
      %add3A_2397 = arith.constant 1.000000e+00 : f32
      %add3A_2398 = vector.broadcast %add3A_2397 : f32 to vector<16xf32>
      %add3A_2399 = arith.addf %sub3A_2396, %add3A_2398 : vector<16xf32>
      %max3A_2400 = arith.constant 0.000000e+00 : f32
      %max3A_2401 = vector.broadcast %max3A_2400 : f32 to vector<16xf32>
      %max3A_2402 = arith.maximumf %add3A_2399, %max3A_2401 : vector<16xf32>
      %sub3A_2403 = arith.subf %min3A_2395, %max3A_2393 : vector<16xf32>
      %add3A_2404 = arith.constant 1.000000e+00 : f32
      %add3A_2405 = vector.broadcast %add3A_2404 : f32 to vector<16xf32>
      %add3A_2406 = arith.addf %sub3A_2403, %add3A_2405 : vector<16xf32>
      %max3A_2407 = arith.constant 0.000000e+00 : f32
      %max3A_2408 = vector.broadcast %max3A_2407 : f32 to vector<16xf32>
      %max3A_2409 = arith.maximumf %add3A_2406, %max3A_2408 : vector<16xf32>
      %mul3A_2410 = arith.mulf %max3A_2402, %max3A_2409 : vector<16xf32>
      %add3A_2411 = arith.addf %get3A_2369, %gather3A_2172 : vector<16xf32>
      %sub3A_2412 = arith.subf %add3A_2411, %mul3A_2410 : vector<16xf32>
      %div3A_2413 = arith.divf %mul3A_2410, %sub3A_2412 : vector<16xf32>
      %gt3A_2414 = arith.cmpf ogt, %div3A_2413, %div3A_2391 : vector<16xf32>
      %select_n3A_2415 = arith.select %gt3A_2414, %div3A_2413, %div3A_2391 : vector<16xi1>, vector<16xf32>
      %broadcast_in_dim3A_2416 = vector.broadcast %add3A_2128 : i32 to vector<16xi32>
      %broadcast_in_dim3A_2417 = vector.broadcast %mul3A_2126 : i32 to vector<16xi32>
      %select_n3A_2418 = arith.select %gt3A_2414, %broadcast_in_dim3A_2416, %broadcast_in_dim3A_2417 : vector<16xi1>, vector<16xi32>
      %get3A_2419 = arith.constant 32 : index
      %get3A_2420 = tpu.vector_load %arg13[%get3A_2419] {strides = array<i32>} : memref<288xf32, #tpu.memory_space<vmem>>, vector<16xf32>,
      %gt3A_2421 = arith.cmpf ogt, %select_n3A_2415, %get3A_2420 : vector<16xf32>
      %select_n3A_2422 = arith.select %gt3A_2421, %select_n3A_2415, %get3A_2420 : vector<16xi1>, vector<16xf32>
      %swap3A_2423 = arith.constant 32 : index
      %swap3A_2424 = tpu.vector_load %arg13[%swap3A_2423] {strides = array<i32>} : memref<288xf32, #tpu.memory_space<vmem>>, vector<16xf32>,
      tpu.vector_store %arg13[%swap3A_2423], %select_n3A_2422 {strides = array<i32>} : memref<288xf32, #tpu.memory_space<vmem>>, vector<16xf32>,
      %get3A_2425 = arith.constant 32 : index
      %get3A_2426 = tpu.vector_load %arg14[%get3A_2425] {strides = array<i32>} : memref<288xi32, #tpu.memory_space<vmem>>, vector<16xi32>,
      %select_n3A_2427 = arith.select %gt3A_2421, %select_n3A_2418, %get3A_2426 : vector<16xi1>, vector<16xi32>
      %swap3A_2428 = arith.constant 32 : index
      %swap3A_2429 = tpu.vector_load %arg14[%swap3A_2428] {strides = array<i32>} : memref<288xi32, #tpu.memory_space<vmem>>, vector<16xi32>,
      tpu.vector_store %arg14[%swap3A_2428], %select_n3A_2427 {strides = array<i32>} : memref<288xi32, #tpu.memory_space<vmem>>, vector<16xi32>,
      %gt3A_2430 = arith.cmpf ogt, %div3A_2391, %select_n3A_2346 : vector<16xf32>
      %jit3A_2431 = arith.constant 2 : i32
      %broadcast_in_dim3A_2432 = vector.broadcast %jit3A_2431 : i32 to vector<16xi32>
      %select_n3A_2433 = arith.select %gt3A_2430, %broadcast_in_dim3A_2432, %select_n3A_2345 : vector<16xi1>, vector<16xi32>
      %select_n3A_2434 = arith.select %gt3A_2430, %div3A_2391, %select_n3A_2346 : vector<16xi1>, vector<16xf32>
      %gt3A_2435 = arith.cmpf ogt, %div3A_2413, %select_n3A_2351 : vector<16xf32>
      %jit3A_2436 = arith.constant 2 : i32
      %broadcast_in_dim3A_2437 = vector.broadcast %jit3A_2436 : i32 to vector<16xi32>
      %select_n3A_2438 = arith.select %gt3A_2435, %broadcast_in_dim3A_2437, %select_n3A_2350 : vector<16xi1>, vector<16xi32>
      %select_n3A_2439 = arith.select %gt3A_2435, %div3A_2413, %select_n3A_2351 : vector<16xi1>, vector<16xf32>
      %get3A_2440 = arith.constant 0 : i32
      %get3A_2441 = arith.index_cast %get3A_2440 : i32 to index
      %get3A_2442 = arith.constant 48 : index
      %get3A_2443 = tpu.vector_load %arg9[%get3A_2441, %get3A_2442] {strides = array<i32>} : memref<4x288xf32, #tpu.memory_space<vmem>>, vector<16xf32>,
      %get3A_2444 = arith.constant 1 : i32
      %get3A_2445 = arith.index_cast %get3A_2444 : i32 to index
      %get3A_2446 = arith.constant 48 : index
      %get3A_2447 = tpu.vector_load %arg9[%get3A_2445, %get3A_2446] {strides = array<i32>} : memref<4x288xf32, #tpu.memory_space<vmem>>, vector<16xf32>,
      %get3A_2448 = arith.constant 2 : i32
      %get3A_2449 = arith.index_cast %get3A_2448 : i32 to index
      %get3A_2450 = arith.constant 48 : index
      %get3A_2451 = tpu.vector_load %arg9[%get3A_2449, %get3A_2450] {strides = array<i32>} : memref<4x288xf32, #tpu.memory_space<vmem>>, vector<16xf32>,
      %get3A_2452 = arith.constant 3 : i32
      %get3A_2453 = arith.index_cast %get3A_2452 : i32 to index
      %get3A_2454 = arith.constant 48 : index
      %get3A_2455 = tpu.vector_load %arg9[%get3A_2453, %get3A_2454] {strides = array<i32>} : memref<4x288xf32, #tpu.memory_space<vmem>>, vector<16xf32>,
      %get3A_2456 = arith.constant 48 : index
      %get3A_2457 = tpu.vector_load %arg12[%get3A_2456] {strides = array<i32>} : memref<288xf32, #tpu.memory_space<vmem>>, vector<16xf32>,
      %max3A_2458 = arith.maximumf %get3A_2443, %get3A_2133 : vector<16xf32>
      %max3A_2459 = arith.maximumf %get3A_2447, %get3A_2138 : vector<16xf32>
      %min3A_2460 = arith.minimumf %get3A_2451, %get3A_2143 : vector<16xf32>
      %min3A_2461 = arith.minimumf %get3A_2455, %get3A_2148 : vector<16xf32>
      %sub3A_2462 = arith.subf %min3A_2460, %max3A_2458 : vector<16xf32>
      %add3A_2463 = arith.constant 1.000000e+00 : f32
      %add3A_2464 = vector.broadcast %add3A_2463 : f32 to vector<16xf32>
      %add3A_2465 = arith.addf %sub3A_2462, %add3A_2464 : vector<16xf32>
      %max3A_2466 = arith.constant 0.000000e+00 : f32
      %max3A_2467 = vector.broadcast %max3A_2466 : f32 to vector<16xf32>
      %max3A_2468 = arith.maximumf %add3A_2465, %max3A_2467 : vector<16xf32>
      %sub3A_2469 = arith.subf %min3A_2461, %max3A_2459 : vector<16xf32>
      %add3A_2470 = arith.constant 1.000000e+00 : f32
      %add3A_2471 = vector.broadcast %add3A_2470 : f32 to vector<16xf32>
      %add3A_2472 = arith.addf %sub3A_2469, %add3A_2471 : vector<16xf32>
      %max3A_2473 = arith.constant 0.000000e+00 : f32
      %max3A_2474 = vector.broadcast %max3A_2473 : f32 to vector<16xf32>
      %max3A_2475 = arith.maximumf %add3A_2472, %max3A_2474 : vector<16xf32>
      %mul3A_2476 = arith.mulf %max3A_2468, %max3A_2475 : vector<16xf32>
      %add3A_2477 = arith.addf %get3A_2457, %gather3A_2170 : vector<16xf32>
      %sub3A_2478 = arith.subf %add3A_2477, %mul3A_2476 : vector<16xf32>
      %div3A_2479 = arith.divf %mul3A_2476, %sub3A_2478 : vector<16xf32>
      %max3A_2480 = arith.maximumf %get3A_2443, %get3A_2153 : vector<16xf32>
      %max3A_2481 = arith.maximumf %get3A_2447, %get3A_2158 : vector<16xf32>
      %min3A_2482 = arith.minimumf %get3A_2451, %get3A_2163 : vector<16xf32>
      %min3A_2483 = arith.minimumf %get3A_2455, %get3A_2168 : vector<16xf32>
      %sub3A_2484 = arith.subf %min3A_2482, %max3A_2480 : vector<16xf32>
      %add3A_2485 = arith.constant 1.000000e+00 : f32
      %add3A_2486 = vector.broadcast %add3A_2485 : f32 to vector<16xf32>
      %add3A_2487 = arith.addf %sub3A_2484, %add3A_2486 : vector<16xf32>
      %max3A_2488 = arith.constant 0.000000e+00 : f32
      %max3A_2489 = vector.broadcast %max3A_2488 : f32 to vector<16xf32>
      %max3A_2490 = arith.maximumf %add3A_2487, %max3A_2489 : vector<16xf32>
      %sub3A_2491 = arith.subf %min3A_2483, %max3A_2481 : vector<16xf32>
      %add3A_2492 = arith.constant 1.000000e+00 : f32
      %add3A_2493 = vector.broadcast %add3A_2492 : f32 to vector<16xf32>
      %add3A_2494 = arith.addf %sub3A_2491, %add3A_2493 : vector<16xf32>
      %max3A_2495 = arith.constant 0.000000e+00 : f32
      %max3A_2496 = vector.broadcast %max3A_2495 : f32 to vector<16xf32>
      %max3A_2497 = arith.maximumf %add3A_2494, %max3A_2496 : vector<16xf32>
      %mul3A_2498 = arith.mulf %max3A_2490, %max3A_2497 : vector<16xf32>
      %add3A_2499 = arith.addf %get3A_2457, %gather3A_2172 : vector<16xf32>
      %sub3A_2500 = arith.subf %add3A_2499, %mul3A_2498 : vector<16xf32>
      %div3A_2501 = arith.divf %mul3A_2498, %sub3A_2500 : vector<16xf32>
      %gt3A_2502 = arith.cmpf ogt, %div3A_2501, %div3A_2479 : vector<16xf32>
      %select_n3A_2503 = arith.select %gt3A_2502, %div3A_2501, %div3A_2479 : vector<16xi1>, vector<16xf32>
      %broadcast_in_dim3A_2504 = vector.broadcast %add3A_2128 : i32 to vector<16xi32>
      %broadcast_in_dim3A_2505 = vector.broadcast %mul3A_2126 : i32 to vector<16xi32>
      %select_n3A_2506 = arith.select %gt3A_2502, %broadcast_in_dim3A_2504, %broadcast_in_dim3A_2505 : vector<16xi1>, vector<16xi32>
      %get3A_2507 = arith.constant 48 : index
      %get3A_2508 = tpu.vector_load %arg13[%get3A_2507] {strides = array<i32>} : memref<288xf32, #tpu.memory_space<vmem>>, vector<16xf32>,
      %gt3A_2509 = arith.cmpf ogt, %select_n3A_2503, %get3A_2508 : vector<16xf32>
      %select_n3A_2510 = arith.select %gt3A_2509, %select_n3A_2503, %get3A_2508 : vector<16xi1>, vector<16xf32>
      %swap3A_2511 = arith.constant 48 : index
      %swap3A_2512 = tpu.vector_load %arg13[%swap3A_2511] {strides = array<i32>} : memref<288xf32, #tpu.memory_space<vmem>>, vector<16xf32>,
      tpu.vector_store %arg13[%swap3A_2511], %select_n3A_2510 {strides = array<i32>} : memref<288xf32, #tpu.memory_space<vmem>>, vector<16xf32>,
      %get3A_2513 = arith.constant 48 : index
      %get3A_2514 = tpu.vector_load %arg14[%get3A_2513] {strides = array<i32>} : memref<288xi32, #tpu.memory_space<vmem>>, vector<16xi32>,
      %select_n3A_2515 = arith.select %gt3A_2509, %select_n3A_2506, %get3A_2514 : vector<16xi1>, vector<16xi32>
      %swap3A_2516 = arith.constant 48 : index
      %swap3A_2517 = tpu.vector_load %arg14[%swap3A_2516] {strides = array<i32>} : memref<288xi32, #tpu.memory_space<vmem>>, vector<16xi32>,
      tpu.vector_store %arg14[%swap3A_2516], %select_n3A_2515 {strides = array<i32>} : memref<288xi32, #tpu.memory_space<vmem>>, vector<16xi32>,
      %gt3A_2518 = arith.cmpf ogt, %div3A_2479, %select_n3A_2434 : vector<16xf32>
      %jit3A_2519 = arith.constant 3 : i32
      %broadcast_in_dim3A_2520 = vector.broadcast %jit3A_2519 : i32 to vector<16xi32>
      %select_n3A_2521 = arith.select %gt3A_2518, %broadcast_in_dim3A_2520, %select_n3A_2433 : vector<16xi1>, vector<16xi32>
      %select_n3A_2522 = arith.select %gt3A_2518, %div3A_2479, %select_n3A_2434 : vector<16xi1>, vector<16xf32>
      %gt3A_2523 = arith.cmpf ogt, %div3A_2501, %select_n3A_2439 : vector<16xf32>
      %jit3A_2524 = arith.constant 3 : i32
      %broadcast_in_dim3A_2525 = vector.broadcast %jit3A_2524 : i32 to vector<16xi32>
      %select_n3A_2526 = arith.select %gt3A_2523, %broadcast_in_dim3A_2525, %select_n3A_2438 : vector<16xi1>, vector<16xi32>
      %select_n3A_2527 = arith.select %gt3A_2523, %div3A_2501, %select_n3A_2439 : vector<16xi1>, vector<16xf32>
      %get3A_2528 = arith.constant 0 : i32
      %get3A_2529 = arith.index_cast %get3A_2528 : i32 to index
      %get3A_2530 = arith.constant 64 : index
      %get3A_2531 = tpu.vector_load %arg9[%get3A_2529, %get3A_2530] {strides = array<i32>} : memref<4x288xf32, #tpu.memory_space<vmem>>, vector<16xf32>,
      %get3A_2532 = arith.constant 1 : i32
      %get3A_2533 = arith.index_cast %get3A_2532 : i32 to index
      %get3A_2534 = arith.constant 64 : index
      %get3A_2535 = tpu.vector_load %arg9[%get3A_2533, %get3A_2534] {strides = array<i32>} : memref<4x288xf32, #tpu.memory_space<vmem>>, vector<16xf32>,
      %get3A_2536 = arith.constant 2 : i32
      %get3A_2537 = arith.index_cast %get3A_2536 : i32 to index
      %get3A_2538 = arith.constant 64 : index
      %get3A_2539 = tpu.vector_load %arg9[%get3A_2537, %get3A_2538] {strides = array<i32>} : memref<4x288xf32, #tpu.memory_space<vmem>>, vector<16xf32>,
      %get3A_2540 = arith.constant 3 : i32
      %get3A_2541 = arith.index_cast %get3A_2540 : i32 to index
      %get3A_2542 = arith.constant 64 : index
      %get3A_2543 = tpu.vector_load %arg9[%get3A_2541, %get3A_2542] {strides = array<i32>} : memref<4x288xf32, #tpu.memory_space<vmem>>, vector<16xf32>,
      %get3A_2544 = arith.constant 64 : index
      %get3A_2545 = tpu.vector_load %arg12[%get3A_2544] {strides = array<i32>} : memref<288xf32, #tpu.memory_space<vmem>>, vector<16xf32>,
      %max3A_2546 = arith.maximumf %get3A_2531, %get3A_2133 : vector<16xf32>
      %max3A_2547 = arith.maximumf %get3A_2535, %get3A_2138 : vector<16xf32>
      %min3A_2548 = arith.minimumf %get3A_2539, %get3A_2143 : vector<16xf32>
      %min3A_2549 = arith.minimumf %get3A_2543, %get3A_2148 : vector<16xf32>
      %sub3A_2550 = arith.subf %min3A_2548, %max3A_2546 : vector<16xf32>
      %add3A_2551 = arith.constant 1.000000e+00 : f32
      %add3A_2552 = vector.broadcast %add3A_2551 : f32 to vector<16xf32>
      %add3A_2553 = arith.addf %sub3A_2550, %add3A_2552 : vector<16xf32>
      %max3A_2554 = arith.constant 0.000000e+00 : f32
      %max3A_2555 = vector.broadcast %max3A_2554 : f32 to vector<16xf32>
      %max3A_2556 = arith.maximumf %add3A_2553, %max3A_2555 : vector<16xf32>
      %sub3A_2557 = arith.subf %min3A_2549, %max3A_2547 : vector<16xf32>
      %add3A_2558 = arith.constant 1.000000e+00 : f32
      %add3A_2559 = vector.broadcast %add3A_2558 : f32 to vector<16xf32>
      %add3A_2560 = arith.addf %sub3A_2557, %add3A_2559 : vector<16xf32>
      %max3A_2561 = arith.constant 0.000000e+00 : f32
      %max3A_2562 = vector.broadcast %max3A_2561 : f32 to vector<16xf32>
      %max3A_2563 = arith.maximumf %add3A_2560, %max3A_2562 : vector<16xf32>
      %mul3A_2564 = arith.mulf %max3A_2556, %max3A_2563 : vector<16xf32>
      %add3A_2565 = arith.addf %get3A_2545, %gather3A_2170 : vector<16xf32>
      %sub3A_2566 = arith.subf %add3A_2565, %mul3A_2564 : vector<16xf32>
      %div3A_2567 = arith.divf %mul3A_2564, %sub3A_2566 : vector<16xf32>
      %max3A_2568 = arith.maximumf %get3A_2531, %get3A_2153 : vector<16xf32>
      %max3A_2569 = arith.maximumf %get3A_2535, %get3A_2158 : vector<16xf32>
      %min3A_2570 = arith.minimumf %get3A_2539, %get3A_2163 : vector<16xf32>
      %min3A_2571 = arith.minimumf %get3A_2543, %get3A_2168 : vector<16xf32>
      %sub3A_2572 = arith.subf %min3A_2570, %max3A_2568 : vector<16xf32>
      %add3A_2573 = arith.constant 1.000000e+00 : f32
      %add3A_2574 = vector.broadcast %add3A_2573 : f32 to vector<16xf32>
      %add3A_2575 = arith.addf %sub3A_2572, %add3A_2574 : vector<16xf32>
      %max3A_2576 = arith.constant 0.000000e+00 : f32
      %max3A_2577 = vector.broadcast %max3A_2576 : f32 to vector<16xf32>
      %max3A_2578 = arith.maximumf %add3A_2575, %max3A_2577 : vector<16xf32>
      %sub3A_2579 = arith.subf %min3A_2571, %max3A_2569 : vector<16xf32>
      %add3A_2580 = arith.constant 1.000000e+00 : f32
      %add3A_2581 = vector.broadcast %add3A_2580 : f32 to vector<16xf32>
      %add3A_2582 = arith.addf %sub3A_2579, %add3A_2581 : vector<16xf32>
      %max3A_2583 = arith.constant 0.000000e+00 : f32
      %max3A_2584 = vector.broadcast %max3A_2583 : f32 to vector<16xf32>
      %max3A_2585 = arith.maximumf %add3A_2582, %max3A_2584 : vector<16xf32>
      %mul3A_2586 = arith.mulf %max3A_2578, %max3A_2585 : vector<16xf32>
      %add3A_2587 = arith.addf %get3A_2545, %gather3A_2172 : vector<16xf32>
      %sub3A_2588 = arith.subf %add3A_2587, %mul3A_2586 : vector<16xf32>
      %div3A_2589 = arith.divf %mul3A_2586, %sub3A_2588 : vector<16xf32>
      %gt3A_2590 = arith.cmpf ogt, %div3A_2589, %div3A_2567 : vector<16xf32>
      %select_n3A_2591 = arith.select %gt3A_2590, %div3A_2589, %div3A_2567 : vector<16xi1>, vector<16xf32>
      %broadcast_in_dim3A_2592 = vector.broadcast %add3A_2128 : i32 to vector<16xi32>
      %broadcast_in_dim3A_2593 = vector.broadcast %mul3A_2126 : i32 to vector<16xi32>
      %select_n3A_2594 = arith.select %gt3A_2590, %broadcast_in_dim3A_2592, %broadcast_in_dim3A_2593 : vector<16xi1>, vector<16xi32>
      %get3A_2595 = arith.constant 64 : index
      %get3A_2596 = tpu.vector_load %arg13[%get3A_2595] {strides = array<i32>} : memref<288xf32, #tpu.memory_space<vmem>>, vector<16xf32>,
      %gt3A_2597 = arith.cmpf ogt, %select_n3A_2591, %get3A_2596 : vector<16xf32>
      %select_n3A_2598 = arith.select %gt3A_2597, %select_n3A_2591, %get3A_2596 : vector<16xi1>, vector<16xf32>
      %swap3A_2599 = arith.constant 64 : index
      %swap3A_2600 = tpu.vector_load %arg13[%swap3A_2599] {strides = array<i32>} : memref<288xf32, #tpu.memory_space<vmem>>, vector<16xf32>,
      tpu.vector_store %arg13[%swap3A_2599], %select_n3A_2598 {strides = array<i32>} : memref<288xf32, #tpu.memory_space<vmem>>, vector<16xf32>,
      %get3A_2601 = arith.constant 64 : index
      %get3A_2602 = tpu.vector_load %arg14[%get3A_2601] {strides = array<i32>} : memref<288xi32, #tpu.memory_space<vmem>>, vector<16xi32>,
      %select_n3A_2603 = arith.select %gt3A_2597, %select_n3A_2594, %get3A_2602 : vector<16xi1>, vector<16xi32>
      %swap3A_2604 = arith.constant 64 : index
      %swap3A_2605 = tpu.vector_load %arg14[%swap3A_2604] {strides = array<i32>} : memref<288xi32, #tpu.memory_space<vmem>>, vector<16xi32>,
      tpu.vector_store %arg14[%swap3A_2604], %select_n3A_2603 {strides = array<i32>} : memref<288xi32, #tpu.memory_space<vmem>>, vector<16xi32>,
      %gt3A_2606 = arith.cmpf ogt, %div3A_2567, %select_n3A_2522 : vector<16xf32>
      %jit3A_2607 = arith.constant 4 : i32
      %broadcast_in_dim3A_2608 = vector.broadcast %jit3A_2607 : i32 to vector<16xi32>
      %select_n3A_2609 = arith.select %gt3A_2606, %broadcast_in_dim3A_2608, %select_n3A_2521 : vector<16xi1>, vector<16xi32>
      %select_n3A_2610 = arith.select %gt3A_2606, %div3A_2567, %select_n3A_2522 : vector<16xi1>, vector<16xf32>
      %gt3A_2611 = arith.cmpf ogt, %div3A_2589, %select_n3A_2527 : vector<16xf32>
      %jit3A_2612 = arith.constant 4 : i32
      %broadcast_in_dim3A_2613 = vector.broadcast %jit3A_2612 : i32 to vector<16xi32>
      %select_n3A_2614 = arith.select %gt3A_2611, %broadcast_in_dim3A_2613, %select_n3A_2526 : vector<16xi1>, vector<16xi32>
      %select_n3A_2615 = arith.select %gt3A_2611, %div3A_2589, %select_n3A_2527 : vector<16xi1>, vector<16xf32>
      %get3A_2616 = arith.constant 0 : i32
      %get3A_2617 = arith.index_cast %get3A_2616 : i32 to index
      %get3A_2618 = arith.constant 80 : index
      %get3A_2619 = tpu.vector_load %arg9[%get3A_2617, %get3A_2618] {strides = array<i32>} : memref<4x288xf32, #tpu.memory_space<vmem>>, vector<16xf32>,
      %get3A_2620 = arith.constant 1 : i32
      %get3A_2621 = arith.index_cast %get3A_2620 : i32 to index
      %get3A_2622 = arith.constant 80 : index
      %get3A_2623 = tpu.vector_load %arg9[%get3A_2621, %get3A_2622] {strides = array<i32>} : memref<4x288xf32, #tpu.memory_space<vmem>>, vector<16xf32>,
      %get3A_2624 = arith.constant 2 : i32
      %get3A_2625 = arith.index_cast %get3A_2624 : i32 to index
      %get3A_2626 = arith.constant 80 : index
      %get3A_2627 = tpu.vector_load %arg9[%get3A_2625, %get3A_2626] {strides = array<i32>} : memref<4x288xf32, #tpu.memory_space<vmem>>, vector<16xf32>,
      %get3A_2628 = arith.constant 3 : i32
      %get3A_2629 = arith.index_cast %get3A_2628 : i32 to index
      %get3A_2630 = arith.constant 80 : index
      %get3A_2631 = tpu.vector_load %arg9[%get3A_2629, %get3A_2630] {strides = array<i32>} : memref<4x288xf32, #tpu.memory_space<vmem>>, vector<16xf32>,
      %get3A_2632 = arith.constant 80 : index
      %get3A_2633 = tpu.vector_load %arg12[%get3A_2632] {strides = array<i32>} : memref<288xf32, #tpu.memory_space<vmem>>, vector<16xf32>,
      %max3A_2634 = arith.maximumf %get3A_2619, %get3A_2133 : vector<16xf32>
      %max3A_2635 = arith.maximumf %get3A_2623, %get3A_2138 : vector<16xf32>
      %min3A_2636 = arith.minimumf %get3A_2627, %get3A_2143 : vector<16xf32>
      %min3A_2637 = arith.minimumf %get3A_2631, %get3A_2148 : vector<16xf32>
      %sub3A_2638 = arith.subf %min3A_2636, %max3A_2634 : vector<16xf32>
      %add3A_2639 = arith.constant 1.000000e+00 : f32
      %add3A_2640 = vector.broadcast %add3A_2639 : f32 to vector<16xf32>
      %add3A_2641 = arith.addf %sub3A_2638, %add3A_2640 : vector<16xf32>
      %max3A_2642 = arith.constant 0.000000e+00 : f32
      %max3A_2643 = vector.broadcast %max3A_2642 : f32 to vector<16xf32>
      %max3A_2644 = arith.maximumf %add3A_2641, %max3A_2643 : vector<16xf32>
      %sub3A_2645 = arith.subf %min3A_2637, %max3A_2635 : vector<16xf32>
      %add3A_2646 = arith.constant 1.000000e+00 : f32
      %add3A_2647 = vector.broadcast %add3A_2646 : f32 to vector<16xf32>
      %add3A_2648 = arith.addf %sub3A_2645, %add3A_2647 : vector<16xf32>
      %max3A_2649 = arith.constant 0.000000e+00 : f32
      %max3A_2650 = vector.broadcast %max3A_2649 : f32 to vector<16xf32>
      %max3A_2651 = arith.maximumf %add3A_2648, %max3A_2650 : vector<16xf32>
      %mul3A_2652 = arith.mulf %max3A_2644, %max3A_2651 : vector<16xf32>
      %add3A_2653 = arith.addf %get3A_2633, %gather3A_2170 : vector<16xf32>
      %sub3A_2654 = arith.subf %add3A_2653, %mul3A_2652 : vector<16xf32>
      %div3A_2655 = arith.divf %mul3A_2652, %sub3A_2654 : vector<16xf32>
      %max3A_2656 = arith.maximumf %get3A_2619, %get3A_2153 : vector<16xf32>
      %max3A_2657 = arith.maximumf %get3A_2623, %get3A_2158 : vector<16xf32>
      %min3A_2658 = arith.minimumf %get3A_2627, %get3A_2163 : vector<16xf32>
      %min3A_2659 = arith.minimumf %get3A_2631, %get3A_2168 : vector<16xf32>
      %sub3A_2660 = arith.subf %min3A_2658, %max3A_2656 : vector<16xf32>
      %add3A_2661 = arith.constant 1.000000e+00 : f32
      %add3A_2662 = vector.broadcast %add3A_2661 : f32 to vector<16xf32>
      %add3A_2663 = arith.addf %sub3A_2660, %add3A_2662 : vector<16xf32>
      %max3A_2664 = arith.constant 0.000000e+00 : f32
      %max3A_2665 = vector.broadcast %max3A_2664 : f32 to vector<16xf32>
      %max3A_2666 = arith.maximumf %add3A_2663, %max3A_2665 : vector<16xf32>
      %sub3A_2667 = arith.subf %min3A_2659, %max3A_2657 : vector<16xf32>
      %add3A_2668 = arith.constant 1.000000e+00 : f32
      %add3A_2669 = vector.broadcast %add3A_2668 : f32 to vector<16xf32>
      %add3A_2670 = arith.addf %sub3A_2667, %add3A_2669 : vector<16xf32>
      %max3A_2671 = arith.constant 0.000000e+00 : f32
      %max3A_2672 = vector.broadcast %max3A_2671 : f32 to vector<16xf32>
      %max3A_2673 = arith.maximumf %add3A_2670, %max3A_2672 : vector<16xf32>
      %mul3A_2674 = arith.mulf %max3A_2666, %max3A_2673 : vector<16xf32>
      %add3A_2675 = arith.addf %get3A_2633, %gather3A_2172 : vector<16xf32>
      %sub3A_2676 = arith.subf %add3A_2675, %mul3A_2674 : vector<16xf32>
      %div3A_2677 = arith.divf %mul3A_2674, %sub3A_2676 : vector<16xf32>
      %gt3A_2678 = arith.cmpf ogt, %div3A_2677, %div3A_2655 : vector<16xf32>
      %select_n3A_2679 = arith.select %gt3A_2678, %div3A_2677, %div3A_2655 : vector<16xi1>, vector<16xf32>
      %broadcast_in_dim3A_2680 = vector.broadcast %add3A_2128 : i32 to vector<16xi32>
      %broadcast_in_dim3A_2681 = vector.broadcast %mul3A_2126 : i32 to vector<16xi32>
      %select_n3A_2682 = arith.select %gt3A_2678, %broadcast_in_dim3A_2680, %broadcast_in_dim3A_2681 : vector<16xi1>, vector<16xi32>
      %get3A_2683 = arith.constant 80 : index
      %get3A_2684 = tpu.vector_load %arg13[%get3A_2683] {strides = array<i32>} : memref<288xf32, #tpu.memory_space<vmem>>, vector<16xf32>,
      %gt3A_2685 = arith.cmpf ogt, %select_n3A_2679, %get3A_2684 : vector<16xf32>
      %select_n3A_2686 = arith.select %gt3A_2685, %select_n3A_2679, %get3A_2684 : vector<16xi1>, vector<16xf32>
      %swap3A_2687 = arith.constant 80 : index
      %swap3A_2688 = tpu.vector_load %arg13[%swap3A_2687] {strides = array<i32>} : memref<288xf32, #tpu.memory_space<vmem>>, vector<16xf32>,
      tpu.vector_store %arg13[%swap3A_2687], %select_n3A_2686 {strides = array<i32>} : memref<288xf32, #tpu.memory_space<vmem>>, vector<16xf32>,
      %get3A_2689 = arith.constant 80 : index
      %get3A_2690 = tpu.vector_load %arg14[%get3A_2689] {strides = array<i32>} : memref<288xi32, #tpu.memory_space<vmem>>, vector<16xi32>,
      %select_n3A_2691 = arith.select %gt3A_2685, %select_n3A_2682, %get3A_2690 : vector<16xi1>, vector<16xi32>
      %swap3A_2692 = arith.constant 80 : index
      %swap3A_2693 = tpu.vector_load %arg14[%swap3A_2692] {strides = array<i32>} : memref<288xi32, #tpu.memory_space<vmem>>, vector<16xi32>,
      tpu.vector_store %arg14[%swap3A_2692], %select_n3A_2691 {strides = array<i32>} : memref<288xi32, #tpu.memory_space<vmem>>, vector<16xi32>,
      %gt3A_2694 = arith.cmpf ogt, %div3A_2655, %select_n3A_2610 : vector<16xf32>
      %jit3A_2695 = arith.constant 5 : i32
      %broadcast_in_dim3A_2696 = vector.broadcast %jit3A_2695 : i32 to vector<16xi32>
      %select_n3A_2697 = arith.select %gt3A_2694, %broadcast_in_dim3A_2696, %select_n3A_2609 : vector<16xi1>, vector<16xi32>
      %select_n3A_2698 = arith.select %gt3A_2694, %div3A_2655, %select_n3A_2610 : vector<16xi1>, vector<16xf32>
      %gt3A_2699 = arith.cmpf ogt, %div3A_2677, %select_n3A_2615 : vector<16xf32>
      %jit3A_2700 = arith.constant 5 : i32
      %broadcast_in_dim3A_2701 = vector.broadcast %jit3A_2700 : i32 to vector<16xi32>
      %select_n3A_2702 = arith.select %gt3A_2699, %broadcast_in_dim3A_2701, %select_n3A_2614 : vector<16xi1>, vector<16xi32>
      %select_n3A_2703 = arith.select %gt3A_2699, %div3A_2677, %select_n3A_2615 : vector<16xi1>, vector<16xf32>
      %get3A_2704 = arith.constant 0 : i32
      %get3A_2705 = arith.index_cast %get3A_2704 : i32 to index
      %get3A_2706 = arith.constant 96 : index
      %get3A_2707 = tpu.vector_load %arg9[%get3A_2705, %get3A_2706] {strides = array<i32>} : memref<4x288xf32, #tpu.memory_space<vmem>>, vector<16xf32>,
      %get3A_2708 = arith.constant 1 : i32
      %get3A_2709 = arith.index_cast %get3A_2708 : i32 to index
      %get3A_2710 = arith.constant 96 : index
      %get3A_2711 = tpu.vector_load %arg9[%get3A_2709, %get3A_2710] {strides = array<i32>} : memref<4x288xf32, #tpu.memory_space<vmem>>, vector<16xf32>,
      %get3A_2712 = arith.constant 2 : i32
      %get3A_2713 = arith.index_cast %get3A_2712 : i32 to index
      %get3A_2714 = arith.constant 96 : index
      %get3A_2715 = tpu.vector_load %arg9[%get3A_2713, %get3A_2714] {strides = array<i32>} : memref<4x288xf32, #tpu.memory_space<vmem>>, vector<16xf32>,
      %get3A_2716 = arith.constant 3 : i32
      %get3A_2717 = arith.index_cast %get3A_2716 : i32 to index
      %get3A_2718 = arith.constant 96 : index
      %get3A_2719 = tpu.vector_load %arg9[%get3A_2717, %get3A_2718] {strides = array<i32>} : memref<4x288xf32, #tpu.memory_space<vmem>>, vector<16xf32>,
      %get3A_2720 = arith.constant 96 : index
      %get3A_2721 = tpu.vector_load %arg12[%get3A_2720] {strides = array<i32>} : memref<288xf32, #tpu.memory_space<vmem>>, vector<16xf32>,
      %max3A_2722 = arith.maximumf %get3A_2707, %get3A_2133 : vector<16xf32>
      %max3A_2723 = arith.maximumf %get3A_2711, %get3A_2138 : vector<16xf32>
      %min3A_2724 = arith.minimumf %get3A_2715, %get3A_2143 : vector<16xf32>
      %min3A_2725 = arith.minimumf %get3A_2719, %get3A_2148 : vector<16xf32>
      %sub3A_2726 = arith.subf %min3A_2724, %max3A_2722 : vector<16xf32>
      %add3A_2727 = arith.constant 1.000000e+00 : f32
      %add3A_2728 = vector.broadcast %add3A_2727 : f32 to vector<16xf32>
      %add3A_2729 = arith.addf %sub3A_2726, %add3A_2728 : vector<16xf32>
      %max3A_2730 = arith.constant 0.000000e+00 : f32
      %max3A_2731 = vector.broadcast %max3A_2730 : f32 to vector<16xf32>
      %max3A_2732 = arith.maximumf %add3A_2729, %max3A_2731 : vector<16xf32>
      %sub3A_2733 = arith.subf %min3A_2725, %max3A_2723 : vector<16xf32>
      %add3A_2734 = arith.constant 1.000000e+00 : f32
      %add3A_2735 = vector.broadcast %add3A_2734 : f32 to vector<16xf32>
      %add3A_2736 = arith.addf %sub3A_2733, %add3A_2735 : vector<16xf32>
      %max3A_2737 = arith.constant 0.000000e+00 : f32
      %max3A_2738 = vector.broadcast %max3A_2737 : f32 to vector<16xf32>
      %max3A_2739 = arith.maximumf %add3A_2736, %max3A_2738 : vector<16xf32>
      %mul3A_2740 = arith.mulf %max3A_2732, %max3A_2739 : vector<16xf32>
      %add3A_2741 = arith.addf %get3A_2721, %gather3A_2170 : vector<16xf32>
      %sub3A_2742 = arith.subf %add3A_2741, %mul3A_2740 : vector<16xf32>
      %div3A_2743 = arith.divf %mul3A_2740, %sub3A_2742 : vector<16xf32>
      %max3A_2744 = arith.maximumf %get3A_2707, %get3A_2153 : vector<16xf32>
      %max3A_2745 = arith.maximumf %get3A_2711, %get3A_2158 : vector<16xf32>
      %min3A_2746 = arith.minimumf %get3A_2715, %get3A_2163 : vector<16xf32>
      %min3A_2747 = arith.minimumf %get3A_2719, %get3A_2168 : vector<16xf32>
      %sub3A_2748 = arith.subf %min3A_2746, %max3A_2744 : vector<16xf32>
      %add3A_2749 = arith.constant 1.000000e+00 : f32
      %add3A_2750 = vector.broadcast %add3A_2749 : f32 to vector<16xf32>
      %add3A_2751 = arith.addf %sub3A_2748, %add3A_2750 : vector<16xf32>
      %max3A_2752 = arith.constant 0.000000e+00 : f32
      %max3A_2753 = vector.broadcast %max3A_2752 : f32 to vector<16xf32>
      %max3A_2754 = arith.maximumf %add3A_2751, %max3A_2753 : vector<16xf32>
      %sub3A_2755 = arith.subf %min3A_2747, %max3A_2745 : vector<16xf32>
      %add3A_2756 = arith.constant 1.000000e+00 : f32
      %add3A_2757 = vector.broadcast %add3A_2756 : f32 to vector<16xf32>
      %add3A_2758 = arith.addf %sub3A_2755, %add3A_2757 : vector<16xf32>
      %max3A_2759 = arith.constant 0.000000e+00 : f32
      %max3A_2760 = vector.broadcast %max3A_2759 : f32 to vector<16xf32>
      %max3A_2761 = arith.maximumf %add3A_2758, %max3A_2760 : vector<16xf32>
      %mul3A_2762 = arith.mulf %max3A_2754, %max3A_2761 : vector<16xf32>
      %add3A_2763 = arith.addf %get3A_2721, %gather3A_2172 : vector<16xf32>
      %sub3A_2764 = arith.subf %add3A_2763, %mul3A_2762 : vector<16xf32>
      %div3A_2765 = arith.divf %mul3A_2762, %sub3A_2764 : vector<16xf32>
      %gt3A_2766 = arith.cmpf ogt, %div3A_2765, %div3A_2743 : vector<16xf32>
      %select_n3A_2767 = arith.select %gt3A_2766, %div3A_2765, %div3A_2743 : vector<16xi1>, vector<16xf32>
      %broadcast_in_dim3A_2768 = vector.broadcast %add3A_2128 : i32 to vector<16xi32>
      %broadcast_in_dim3A_2769 = vector.broadcast %mul3A_2126 : i32 to vector<16xi32>
      %select_n3A_2770 = arith.select %gt3A_2766, %broadcast_in_dim3A_2768, %broadcast_in_dim3A_2769 : vector<16xi1>, vector<16xi32>
      %get3A_2771 = arith.constant 96 : index
      %get3A_2772 = tpu.vector_load %arg13[%get3A_2771] {strides = array<i32>} : memref<288xf32, #tpu.memory_space<vmem>>, vector<16xf32>,
      %gt3A_2773 = arith.cmpf ogt, %select_n3A_2767, %get3A_2772 : vector<16xf32>
      %select_n3A_2774 = arith.select %gt3A_2773, %select_n3A_2767, %get3A_2772 : vector<16xi1>, vector<16xf32>
      %swap3A_2775 = arith.constant 96 : index
      %swap3A_2776 = tpu.vector_load %arg13[%swap3A_2775] {strides = array<i32>} : memref<288xf32, #tpu.memory_space<vmem>>, vector<16xf32>,
      tpu.vector_store %arg13[%swap3A_2775], %select_n3A_2774 {strides = array<i32>} : memref<288xf32, #tpu.memory_space<vmem>>, vector<16xf32>,
      %get3A_2777 = arith.constant 96 : index
      %get3A_2778 = tpu.vector_load %arg14[%get3A_2777] {strides = array<i32>} : memref<288xi32, #tpu.memory_space<vmem>>, vector<16xi32>,
      %select_n3A_2779 = arith.select %gt3A_2773, %select_n3A_2770, %get3A_2778 : vector<16xi1>, vector<16xi32>
      %swap3A_2780 = arith.constant 96 : index
      %swap3A_2781 = tpu.vector_load %arg14[%swap3A_2780] {strides = array<i32>} : memref<288xi32, #tpu.memory_space<vmem>>, vector<16xi32>,
      tpu.vector_store %arg14[%swap3A_2780], %select_n3A_2779 {strides = array<i32>} : memref<288xi32, #tpu.memory_space<vmem>>, vector<16xi32>,
      %gt3A_2782 = arith.cmpf ogt, %div3A_2743, %select_n3A_2698 : vector<16xf32>
      %jit3A_2783 = arith.constant 6 : i32
      %broadcast_in_dim3A_2784 = vector.broadcast %jit3A_2783 : i32 to vector<16xi32>
      %select_n3A_2785 = arith.select %gt3A_2782, %broadcast_in_dim3A_2784, %select_n3A_2697 : vector<16xi1>, vector<16xi32>
      %select_n3A_2786 = arith.select %gt3A_2782, %div3A_2743, %select_n3A_2698 : vector<16xi1>, vector<16xf32>
      %gt3A_2787 = arith.cmpf ogt, %div3A_2765, %select_n3A_2703 : vector<16xf32>
      %jit3A_2788 = arith.constant 6 : i32
      %broadcast_in_dim3A_2789 = vector.broadcast %jit3A_2788 : i32 to vector<16xi32>
      %select_n3A_2790 = arith.select %gt3A_2787, %broadcast_in_dim3A_2789, %select_n3A_2702 : vector<16xi1>, vector<16xi32>
      %select_n3A_2791 = arith.select %gt3A_2787, %div3A_2765, %select_n3A_2703 : vector<16xi1>, vector<16xf32>
      %get3A_2792 = arith.constant 0 : i32
      %get3A_2793 = arith.index_cast %get3A_2792 : i32 to index
      %get3A_2794 = arith.constant 112 : index
      %get3A_2795 = tpu.vector_load %arg9[%get3A_2793, %get3A_2794] {strides = array<i32>} : memref<4x288xf32, #tpu.memory_space<vmem>>, vector<16xf32>,
      %get3A_2796 = arith.constant 1 : i32
      %get3A_2797 = arith.index_cast %get3A_2796 : i32 to index
      %get3A_2798 = arith.constant 112 : index
      %get3A_2799 = tpu.vector_load %arg9[%get3A_2797, %get3A_2798] {strides = array<i32>} : memref<4x288xf32, #tpu.memory_space<vmem>>, vector<16xf32>,
      %get3A_2800 = arith.constant 2 : i32
      %get3A_2801 = arith.index_cast %get3A_2800 : i32 to index
      %get3A_2802 = arith.constant 112 : index
      %get3A_2803 = tpu.vector_load %arg9[%get3A_2801, %get3A_2802] {strides = array<i32>} : memref<4x288xf32, #tpu.memory_space<vmem>>, vector<16xf32>,
      %get3A_2804 = arith.constant 3 : i32
      %get3A_2805 = arith.index_cast %get3A_2804 : i32 to index
      %get3A_2806 = arith.constant 112 : index
      %get3A_2807 = tpu.vector_load %arg9[%get3A_2805, %get3A_2806] {strides = array<i32>} : memref<4x288xf32, #tpu.memory_space<vmem>>, vector<16xf32>,
      %get3A_2808 = arith.constant 112 : index
      %get3A_2809 = tpu.vector_load %arg12[%get3A_2808] {strides = array<i32>} : memref<288xf32, #tpu.memory_space<vmem>>, vector<16xf32>,
      %max3A_2810 = arith.maximumf %get3A_2795, %get3A_2133 : vector<16xf32>
      %max3A_2811 = arith.maximumf %get3A_2799, %get3A_2138 : vector<16xf32>
      %min3A_2812 = arith.minimumf %get3A_2803, %get3A_2143 : vector<16xf32>
      %min3A_2813 = arith.minimumf %get3A_2807, %get3A_2148 : vector<16xf32>
      %sub3A_2814 = arith.subf %min3A_2812, %max3A_2810 : vector<16xf32>
      %add3A_2815 = arith.constant 1.000000e+00 : f32
      %add3A_2816 = vector.broadcast %add3A_2815 : f32 to vector<16xf32>
      %add3A_2817 = arith.addf %sub3A_2814, %add3A_2816 : vector<16xf32>
      %max3A_2818 = arith.constant 0.000000e+00 : f32
      %max3A_2819 = vector.broadcast %max3A_2818 : f32 to vector<16xf32>
      %max3A_2820 = arith.maximumf %add3A_2817, %max3A_2819 : vector<16xf32>
      %sub3A_2821 = arith.subf %min3A_2813, %max3A_2811 : vector<16xf32>
      %add3A_2822 = arith.constant 1.000000e+00 : f32
      %add3A_2823 = vector.broadcast %add3A_2822 : f32 to vector<16xf32>
      %add3A_2824 = arith.addf %sub3A_2821, %add3A_2823 : vector<16xf32>
      %max3A_2825 = arith.constant 0.000000e+00 : f32
      %max3A_2826 = vector.broadcast %max3A_2825 : f32 to vector<16xf32>
      %max3A_2827 = arith.maximumf %add3A_2824, %max3A_2826 : vector<16xf32>
      %mul3A_2828 = arith.mulf %max3A_2820, %max3A_2827 : vector<16xf32>
      %add3A_2829 = arith.addf %get3A_2809, %gather3A_2170 : vector<16xf32>
      %sub3A_2830 = arith.subf %add3A_2829, %mul3A_2828 : vector<16xf32>
      %div3A_2831 = arith.divf %mul3A_2828, %sub3A_2830 : vector<16xf32>
      %max3A_2832 = arith.maximumf %get3A_2795, %get3A_2153 : vector<16xf32>
      %max3A_2833 = arith.maximumf %get3A_2799, %get3A_2158 : vector<16xf32>
      %min3A_2834 = arith.minimumf %get3A_2803, %get3A_2163 : vector<16xf32>
      %min3A_2835 = arith.minimumf %get3A_2807, %get3A_2168 : vector<16xf32>
      %sub3A_2836 = arith.subf %min3A_2834, %max3A_2832 : vector<16xf32>
      %add3A_2837 = arith.constant 1.000000e+00 : f32
      %add3A_2838 = vector.broadcast %add3A_2837 : f32 to vector<16xf32>
      %add3A_2839 = arith.addf %sub3A_2836, %add3A_2838 : vector<16xf32>
      %max3A_2840 = arith.constant 0.000000e+00 : f32
      %max3A_2841 = vector.broadcast %max3A_2840 : f32 to vector<16xf32>
      %max3A_2842 = arith.maximumf %add3A_2839, %max3A_2841 : vector<16xf32>
      %sub3A_2843 = arith.subf %min3A_2835, %max3A_2833 : vector<16xf32>
      %add3A_2844 = arith.constant 1.000000e+00 : f32
      %add3A_2845 = vector.broadcast %add3A_2844 : f32 to vector<16xf32>
      %add3A_2846 = arith.addf %sub3A_2843, %add3A_2845 : vector<16xf32>
      %max3A_2847 = arith.constant 0.000000e+00 : f32
      %max3A_2848 = vector.broadcast %max3A_2847 : f32 to vector<16xf32>
      %max3A_2849 = arith.maximumf %add3A_2846, %max3A_2848 : vector<16xf32>
      %mul3A_2850 = arith.mulf %max3A_2842, %max3A_2849 : vector<16xf32>
      %add3A_2851 = arith.addf %get3A_2809, %gather3A_2172 : vector<16xf32>
      %sub3A_2852 = arith.subf %add3A_2851, %mul3A_2850 : vector<16xf32>
      %div3A_2853 = arith.divf %mul3A_2850, %sub3A_2852 : vector<16xf32>
      %gt3A_2854 = arith.cmpf ogt, %div3A_2853, %div3A_2831 : vector<16xf32>
      %select_n3A_2855 = arith.select %gt3A_2854, %div3A_2853, %div3A_2831 : vector<16xi1>, vector<16xf32>
      %broadcast_in_dim3A_2856 = vector.broadcast %add3A_2128 : i32 to vector<16xi32>
      %broadcast_in_dim3A_2857 = vector.broadcast %mul3A_2126 : i32 to vector<16xi32>
      %select_n3A_2858 = arith.select %gt3A_2854, %broadcast_in_dim3A_2856, %broadcast_in_dim3A_2857 : vector<16xi1>, vector<16xi32>
      %get3A_2859 = arith.constant 112 : index
      %get3A_2860 = tpu.vector_load %arg13[%get3A_2859] {strides = array<i32>} : memref<288xf32, #tpu.memory_space<vmem>>, vector<16xf32>,
      %gt3A_2861 = arith.cmpf ogt, %select_n3A_2855, %get3A_2860 : vector<16xf32>
      %select_n3A_2862 = arith.select %gt3A_2861, %select_n3A_2855, %get3A_2860 : vector<16xi1>, vector<16xf32>
      %swap3A_2863 = arith.constant 112 : index
      %swap3A_2864 = tpu.vector_load %arg13[%swap3A_2863] {strides = array<i32>} : memref<288xf32, #tpu.memory_space<vmem>>, vector<16xf32>,
      tpu.vector_store %arg13[%swap3A_2863], %select_n3A_2862 {strides = array<i32>} : memref<288xf32, #tpu.memory_space<vmem>>, vector<16xf32>,
      %get3A_2865 = arith.constant 112 : index
      %get3A_2866 = tpu.vector_load %arg14[%get3A_2865] {strides = array<i32>} : memref<288xi32, #tpu.memory_space<vmem>>, vector<16xi32>,
      %select_n3A_2867 = arith.select %gt3A_2861, %select_n3A_2858, %get3A_2866 : vector<16xi1>, vector<16xi32>
      %swap3A_2868 = arith.constant 112 : index
      %swap3A_2869 = tpu.vector_load %arg14[%swap3A_2868] {strides = array<i32>} : memref<288xi32, #tpu.memory_space<vmem>>, vector<16xi32>,
      tpu.vector_store %arg14[%swap3A_2868], %select_n3A_2867 {strides = array<i32>} : memref<288xi32, #tpu.memory_space<vmem>>, vector<16xi32>,
      %gt3A_2870 = arith.cmpf ogt, %div3A_2831, %select_n3A_2786 : vector<16xf32>
      %jit3A_2871 = arith.constant 7 : i32
      %broadcast_in_dim3A_2872 = vector.broadcast %jit3A_2871 : i32 to vector<16xi32>
      %select_n3A_2873 = arith.select %gt3A_2870, %broadcast_in_dim3A_2872, %select_n3A_2785 : vector<16xi1>, vector<16xi32>
      %select_n3A_2874 = arith.select %gt3A_2870, %div3A_2831, %select_n3A_2786 : vector<16xi1>, vector<16xf32>
      %gt3A_2875 = arith.cmpf ogt, %div3A_2853, %select_n3A_2791 : vector<16xf32>
      %jit3A_2876 = arith.constant 7 : i32
      %broadcast_in_dim3A_2877 = vector.broadcast %jit3A_2876 : i32 to vector<16xi32>
      %select_n3A_2878 = arith.select %gt3A_2875, %broadcast_in_dim3A_2877, %select_n3A_2790 : vector<16xi1>, vector<16xi32>
      %select_n3A_2879 = arith.select %gt3A_2875, %div3A_2853, %select_n3A_2791 : vector<16xi1>, vector<16xf32>
      %get3A_2880 = arith.constant 0 : i32
      %get3A_2881 = arith.index_cast %get3A_2880 : i32 to index
      %get3A_2882 = arith.constant 128 : index
      %get3A_2883 = tpu.vector_load %arg9[%get3A_2881, %get3A_2882] {strides = array<i32>} : memref<4x288xf32, #tpu.memory_space<vmem>>, vector<16xf32>,
      %get3A_2884 = arith.constant 1 : i32
      %get3A_2885 = arith.index_cast %get3A_2884 : i32 to index
      %get3A_2886 = arith.constant 128 : index
      %get3A_2887 = tpu.vector_load %arg9[%get3A_2885, %get3A_2886] {strides = array<i32>} : memref<4x288xf32, #tpu.memory_space<vmem>>, vector<16xf32>,
      %get3A_2888 = arith.constant 2 : i32
      %get3A_2889 = arith.index_cast %get3A_2888 : i32 to index
      %get3A_2890 = arith.constant 128 : index
      %get3A_2891 = tpu.vector_load %arg9[%get3A_2889, %get3A_2890] {strides = array<i32>} : memref<4x288xf32, #tpu.memory_space<vmem>>, vector<16xf32>,
      %get3A_2892 = arith.constant 3 : i32
      %get3A_2893 = arith.index_cast %get3A_2892 : i32 to index
      %get3A_2894 = arith.constant 128 : index
      %get3A_2895 = tpu.vector_load %arg9[%get3A_2893, %get3A_2894] {strides = array<i32>} : memref<4x288xf32, #tpu.memory_space<vmem>>, vector<16xf32>,
      %get3A_2896 = arith.constant 128 : index
      %get3A_2897 = tpu.vector_load %arg12[%get3A_2896] {strides = array<i32>} : memref<288xf32, #tpu.memory_space<vmem>>, vector<16xf32>,
      %max3A_2898 = arith.maximumf %get3A_2883, %get3A_2133 : vector<16xf32>
      %max3A_2899 = arith.maximumf %get3A_2887, %get3A_2138 : vector<16xf32>
      %min3A_2900 = arith.minimumf %get3A_2891, %get3A_2143 : vector<16xf32>
      %min3A_2901 = arith.minimumf %get3A_2895, %get3A_2148 : vector<16xf32>
      %sub3A_2902 = arith.subf %min3A_2900, %max3A_2898 : vector<16xf32>
      %add3A_2903 = arith.constant 1.000000e+00 : f32
      %add3A_2904 = vector.broadcast %add3A_2903 : f32 to vector<16xf32>
      %add3A_2905 = arith.addf %sub3A_2902, %add3A_2904 : vector<16xf32>
      %max3A_2906 = arith.constant 0.000000e+00 : f32
      %max3A_2907 = vector.broadcast %max3A_2906 : f32 to vector<16xf32>
      %max3A_2908 = arith.maximumf %add3A_2905, %max3A_2907 : vector<16xf32>
      %sub3A_2909 = arith.subf %min3A_2901, %max3A_2899 : vector<16xf32>
      %add3A_2910 = arith.constant 1.000000e+00 : f32
      %add3A_2911 = vector.broadcast %add3A_2910 : f32 to vector<16xf32>
      %add3A_2912 = arith.addf %sub3A_2909, %add3A_2911 : vector<16xf32>
      %max3A_2913 = arith.constant 0.000000e+00 : f32
      %max3A_2914 = vector.broadcast %max3A_2913 : f32 to vector<16xf32>
      %max3A_2915 = arith.maximumf %add3A_2912, %max3A_2914 : vector<16xf32>
      %mul3A_2916 = arith.mulf %max3A_2908, %max3A_2915 : vector<16xf32>
      %add3A_2917 = arith.addf %get3A_2897, %gather3A_2170 : vector<16xf32>
      %sub3A_2918 = arith.subf %add3A_2917, %mul3A_2916 : vector<16xf32>
      %div3A_2919 = arith.divf %mul3A_2916, %sub3A_2918 : vector<16xf32>
      %max3A_2920 = arith.maximumf %get3A_2883, %get3A_2153 : vector<16xf32>
      %max3A_2921 = arith.maximumf %get3A_2887, %get3A_2158 : vector<16xf32>
      %min3A_2922 = arith.minimumf %get3A_2891, %get3A_2163 : vector<16xf32>
      %min3A_2923 = arith.minimumf %get3A_2895, %get3A_2168 : vector<16xf32>
      %sub3A_2924 = arith.subf %min3A_2922, %max3A_2920 : vector<16xf32>
      %add3A_2925 = arith.constant 1.000000e+00 : f32
      %add3A_2926 = vector.broadcast %add3A_2925 : f32 to vector<16xf32>
      %add3A_2927 = arith.addf %sub3A_2924, %add3A_2926 : vector<16xf32>
      %max3A_2928 = arith.constant 0.000000e+00 : f32
      %max3A_2929 = vector.broadcast %max3A_2928 : f32 to vector<16xf32>
      %max3A_2930 = arith.maximumf %add3A_2927, %max3A_2929 : vector<16xf32>
      %sub3A_2931 = arith.subf %min3A_2923, %max3A_2921 : vector<16xf32>
      %add3A_2932 = arith.constant 1.000000e+00 : f32
      %add3A_2933 = vector.broadcast %add3A_2932 : f32 to vector<16xf32>
      %add3A_2934 = arith.addf %sub3A_2931, %add3A_2933 : vector<16xf32>
      %max3A_2935 = arith.constant 0.000000e+00 : f32
      %max3A_2936 = vector.broadcast %max3A_2935 : f32 to vector<16xf32>
      %max3A_2937 = arith.maximumf %add3A_2934, %max3A_2936 : vector<16xf32>
      %mul3A_2938 = arith.mulf %max3A_2930, %max3A_2937 : vector<16xf32>
      %add3A_2939 = arith.addf %get3A_2897, %gather3A_2172 : vector<16xf32>
      %sub3A_2940 = arith.subf %add3A_2939, %mul3A_2938 : vector<16xf32>
      %div3A_2941 = arith.divf %mul3A_2938, %sub3A_2940 : vector<16xf32>
      %gt3A_2942 = arith.cmpf ogt, %div3A_2941, %div3A_2919 : vector<16xf32>
      %select_n3A_2943 = arith.select %gt3A_2942, %div3A_2941, %div3A_2919 : vector<16xi1>, vector<16xf32>
      %broadcast_in_dim3A_2944 = vector.broadcast %add3A_2128 : i32 to vector<16xi32>
      %broadcast_in_dim3A_2945 = vector.broadcast %mul3A_2126 : i32 to vector<16xi32>
      %select_n3A_2946 = arith.select %gt3A_2942, %broadcast_in_dim3A_2944, %broadcast_in_dim3A_2945 : vector<16xi1>, vector<16xi32>
      %get3A_2947 = arith.constant 128 : index
      %get3A_2948 = tpu.vector_load %arg13[%get3A_2947] {strides = array<i32>} : memref<288xf32, #tpu.memory_space<vmem>>, vector<16xf32>,
      %gt3A_2949 = arith.cmpf ogt, %select_n3A_2943, %get3A_2948 : vector<16xf32>
      %select_n3A_2950 = arith.select %gt3A_2949, %select_n3A_2943, %get3A_2948 : vector<16xi1>, vector<16xf32>
      %swap3A_2951 = arith.constant 128 : index
      %swap3A_2952 = tpu.vector_load %arg13[%swap3A_2951] {strides = array<i32>} : memref<288xf32, #tpu.memory_space<vmem>>, vector<16xf32>,
      tpu.vector_store %arg13[%swap3A_2951], %select_n3A_2950 {strides = array<i32>} : memref<288xf32, #tpu.memory_space<vmem>>, vector<16xf32>,
      %get3A_2953 = arith.constant 128 : index
      %get3A_2954 = tpu.vector_load %arg14[%get3A_2953] {strides = array<i32>} : memref<288xi32, #tpu.memory_space<vmem>>, vector<16xi32>,
      %select_n3A_2955 = arith.select %gt3A_2949, %select_n3A_2946, %get3A_2954 : vector<16xi1>, vector<16xi32>
      %swap3A_2956 = arith.constant 128 : index
      %swap3A_2957 = tpu.vector_load %arg14[%swap3A_2956] {strides = array<i32>} : memref<288xi32, #tpu.memory_space<vmem>>, vector<16xi32>,
      tpu.vector_store %arg14[%swap3A_2956], %select_n3A_2955 {strides = array<i32>} : memref<288xi32, #tpu.memory_space<vmem>>, vector<16xi32>,
      %gt3A_2958 = arith.cmpf ogt, %div3A_2919, %select_n3A_2874 : vector<16xf32>
      %jit3A_2959 = arith.constant 8 : i32
      %broadcast_in_dim3A_2960 = vector.broadcast %jit3A_2959 : i32 to vector<16xi32>
      %select_n3A_2961 = arith.select %gt3A_2958, %broadcast_in_dim3A_2960, %select_n3A_2873 : vector<16xi1>, vector<16xi32>
      %select_n3A_2962 = arith.select %gt3A_2958, %div3A_2919, %select_n3A_2874 : vector<16xi1>, vector<16xf32>
      %gt3A_2963 = arith.cmpf ogt, %div3A_2941, %select_n3A_2879 : vector<16xf32>
      %jit3A_2964 = arith.constant 8 : i32
      %broadcast_in_dim3A_2965 = vector.broadcast %jit3A_2964 : i32 to vector<16xi32>
      %select_n3A_2966 = arith.select %gt3A_2963, %broadcast_in_dim3A_2965, %select_n3A_2878 : vector<16xi1>, vector<16xi32>
      %select_n3A_2967 = arith.select %gt3A_2963, %div3A_2941, %select_n3A_2879 : vector<16xi1>, vector<16xf32>
      %get3A_2968 = arith.constant 0 : i32
      %get3A_2969 = arith.index_cast %get3A_2968 : i32 to index
      %get3A_2970 = arith.constant 144 : index
      %get3A_2971 = tpu.vector_load %arg9[%get3A_2969, %get3A_2970] {strides = array<i32>} : memref<4x288xf32, #tpu.memory_space<vmem>>, vector<16xf32>,
      %get3A_2972 = arith.constant 1 : i32
      %get3A_2973 = arith.index_cast %get3A_2972 : i32 to index
      %get3A_2974 = arith.constant 144 : index
      %get3A_2975 = tpu.vector_load %arg9[%get3A_2973, %get3A_2974] {strides = array<i32>} : memref<4x288xf32, #tpu.memory_space<vmem>>, vector<16xf32>,
      %get3A_2976 = arith.constant 2 : i32
      %get3A_2977 = arith.index_cast %get3A_2976 : i32 to index
      %get3A_2978 = arith.constant 144 : index
      %get3A_2979 = tpu.vector_load %arg9[%get3A_2977, %get3A_2978] {strides = array<i32>} : memref<4x288xf32, #tpu.memory_space<vmem>>, vector<16xf32>,
      %get3A_2980 = arith.constant 3 : i32
      %get3A_2981 = arith.index_cast %get3A_2980 : i32 to index
      %get3A_2982 = arith.constant 144 : index
      %get3A_2983 = tpu.vector_load %arg9[%get3A_2981, %get3A_2982] {strides = array<i32>} : memref<4x288xf32, #tpu.memory_space<vmem>>, vector<16xf32>,
      %get3A_2984 = arith.constant 144 : index
      %get3A_2985 = tpu.vector_load %arg12[%get3A_2984] {strides = array<i32>} : memref<288xf32, #tpu.memory_space<vmem>>, vector<16xf32>,
      %max3A_2986 = arith.maximumf %get3A_2971, %get3A_2133 : vector<16xf32>
      %max3A_2987 = arith.maximumf %get3A_2975, %get3A_2138 : vector<16xf32>
      %min3A_2988 = arith.minimumf %get3A_2979, %get3A_2143 : vector<16xf32>
      %min3A_2989 = arith.minimumf %get3A_2983, %get3A_2148 : vector<16xf32>
      %sub3A_2990 = arith.subf %min3A_2988, %max3A_2986 : vector<16xf32>
      %add3A_2991 = arith.constant 1.000000e+00 : f32
      %add3A_2992 = vector.broadcast %add3A_2991 : f32 to vector<16xf32>
      %add3A_2993 = arith.addf %sub3A_2990, %add3A_2992 : vector<16xf32>
      %max3A_2994 = arith.constant 0.000000e+00 : f32
      %max3A_2995 = vector.broadcast %max3A_2994 : f32 to vector<16xf32>
      %max3A_2996 = arith.maximumf %add3A_2993, %max3A_2995 : vector<16xf32>
      %sub3A_2997 = arith.subf %min3A_2989, %max3A_2987 : vector<16xf32>
      %add3A_2998 = arith.constant 1.000000e+00 : f32
      %add3A_2999 = vector.broadcast %add3A_2998 : f32 to vector<16xf32>
      %add3A_3000 = arith.addf %sub3A_2997, %add3A_2999 : vector<16xf32>
      %max3A_3001 = arith.constant 0.000000e+00 : f32
      %max3A_3002 = vector.broadcast %max3A_3001 : f32 to vector<16xf32>
      %max3A_3003 = arith.maximumf %add3A_3000, %max3A_3002 : vector<16xf32>
      %mul3A_3004 = arith.mulf %max3A_2996, %max3A_3003 : vector<16xf32>
      %add3A_3005 = arith.addf %get3A_2985, %gather3A_2170 : vector<16xf32>
      %sub3A_3006 = arith.subf %add3A_3005, %mul3A_3004 : vector<16xf32>
      %div3A_3007 = arith.divf %mul3A_3004, %sub3A_3006 : vector<16xf32>
      %max3A_3008 = arith.maximumf %get3A_2971, %get3A_2153 : vector<16xf32>
      %max3A_3009 = arith.maximumf %get3A_2975, %get3A_2158 : vector<16xf32>
      %min3A_3010 = arith.minimumf %get3A_2979, %get3A_2163 : vector<16xf32>
      %min3A_3011 = arith.minimumf %get3A_2983, %get3A_2168 : vector<16xf32>
      %sub3A_3012 = arith.subf %min3A_3010, %max3A_3008 : vector<16xf32>
      %add3A_3013 = arith.constant 1.000000e+00 : f32
      %add3A_3014 = vector.broadcast %add3A_3013 : f32 to vector<16xf32>
      %add3A_3015 = arith.addf %sub3A_3012, %add3A_3014 : vector<16xf32>
      %max3A_3016 = arith.constant 0.000000e+00 : f32
      %max3A_3017 = vector.broadcast %max3A_3016 : f32 to vector<16xf32>
      %max3A_3018 = arith.maximumf %add3A_3015, %max3A_3017 : vector<16xf32>
      %sub3A_3019 = arith.subf %min3A_3011, %max3A_3009 : vector<16xf32>
      %add3A_3020 = arith.constant 1.000000e+00 : f32
      %add3A_3021 = vector.broadcast %add3A_3020 : f32 to vector<16xf32>
      %add3A_3022 = arith.addf %sub3A_3019, %add3A_3021 : vector<16xf32>
      %max3A_3023 = arith.constant 0.000000e+00 : f32
      %max3A_3024 = vector.broadcast %max3A_3023 : f32 to vector<16xf32>
      %max3A_3025 = arith.maximumf %add3A_3022, %max3A_3024 : vector<16xf32>
      %mul3A_3026 = arith.mulf %max3A_3018, %max3A_3025 : vector<16xf32>
      %add3A_3027 = arith.addf %get3A_2985, %gather3A_2172 : vector<16xf32>
      %sub3A_3028 = arith.subf %add3A_3027, %mul3A_3026 : vector<16xf32>
      %div3A_3029 = arith.divf %mul3A_3026, %sub3A_3028 : vector<16xf32>
      %gt3A_3030 = arith.cmpf ogt, %div3A_3029, %div3A_3007 : vector<16xf32>
      %select_n3A_3031 = arith.select %gt3A_3030, %div3A_3029, %div3A_3007 : vector<16xi1>, vector<16xf32>
      %broadcast_in_dim3A_3032 = vector.broadcast %add3A_2128 : i32 to vector<16xi32>
      %broadcast_in_dim3A_3033 = vector.broadcast %mul3A_2126 : i32 to vector<16xi32>
      %select_n3A_3034 = arith.select %gt3A_3030, %broadcast_in_dim3A_3032, %broadcast_in_dim3A_3033 : vector<16xi1>, vector<16xi32>
      %get3A_3035 = arith.constant 144 : index
      %get3A_3036 = tpu.vector_load %arg13[%get3A_3035] {strides = array<i32>} : memref<288xf32, #tpu.memory_space<vmem>>, vector<16xf32>,
      %gt3A_3037 = arith.cmpf ogt, %select_n3A_3031, %get3A_3036 : vector<16xf32>
      %select_n3A_3038 = arith.select %gt3A_3037, %select_n3A_3031, %get3A_3036 : vector<16xi1>, vector<16xf32>
      %swap3A_3039 = arith.constant 144 : index
      %swap3A_3040 = tpu.vector_load %arg13[%swap3A_3039] {strides = array<i32>} : memref<288xf32, #tpu.memory_space<vmem>>, vector<16xf32>,
      tpu.vector_store %arg13[%swap3A_3039], %select_n3A_3038 {strides = array<i32>} : memref<288xf32, #tpu.memory_space<vmem>>, vector<16xf32>,
      %get3A_3041 = arith.constant 144 : index
      %get3A_3042 = tpu.vector_load %arg14[%get3A_3041] {strides = array<i32>} : memref<288xi32, #tpu.memory_space<vmem>>, vector<16xi32>,
      %select_n3A_3043 = arith.select %gt3A_3037, %select_n3A_3034, %get3A_3042 : vector<16xi1>, vector<16xi32>
      %swap3A_3044 = arith.constant 144 : index
      %swap3A_3045 = tpu.vector_load %arg14[%swap3A_3044] {strides = array<i32>} : memref<288xi32, #tpu.memory_space<vmem>>, vector<16xi32>,
      tpu.vector_store %arg14[%swap3A_3044], %select_n3A_3043 {strides = array<i32>} : memref<288xi32, #tpu.memory_space<vmem>>, vector<16xi32>,
      %gt3A_3046 = arith.cmpf ogt, %div3A_3007, %select_n3A_2962 : vector<16xf32>
      %jit3A_3047 = arith.constant 9 : i32
      %broadcast_in_dim3A_3048 = vector.broadcast %jit3A_3047 : i32 to vector<16xi32>
      %select_n3A_3049 = arith.select %gt3A_3046, %broadcast_in_dim3A_3048, %select_n3A_2961 : vector<16xi1>, vector<16xi32>
      %select_n3A_3050 = arith.select %gt3A_3046, %div3A_3007, %select_n3A_2962 : vector<16xi1>, vector<16xf32>
      %gt3A_3051 = arith.cmpf ogt, %div3A_3029, %select_n3A_2967 : vector<16xf32>
      %jit3A_3052 = arith.constant 9 : i32
      %broadcast_in_dim3A_3053 = vector.broadcast %jit3A_3052 : i32 to vector<16xi32>
      %select_n3A_3054 = arith.select %gt3A_3051, %broadcast_in_dim3A_3053, %select_n3A_2966 : vector<16xi1>, vector<16xi32>
      %select_n3A_3055 = arith.select %gt3A_3051, %div3A_3029, %select_n3A_2967 : vector<16xi1>, vector<16xf32>
      %get3A_3056 = arith.constant 0 : i32
      %get3A_3057 = arith.index_cast %get3A_3056 : i32 to index
      %get3A_3058 = arith.constant 160 : index
      %get3A_3059 = tpu.vector_load %arg9[%get3A_3057, %get3A_3058] {strides = array<i32>} : memref<4x288xf32, #tpu.memory_space<vmem>>, vector<16xf32>,
      %get3A_3060 = arith.constant 1 : i32
      %get3A_3061 = arith.index_cast %get3A_3060 : i32 to index
      %get3A_3062 = arith.constant 160 : index
      %get3A_3063 = tpu.vector_load %arg9[%get3A_3061, %get3A_3062] {strides = array<i32>} : memref<4x288xf32, #tpu.memory_space<vmem>>, vector<16xf32>,
      %get3A_3064 = arith.constant 2 : i32
      %get3A_3065 = arith.index_cast %get3A_3064 : i32 to index
      %get3A_3066 = arith.constant 160 : index
      %get3A_3067 = tpu.vector_load %arg9[%get3A_3065, %get3A_3066] {strides = array<i32>} : memref<4x288xf32, #tpu.memory_space<vmem>>, vector<16xf32>,
      %get3A_3068 = arith.constant 3 : i32
      %get3A_3069 = arith.index_cast %get3A_3068 : i32 to index
      %get3A_3070 = arith.constant 160 : index
      %get3A_3071 = tpu.vector_load %arg9[%get3A_3069, %get3A_3070] {strides = array<i32>} : memref<4x288xf32, #tpu.memory_space<vmem>>, vector<16xf32>,
      %get3A_3072 = arith.constant 160 : index
      %get3A_3073 = tpu.vector_load %arg12[%get3A_3072] {strides = array<i32>} : memref<288xf32, #tpu.memory_space<vmem>>, vector<16xf32>,
      %max3A_3074 = arith.maximumf %get3A_3059, %get3A_2133 : vector<16xf32>
      %max3A_3075 = arith.maximumf %get3A_3063, %get3A_2138 : vector<16xf32>
      %min3A_3076 = arith.minimumf %get3A_3067, %get3A_2143 : vector<16xf32>
      %min3A_3077 = arith.minimumf %get3A_3071, %get3A_2148 : vector<16xf32>
      %sub3A_3078 = arith.subf %min3A_3076, %max3A_3074 : vector<16xf32>
      %add3A_3079 = arith.constant 1.000000e+00 : f32
      %add3A_3080 = vector.broadcast %add3A_3079 : f32 to vector<16xf32>
      %add3A_3081 = arith.addf %sub3A_3078, %add3A_3080 : vector<16xf32>
      %max3A_3082 = arith.constant 0.000000e+00 : f32
      %max3A_3083 = vector.broadcast %max3A_3082 : f32 to vector<16xf32>
      %max3A_3084 = arith.maximumf %add3A_3081, %max3A_3083 : vector<16xf32>
      %sub3A_3085 = arith.subf %min3A_3077, %max3A_3075 : vector<16xf32>
      %add3A_3086 = arith.constant 1.000000e+00 : f32
      %add3A_3087 = vector.broadcast %add3A_3086 : f32 to vector<16xf32>
      %add3A_3088 = arith.addf %sub3A_3085, %add3A_3087 : vector<16xf32>
      %max3A_3089 = arith.constant 0.000000e+00 : f32
      %max3A_3090 = vector.broadcast %max3A_3089 : f32 to vector<16xf32>
      %max3A_3091 = arith.maximumf %add3A_3088, %max3A_3090 : vector<16xf32>
      %mul3A_3092 = arith.mulf %max3A_3084, %max3A_3091 : vector<16xf32>
      %add3A_3093 = arith.addf %get3A_3073, %gather3A_2170 : vector<16xf32>
      %sub3A_3094 = arith.subf %add3A_3093, %mul3A_3092 : vector<16xf32>
      %div3A_3095 = arith.divf %mul3A_3092, %sub3A_3094 : vector<16xf32>
      %max3A_3096 = arith.maximumf %get3A_3059, %get3A_2153 : vector<16xf32>
      %max3A_3097 = arith.maximumf %get3A_3063, %get3A_2158 : vector<16xf32>
      %min3A_3098 = arith.minimumf %get3A_3067, %get3A_2163 : vector<16xf32>
      %min3A_3099 = arith.minimumf %get3A_3071, %get3A_2168 : vector<16xf32>
      %sub3A_3100 = arith.subf %min3A_3098, %max3A_3096 : vector<16xf32>
      %add3A_3101 = arith.constant 1.000000e+00 : f32
      %add3A_3102 = vector.broadcast %add3A_3101 : f32 to vector<16xf32>
      %add3A_3103 = arith.addf %sub3A_3100, %add3A_3102 : vector<16xf32>
      %max3A_3104 = arith.constant 0.000000e+00 : f32
      %max3A_3105 = vector.broadcast %max3A_3104 : f32 to vector<16xf32>
      %max3A_3106 = arith.maximumf %add3A_3103, %max3A_3105 : vector<16xf32>
      %sub3A_3107 = arith.subf %min3A_3099, %max3A_3097 : vector<16xf32>
      %add3A_3108 = arith.constant 1.000000e+00 : f32
      %add3A_3109 = vector.broadcast %add3A_3108 : f32 to vector<16xf32>
      %add3A_3110 = arith.addf %sub3A_3107, %add3A_3109 : vector<16xf32>
      %max3A_3111 = arith.constant 0.000000e+00 : f32
      %max3A_3112 = vector.broadcast %max3A_3111 : f32 to vector<16xf32>
      %max3A_3113 = arith.maximumf %add3A_3110, %max3A_3112 : vector<16xf32>
      %mul3A_3114 = arith.mulf %max3A_3106, %max3A_3113 : vector<16xf32>
      %add3A_3115 = arith.addf %get3A_3073, %gather3A_2172 : vector<16xf32>
      %sub3A_3116 = arith.subf %add3A_3115, %mul3A_3114 : vector<16xf32>
      %div3A_3117 = arith.divf %mul3A_3114, %sub3A_3116 : vector<16xf32>
      %gt3A_3118 = arith.cmpf ogt, %div3A_3117, %div3A_3095 : vector<16xf32>
      %select_n3A_3119 = arith.select %gt3A_3118, %div3A_3117, %div3A_3095 : vector<16xi1>, vector<16xf32>
      %broadcast_in_dim3A_3120 = vector.broadcast %add3A_2128 : i32 to vector<16xi32>
      %broadcast_in_dim3A_3121 = vector.broadcast %mul3A_2126 : i32 to vector<16xi32>
      %select_n3A_3122 = arith.select %gt3A_3118, %broadcast_in_dim3A_3120, %broadcast_in_dim3A_3121 : vector<16xi1>, vector<16xi32>
      %get3A_3123 = arith.constant 160 : index
      %get3A_3124 = tpu.vector_load %arg13[%get3A_3123] {strides = array<i32>} : memref<288xf32, #tpu.memory_space<vmem>>, vector<16xf32>,
      %gt3A_3125 = arith.cmpf ogt, %select_n3A_3119, %get3A_3124 : vector<16xf32>
      %select_n3A_3126 = arith.select %gt3A_3125, %select_n3A_3119, %get3A_3124 : vector<16xi1>, vector<16xf32>
      %swap3A_3127 = arith.constant 160 : index
      %swap3A_3128 = tpu.vector_load %arg13[%swap3A_3127] {strides = array<i32>} : memref<288xf32, #tpu.memory_space<vmem>>, vector<16xf32>,
      tpu.vector_store %arg13[%swap3A_3127], %select_n3A_3126 {strides = array<i32>} : memref<288xf32, #tpu.memory_space<vmem>>, vector<16xf32>,
      %get3A_3129 = arith.constant 160 : index
      %get3A_3130 = tpu.vector_load %arg14[%get3A_3129] {strides = array<i32>} : memref<288xi32, #tpu.memory_space<vmem>>, vector<16xi32>,
      %select_n3A_3131 = arith.select %gt3A_3125, %select_n3A_3122, %get3A_3130 : vector<16xi1>, vector<16xi32>
      %swap3A_3132 = arith.constant 160 : index
      %swap3A_3133 = tpu.vector_load %arg14[%swap3A_3132] {strides = array<i32>} : memref<288xi32, #tpu.memory_space<vmem>>, vector<16xi32>,
      tpu.vector_store %arg14[%swap3A_3132], %select_n3A_3131 {strides = array<i32>} : memref<288xi32, #tpu.memory_space<vmem>>, vector<16xi32>,
      %gt3A_3134 = arith.cmpf ogt, %div3A_3095, %select_n3A_3050 : vector<16xf32>
      %jit3A_3135 = arith.constant 10 : i32
      %broadcast_in_dim3A_3136 = vector.broadcast %jit3A_3135 : i32 to vector<16xi32>
      %select_n3A_3137 = arith.select %gt3A_3134, %broadcast_in_dim3A_3136, %select_n3A_3049 : vector<16xi1>, vector<16xi32>
      %select_n3A_3138 = arith.select %gt3A_3134, %div3A_3095, %select_n3A_3050 : vector<16xi1>, vector<16xf32>
      %gt3A_3139 = arith.cmpf ogt, %div3A_3117, %select_n3A_3055 : vector<16xf32>
      %jit3A_3140 = arith.constant 10 : i32
      %broadcast_in_dim3A_3141 = vector.broadcast %jit3A_3140 : i32 to vector<16xi32>
      %select_n3A_3142 = arith.select %gt3A_3139, %broadcast_in_dim3A_3141, %select_n3A_3054 : vector<16xi1>, vector<16xi32>
      %select_n3A_3143 = arith.select %gt3A_3139, %div3A_3117, %select_n3A_3055 : vector<16xi1>, vector<16xf32>
      %get3A_3144 = arith.constant 0 : i32
      %get3A_3145 = arith.index_cast %get3A_3144 : i32 to index
      %get3A_3146 = arith.constant 176 : index
      %get3A_3147 = tpu.vector_load %arg9[%get3A_3145, %get3A_3146] {strides = array<i32>} : memref<4x288xf32, #tpu.memory_space<vmem>>, vector<16xf32>,
      %get3A_3148 = arith.constant 1 : i32
      %get3A_3149 = arith.index_cast %get3A_3148 : i32 to index
      %get3A_3150 = arith.constant 176 : index
      %get3A_3151 = tpu.vector_load %arg9[%get3A_3149, %get3A_3150] {strides = array<i32>} : memref<4x288xf32, #tpu.memory_space<vmem>>, vector<16xf32>,
      %get3A_3152 = arith.constant 2 : i32
      %get3A_3153 = arith.index_cast %get3A_3152 : i32 to index
      %get3A_3154 = arith.constant 176 : index
      %get3A_3155 = tpu.vector_load %arg9[%get3A_3153, %get3A_3154] {strides = array<i32>} : memref<4x288xf32, #tpu.memory_space<vmem>>, vector<16xf32>,
      %get3A_3156 = arith.constant 3 : i32
      %get3A_3157 = arith.index_cast %get3A_3156 : i32 to index
      %get3A_3158 = arith.constant 176 : index
      %get3A_3159 = tpu.vector_load %arg9[%get3A_3157, %get3A_3158] {strides = array<i32>} : memref<4x288xf32, #tpu.memory_space<vmem>>, vector<16xf32>,
      %get3A_3160 = arith.constant 176 : index
      %get3A_3161 = tpu.vector_load %arg12[%get3A_3160] {strides = array<i32>} : memref<288xf32, #tpu.memory_space<vmem>>, vector<16xf32>,
      %max3A_3162 = arith.maximumf %get3A_3147, %get3A_2133 : vector<16xf32>
      %max3A_3163 = arith.maximumf %get3A_3151, %get3A_2138 : vector<16xf32>
      %min3A_3164 = arith.minimumf %get3A_3155, %get3A_2143 : vector<16xf32>
      %min3A_3165 = arith.minimumf %get3A_3159, %get3A_2148 : vector<16xf32>
      %sub3A_3166 = arith.subf %min3A_3164, %max3A_3162 : vector<16xf32>
      %add3A_3167 = arith.constant 1.000000e+00 : f32
      %add3A_3168 = vector.broadcast %add3A_3167 : f32 to vector<16xf32>
      %add3A_3169 = arith.addf %sub3A_3166, %add3A_3168 : vector<16xf32>
      %max3A_3170 = arith.constant 0.000000e+00 : f32
      %max3A_3171 = vector.broadcast %max3A_3170 : f32 to vector<16xf32>
      %max3A_3172 = arith.maximumf %add3A_3169, %max3A_3171 : vector<16xf32>
      %sub3A_3173 = arith.subf %min3A_3165, %max3A_3163 : vector<16xf32>
      %add3A_3174 = arith.constant 1.000000e+00 : f32
      %add3A_3175 = vector.broadcast %add3A_3174 : f32 to vector<16xf32>
      %add3A_3176 = arith.addf %sub3A_3173, %add3A_3175 : vector<16xf32>
      %max3A_3177 = arith.constant 0.000000e+00 : f32
      %max3A_3178 = vector.broadcast %max3A_3177 : f32 to vector<16xf32>
      %max3A_3179 = arith.maximumf %add3A_3176, %max3A_3178 : vector<16xf32>
      %mul3A_3180 = arith.mulf %max3A_3172, %max3A_3179 : vector<16xf32>
      %add3A_3181 = arith.addf %get3A_3161, %gather3A_2170 : vector<16xf32>
      %sub3A_3182 = arith.subf %add3A_3181, %mul3A_3180 : vector<16xf32>
      %div3A_3183 = arith.divf %mul3A_3180, %sub3A_3182 : vector<16xf32>
      %max3A_3184 = arith.maximumf %get3A_3147, %get3A_2153 : vector<16xf32>
      %max3A_3185 = arith.maximumf %get3A_3151, %get3A_2158 : vector<16xf32>
      %min3A_3186 = arith.minimumf %get3A_3155, %get3A_2163 : vector<16xf32>
      %min3A_3187 = arith.minimumf %get3A_3159, %get3A_2168 : vector<16xf32>
      %sub3A_3188 = arith.subf %min3A_3186, %max3A_3184 : vector<16xf32>
      %add3A_3189 = arith.constant 1.000000e+00 : f32
      %add3A_3190 = vector.broadcast %add3A_3189 : f32 to vector<16xf32>
      %add3A_3191 = arith.addf %sub3A_3188, %add3A_3190 : vector<16xf32>
      %max3A_3192 = arith.constant 0.000000e+00 : f32
      %max3A_3193 = vector.broadcast %max3A_3192 : f32 to vector<16xf32>
      %max3A_3194 = arith.maximumf %add3A_3191, %max3A_3193 : vector<16xf32>
      %sub3A_3195 = arith.subf %min3A_3187, %max3A_3185 : vector<16xf32>
      %add3A_3196 = arith.constant 1.000000e+00 : f32
      %add3A_3197 = vector.broadcast %add3A_3196 : f32 to vector<16xf32>
      %add3A_3198 = arith.addf %sub3A_3195, %add3A_3197 : vector<16xf32>
      %max3A_3199 = arith.constant 0.000000e+00 : f32
      %max3A_3200 = vector.broadcast %max3A_3199 : f32 to vector<16xf32>
      %max3A_3201 = arith.maximumf %add3A_3198, %max3A_3200 : vector<16xf32>
      %mul3A_3202 = arith.mulf %max3A_3194, %max3A_3201 : vector<16xf32>
      %add3A_3203 = arith.addf %get3A_3161, %gather3A_2172 : vector<16xf32>
      %sub3A_3204 = arith.subf %add3A_3203, %mul3A_3202 : vector<16xf32>
      %div3A_3205 = arith.divf %mul3A_3202, %sub3A_3204 : vector<16xf32>
      %gt3A_3206 = arith.cmpf ogt, %div3A_3205, %div3A_3183 : vector<16xf32>
      %select_n3A_3207 = arith.select %gt3A_3206, %div3A_3205, %div3A_3183 : vector<16xi1>, vector<16xf32>
      %broadcast_in_dim3A_3208 = vector.broadcast %add3A_2128 : i32 to vector<16xi32>
      %broadcast_in_dim3A_3209 = vector.broadcast %mul3A_2126 : i32 to vector<16xi32>
      %select_n3A_3210 = arith.select %gt3A_3206, %broadcast_in_dim3A_3208, %broadcast_in_dim3A_3209 : vector<16xi1>, vector<16xi32>
      %get3A_3211 = arith.constant 176 : index
      %get3A_3212 = tpu.vector_load %arg13[%get3A_3211] {strides = array<i32>} : memref<288xf32, #tpu.memory_space<vmem>>, vector<16xf32>,
      %gt3A_3213 = arith.cmpf ogt, %select_n3A_3207, %get3A_3212 : vector<16xf32>
      %select_n3A_3214 = arith.select %gt3A_3213, %select_n3A_3207, %get3A_3212 : vector<16xi1>, vector<16xf32>
      %swap3A_3215 = arith.constant 176 : index
      %swap3A_3216 = tpu.vector_load %arg13[%swap3A_3215] {strides = array<i32>} : memref<288xf32, #tpu.memory_space<vmem>>, vector<16xf32>,
      tpu.vector_store %arg13[%swap3A_3215], %select_n3A_3214 {strides = array<i32>} : memref<288xf32, #tpu.memory_space<vmem>>, vector<16xf32>,
      %get3A_3217 = arith.constant 176 : index
      %get3A_3218 = tpu.vector_load %arg14[%get3A_3217] {strides = array<i32>} : memref<288xi32, #tpu.memory_space<vmem>>, vector<16xi32>,
      %select_n3A_3219 = arith.select %gt3A_3213, %select_n3A_3210, %get3A_3218 : vector<16xi1>, vector<16xi32>
      %swap3A_3220 = arith.constant 176 : index
      %swap3A_3221 = tpu.vector_load %arg14[%swap3A_3220] {strides = array<i32>} : memref<288xi32, #tpu.memory_space<vmem>>, vector<16xi32>,
      tpu.vector_store %arg14[%swap3A_3220], %select_n3A_3219 {strides = array<i32>} : memref<288xi32, #tpu.memory_space<vmem>>, vector<16xi32>,
      %gt3A_3222 = arith.cmpf ogt, %div3A_3183, %select_n3A_3138 : vector<16xf32>
      %jit3A_3223 = arith.constant 11 : i32
      %broadcast_in_dim3A_3224 = vector.broadcast %jit3A_3223 : i32 to vector<16xi32>
      %select_n3A_3225 = arith.select %gt3A_3222, %broadcast_in_dim3A_3224, %select_n3A_3137 : vector<16xi1>, vector<16xi32>
      %select_n3A_3226 = arith.select %gt3A_3222, %div3A_3183, %select_n3A_3138 : vector<16xi1>, vector<16xf32>
      %gt3A_3227 = arith.cmpf ogt, %div3A_3205, %select_n3A_3143 : vector<16xf32>
      %jit3A_3228 = arith.constant 11 : i32
      %broadcast_in_dim3A_3229 = vector.broadcast %jit3A_3228 : i32 to vector<16xi32>
      %select_n3A_3230 = arith.select %gt3A_3227, %broadcast_in_dim3A_3229, %select_n3A_3142 : vector<16xi1>, vector<16xi32>
      %select_n3A_3231 = arith.select %gt3A_3227, %div3A_3205, %select_n3A_3143 : vector<16xi1>, vector<16xf32>
      %get3A_3232 = arith.constant 0 : i32
      %get3A_3233 = arith.index_cast %get3A_3232 : i32 to index
      %get3A_3234 = arith.constant 192 : index
      %get3A_3235 = tpu.vector_load %arg9[%get3A_3233, %get3A_3234] {strides = array<i32>} : memref<4x288xf32, #tpu.memory_space<vmem>>, vector<16xf32>,
      %get3A_3236 = arith.constant 1 : i32
      %get3A_3237 = arith.index_cast %get3A_3236 : i32 to index
      %get3A_3238 = arith.constant 192 : index
      %get3A_3239 = tpu.vector_load %arg9[%get3A_3237, %get3A_3238] {strides = array<i32>} : memref<4x288xf32, #tpu.memory_space<vmem>>, vector<16xf32>,
      %get3A_3240 = arith.constant 2 : i32
      %get3A_3241 = arith.index_cast %get3A_3240 : i32 to index
      %get3A_3242 = arith.constant 192 : index
      %get3A_3243 = tpu.vector_load %arg9[%get3A_3241, %get3A_3242] {strides = array<i32>} : memref<4x288xf32, #tpu.memory_space<vmem>>, vector<16xf32>,
      %get3A_3244 = arith.constant 3 : i32
      %get3A_3245 = arith.index_cast %get3A_3244 : i32 to index
      %get3A_3246 = arith.constant 192 : index
      %get3A_3247 = tpu.vector_load %arg9[%get3A_3245, %get3A_3246] {strides = array<i32>} : memref<4x288xf32, #tpu.memory_space<vmem>>, vector<16xf32>,
      %get3A_3248 = arith.constant 192 : index
      %get3A_3249 = tpu.vector_load %arg12[%get3A_3248] {strides = array<i32>} : memref<288xf32, #tpu.memory_space<vmem>>, vector<16xf32>,
      %max3A_3250 = arith.maximumf %get3A_3235, %get3A_2133 : vector<16xf32>
      %max3A_3251 = arith.maximumf %get3A_3239, %get3A_2138 : vector<16xf32>
      %min3A_3252 = arith.minimumf %get3A_3243, %get3A_2143 : vector<16xf32>
      %min3A_3253 = arith.minimumf %get3A_3247, %get3A_2148 : vector<16xf32>
      %sub3A_3254 = arith.subf %min3A_3252, %max3A_3250 : vector<16xf32>
      %add3A_3255 = arith.constant 1.000000e+00 : f32
      %add3A_3256 = vector.broadcast %add3A_3255 : f32 to vector<16xf32>
      %add3A_3257 = arith.addf %sub3A_3254, %add3A_3256 : vector<16xf32>
      %max3A_3258 = arith.constant 0.000000e+00 : f32
      %max3A_3259 = vector.broadcast %max3A_3258 : f32 to vector<16xf32>
      %max3A_3260 = arith.maximumf %add3A_3257, %max3A_3259 : vector<16xf32>
      %sub3A_3261 = arith.subf %min3A_3253, %max3A_3251 : vector<16xf32>
      %add3A_3262 = arith.constant 1.000000e+00 : f32
      %add3A_3263 = vector.broadcast %add3A_3262 : f32 to vector<16xf32>
      %add3A_3264 = arith.addf %sub3A_3261, %add3A_3263 : vector<16xf32>
      %max3A_3265 = arith.constant 0.000000e+00 : f32
      %max3A_3266 = vector.broadcast %max3A_3265 : f32 to vector<16xf32>
      %max3A_3267 = arith.maximumf %add3A_3264, %max3A_3266 : vector<16xf32>
      %mul3A_3268 = arith.mulf %max3A_3260, %max3A_3267 : vector<16xf32>
      %add3A_3269 = arith.addf %get3A_3249, %gather3A_2170 : vector<16xf32>
      %sub3A_3270 = arith.subf %add3A_3269, %mul3A_3268 : vector<16xf32>
      %div3A_3271 = arith.divf %mul3A_3268, %sub3A_3270 : vector<16xf32>
      %max3A_3272 = arith.maximumf %get3A_3235, %get3A_2153 : vector<16xf32>
      %max3A_3273 = arith.maximumf %get3A_3239, %get3A_2158 : vector<16xf32>
      %min3A_3274 = arith.minimumf %get3A_3243, %get3A_2163 : vector<16xf32>
      %min3A_3275 = arith.minimumf %get3A_3247, %get3A_2168 : vector<16xf32>
      %sub3A_3276 = arith.subf %min3A_3274, %max3A_3272 : vector<16xf32>
      %add3A_3277 = arith.constant 1.000000e+00 : f32
      %add3A_3278 = vector.broadcast %add3A_3277 : f32 to vector<16xf32>
      %add3A_3279 = arith.addf %sub3A_3276, %add3A_3278 : vector<16xf32>
      %max3A_3280 = arith.constant 0.000000e+00 : f32
      %max3A_3281 = vector.broadcast %max3A_3280 : f32 to vector<16xf32>
      %max3A_3282 = arith.maximumf %add3A_3279, %max3A_3281 : vector<16xf32>
      %sub3A_3283 = arith.subf %min3A_3275, %max3A_3273 : vector<16xf32>
      %add3A_3284 = arith.constant 1.000000e+00 : f32
      %add3A_3285 = vector.broadcast %add3A_3284 : f32 to vector<16xf32>
      %add3A_3286 = arith.addf %sub3A_3283, %add3A_3285 : vector<16xf32>
      %max3A_3287 = arith.constant 0.000000e+00 : f32
      %max3A_3288 = vector.broadcast %max3A_3287 : f32 to vector<16xf32>
      %max3A_3289 = arith.maximumf %add3A_3286, %max3A_3288 : vector<16xf32>
      %mul3A_3290 = arith.mulf %max3A_3282, %max3A_3289 : vector<16xf32>
      %add3A_3291 = arith.addf %get3A_3249, %gather3A_2172 : vector<16xf32>
      %sub3A_3292 = arith.subf %add3A_3291, %mul3A_3290 : vector<16xf32>
      %div3A_3293 = arith.divf %mul3A_3290, %sub3A_3292 : vector<16xf32>
      %gt3A_3294 = arith.cmpf ogt, %div3A_3293, %div3A_3271 : vector<16xf32>
      %select_n3A_3295 = arith.select %gt3A_3294, %div3A_3293, %div3A_3271 : vector<16xi1>, vector<16xf32>
      %broadcast_in_dim3A_3296 = vector.broadcast %add3A_2128 : i32 to vector<16xi32>
      %broadcast_in_dim3A_3297 = vector.broadcast %mul3A_2126 : i32 to vector<16xi32>
      %select_n3A_3298 = arith.select %gt3A_3294, %broadcast_in_dim3A_3296, %broadcast_in_dim3A_3297 : vector<16xi1>, vector<16xi32>
      %get3A_3299 = arith.constant 192 : index
      %get3A_3300 = tpu.vector_load %arg13[%get3A_3299] {strides = array<i32>} : memref<288xf32, #tpu.memory_space<vmem>>, vector<16xf32>,
      %gt3A_3301 = arith.cmpf ogt, %select_n3A_3295, %get3A_3300 : vector<16xf32>
      %select_n3A_3302 = arith.select %gt3A_3301, %select_n3A_3295, %get3A_3300 : vector<16xi1>, vector<16xf32>
      %swap3A_3303 = arith.constant 192 : index
      %swap3A_3304 = tpu.vector_load %arg13[%swap3A_3303] {strides = array<i32>} : memref<288xf32, #tpu.memory_space<vmem>>, vector<16xf32>,
      tpu.vector_store %arg13[%swap3A_3303], %select_n3A_3302 {strides = array<i32>} : memref<288xf32, #tpu.memory_space<vmem>>, vector<16xf32>,
      %get3A_3305 = arith.constant 192 : index
      %get3A_3306 = tpu.vector_load %arg14[%get3A_3305] {strides = array<i32>} : memref<288xi32, #tpu.memory_space<vmem>>, vector<16xi32>,
      %select_n3A_3307 = arith.select %gt3A_3301, %select_n3A_3298, %get3A_3306 : vector<16xi1>, vector<16xi32>
      %swap3A_3308 = arith.constant 192 : index
      %swap3A_3309 = tpu.vector_load %arg14[%swap3A_3308] {strides = array<i32>} : memref<288xi32, #tpu.memory_space<vmem>>, vector<16xi32>,
      tpu.vector_store %arg14[%swap3A_3308], %select_n3A_3307 {strides = array<i32>} : memref<288xi32, #tpu.memory_space<vmem>>, vector<16xi32>,
      %gt3A_3310 = arith.cmpf ogt, %div3A_3271, %select_n3A_3226 : vector<16xf32>
      %jit3A_3311 = arith.constant 12 : i32
      %broadcast_in_dim3A_3312 = vector.broadcast %jit3A_3311 : i32 to vector<16xi32>
      %select_n3A_3313 = arith.select %gt3A_3310, %broadcast_in_dim3A_3312, %select_n3A_3225 : vector<16xi1>, vector<16xi32>
      %select_n3A_3314 = arith.select %gt3A_3310, %div3A_3271, %select_n3A_3226 : vector<16xi1>, vector<16xf32>
      %gt3A_3315 = arith.cmpf ogt, %div3A_3293, %select_n3A_3231 : vector<16xf32>
      %jit3A_3316 = arith.constant 12 : i32
      %broadcast_in_dim3A_3317 = vector.broadcast %jit3A_3316 : i32 to vector<16xi32>
      %select_n3A_3318 = arith.select %gt3A_3315, %broadcast_in_dim3A_3317, %select_n3A_3230 : vector<16xi1>, vector<16xi32>
      %select_n3A_3319 = arith.select %gt3A_3315, %div3A_3293, %select_n3A_3231 : vector<16xi1>, vector<16xf32>
      %get3A_3320 = arith.constant 0 : i32
      %get3A_3321 = arith.index_cast %get3A_3320 : i32 to index
      %get3A_3322 = arith.constant 208 : index
      %get3A_3323 = tpu.vector_load %arg9[%get3A_3321, %get3A_3322] {strides = array<i32>} : memref<4x288xf32, #tpu.memory_space<vmem>>, vector<16xf32>,
      %get3A_3324 = arith.constant 1 : i32
      %get3A_3325 = arith.index_cast %get3A_3324 : i32 to index
      %get3A_3326 = arith.constant 208 : index
      %get3A_3327 = tpu.vector_load %arg9[%get3A_3325, %get3A_3326] {strides = array<i32>} : memref<4x288xf32, #tpu.memory_space<vmem>>, vector<16xf32>,
      %get3A_3328 = arith.constant 2 : i32
      %get3A_3329 = arith.index_cast %get3A_3328 : i32 to index
      %get3A_3330 = arith.constant 208 : index
      %get3A_3331 = tpu.vector_load %arg9[%get3A_3329, %get3A_3330] {strides = array<i32>} : memref<4x288xf32, #tpu.memory_space<vmem>>, vector<16xf32>,
      %get3A_3332 = arith.constant 3 : i32
      %get3A_3333 = arith.index_cast %get3A_3332 : i32 to index
      %get3A_3334 = arith.constant 208 : index
      %get3A_3335 = tpu.vector_load %arg9[%get3A_3333, %get3A_3334] {strides = array<i32>} : memref<4x288xf32, #tpu.memory_space<vmem>>, vector<16xf32>,
      %get3A_3336 = arith.constant 208 : index
      %get3A_3337 = tpu.vector_load %arg12[%get3A_3336] {strides = array<i32>} : memref<288xf32, #tpu.memory_space<vmem>>, vector<16xf32>,
      %max3A_3338 = arith.maximumf %get3A_3323, %get3A_2133 : vector<16xf32>
      %max3A_3339 = arith.maximumf %get3A_3327, %get3A_2138 : vector<16xf32>
      %min3A_3340 = arith.minimumf %get3A_3331, %get3A_2143 : vector<16xf32>
      %min3A_3341 = arith.minimumf %get3A_3335, %get3A_2148 : vector<16xf32>
      %sub3A_3342 = arith.subf %min3A_3340, %max3A_3338 : vector<16xf32>
      %add3A_3343 = arith.constant 1.000000e+00 : f32
      %add3A_3344 = vector.broadcast %add3A_3343 : f32 to vector<16xf32>
      %add3A_3345 = arith.addf %sub3A_3342, %add3A_3344 : vector<16xf32>
      %max3A_3346 = arith.constant 0.000000e+00 : f32
      %max3A_3347 = vector.broadcast %max3A_3346 : f32 to vector<16xf32>
      %max3A_3348 = arith.maximumf %add3A_3345, %max3A_3347 : vector<16xf32>
      %sub3A_3349 = arith.subf %min3A_3341, %max3A_3339 : vector<16xf32>
      %add3A_3350 = arith.constant 1.000000e+00 : f32
      %add3A_3351 = vector.broadcast %add3A_3350 : f32 to vector<16xf32>
      %add3A_3352 = arith.addf %sub3A_3349, %add3A_3351 : vector<16xf32>
      %max3A_3353 = arith.constant 0.000000e+00 : f32
      %max3A_3354 = vector.broadcast %max3A_3353 : f32 to vector<16xf32>
      %max3A_3355 = arith.maximumf %add3A_3352, %max3A_3354 : vector<16xf32>
      %mul3A_3356 = arith.mulf %max3A_3348, %max3A_3355 : vector<16xf32>
      %add3A_3357 = arith.addf %get3A_3337, %gather3A_2170 : vector<16xf32>
      %sub3A_3358 = arith.subf %add3A_3357, %mul3A_3356 : vector<16xf32>
      %div3A_3359 = arith.divf %mul3A_3356, %sub3A_3358 : vector<16xf32>
      %max3A_3360 = arith.maximumf %get3A_3323, %get3A_2153 : vector<16xf32>
      %max3A_3361 = arith.maximumf %get3A_3327, %get3A_2158 : vector<16xf32>
      %min3A_3362 = arith.minimumf %get3A_3331, %get3A_2163 : vector<16xf32>
      %min3A_3363 = arith.minimumf %get3A_3335, %get3A_2168 : vector<16xf32>
      %sub3A_3364 = arith.subf %min3A_3362, %max3A_3360 : vector<16xf32>
      %add3A_3365 = arith.constant 1.000000e+00 : f32
      %add3A_3366 = vector.broadcast %add3A_3365 : f32 to vector<16xf32>
      %add3A_3367 = arith.addf %sub3A_3364, %add3A_3366 : vector<16xf32>
      %max3A_3368 = arith.constant 0.000000e+00 : f32
      %max3A_3369 = vector.broadcast %max3A_3368 : f32 to vector<16xf32>
      %max3A_3370 = arith.maximumf %add3A_3367, %max3A_3369 : vector<16xf32>
      %sub3A_3371 = arith.subf %min3A_3363, %max3A_3361 : vector<16xf32>
      %add3A_3372 = arith.constant 1.000000e+00 : f32
      %add3A_3373 = vector.broadcast %add3A_3372 : f32 to vector<16xf32>
      %add3A_3374 = arith.addf %sub3A_3371, %add3A_3373 : vector<16xf32>
      %max3A_3375 = arith.constant 0.000000e+00 : f32
      %max3A_3376 = vector.broadcast %max3A_3375 : f32 to vector<16xf32>
      %max3A_3377 = arith.maximumf %add3A_3374, %max3A_3376 : vector<16xf32>
      %mul3A_3378 = arith.mulf %max3A_3370, %max3A_3377 : vector<16xf32>
      %add3A_3379 = arith.addf %get3A_3337, %gather3A_2172 : vector<16xf32>
      %sub3A_3380 = arith.subf %add3A_3379, %mul3A_3378 : vector<16xf32>
      %div3A_3381 = arith.divf %mul3A_3378, %sub3A_3380 : vector<16xf32>
      %gt3A_3382 = arith.cmpf ogt, %div3A_3381, %div3A_3359 : vector<16xf32>
      %select_n3A_3383 = arith.select %gt3A_3382, %div3A_3381, %div3A_3359 : vector<16xi1>, vector<16xf32>
      %broadcast_in_dim3A_3384 = vector.broadcast %add3A_2128 : i32 to vector<16xi32>
      %broadcast_in_dim3A_3385 = vector.broadcast %mul3A_2126 : i32 to vector<16xi32>
      %select_n3A_3386 = arith.select %gt3A_3382, %broadcast_in_dim3A_3384, %broadcast_in_dim3A_3385 : vector<16xi1>, vector<16xi32>
      %get3A_3387 = arith.constant 208 : index
      %get3A_3388 = tpu.vector_load %arg13[%get3A_3387] {strides = array<i32>} : memref<288xf32, #tpu.memory_space<vmem>>, vector<16xf32>,
      %gt3A_3389 = arith.cmpf ogt, %select_n3A_3383, %get3A_3388 : vector<16xf32>
      %select_n3A_3390 = arith.select %gt3A_3389, %select_n3A_3383, %get3A_3388 : vector<16xi1>, vector<16xf32>
      %swap3A_3391 = arith.constant 208 : index
      %swap3A_3392 = tpu.vector_load %arg13[%swap3A_3391] {strides = array<i32>} : memref<288xf32, #tpu.memory_space<vmem>>, vector<16xf32>,
      tpu.vector_store %arg13[%swap3A_3391], %select_n3A_3390 {strides = array<i32>} : memref<288xf32, #tpu.memory_space<vmem>>, vector<16xf32>,
      %get3A_3393 = arith.constant 208 : index
      %get3A_3394 = tpu.vector_load %arg14[%get3A_3393] {strides = array<i32>} : memref<288xi32, #tpu.memory_space<vmem>>, vector<16xi32>,
      %select_n3A_3395 = arith.select %gt3A_3389, %select_n3A_3386, %get3A_3394 : vector<16xi1>, vector<16xi32>
      %swap3A_3396 = arith.constant 208 : index
      %swap3A_3397 = tpu.vector_load %arg14[%swap3A_3396] {strides = array<i32>} : memref<288xi32, #tpu.memory_space<vmem>>, vector<16xi32>,
      tpu.vector_store %arg14[%swap3A_3396], %select_n3A_3395 {strides = array<i32>} : memref<288xi32, #tpu.memory_space<vmem>>, vector<16xi32>,
      %gt3A_3398 = arith.cmpf ogt, %div3A_3359, %select_n3A_3314 : vector<16xf32>
      %jit3A_3399 = arith.constant 13 : i32
      %broadcast_in_dim3A_3400 = vector.broadcast %jit3A_3399 : i32 to vector<16xi32>
      %select_n3A_3401 = arith.select %gt3A_3398, %broadcast_in_dim3A_3400, %select_n3A_3313 : vector<16xi1>, vector<16xi32>
      %select_n3A_3402 = arith.select %gt3A_3398, %div3A_3359, %select_n3A_3314 : vector<16xi1>, vector<16xf32>
      %gt3A_3403 = arith.cmpf ogt, %div3A_3381, %select_n3A_3319 : vector<16xf32>
      %jit3A_3404 = arith.constant 13 : i32
      %broadcast_in_dim3A_3405 = vector.broadcast %jit3A_3404 : i32 to vector<16xi32>
      %select_n3A_3406 = arith.select %gt3A_3403, %broadcast_in_dim3A_3405, %select_n3A_3318 : vector<16xi1>, vector<16xi32>
      %select_n3A_3407 = arith.select %gt3A_3403, %div3A_3381, %select_n3A_3319 : vector<16xi1>, vector<16xf32>
      %get3A_3408 = arith.constant 0 : i32
      %get3A_3409 = arith.index_cast %get3A_3408 : i32 to index
      %get3A_3410 = arith.constant 224 : index
      %get3A_3411 = tpu.vector_load %arg9[%get3A_3409, %get3A_3410] {strides = array<i32>} : memref<4x288xf32, #tpu.memory_space<vmem>>, vector<16xf32>,
      %get3A_3412 = arith.constant 1 : i32
      %get3A_3413 = arith.index_cast %get3A_3412 : i32 to index
      %get3A_3414 = arith.constant 224 : index
      %get3A_3415 = tpu.vector_load %arg9[%get3A_3413, %get3A_3414] {strides = array<i32>} : memref<4x288xf32, #tpu.memory_space<vmem>>, vector<16xf32>,
      %get3A_3416 = arith.constant 2 : i32
      %get3A_3417 = arith.index_cast %get3A_3416 : i32 to index
      %get3A_3418 = arith.constant 224 : index
      %get3A_3419 = tpu.vector_load %arg9[%get3A_3417, %get3A_3418] {strides = array<i32>} : memref<4x288xf32, #tpu.memory_space<vmem>>, vector<16xf32>,
      %get3A_3420 = arith.constant 3 : i32
      %get3A_3421 = arith.index_cast %get3A_3420 : i32 to index
      %get3A_3422 = arith.constant 224 : index
      %get3A_3423 = tpu.vector_load %arg9[%get3A_3421, %get3A_3422] {strides = array<i32>} : memref<4x288xf32, #tpu.memory_space<vmem>>, vector<16xf32>,
      %get3A_3424 = arith.constant 224 : index
      %get3A_3425 = tpu.vector_load %arg12[%get3A_3424] {strides = array<i32>} : memref<288xf32, #tpu.memory_space<vmem>>, vector<16xf32>,
      %max3A_3426 = arith.maximumf %get3A_3411, %get3A_2133 : vector<16xf32>
      %max3A_3427 = arith.maximumf %get3A_3415, %get3A_2138 : vector<16xf32>
      %min3A_3428 = arith.minimumf %get3A_3419, %get3A_2143 : vector<16xf32>
      %min3A_3429 = arith.minimumf %get3A_3423, %get3A_2148 : vector<16xf32>
      %sub3A_3430 = arith.subf %min3A_3428, %max3A_3426 : vector<16xf32>
      %add3A_3431 = arith.constant 1.000000e+00 : f32
      %add3A_3432 = vector.broadcast %add3A_3431 : f32 to vector<16xf32>
      %add3A_3433 = arith.addf %sub3A_3430, %add3A_3432 : vector<16xf32>
      %max3A_3434 = arith.constant 0.000000e+00 : f32
      %max3A_3435 = vector.broadcast %max3A_3434 : f32 to vector<16xf32>
      %max3A_3436 = arith.maximumf %add3A_3433, %max3A_3435 : vector<16xf32>
      %sub3A_3437 = arith.subf %min3A_3429, %max3A_3427 : vector<16xf32>
      %add3A_3438 = arith.constant 1.000000e+00 : f32
      %add3A_3439 = vector.broadcast %add3A_3438 : f32 to vector<16xf32>
      %add3A_3440 = arith.addf %sub3A_3437, %add3A_3439 : vector<16xf32>
      %max3A_3441 = arith.constant 0.000000e+00 : f32
      %max3A_3442 = vector.broadcast %max3A_3441 : f32 to vector<16xf32>
      %max3A_3443 = arith.maximumf %add3A_3440, %max3A_3442 : vector<16xf32>
      %mul3A_3444 = arith.mulf %max3A_3436, %max3A_3443 : vector<16xf32>
      %add3A_3445 = arith.addf %get3A_3425, %gather3A_2170 : vector<16xf32>
      %sub3A_3446 = arith.subf %add3A_3445, %mul3A_3444 : vector<16xf32>
      %div3A_3447 = arith.divf %mul3A_3444, %sub3A_3446 : vector<16xf32>
      %max3A_3448 = arith.maximumf %get3A_3411, %get3A_2153 : vector<16xf32>
      %max3A_3449 = arith.maximumf %get3A_3415, %get3A_2158 : vector<16xf32>
      %min3A_3450 = arith.minimumf %get3A_3419, %get3A_2163 : vector<16xf32>
      %min3A_3451 = arith.minimumf %get3A_3423, %get3A_2168 : vector<16xf32>
      %sub3A_3452 = arith.subf %min3A_3450, %max3A_3448 : vector<16xf32>
      %add3A_3453 = arith.constant 1.000000e+00 : f32
      %add3A_3454 = vector.broadcast %add3A_3453 : f32 to vector<16xf32>
      %add3A_3455 = arith.addf %sub3A_3452, %add3A_3454 : vector<16xf32>
      %max3A_3456 = arith.constant 0.000000e+00 : f32
      %max3A_3457 = vector.broadcast %max3A_3456 : f32 to vector<16xf32>
      %max3A_3458 = arith.maximumf %add3A_3455, %max3A_3457 : vector<16xf32>
      %sub3A_3459 = arith.subf %min3A_3451, %max3A_3449 : vector<16xf32>
      %add3A_3460 = arith.constant 1.000000e+00 : f32
      %add3A_3461 = vector.broadcast %add3A_3460 : f32 to vector<16xf32>
      %add3A_3462 = arith.addf %sub3A_3459, %add3A_3461 : vector<16xf32>
      %max3A_3463 = arith.constant 0.000000e+00 : f32
      %max3A_3464 = vector.broadcast %max3A_3463 : f32 to vector<16xf32>
      %max3A_3465 = arith.maximumf %add3A_3462, %max3A_3464 : vector<16xf32>
      %mul3A_3466 = arith.mulf %max3A_3458, %max3A_3465 : vector<16xf32>
      %add3A_3467 = arith.addf %get3A_3425, %gather3A_2172 : vector<16xf32>
      %sub3A_3468 = arith.subf %add3A_3467, %mul3A_3466 : vector<16xf32>
      %div3A_3469 = arith.divf %mul3A_3466, %sub3A_3468 : vector<16xf32>
      %gt3A_3470 = arith.cmpf ogt, %div3A_3469, %div3A_3447 : vector<16xf32>
      %select_n3A_3471 = arith.select %gt3A_3470, %div3A_3469, %div3A_3447 : vector<16xi1>, vector<16xf32>
      %broadcast_in_dim3A_3472 = vector.broadcast %add3A_2128 : i32 to vector<16xi32>
      %broadcast_in_dim3A_3473 = vector.broadcast %mul3A_2126 : i32 to vector<16xi32>
      %select_n3A_3474 = arith.select %gt3A_3470, %broadcast_in_dim3A_3472, %broadcast_in_dim3A_3473 : vector<16xi1>, vector<16xi32>
      %get3A_3475 = arith.constant 224 : index
      %get3A_3476 = tpu.vector_load %arg13[%get3A_3475] {strides = array<i32>} : memref<288xf32, #tpu.memory_space<vmem>>, vector<16xf32>,
      %gt3A_3477 = arith.cmpf ogt, %select_n3A_3471, %get3A_3476 : vector<16xf32>
      %select_n3A_3478 = arith.select %gt3A_3477, %select_n3A_3471, %get3A_3476 : vector<16xi1>, vector<16xf32>
      %swap3A_3479 = arith.constant 224 : index
      %swap3A_3480 = tpu.vector_load %arg13[%swap3A_3479] {strides = array<i32>} : memref<288xf32, #tpu.memory_space<vmem>>, vector<16xf32>,
      tpu.vector_store %arg13[%swap3A_3479], %select_n3A_3478 {strides = array<i32>} : memref<288xf32, #tpu.memory_space<vmem>>, vector<16xf32>,
      %get3A_3481 = arith.constant 224 : index
      %get3A_3482 = tpu.vector_load %arg14[%get3A_3481] {strides = array<i32>} : memref<288xi32, #tpu.memory_space<vmem>>, vector<16xi32>,
      %select_n3A_3483 = arith.select %gt3A_3477, %select_n3A_3474, %get3A_3482 : vector<16xi1>, vector<16xi32>
      %swap3A_3484 = arith.constant 224 : index
      %swap3A_3485 = tpu.vector_load %arg14[%swap3A_3484] {strides = array<i32>} : memref<288xi32, #tpu.memory_space<vmem>>, vector<16xi32>,
      tpu.vector_store %arg14[%swap3A_3484], %select_n3A_3483 {strides = array<i32>} : memref<288xi32, #tpu.memory_space<vmem>>, vector<16xi32>,
      %gt3A_3486 = arith.cmpf ogt, %div3A_3447, %select_n3A_3402 : vector<16xf32>
      %jit3A_3487 = arith.constant 14 : i32
      %broadcast_in_dim3A_3488 = vector.broadcast %jit3A_3487 : i32 to vector<16xi32>
      %select_n3A_3489 = arith.select %gt3A_3486, %broadcast_in_dim3A_3488, %select_n3A_3401 : vector<16xi1>, vector<16xi32>
      %select_n3A_3490 = arith.select %gt3A_3486, %div3A_3447, %select_n3A_3402 : vector<16xi1>, vector<16xf32>
      %gt3A_3491 = arith.cmpf ogt, %div3A_3469, %select_n3A_3407 : vector<16xf32>
      %jit3A_3492 = arith.constant 14 : i32
      %broadcast_in_dim3A_3493 = vector.broadcast %jit3A_3492 : i32 to vector<16xi32>
      %select_n3A_3494 = arith.select %gt3A_3491, %broadcast_in_dim3A_3493, %select_n3A_3406 : vector<16xi1>, vector<16xi32>
      %select_n3A_3495 = arith.select %gt3A_3491, %div3A_3469, %select_n3A_3407 : vector<16xi1>, vector<16xf32>
      %get3A_3496 = arith.constant 0 : i32
      %get3A_3497 = arith.index_cast %get3A_3496 : i32 to index
      %get3A_3498 = arith.constant 240 : index
      %get3A_3499 = tpu.vector_load %arg9[%get3A_3497, %get3A_3498] {strides = array<i32>} : memref<4x288xf32, #tpu.memory_space<vmem>>, vector<16xf32>,
      %get3A_3500 = arith.constant 1 : i32
      %get3A_3501 = arith.index_cast %get3A_3500 : i32 to index
      %get3A_3502 = arith.constant 240 : index
      %get3A_3503 = tpu.vector_load %arg9[%get3A_3501, %get3A_3502] {strides = array<i32>} : memref<4x288xf32, #tpu.memory_space<vmem>>, vector<16xf32>,
      %get3A_3504 = arith.constant 2 : i32
      %get3A_3505 = arith.index_cast %get3A_3504 : i32 to index
      %get3A_3506 = arith.constant 240 : index
      %get3A_3507 = tpu.vector_load %arg9[%get3A_3505, %get3A_3506] {strides = array<i32>} : memref<4x288xf32, #tpu.memory_space<vmem>>, vector<16xf32>,
      %get3A_3508 = arith.constant 3 : i32
      %get3A_3509 = arith.index_cast %get3A_3508 : i32 to index
      %get3A_3510 = arith.constant 240 : index
      %get3A_3511 = tpu.vector_load %arg9[%get3A_3509, %get3A_3510] {strides = array<i32>} : memref<4x288xf32, #tpu.memory_space<vmem>>, vector<16xf32>,
      %get3A_3512 = arith.constant 240 : index
      %get3A_3513 = tpu.vector_load %arg12[%get3A_3512] {strides = array<i32>} : memref<288xf32, #tpu.memory_space<vmem>>, vector<16xf32>,
      %max3A_3514 = arith.maximumf %get3A_3499, %get3A_2133 : vector<16xf32>
      %max3A_3515 = arith.maximumf %get3A_3503, %get3A_2138 : vector<16xf32>
      %min3A_3516 = arith.minimumf %get3A_3507, %get3A_2143 : vector<16xf32>
      %min3A_3517 = arith.minimumf %get3A_3511, %get3A_2148 : vector<16xf32>
      %sub3A_3518 = arith.subf %min3A_3516, %max3A_3514 : vector<16xf32>
      %add3A_3519 = arith.constant 1.000000e+00 : f32
      %add3A_3520 = vector.broadcast %add3A_3519 : f32 to vector<16xf32>
      %add3A_3521 = arith.addf %sub3A_3518, %add3A_3520 : vector<16xf32>
      %max3A_3522 = arith.constant 0.000000e+00 : f32
      %max3A_3523 = vector.broadcast %max3A_3522 : f32 to vector<16xf32>
      %max3A_3524 = arith.maximumf %add3A_3521, %max3A_3523 : vector<16xf32>
      %sub3A_3525 = arith.subf %min3A_3517, %max3A_3515 : vector<16xf32>
      %add3A_3526 = arith.constant 1.000000e+00 : f32
      %add3A_3527 = vector.broadcast %add3A_3526 : f32 to vector<16xf32>
      %add3A_3528 = arith.addf %sub3A_3525, %add3A_3527 : vector<16xf32>
      %max3A_3529 = arith.constant 0.000000e+00 : f32
      %max3A_3530 = vector.broadcast %max3A_3529 : f32 to vector<16xf32>
      %max3A_3531 = arith.maximumf %add3A_3528, %max3A_3530 : vector<16xf32>
      %mul3A_3532 = arith.mulf %max3A_3524, %max3A_3531 : vector<16xf32>
      %add3A_3533 = arith.addf %get3A_3513, %gather3A_2170 : vector<16xf32>
      %sub3A_3534 = arith.subf %add3A_3533, %mul3A_3532 : vector<16xf32>
      %div3A_3535 = arith.divf %mul3A_3532, %sub3A_3534 : vector<16xf32>
      %max3A_3536 = arith.maximumf %get3A_3499, %get3A_2153 : vector<16xf32>
      %max3A_3537 = arith.maximumf %get3A_3503, %get3A_2158 : vector<16xf32>
      %min3A_3538 = arith.minimumf %get3A_3507, %get3A_2163 : vector<16xf32>
      %min3A_3539 = arith.minimumf %get3A_3511, %get3A_2168 : vector<16xf32>
      %sub3A_3540 = arith.subf %min3A_3538, %max3A_3536 : vector<16xf32>
      %add3A_3541 = arith.constant 1.000000e+00 : f32
      %add3A_3542 = vector.broadcast %add3A_3541 : f32 to vector<16xf32>
      %add3A_3543 = arith.addf %sub3A_3540, %add3A_3542 : vector<16xf32>
      %max3A_3544 = arith.constant 0.000000e+00 : f32
      %max3A_3545 = vector.broadcast %max3A_3544 : f32 to vector<16xf32>
      %max3A_3546 = arith.maximumf %add3A_3543, %max3A_3545 : vector<16xf32>
      %sub3A_3547 = arith.subf %min3A_3539, %max3A_3537 : vector<16xf32>
      %add3A_3548 = arith.constant 1.000000e+00 : f32
      %add3A_3549 = vector.broadcast %add3A_3548 : f32 to vector<16xf32>
      %add3A_3550 = arith.addf %sub3A_3547, %add3A_3549 : vector<16xf32>
      %max3A_3551 = arith.constant 0.000000e+00 : f32
      %max3A_3552 = vector.broadcast %max3A_3551 : f32 to vector<16xf32>
      %max3A_3553 = arith.maximumf %add3A_3550, %max3A_3552 : vector<16xf32>
      %mul3A_3554 = arith.mulf %max3A_3546, %max3A_3553 : vector<16xf32>
      %add3A_3555 = arith.addf %get3A_3513, %gather3A_2172 : vector<16xf32>
      %sub3A_3556 = arith.subf %add3A_3555, %mul3A_3554 : vector<16xf32>
      %div3A_3557 = arith.divf %mul3A_3554, %sub3A_3556 : vector<16xf32>
      %gt3A_3558 = arith.cmpf ogt, %div3A_3557, %div3A_3535 : vector<16xf32>
      %select_n3A_3559 = arith.select %gt3A_3558, %div3A_3557, %div3A_3535 : vector<16xi1>, vector<16xf32>
      %broadcast_in_dim3A_3560 = vector.broadcast %add3A_2128 : i32 to vector<16xi32>
      %broadcast_in_dim3A_3561 = vector.broadcast %mul3A_2126 : i32 to vector<16xi32>
      %select_n3A_3562 = arith.select %gt3A_3558, %broadcast_in_dim3A_3560, %broadcast_in_dim3A_3561 : vector<16xi1>, vector<16xi32>
      %get3A_3563 = arith.constant 240 : index
      %get3A_3564 = tpu.vector_load %arg13[%get3A_3563] {strides = array<i32>} : memref<288xf32, #tpu.memory_space<vmem>>, vector<16xf32>,
      %gt3A_3565 = arith.cmpf ogt, %select_n3A_3559, %get3A_3564 : vector<16xf32>
      %select_n3A_3566 = arith.select %gt3A_3565, %select_n3A_3559, %get3A_3564 : vector<16xi1>, vector<16xf32>
      %swap3A_3567 = arith.constant 240 : index
      %swap3A_3568 = tpu.vector_load %arg13[%swap3A_3567] {strides = array<i32>} : memref<288xf32, #tpu.memory_space<vmem>>, vector<16xf32>,
      tpu.vector_store %arg13[%swap3A_3567], %select_n3A_3566 {strides = array<i32>} : memref<288xf32, #tpu.memory_space<vmem>>, vector<16xf32>,
      %get3A_3569 = arith.constant 240 : index
      %get3A_3570 = tpu.vector_load %arg14[%get3A_3569] {strides = array<i32>} : memref<288xi32, #tpu.memory_space<vmem>>, vector<16xi32>,
      %select_n3A_3571 = arith.select %gt3A_3565, %select_n3A_3562, %get3A_3570 : vector<16xi1>, vector<16xi32>
      %swap3A_3572 = arith.constant 240 : index
      %swap3A_3573 = tpu.vector_load %arg14[%swap3A_3572] {strides = array<i32>} : memref<288xi32, #tpu.memory_space<vmem>>, vector<16xi32>,
      tpu.vector_store %arg14[%swap3A_3572], %select_n3A_3571 {strides = array<i32>} : memref<288xi32, #tpu.memory_space<vmem>>, vector<16xi32>,
      %gt3A_3574 = arith.cmpf ogt, %div3A_3535, %select_n3A_3490 : vector<16xf32>
      %jit3A_3575 = arith.constant 15 : i32
      %broadcast_in_dim3A_3576 = vector.broadcast %jit3A_3575 : i32 to vector<16xi32>
      %select_n3A_3577 = arith.select %gt3A_3574, %broadcast_in_dim3A_3576, %select_n3A_3489 : vector<16xi1>, vector<16xi32>
      %select_n3A_3578 = arith.select %gt3A_3574, %div3A_3535, %select_n3A_3490 : vector<16xi1>, vector<16xf32>
      %gt3A_3579 = arith.cmpf ogt, %div3A_3557, %select_n3A_3495 : vector<16xf32>
      %jit3A_3580 = arith.constant 15 : i32
      %broadcast_in_dim3A_3581 = vector.broadcast %jit3A_3580 : i32 to vector<16xi32>
      %select_n3A_3582 = arith.select %gt3A_3579, %broadcast_in_dim3A_3581, %select_n3A_3494 : vector<16xi1>, vector<16xi32>
      %select_n3A_3583 = arith.select %gt3A_3579, %div3A_3557, %select_n3A_3495 : vector<16xi1>, vector<16xf32>
      %get3A_3584 = arith.constant 0 : i32
      %get3A_3585 = arith.index_cast %get3A_3584 : i32 to index
      %get3A_3586 = arith.constant 256 : index
      %get3A_3587 = tpu.vector_load %arg9[%get3A_3585, %get3A_3586] {strides = array<i32>} : memref<4x288xf32, #tpu.memory_space<vmem>>, vector<16xf32>,
      %get3A_3588 = arith.constant 1 : i32
      %get3A_3589 = arith.index_cast %get3A_3588 : i32 to index
      %get3A_3590 = arith.constant 256 : index
      %get3A_3591 = tpu.vector_load %arg9[%get3A_3589, %get3A_3590] {strides = array<i32>} : memref<4x288xf32, #tpu.memory_space<vmem>>, vector<16xf32>,
      %get3A_3592 = arith.constant 2 : i32
      %get3A_3593 = arith.index_cast %get3A_3592 : i32 to index
      %get3A_3594 = arith.constant 256 : index
      %get3A_3595 = tpu.vector_load %arg9[%get3A_3593, %get3A_3594] {strides = array<i32>} : memref<4x288xf32, #tpu.memory_space<vmem>>, vector<16xf32>,
      %get3A_3596 = arith.constant 3 : i32
      %get3A_3597 = arith.index_cast %get3A_3596 : i32 to index
      %get3A_3598 = arith.constant 256 : index
      %get3A_3599 = tpu.vector_load %arg9[%get3A_3597, %get3A_3598] {strides = array<i32>} : memref<4x288xf32, #tpu.memory_space<vmem>>, vector<16xf32>,
      %get3A_3600 = arith.constant 256 : index
      %get3A_3601 = tpu.vector_load %arg12[%get3A_3600] {strides = array<i32>} : memref<288xf32, #tpu.memory_space<vmem>>, vector<16xf32>,
      %max3A_3602 = arith.maximumf %get3A_3587, %get3A_2133 : vector<16xf32>
      %max3A_3603 = arith.maximumf %get3A_3591, %get3A_2138 : vector<16xf32>
      %min3A_3604 = arith.minimumf %get3A_3595, %get3A_2143 : vector<16xf32>
      %min3A_3605 = arith.minimumf %get3A_3599, %get3A_2148 : vector<16xf32>
      %sub3A_3606 = arith.subf %min3A_3604, %max3A_3602 : vector<16xf32>
      %add3A_3607 = arith.constant 1.000000e+00 : f32
      %add3A_3608 = vector.broadcast %add3A_3607 : f32 to vector<16xf32>
      %add3A_3609 = arith.addf %sub3A_3606, %add3A_3608 : vector<16xf32>
      %max3A_3610 = arith.constant 0.000000e+00 : f32
      %max3A_3611 = vector.broadcast %max3A_3610 : f32 to vector<16xf32>
      %max3A_3612 = arith.maximumf %add3A_3609, %max3A_3611 : vector<16xf32>
      %sub3A_3613 = arith.subf %min3A_3605, %max3A_3603 : vector<16xf32>
      %add3A_3614 = arith.constant 1.000000e+00 : f32
      %add3A_3615 = vector.broadcast %add3A_3614 : f32 to vector<16xf32>
      %add3A_3616 = arith.addf %sub3A_3613, %add3A_3615 : vector<16xf32>
      %max3A_3617 = arith.constant 0.000000e+00 : f32
      %max3A_3618 = vector.broadcast %max3A_3617 : f32 to vector<16xf32>
      %max3A_3619 = arith.maximumf %add3A_3616, %max3A_3618 : vector<16xf32>
      %mul3A_3620 = arith.mulf %max3A_3612, %max3A_3619 : vector<16xf32>
      %add3A_3621 = arith.addf %get3A_3601, %gather3A_2170 : vector<16xf32>
      %sub3A_3622 = arith.subf %add3A_3621, %mul3A_3620 : vector<16xf32>
      %div3A_3623 = arith.divf %mul3A_3620, %sub3A_3622 : vector<16xf32>
      %max3A_3624 = arith.maximumf %get3A_3587, %get3A_2153 : vector<16xf32>
      %max3A_3625 = arith.maximumf %get3A_3591, %get3A_2158 : vector<16xf32>
      %min3A_3626 = arith.minimumf %get3A_3595, %get3A_2163 : vector<16xf32>
      %min3A_3627 = arith.minimumf %get3A_3599, %get3A_2168 : vector<16xf32>
      %sub3A_3628 = arith.subf %min3A_3626, %max3A_3624 : vector<16xf32>
      %add3A_3629 = arith.constant 1.000000e+00 : f32
      %add3A_3630 = vector.broadcast %add3A_3629 : f32 to vector<16xf32>
      %add3A_3631 = arith.addf %sub3A_3628, %add3A_3630 : vector<16xf32>
      %max3A_3632 = arith.constant 0.000000e+00 : f32
      %max3A_3633 = vector.broadcast %max3A_3632 : f32 to vector<16xf32>
      %max3A_3634 = arith.maximumf %add3A_3631, %max3A_3633 : vector<16xf32>
      %sub3A_3635 = arith.subf %min3A_3627, %max3A_3625 : vector<16xf32>
      %add3A_3636 = arith.constant 1.000000e+00 : f32
      %add3A_3637 = vector.broadcast %add3A_3636 : f32 to vector<16xf32>
      %add3A_3638 = arith.addf %sub3A_3635, %add3A_3637 : vector<16xf32>
      %max3A_3639 = arith.constant 0.000000e+00 : f32
      %max3A_3640 = vector.broadcast %max3A_3639 : f32 to vector<16xf32>
      %max3A_3641 = arith.maximumf %add3A_3638, %max3A_3640 : vector<16xf32>
      %mul3A_3642 = arith.mulf %max3A_3634, %max3A_3641 : vector<16xf32>
      %add3A_3643 = arith.addf %get3A_3601, %gather3A_2172 : vector<16xf32>
      %sub3A_3644 = arith.subf %add3A_3643, %mul3A_3642 : vector<16xf32>
      %div3A_3645 = arith.divf %mul3A_3642, %sub3A_3644 : vector<16xf32>
      %gt3A_3646 = arith.cmpf ogt, %div3A_3645, %div3A_3623 : vector<16xf32>
      %select_n3A_3647 = arith.select %gt3A_3646, %div3A_3645, %div3A_3623 : vector<16xi1>, vector<16xf32>
      %broadcast_in_dim3A_3648 = vector.broadcast %add3A_2128 : i32 to vector<16xi32>
      %broadcast_in_dim3A_3649 = vector.broadcast %mul3A_2126 : i32 to vector<16xi32>
      %select_n3A_3650 = arith.select %gt3A_3646, %broadcast_in_dim3A_3648, %broadcast_in_dim3A_3649 : vector<16xi1>, vector<16xi32>
      %get3A_3651 = arith.constant 256 : index
      %get3A_3652 = tpu.vector_load %arg13[%get3A_3651] {strides = array<i32>} : memref<288xf32, #tpu.memory_space<vmem>>, vector<16xf32>,
      %gt3A_3653 = arith.cmpf ogt, %select_n3A_3647, %get3A_3652 : vector<16xf32>
      %select_n3A_3654 = arith.select %gt3A_3653, %select_n3A_3647, %get3A_3652 : vector<16xi1>, vector<16xf32>
      %swap3A_3655 = arith.constant 256 : index
      %swap3A_3656 = tpu.vector_load %arg13[%swap3A_3655] {strides = array<i32>} : memref<288xf32, #tpu.memory_space<vmem>>, vector<16xf32>,
      tpu.vector_store %arg13[%swap3A_3655], %select_n3A_3654 {strides = array<i32>} : memref<288xf32, #tpu.memory_space<vmem>>, vector<16xf32>,
      %get3A_3657 = arith.constant 256 : index
      %get3A_3658 = tpu.vector_load %arg14[%get3A_3657] {strides = array<i32>} : memref<288xi32, #tpu.memory_space<vmem>>, vector<16xi32>,
      %select_n3A_3659 = arith.select %gt3A_3653, %select_n3A_3650, %get3A_3658 : vector<16xi1>, vector<16xi32>
      %swap3A_3660 = arith.constant 256 : index
      %swap3A_3661 = tpu.vector_load %arg14[%swap3A_3660] {strides = array<i32>} : memref<288xi32, #tpu.memory_space<vmem>>, vector<16xi32>,
      tpu.vector_store %arg14[%swap3A_3660], %select_n3A_3659 {strides = array<i32>} : memref<288xi32, #tpu.memory_space<vmem>>, vector<16xi32>,
      %gt3A_3662 = arith.cmpf ogt, %div3A_3623, %select_n3A_3578 : vector<16xf32>
      %jit3A_3663 = arith.constant 16 : i32
      %broadcast_in_dim3A_3664 = vector.broadcast %jit3A_3663 : i32 to vector<16xi32>
      %select_n3A_3665 = arith.select %gt3A_3662, %broadcast_in_dim3A_3664, %select_n3A_3577 : vector<16xi1>, vector<16xi32>
      %select_n3A_3666 = arith.select %gt3A_3662, %div3A_3623, %select_n3A_3578 : vector<16xi1>, vector<16xf32>
      %gt3A_3667 = arith.cmpf ogt, %div3A_3645, %select_n3A_3583 : vector<16xf32>
      %jit3A_3668 = arith.constant 16 : i32
      %broadcast_in_dim3A_3669 = vector.broadcast %jit3A_3668 : i32 to vector<16xi32>
      %select_n3A_3670 = arith.select %gt3A_3667, %broadcast_in_dim3A_3669, %select_n3A_3582 : vector<16xi1>, vector<16xi32>
      %select_n3A_3671 = arith.select %gt3A_3667, %div3A_3645, %select_n3A_3583 : vector<16xi1>, vector<16xf32>
      %get3A_3672 = arith.constant 0 : i32
      %get3A_3673 = arith.index_cast %get3A_3672 : i32 to index
      %get3A_3674 = arith.constant 272 : index
      %get3A_3675 = tpu.vector_load %arg9[%get3A_3673, %get3A_3674] {strides = array<i32>} : memref<4x288xf32, #tpu.memory_space<vmem>>, vector<16xf32>,
      %get3A_3676 = arith.constant 1 : i32
      %get3A_3677 = arith.index_cast %get3A_3676 : i32 to index
      %get3A_3678 = arith.constant 272 : index
      %get3A_3679 = tpu.vector_load %arg9[%get3A_3677, %get3A_3678] {strides = array<i32>} : memref<4x288xf32, #tpu.memory_space<vmem>>, vector<16xf32>,
      %get3A_3680 = arith.constant 2 : i32
      %get3A_3681 = arith.index_cast %get3A_3680 : i32 to index
      %get3A_3682 = arith.constant 272 : index
      %get3A_3683 = tpu.vector_load %arg9[%get3A_3681, %get3A_3682] {strides = array<i32>} : memref<4x288xf32, #tpu.memory_space<vmem>>, vector<16xf32>,
      %get3A_3684 = arith.constant 3 : i32
      %get3A_3685 = arith.index_cast %get3A_3684 : i32 to index
      %get3A_3686 = arith.constant 272 : index
      %get3A_3687 = tpu.vector_load %arg9[%get3A_3685, %get3A_3686] {strides = array<i32>} : memref<4x288xf32, #tpu.memory_space<vmem>>, vector<16xf32>,
      %get3A_3688 = arith.constant 272 : index
      %get3A_3689 = tpu.vector_load %arg12[%get3A_3688] {strides = array<i32>} : memref<288xf32, #tpu.memory_space<vmem>>, vector<16xf32>,
      %max3A_3690 = arith.maximumf %get3A_3675, %get3A_2133 : vector<16xf32>
      %max3A_3691 = arith.maximumf %get3A_3679, %get3A_2138 : vector<16xf32>
      %min3A_3692 = arith.minimumf %get3A_3683, %get3A_2143 : vector<16xf32>
      %min3A_3693 = arith.minimumf %get3A_3687, %get3A_2148 : vector<16xf32>
      %sub3A_3694 = arith.subf %min3A_3692, %max3A_3690 : vector<16xf32>
      %add3A_3695 = arith.constant 1.000000e+00 : f32
      %add3A_3696 = vector.broadcast %add3A_3695 : f32 to vector<16xf32>
      %add3A_3697 = arith.addf %sub3A_3694, %add3A_3696 : vector<16xf32>
      %max3A_3698 = arith.constant 0.000000e+00 : f32
      %max3A_3699 = vector.broadcast %max3A_3698 : f32 to vector<16xf32>
      %max3A_3700 = arith.maximumf %add3A_3697, %max3A_3699 : vector<16xf32>
      %sub3A_3701 = arith.subf %min3A_3693, %max3A_3691 : vector<16xf32>
      %add3A_3702 = arith.constant 1.000000e+00 : f32
      %add3A_3703 = vector.broadcast %add3A_3702 : f32 to vector<16xf32>
      %add3A_3704 = arith.addf %sub3A_3701, %add3A_3703 : vector<16xf32>
      %max3A_3705 = arith.constant 0.000000e+00 : f32
      %max3A_3706 = vector.broadcast %max3A_3705 : f32 to vector<16xf32>
      %max3A_3707 = arith.maximumf %add3A_3704, %max3A_3706 : vector<16xf32>
      %mul3A_3708 = arith.mulf %max3A_3700, %max3A_3707 : vector<16xf32>
      %add3A_3709 = arith.addf %get3A_3689, %gather3A_2170 : vector<16xf32>
      %sub3A_3710 = arith.subf %add3A_3709, %mul3A_3708 : vector<16xf32>
      %div3A_3711 = arith.divf %mul3A_3708, %sub3A_3710 : vector<16xf32>
      %max3A_3712 = arith.maximumf %get3A_3675, %get3A_2153 : vector<16xf32>
      %max3A_3713 = arith.maximumf %get3A_3679, %get3A_2158 : vector<16xf32>
      %min3A_3714 = arith.minimumf %get3A_3683, %get3A_2163 : vector<16xf32>
      %min3A_3715 = arith.minimumf %get3A_3687, %get3A_2168 : vector<16xf32>
      %sub3A_3716 = arith.subf %min3A_3714, %max3A_3712 : vector<16xf32>
      %add3A_3717 = arith.constant 1.000000e+00 : f32
      %add3A_3718 = vector.broadcast %add3A_3717 : f32 to vector<16xf32>
      %add3A_3719 = arith.addf %sub3A_3716, %add3A_3718 : vector<16xf32>
      %max3A_3720 = arith.constant 0.000000e+00 : f32
      %max3A_3721 = vector.broadcast %max3A_3720 : f32 to vector<16xf32>
      %max3A_3722 = arith.maximumf %add3A_3719, %max3A_3721 : vector<16xf32>
      %sub3A_3723 = arith.subf %min3A_3715, %max3A_3713 : vector<16xf32>
      %add3A_3724 = arith.constant 1.000000e+00 : f32
      %add3A_3725 = vector.broadcast %add3A_3724 : f32 to vector<16xf32>
      %add3A_3726 = arith.addf %sub3A_3723, %add3A_3725 : vector<16xf32>
      %max3A_3727 = arith.constant 0.000000e+00 : f32
      %max3A_3728 = vector.broadcast %max3A_3727 : f32 to vector<16xf32>
      %max3A_3729 = arith.maximumf %add3A_3726, %max3A_3728 : vector<16xf32>
      %mul3A_3730 = arith.mulf %max3A_3722, %max3A_3729 : vector<16xf32>
      %add3A_3731 = arith.addf %get3A_3689, %gather3A_2172 : vector<16xf32>
      %sub3A_3732 = arith.subf %add3A_3731, %mul3A_3730 : vector<16xf32>
      %div3A_3733 = arith.divf %mul3A_3730, %sub3A_3732 : vector<16xf32>
      %gt3A_3734 = arith.cmpf ogt, %div3A_3733, %div3A_3711 : vector<16xf32>
      %select_n3A_3735 = arith.select %gt3A_3734, %div3A_3733, %div3A_3711 : vector<16xi1>, vector<16xf32>
      %broadcast_in_dim3A_3736 = vector.broadcast %add3A_2128 : i32 to vector<16xi32>
      %broadcast_in_dim3A_3737 = vector.broadcast %mul3A_2126 : i32 to vector<16xi32>
      %select_n3A_3738 = arith.select %gt3A_3734, %broadcast_in_dim3A_3736, %broadcast_in_dim3A_3737 : vector<16xi1>, vector<16xi32>
      %get3A_3739 = arith.constant 272 : index
      %get3A_3740 = tpu.vector_load %arg13[%get3A_3739] {strides = array<i32>} : memref<288xf32, #tpu.memory_space<vmem>>, vector<16xf32>,
      %gt3A_3741 = arith.cmpf ogt, %select_n3A_3735, %get3A_3740 : vector<16xf32>
      %select_n3A_3742 = arith.select %gt3A_3741, %select_n3A_3735, %get3A_3740 : vector<16xi1>, vector<16xf32>
      %swap3A_3743 = arith.constant 272 : index
      %swap3A_3744 = tpu.vector_load %arg13[%swap3A_3743] {strides = array<i32>} : memref<288xf32, #tpu.memory_space<vmem>>, vector<16xf32>,
      tpu.vector_store %arg13[%swap3A_3743], %select_n3A_3742 {strides = array<i32>} : memref<288xf32, #tpu.memory_space<vmem>>, vector<16xf32>,
      %get3A_3745 = arith.constant 272 : index
      %get3A_3746 = tpu.vector_load %arg14[%get3A_3745] {strides = array<i32>} : memref<288xi32, #tpu.memory_space<vmem>>, vector<16xi32>,
      %select_n3A_3747 = arith.select %gt3A_3741, %select_n3A_3738, %get3A_3746 : vector<16xi1>, vector<16xi32>
      %swap3A_3748 = arith.constant 272 : index
      %swap3A_3749 = tpu.vector_load %arg14[%swap3A_3748] {strides = array<i32>} : memref<288xi32, #tpu.memory_space<vmem>>, vector<16xi32>,
      tpu.vector_store %arg14[%swap3A_3748], %select_n3A_3747 {strides = array<i32>} : memref<288xi32, #tpu.memory_space<vmem>>, vector<16xi32>,
      %gt3A_3750 = arith.cmpf ogt, %div3A_3711, %select_n3A_3666 : vector<16xf32>
      %jit3A_3751 = arith.constant 17 : i32
      %broadcast_in_dim3A_3752 = vector.broadcast %jit3A_3751 : i32 to vector<16xi32>
      %select_n3A_3753 = arith.select %gt3A_3750, %broadcast_in_dim3A_3752, %select_n3A_3665 : vector<16xi1>, vector<16xi32>
      %select_n3A_3754 = arith.select %gt3A_3750, %div3A_3711, %select_n3A_3666 : vector<16xi1>, vector<16xf32>
      %gt3A_3755 = arith.cmpf ogt, %div3A_3733, %select_n3A_3671 : vector<16xf32>
      %jit3A_3756 = arith.constant 17 : i32
      %broadcast_in_dim3A_3757 = vector.broadcast %jit3A_3756 : i32 to vector<16xi32>
      %select_n3A_3758 = arith.select %gt3A_3755, %broadcast_in_dim3A_3757, %select_n3A_3670 : vector<16xi1>, vector<16xi32>
      %select_n3A_3759 = arith.select %gt3A_3755, %div3A_3733, %select_n3A_3671 : vector<16xi1>, vector<16xf32>
      %swap3A_3760 = arith.index_cast %mul3A_2126 : i32 to index
      %swap3A_3761 = arith.constant 0 : index
      %swap3A_3762 = tpu.vector_load %arg15[%swap3A_3760, %swap3A_3761] {strides = array<i32>} : memref<100x16xf32, #tpu.memory_space<vmem>>, vector<16xf32>,
      tpu.vector_store %arg15[%swap3A_3760, %swap3A_3761], %select_n3A_3754 {strides = array<i32>} : memref<100x16xf32, #tpu.memory_space<vmem>>, vector<16xf32>,
      %mul3A_3763 = arith.constant 16 : i32
      %mul3A_3764 = vector.broadcast %mul3A_3763 : i32 to vector<16xi32>
      %mul3A_3765 = arith.muli %select_n3A_3753, %mul3A_3764 : vector<16xi32>
      %add3A_3766 = vector.broadcast %mul3A_1041 : i32 to vector<16xi32>
      %add3A_3767 = arith.addi %add3A_3766, %mul3A_3765 : vector<16xi32>
      %add3A_3768 = arith.addi %add3A_3767, %iota3A : vector<16xi32>
      %swap3A_3769 = arith.index_cast %mul3A_2126 : i32 to index
      %swap3A_3770 = arith.constant 0 : index
      %swap3A_3771 = tpu.vector_load %arg16[%swap3A_3769, %swap3A_3770] {strides = array<i32>} : memref<100x16xi32, #tpu.memory_space<vmem>>, vector<16xi32>,
      tpu.vector_store %arg16[%swap3A_3769, %swap3A_3770], %add3A_3768 {strides = array<i32>} : memref<100x16xi32, #tpu.memory_space<vmem>>, vector<16xi32>,
      %swap3A_3772 = arith.index_cast %add3A_2128 : i32 to index
      %swap3A_3773 = arith.constant 0 : index
      %swap3A_3774 = tpu.vector_load %arg15[%swap3A_3772, %swap3A_3773] {strides = array<i32>} : memref<100x16xf32, #tpu.memory_space<vmem>>, vector<16xf32>,
      tpu.vector_store %arg15[%swap3A_3772, %swap3A_3773], %select_n3A_3759 {strides = array<i32>} : memref<100x16xf32, #tpu.memory_space<vmem>>, vector<16xf32>,
      %mul3A_3775 = arith.constant 16 : i32
      %mul3A_3776 = vector.broadcast %mul3A_3775 : i32 to vector<16xi32>
      %mul3A_3777 = arith.muli %select_n3A_3758, %mul3A_3776 : vector<16xi32>
      %add3A_3778 = vector.broadcast %mul3A_1041 : i32 to vector<16xi32>
      %add3A_3779 = arith.addi %add3A_3778, %mul3A_3777 : vector<16xi32>
      %add3A_3780 = arith.addi %add3A_3779, %iota3A : vector<16xi32>
      %swap3A_3781 = arith.index_cast %add3A_2128 : i32 to index
      %swap3A_3782 = arith.constant 0 : index
      %swap3A_3783 = tpu.vector_load %arg16[%swap3A_3781, %swap3A_3782] {strides = array<i32>} : memref<100x16xi32, #tpu.memory_space<vmem>>, vector<16xi32>,
      tpu.vector_store %arg16[%swap3A_3781, %swap3A_3782], %add3A_3780 {strides = array<i32>} : memref<100x16xi32, #tpu.memory_space<vmem>>, vector<16xi32>,
    }
    %scan3A_1045 = arith.constant 50 : i32
    %get3A_1046 = arith.constant 0 : index
    %get3A_1047 = tpu.vector_load %arg14[%get3A_1046] {strides = array<i32>} : memref<288xi32, #tpu.memory_space<vmem>>, vector<16xi32>,
    %gather3A = tpu.vector_load_idx %arg20[%get3A_1047] : memref<112xf32, #tpu.memory_space<vmem>>[vector<16xi32>], vector<16xf32>,
    %gather3A_1048 = tpu.vector_load_idx %arg21[%get3A_1047] : memref<112xf32, #tpu.memory_space<vmem>>[vector<16xi32>], vector<16xf32>,
    %gather3A_1049 = tpu.vector_load_idx %arg18[%get3A_1047] : memref<112xf32, #tpu.memory_space<vmem>>[vector<16xi32>], vector<16xf32>,
    %gather3A_1050 = tpu.vector_load_idx %arg19[%get3A_1047] : memref<112xf32, #tpu.memory_space<vmem>>[vector<16xi32>], vector<16xf32>,
    %get3A_1051 = arith.constant 0 : i32
    %get3A_1052 = arith.index_cast %get3A_1051 : i32 to index
    %get3A_1053 = arith.constant 0 : index
    %get3A_1054 = tpu.vector_load %arg9[%get3A_1052, %get3A_1053] {strides = array<i32>} : memref<4x288xf32, #tpu.memory_space<vmem>>, vector<16xf32>,
    %get3A_1055 = arith.constant 1 : i32
    %get3A_1056 = arith.index_cast %get3A_1055 : i32 to index
    %get3A_1057 = arith.constant 0 : index
    %get3A_1058 = tpu.vector_load %arg9[%get3A_1056, %get3A_1057] {strides = array<i32>} : memref<4x288xf32, #tpu.memory_space<vmem>>, vector<16xf32>,
    %get3A_1059 = arith.constant 2 : i32
    %get3A_1060 = arith.index_cast %get3A_1059 : i32 to index
    %get3A_1061 = arith.constant 0 : index
    %get3A_1062 = tpu.vector_load %arg9[%get3A_1060, %get3A_1061] {strides = array<i32>} : memref<4x288xf32, #tpu.memory_space<vmem>>, vector<16xf32>,
    %get3A_1063 = arith.constant 3 : i32
    %get3A_1064 = arith.index_cast %get3A_1063 : i32 to index
    %get3A_1065 = arith.constant 0 : index
    %get3A_1066 = tpu.vector_load %arg9[%get3A_1064, %get3A_1065] {strides = array<i32>} : memref<4x288xf32, #tpu.memory_space<vmem>>, vector<16xf32>,
    %sub3A_1067 = arith.subf %get3A_1062, %get3A_1054 : vector<16xf32>
    %add3A_1068 = arith.constant 1.000000e+00 : f32
    %add3A_1069 = vector.broadcast %add3A_1068 : f32 to vector<16xf32>
    %add3A_1070 = arith.addf %sub3A_1067, %add3A_1069 : vector<16xf32>
    %sub3A_1071 = arith.subf %get3A_1066, %get3A_1058 : vector<16xf32>
    %add3A_1072 = arith.constant 1.000000e+00 : f32
    %add3A_1073 = vector.broadcast %add3A_1072 : f32 to vector<16xf32>
    %add3A_1074 = arith.addf %sub3A_1071, %add3A_1073 : vector<16xf32>
    %mul3A_1075 = arith.constant 5.000000e-01 : f32
    %mul3A_1076 = vector.broadcast %mul3A_1075 : f32 to vector<16xf32>
    %mul3A_1077 = arith.mulf %mul3A_1076, %add3A_1070 : vector<16xf32>
    %add3A_1078 = arith.addf %get3A_1054, %mul3A_1077 : vector<16xf32>
    %mul3A_1079 = arith.constant 5.000000e-01 : f32
    %mul3A_1080 = vector.broadcast %mul3A_1079 : f32 to vector<16xf32>
    %mul3A_1081 = arith.mulf %mul3A_1080, %add3A_1074 : vector<16xf32>
    %add3A_1082 = arith.addf %get3A_1058, %mul3A_1081 : vector<16xf32>
    %sub3A_1083 = arith.subf %gather3A, %add3A_1078 : vector<16xf32>
    %div3A = arith.divf %sub3A_1083, %add3A_1070 : vector<16xf32>
    %swap3A_1084 = arith.constant 0 : i32
    %swap3A_1085 = arith.index_cast %swap3A_1084 : i32 to index
    %swap3A_1086 = arith.constant 0 : index
    %swap3A_1087 = tpu.vector_load %arg22[%swap3A_1085, %swap3A_1086] {strides = array<i32>} : memref<4x288xf32, #tpu.memory_space<vmem>>, vector<16xf32>,
    tpu.vector_store %arg22[%swap3A_1085, %swap3A_1086], %div3A {strides = array<i32>} : memref<4x288xf32, #tpu.memory_space<vmem>>, vector<16xf32>,
    %sub3A_1088 = arith.subf %gather3A_1048, %add3A_1082 : vector<16xf32>
    %div3A_1089 = arith.divf %sub3A_1088, %add3A_1074 : vector<16xf32>
    %swap3A_1090 = arith.constant 1 : i32
    %swap3A_1091 = arith.index_cast %swap3A_1090 : i32 to index
    %swap3A_1092 = arith.constant 0 : index
    %swap3A_1093 = tpu.vector_load %arg22[%swap3A_1091, %swap3A_1092] {strides = array<i32>} : memref<4x288xf32, #tpu.memory_space<vmem>>, vector<16xf32>,
    tpu.vector_store %arg22[%swap3A_1091, %swap3A_1092], %div3A_1089 {strides = array<i32>} : memref<4x288xf32, #tpu.memory_space<vmem>>, vector<16xf32>,
    %div3A_1094 = arith.divf %gather3A_1049, %add3A_1070 : vector<16xf32>
    %swap3A_1095 = arith.constant 2 : i32
    %swap3A_1096 = arith.index_cast %swap3A_1095 : i32 to index
    %swap3A_1097 = arith.constant 0 : index
    %swap3A_1098 = tpu.vector_load %arg22[%swap3A_1096, %swap3A_1097] {strides = array<i32>} : memref<4x288xf32, #tpu.memory_space<vmem>>, vector<16xf32>,
    tpu.vector_store %arg22[%swap3A_1096, %swap3A_1097], %div3A_1094 {strides = array<i32>} : memref<4x288xf32, #tpu.memory_space<vmem>>, vector<16xf32>,
    %div3A_1099 = arith.divf %gather3A_1050, %add3A_1074 : vector<16xf32>
    %swap3A_1100 = arith.constant 3 : i32
    %swap3A_1101 = arith.index_cast %swap3A_1100 : i32 to index
    %swap3A_1102 = arith.constant 0 : index
    %swap3A_1103 = tpu.vector_load %arg22[%swap3A_1101, %swap3A_1102] {strides = array<i32>} : memref<4x288xf32, #tpu.memory_space<vmem>>, vector<16xf32>,
    tpu.vector_store %arg22[%swap3A_1101, %swap3A_1102], %div3A_1099 {strides = array<i32>} : memref<4x288xf32, #tpu.memory_space<vmem>>, vector<16xf32>,
    %get3A_1104 = arith.constant 16 : index
    %get3A_1105 = tpu.vector_load %arg14[%get3A_1104] {strides = array<i32>} : memref<288xi32, #tpu.memory_space<vmem>>, vector<16xi32>,
    %gather3A_1106 = tpu.vector_load_idx %arg20[%get3A_1105] : memref<112xf32, #tpu.memory_space<vmem>>[vector<16xi32>], vector<16xf32>,
    %gather3A_1107 = tpu.vector_load_idx %arg21[%get3A_1105] : memref<112xf32, #tpu.memory_space<vmem>>[vector<16xi32>], vector<16xf32>,
    %gather3A_1108 = tpu.vector_load_idx %arg18[%get3A_1105] : memref<112xf32, #tpu.memory_space<vmem>>[vector<16xi32>], vector<16xf32>,
    %gather3A_1109 = tpu.vector_load_idx %arg19[%get3A_1105] : memref<112xf32, #tpu.memory_space<vmem>>[vector<16xi32>], vector<16xf32>,
    %get3A_1110 = arith.constant 0 : i32
    %get3A_1111 = arith.index_cast %get3A_1110 : i32 to index
    %get3A_1112 = arith.constant 16 : index
    %get3A_1113 = tpu.vector_load %arg9[%get3A_1111, %get3A_1112] {strides = array<i32>} : memref<4x288xf32, #tpu.memory_space<vmem>>, vector<16xf32>,
    %get3A_1114 = arith.constant 1 : i32
    %get3A_1115 = arith.index_cast %get3A_1114 : i32 to index
    %get3A_1116 = arith.constant 16 : index
    %get3A_1117 = tpu.vector_load %arg9[%get3A_1115, %get3A_1116] {strides = array<i32>} : memref<4x288xf32, #tpu.memory_space<vmem>>, vector<16xf32>,
    %get3A_1118 = arith.constant 2 : i32
    %get3A_1119 = arith.index_cast %get3A_1118 : i32 to index
    %get3A_1120 = arith.constant 16 : index
    %get3A_1121 = tpu.vector_load %arg9[%get3A_1119, %get3A_1120] {strides = array<i32>} : memref<4x288xf32, #tpu.memory_space<vmem>>, vector<16xf32>,
    %get3A_1122 = arith.constant 3 : i32
    %get3A_1123 = arith.index_cast %get3A_1122 : i32 to index
    %get3A_1124 = arith.constant 16 : index
    %get3A_1125 = tpu.vector_load %arg9[%get3A_1123, %get3A_1124] {strides = array<i32>} : memref<4x288xf32, #tpu.memory_space<vmem>>, vector<16xf32>,
    %sub3A_1126 = arith.subf %get3A_1121, %get3A_1113 : vector<16xf32>
    %add3A_1127 = arith.constant 1.000000e+00 : f32
    %add3A_1128 = vector.broadcast %add3A_1127 : f32 to vector<16xf32>
    %add3A_1129 = arith.addf %sub3A_1126, %add3A_1128 : vector<16xf32>
    %sub3A_1130 = arith.subf %get3A_1125, %get3A_1117 : vector<16xf32>
    %add3A_1131 = arith.constant 1.000000e+00 : f32
    %add3A_1132 = vector.broadcast %add3A_1131 : f32 to vector<16xf32>
    %add3A_1133 = arith.addf %sub3A_1130, %add3A_1132 : vector<16xf32>
    %mul3A_1134 = arith.constant 5.000000e-01 : f32
    %mul3A_1135 = vector.broadcast %mul3A_1134 : f32 to vector<16xf32>
    %mul3A_1136 = arith.mulf %mul3A_1135, %add3A_1129 : vector<16xf32>
    %add3A_1137 = arith.addf %get3A_1113, %mul3A_1136 : vector<16xf32>
    %mul3A_1138 = arith.constant 5.000000e-01 : f32
    %mul3A_1139 = vector.broadcast %mul3A_1138 : f32 to vector<16xf32>
    %mul3A_1140 = arith.mulf %mul3A_1139, %add3A_1133 : vector<16xf32>
    %add3A_1141 = arith.addf %get3A_1117, %mul3A_1140 : vector<16xf32>
    %sub3A_1142 = arith.subf %gather3A_1106, %add3A_1137 : vector<16xf32>
    %div3A_1143 = arith.divf %sub3A_1142, %add3A_1129 : vector<16xf32>
    %swap3A_1144 = arith.constant 0 : i32
    %swap3A_1145 = arith.index_cast %swap3A_1144 : i32 to index
    %swap3A_1146 = arith.constant 16 : index
    %swap3A_1147 = tpu.vector_load %arg22[%swap3A_1145, %swap3A_1146] {strides = array<i32>} : memref<4x288xf32, #tpu.memory_space<vmem>>, vector<16xf32>,
    tpu.vector_store %arg22[%swap3A_1145, %swap3A_1146], %div3A_1143 {strides = array<i32>} : memref<4x288xf32, #tpu.memory_space<vmem>>, vector<16xf32>,
    %sub3A_1148 = arith.subf %gather3A_1107, %add3A_1141 : vector<16xf32>
    %div3A_1149 = arith.divf %sub3A_1148, %add3A_1133 : vector<16xf32>
    %swap3A_1150 = arith.constant 1 : i32
    %swap3A_1151 = arith.index_cast %swap3A_1150 : i32 to index
    %swap3A_1152 = arith.constant 16 : index
    %swap3A_1153 = tpu.vector_load %arg22[%swap3A_1151, %swap3A_1152] {strides = array<i32>} : memref<4x288xf32, #tpu.memory_space<vmem>>, vector<16xf32>,
    tpu.vector_store %arg22[%swap3A_1151, %swap3A_1152], %div3A_1149 {strides = array<i32>} : memref<4x288xf32, #tpu.memory_space<vmem>>, vector<16xf32>,
    %div3A_1154 = arith.divf %gather3A_1108, %add3A_1129 : vector<16xf32>
    %swap3A_1155 = arith.constant 2 : i32
    %swap3A_1156 = arith.index_cast %swap3A_1155 : i32 to index
    %swap3A_1157 = arith.constant 16 : index
    %swap3A_1158 = tpu.vector_load %arg22[%swap3A_1156, %swap3A_1157] {strides = array<i32>} : memref<4x288xf32, #tpu.memory_space<vmem>>, vector<16xf32>,
    tpu.vector_store %arg22[%swap3A_1156, %swap3A_1157], %div3A_1154 {strides = array<i32>} : memref<4x288xf32, #tpu.memory_space<vmem>>, vector<16xf32>,
    %div3A_1159 = arith.divf %gather3A_1109, %add3A_1133 : vector<16xf32>
    %swap3A_1160 = arith.constant 3 : i32
    %swap3A_1161 = arith.index_cast %swap3A_1160 : i32 to index
    %swap3A_1162 = arith.constant 16 : index
    %swap3A_1163 = tpu.vector_load %arg22[%swap3A_1161, %swap3A_1162] {strides = array<i32>} : memref<4x288xf32, #tpu.memory_space<vmem>>, vector<16xf32>,
    tpu.vector_store %arg22[%swap3A_1161, %swap3A_1162], %div3A_1159 {strides = array<i32>} : memref<4x288xf32, #tpu.memory_space<vmem>>, vector<16xf32>,
    %get3A_1164 = arith.constant 32 : index
    %get3A_1165 = tpu.vector_load %arg14[%get3A_1164] {strides = array<i32>} : memref<288xi32, #tpu.memory_space<vmem>>, vector<16xi32>,
    %gather3A_1166 = tpu.vector_load_idx %arg20[%get3A_1165] : memref<112xf32, #tpu.memory_space<vmem>>[vector<16xi32>], vector<16xf32>,
    %gather3A_1167 = tpu.vector_load_idx %arg21[%get3A_1165] : memref<112xf32, #tpu.memory_space<vmem>>[vector<16xi32>], vector<16xf32>,
    %gather3A_1168 = tpu.vector_load_idx %arg18[%get3A_1165] : memref<112xf32, #tpu.memory_space<vmem>>[vector<16xi32>], vector<16xf32>,
    %gather3A_1169 = tpu.vector_load_idx %arg19[%get3A_1165] : memref<112xf32, #tpu.memory_space<vmem>>[vector<16xi32>], vector<16xf32>,
    %get3A_1170 = arith.constant 0 : i32
    %get3A_1171 = arith.index_cast %get3A_1170 : i32 to index
    %get3A_1172 = arith.constant 32 : index
    %get3A_1173 = tpu.vector_load %arg9[%get3A_1171, %get3A_1172] {strides = array<i32>} : memref<4x288xf32, #tpu.memory_space<vmem>>, vector<16xf32>,
    %get3A_1174 = arith.constant 1 : i32
    %get3A_1175 = arith.index_cast %get3A_1174 : i32 to index
    %get3A_1176 = arith.constant 32 : index
    %get3A_1177 = tpu.vector_load %arg9[%get3A_1175, %get3A_1176] {strides = array<i32>} : memref<4x288xf32, #tpu.memory_space<vmem>>, vector<16xf32>,
    %get3A_1178 = arith.constant 2 : i32
    %get3A_1179 = arith.index_cast %get3A_1178 : i32 to index
    %get3A_1180 = arith.constant 32 : index
    %get3A_1181 = tpu.vector_load %arg9[%get3A_1179, %get3A_1180] {strides = array<i32>} : memref<4x288xf32, #tpu.memory_space<vmem>>, vector<16xf32>,
    %get3A_1182 = arith.constant 3 : i32
    %get3A_1183 = arith.index_cast %get3A_1182 : i32 to index
    %get3A_1184 = arith.constant 32 : index
    %get3A_1185 = tpu.vector_load %arg9[%get3A_1183, %get3A_1184] {strides = array<i32>} : memref<4x288xf32, #tpu.memory_space<vmem>>, vector<16xf32>,
    %sub3A_1186 = arith.subf %get3A_1181, %get3A_1173 : vector<16xf32>
    %add3A_1187 = arith.constant 1.000000e+00 : f32
    %add3A_1188 = vector.broadcast %add3A_1187 : f32 to vector<16xf32>
    %add3A_1189 = arith.addf %sub3A_1186, %add3A_1188 : vector<16xf32>
    %sub3A_1190 = arith.subf %get3A_1185, %get3A_1177 : vector<16xf32>
    %add3A_1191 = arith.constant 1.000000e+00 : f32
    %add3A_1192 = vector.broadcast %add3A_1191 : f32 to vector<16xf32>
    %add3A_1193 = arith.addf %sub3A_1190, %add3A_1192 : vector<16xf32>
    %mul3A_1194 = arith.constant 5.000000e-01 : f32
    %mul3A_1195 = vector.broadcast %mul3A_1194 : f32 to vector<16xf32>
    %mul3A_1196 = arith.mulf %mul3A_1195, %add3A_1189 : vector<16xf32>
    %add3A_1197 = arith.addf %get3A_1173, %mul3A_1196 : vector<16xf32>
    %mul3A_1198 = arith.constant 5.000000e-01 : f32
    %mul3A_1199 = vector.broadcast %mul3A_1198 : f32 to vector<16xf32>
    %mul3A_1200 = arith.mulf %mul3A_1199, %add3A_1193 : vector<16xf32>
    %add3A_1201 = arith.addf %get3A_1177, %mul3A_1200 : vector<16xf32>
    %sub3A_1202 = arith.subf %gather3A_1166, %add3A_1197 : vector<16xf32>
    %div3A_1203 = arith.divf %sub3A_1202, %add3A_1189 : vector<16xf32>
    %swap3A_1204 = arith.constant 0 : i32
    %swap3A_1205 = arith.index_cast %swap3A_1204 : i32 to index
    %swap3A_1206 = arith.constant 32 : index
    %swap3A_1207 = tpu.vector_load %arg22[%swap3A_1205, %swap3A_1206] {strides = array<i32>} : memref<4x288xf32, #tpu.memory_space<vmem>>, vector<16xf32>,
    tpu.vector_store %arg22[%swap3A_1205, %swap3A_1206], %div3A_1203 {strides = array<i32>} : memref<4x288xf32, #tpu.memory_space<vmem>>, vector<16xf32>,
    %sub3A_1208 = arith.subf %gather3A_1167, %add3A_1201 : vector<16xf32>
    %div3A_1209 = arith.divf %sub3A_1208, %add3A_1193 : vector<16xf32>
    %swap3A_1210 = arith.constant 1 : i32
    %swap3A_1211 = arith.index_cast %swap3A_1210 : i32 to index
    %swap3A_1212 = arith.constant 32 : index
    %swap3A_1213 = tpu.vector_load %arg22[%swap3A_1211, %swap3A_1212] {strides = array<i32>} : memref<4x288xf32, #tpu.memory_space<vmem>>, vector<16xf32>,
    tpu.vector_store %arg22[%swap3A_1211, %swap3A_1212], %div3A_1209 {strides = array<i32>} : memref<4x288xf32, #tpu.memory_space<vmem>>, vector<16xf32>,
    %div3A_1214 = arith.divf %gather3A_1168, %add3A_1189 : vector<16xf32>
    %swap3A_1215 = arith.constant 2 : i32
    %swap3A_1216 = arith.index_cast %swap3A_1215 : i32 to index
    %swap3A_1217 = arith.constant 32 : index
    %swap3A_1218 = tpu.vector_load %arg22[%swap3A_1216, %swap3A_1217] {strides = array<i32>} : memref<4x288xf32, #tpu.memory_space<vmem>>, vector<16xf32>,
    tpu.vector_store %arg22[%swap3A_1216, %swap3A_1217], %div3A_1214 {strides = array<i32>} : memref<4x288xf32, #tpu.memory_space<vmem>>, vector<16xf32>,
    %div3A_1219 = arith.divf %gather3A_1169, %add3A_1193 : vector<16xf32>
    %swap3A_1220 = arith.constant 3 : i32
    %swap3A_1221 = arith.index_cast %swap3A_1220 : i32 to index
    %swap3A_1222 = arith.constant 32 : index
    %swap3A_1223 = tpu.vector_load %arg22[%swap3A_1221, %swap3A_1222] {strides = array<i32>} : memref<4x288xf32, #tpu.memory_space<vmem>>, vector<16xf32>,
    tpu.vector_store %arg22[%swap3A_1221, %swap3A_1222], %div3A_1219 {strides = array<i32>} : memref<4x288xf32, #tpu.memory_space<vmem>>, vector<16xf32>,
    %get3A_1224 = arith.constant 48 : index
    %get3A_1225 = tpu.vector_load %arg14[%get3A_1224] {strides = array<i32>} : memref<288xi32, #tpu.memory_space<vmem>>, vector<16xi32>,
    %gather3A_1226 = tpu.vector_load_idx %arg20[%get3A_1225] : memref<112xf32, #tpu.memory_space<vmem>>[vector<16xi32>], vector<16xf32>,
    %gather3A_1227 = tpu.vector_load_idx %arg21[%get3A_1225] : memref<112xf32, #tpu.memory_space<vmem>>[vector<16xi32>], vector<16xf32>,
    %gather3A_1228 = tpu.vector_load_idx %arg18[%get3A_1225] : memref<112xf32, #tpu.memory_space<vmem>>[vector<16xi32>], vector<16xf32>,
    %gather3A_1229 = tpu.vector_load_idx %arg19[%get3A_1225] : memref<112xf32, #tpu.memory_space<vmem>>[vector<16xi32>], vector<16xf32>,
    %get3A_1230 = arith.constant 0 : i32
    %get3A_1231 = arith.index_cast %get3A_1230 : i32 to index
    %get3A_1232 = arith.constant 48 : index
    %get3A_1233 = tpu.vector_load %arg9[%get3A_1231, %get3A_1232] {strides = array<i32>} : memref<4x288xf32, #tpu.memory_space<vmem>>, vector<16xf32>,
    %get3A_1234 = arith.constant 1 : i32
    %get3A_1235 = arith.index_cast %get3A_1234 : i32 to index
    %get3A_1236 = arith.constant 48 : index
    %get3A_1237 = tpu.vector_load %arg9[%get3A_1235, %get3A_1236] {strides = array<i32>} : memref<4x288xf32, #tpu.memory_space<vmem>>, vector<16xf32>,
    %get3A_1238 = arith.constant 2 : i32
    %get3A_1239 = arith.index_cast %get3A_1238 : i32 to index
    %get3A_1240 = arith.constant 48 : index
    %get3A_1241 = tpu.vector_load %arg9[%get3A_1239, %get3A_1240] {strides = array<i32>} : memref<4x288xf32, #tpu.memory_space<vmem>>, vector<16xf32>,
    %get3A_1242 = arith.constant 3 : i32
    %get3A_1243 = arith.index_cast %get3A_1242 : i32 to index
    %get3A_1244 = arith.constant 48 : index
    %get3A_1245 = tpu.vector_load %arg9[%get3A_1243, %get3A_1244] {strides = array<i32>} : memref<4x288xf32, #tpu.memory_space<vmem>>, vector<16xf32>,
    %sub3A_1246 = arith.subf %get3A_1241, %get3A_1233 : vector<16xf32>
    %add3A_1247 = arith.constant 1.000000e+00 : f32
    %add3A_1248 = vector.broadcast %add3A_1247 : f32 to vector<16xf32>
    %add3A_1249 = arith.addf %sub3A_1246, %add3A_1248 : vector<16xf32>
    %sub3A_1250 = arith.subf %get3A_1245, %get3A_1237 : vector<16xf32>
    %add3A_1251 = arith.constant 1.000000e+00 : f32
    %add3A_1252 = vector.broadcast %add3A_1251 : f32 to vector<16xf32>
    %add3A_1253 = arith.addf %sub3A_1250, %add3A_1252 : vector<16xf32>
    %mul3A_1254 = arith.constant 5.000000e-01 : f32
    %mul3A_1255 = vector.broadcast %mul3A_1254 : f32 to vector<16xf32>
    %mul3A_1256 = arith.mulf %mul3A_1255, %add3A_1249 : vector<16xf32>
    %add3A_1257 = arith.addf %get3A_1233, %mul3A_1256 : vector<16xf32>
    %mul3A_1258 = arith.constant 5.000000e-01 : f32
    %mul3A_1259 = vector.broadcast %mul3A_1258 : f32 to vector<16xf32>
    %mul3A_1260 = arith.mulf %mul3A_1259, %add3A_1253 : vector<16xf32>
    %add3A_1261 = arith.addf %get3A_1237, %mul3A_1260 : vector<16xf32>
    %sub3A_1262 = arith.subf %gather3A_1226, %add3A_1257 : vector<16xf32>
    %div3A_1263 = arith.divf %sub3A_1262, %add3A_1249 : vector<16xf32>
    %swap3A_1264 = arith.constant 0 : i32
    %swap3A_1265 = arith.index_cast %swap3A_1264 : i32 to index
    %swap3A_1266 = arith.constant 48 : index
    %swap3A_1267 = tpu.vector_load %arg22[%swap3A_1265, %swap3A_1266] {strides = array<i32>} : memref<4x288xf32, #tpu.memory_space<vmem>>, vector<16xf32>,
    tpu.vector_store %arg22[%swap3A_1265, %swap3A_1266], %div3A_1263 {strides = array<i32>} : memref<4x288xf32, #tpu.memory_space<vmem>>, vector<16xf32>,
    %sub3A_1268 = arith.subf %gather3A_1227, %add3A_1261 : vector<16xf32>
    %div3A_1269 = arith.divf %sub3A_1268, %add3A_1253 : vector<16xf32>
    %swap3A_1270 = arith.constant 1 : i32
    %swap3A_1271 = arith.index_cast %swap3A_1270 : i32 to index
    %swap3A_1272 = arith.constant 48 : index
    %swap3A_1273 = tpu.vector_load %arg22[%swap3A_1271, %swap3A_1272] {strides = array<i32>} : memref<4x288xf32, #tpu.memory_space<vmem>>, vector<16xf32>,
    tpu.vector_store %arg22[%swap3A_1271, %swap3A_1272], %div3A_1269 {strides = array<i32>} : memref<4x288xf32, #tpu.memory_space<vmem>>, vector<16xf32>,
    %div3A_1274 = arith.divf %gather3A_1228, %add3A_1249 : vector<16xf32>
    %swap3A_1275 = arith.constant 2 : i32
    %swap3A_1276 = arith.index_cast %swap3A_1275 : i32 to index
    %swap3A_1277 = arith.constant 48 : index
    %swap3A_1278 = tpu.vector_load %arg22[%swap3A_1276, %swap3A_1277] {strides = array<i32>} : memref<4x288xf32, #tpu.memory_space<vmem>>, vector<16xf32>,
    tpu.vector_store %arg22[%swap3A_1276, %swap3A_1277], %div3A_1274 {strides = array<i32>} : memref<4x288xf32, #tpu.memory_space<vmem>>, vector<16xf32>,
    %div3A_1279 = arith.divf %gather3A_1229, %add3A_1253 : vector<16xf32>
    %swap3A_1280 = arith.constant 3 : i32
    %swap3A_1281 = arith.index_cast %swap3A_1280 : i32 to index
    %swap3A_1282 = arith.constant 48 : index
    %swap3A_1283 = tpu.vector_load %arg22[%swap3A_1281, %swap3A_1282] {strides = array<i32>} : memref<4x288xf32, #tpu.memory_space<vmem>>, vector<16xf32>,
    tpu.vector_store %arg22[%swap3A_1281, %swap3A_1282], %div3A_1279 {strides = array<i32>} : memref<4x288xf32, #tpu.memory_space<vmem>>, vector<16xf32>,
    %get3A_1284 = arith.constant 64 : index
    %get3A_1285 = tpu.vector_load %arg14[%get3A_1284] {strides = array<i32>} : memref<288xi32, #tpu.memory_space<vmem>>, vector<16xi32>,
    %gather3A_1286 = tpu.vector_load_idx %arg20[%get3A_1285] : memref<112xf32, #tpu.memory_space<vmem>>[vector<16xi32>], vector<16xf32>,
    %gather3A_1287 = tpu.vector_load_idx %arg21[%get3A_1285] : memref<112xf32, #tpu.memory_space<vmem>>[vector<16xi32>], vector<16xf32>,
    %gather3A_1288 = tpu.vector_load_idx %arg18[%get3A_1285] : memref<112xf32, #tpu.memory_space<vmem>>[vector<16xi32>], vector<16xf32>,
    %gather3A_1289 = tpu.vector_load_idx %arg19[%get3A_1285] : memref<112xf32, #tpu.memory_space<vmem>>[vector<16xi32>], vector<16xf32>,
    %get3A_1290 = arith.constant 0 : i32
    %get3A_1291 = arith.index_cast %get3A_1290 : i32 to index
    %get3A_1292 = arith.constant 64 : index
    %get3A_1293 = tpu.vector_load %arg9[%get3A_1291, %get3A_1292] {strides = array<i32>} : memref<4x288xf32, #tpu.memory_space<vmem>>, vector<16xf32>,
    %get3A_1294 = arith.constant 1 : i32
    %get3A_1295 = arith.index_cast %get3A_1294 : i32 to index
    %get3A_1296 = arith.constant 64 : index
    %get3A_1297 = tpu.vector_load %arg9[%get3A_1295, %get3A_1296] {strides = array<i32>} : memref<4x288xf32, #tpu.memory_space<vmem>>, vector<16xf32>,
    %get3A_1298 = arith.constant 2 : i32
    %get3A_1299 = arith.index_cast %get3A_1298 : i32 to index
    %get3A_1300 = arith.constant 64 : index
    %get3A_1301 = tpu.vector_load %arg9[%get3A_1299, %get3A_1300] {strides = array<i32>} : memref<4x288xf32, #tpu.memory_space<vmem>>, vector<16xf32>,
    %get3A_1302 = arith.constant 3 : i32
    %get3A_1303 = arith.index_cast %get3A_1302 : i32 to index
    %get3A_1304 = arith.constant 64 : index
    %get3A_1305 = tpu.vector_load %arg9[%get3A_1303, %get3A_1304] {strides = array<i32>} : memref<4x288xf32, #tpu.memory_space<vmem>>, vector<16xf32>,
    %sub3A_1306 = arith.subf %get3A_1301, %get3A_1293 : vector<16xf32>
    %add3A_1307 = arith.constant 1.000000e+00 : f32
    %add3A_1308 = vector.broadcast %add3A_1307 : f32 to vector<16xf32>
    %add3A_1309 = arith.addf %sub3A_1306, %add3A_1308 : vector<16xf32>
    %sub3A_1310 = arith.subf %get3A_1305, %get3A_1297 : vector<16xf32>
    %add3A_1311 = arith.constant 1.000000e+00 : f32
    %add3A_1312 = vector.broadcast %add3A_1311 : f32 to vector<16xf32>
    %add3A_1313 = arith.addf %sub3A_1310, %add3A_1312 : vector<16xf32>
    %mul3A_1314 = arith.constant 5.000000e-01 : f32
    %mul3A_1315 = vector.broadcast %mul3A_1314 : f32 to vector<16xf32>
    %mul3A_1316 = arith.mulf %mul3A_1315, %add3A_1309 : vector<16xf32>
    %add3A_1317 = arith.addf %get3A_1293, %mul3A_1316 : vector<16xf32>
    %mul3A_1318 = arith.constant 5.000000e-01 : f32
    %mul3A_1319 = vector.broadcast %mul3A_1318 : f32 to vector<16xf32>
    %mul3A_1320 = arith.mulf %mul3A_1319, %add3A_1313 : vector<16xf32>
    %add3A_1321 = arith.addf %get3A_1297, %mul3A_1320 : vector<16xf32>
    %sub3A_1322 = arith.subf %gather3A_1286, %add3A_1317 : vector<16xf32>
    %div3A_1323 = arith.divf %sub3A_1322, %add3A_1309 : vector<16xf32>
    %swap3A_1324 = arith.constant 0 : i32
    %swap3A_1325 = arith.index_cast %swap3A_1324 : i32 to index
    %swap3A_1326 = arith.constant 64 : index
    %swap3A_1327 = tpu.vector_load %arg22[%swap3A_1325, %swap3A_1326] {strides = array<i32>} : memref<4x288xf32, #tpu.memory_space<vmem>>, vector<16xf32>,
    tpu.vector_store %arg22[%swap3A_1325, %swap3A_1326], %div3A_1323 {strides = array<i32>} : memref<4x288xf32, #tpu.memory_space<vmem>>, vector<16xf32>,
    %sub3A_1328 = arith.subf %gather3A_1287, %add3A_1321 : vector<16xf32>
    %div3A_1329 = arith.divf %sub3A_1328, %add3A_1313 : vector<16xf32>
    %swap3A_1330 = arith.constant 1 : i32
    %swap3A_1331 = arith.index_cast %swap3A_1330 : i32 to index
    %swap3A_1332 = arith.constant 64 : index
    %swap3A_1333 = tpu.vector_load %arg22[%swap3A_1331, %swap3A_1332] {strides = array<i32>} : memref<4x288xf32, #tpu.memory_space<vmem>>, vector<16xf32>,
    tpu.vector_store %arg22[%swap3A_1331, %swap3A_1332], %div3A_1329 {strides = array<i32>} : memref<4x288xf32, #tpu.memory_space<vmem>>, vector<16xf32>,
    %div3A_1334 = arith.divf %gather3A_1288, %add3A_1309 : vector<16xf32>
    %swap3A_1335 = arith.constant 2 : i32
    %swap3A_1336 = arith.index_cast %swap3A_1335 : i32 to index
    %swap3A_1337 = arith.constant 64 : index
    %swap3A_1338 = tpu.vector_load %arg22[%swap3A_1336, %swap3A_1337] {strides = array<i32>} : memref<4x288xf32, #tpu.memory_space<vmem>>, vector<16xf32>,
    tpu.vector_store %arg22[%swap3A_1336, %swap3A_1337], %div3A_1334 {strides = array<i32>} : memref<4x288xf32, #tpu.memory_space<vmem>>, vector<16xf32>,
    %div3A_1339 = arith.divf %gather3A_1289, %add3A_1313 : vector<16xf32>
    %swap3A_1340 = arith.constant 3 : i32
    %swap3A_1341 = arith.index_cast %swap3A_1340 : i32 to index
    %swap3A_1342 = arith.constant 64 : index
    %swap3A_1343 = tpu.vector_load %arg22[%swap3A_1341, %swap3A_1342] {strides = array<i32>} : memref<4x288xf32, #tpu.memory_space<vmem>>, vector<16xf32>,
    tpu.vector_store %arg22[%swap3A_1341, %swap3A_1342], %div3A_1339 {strides = array<i32>} : memref<4x288xf32, #tpu.memory_space<vmem>>, vector<16xf32>,
    %get3A_1344 = arith.constant 80 : index
    %get3A_1345 = tpu.vector_load %arg14[%get3A_1344] {strides = array<i32>} : memref<288xi32, #tpu.memory_space<vmem>>, vector<16xi32>,
    %gather3A_1346 = tpu.vector_load_idx %arg20[%get3A_1345] : memref<112xf32, #tpu.memory_space<vmem>>[vector<16xi32>], vector<16xf32>,
    %gather3A_1347 = tpu.vector_load_idx %arg21[%get3A_1345] : memref<112xf32, #tpu.memory_space<vmem>>[vector<16xi32>], vector<16xf32>,
    %gather3A_1348 = tpu.vector_load_idx %arg18[%get3A_1345] : memref<112xf32, #tpu.memory_space<vmem>>[vector<16xi32>], vector<16xf32>,
    %gather3A_1349 = tpu.vector_load_idx %arg19[%get3A_1345] : memref<112xf32, #tpu.memory_space<vmem>>[vector<16xi32>], vector<16xf32>,
    %get3A_1350 = arith.constant 0 : i32
    %get3A_1351 = arith.index_cast %get3A_1350 : i32 to index
    %get3A_1352 = arith.constant 80 : index
    %get3A_1353 = tpu.vector_load %arg9[%get3A_1351, %get3A_1352] {strides = array<i32>} : memref<4x288xf32, #tpu.memory_space<vmem>>, vector<16xf32>,
    %get3A_1354 = arith.constant 1 : i32
    %get3A_1355 = arith.index_cast %get3A_1354 : i32 to index
    %get3A_1356 = arith.constant 80 : index
    %get3A_1357 = tpu.vector_load %arg9[%get3A_1355, %get3A_1356] {strides = array<i32>} : memref<4x288xf32, #tpu.memory_space<vmem>>, vector<16xf32>,
    %get3A_1358 = arith.constant 2 : i32
    %get3A_1359 = arith.index_cast %get3A_1358 : i32 to index
    %get3A_1360 = arith.constant 80 : index
    %get3A_1361 = tpu.vector_load %arg9[%get3A_1359, %get3A_1360] {strides = array<i32>} : memref<4x288xf32, #tpu.memory_space<vmem>>, vector<16xf32>,
    %get3A_1362 = arith.constant 3 : i32
    %get3A_1363 = arith.index_cast %get3A_1362 : i32 to index
    %get3A_1364 = arith.constant 80 : index
    %get3A_1365 = tpu.vector_load %arg9[%get3A_1363, %get3A_1364] {strides = array<i32>} : memref<4x288xf32, #tpu.memory_space<vmem>>, vector<16xf32>,
    %sub3A_1366 = arith.subf %get3A_1361, %get3A_1353 : vector<16xf32>
    %add3A_1367 = arith.constant 1.000000e+00 : f32
    %add3A_1368 = vector.broadcast %add3A_1367 : f32 to vector<16xf32>
    %add3A_1369 = arith.addf %sub3A_1366, %add3A_1368 : vector<16xf32>
    %sub3A_1370 = arith.subf %get3A_1365, %get3A_1357 : vector<16xf32>
    %add3A_1371 = arith.constant 1.000000e+00 : f32
    %add3A_1372 = vector.broadcast %add3A_1371 : f32 to vector<16xf32>
    %add3A_1373 = arith.addf %sub3A_1370, %add3A_1372 : vector<16xf32>
    %mul3A_1374 = arith.constant 5.000000e-01 : f32
    %mul3A_1375 = vector.broadcast %mul3A_1374 : f32 to vector<16xf32>
    %mul3A_1376 = arith.mulf %mul3A_1375, %add3A_1369 : vector<16xf32>
    %add3A_1377 = arith.addf %get3A_1353, %mul3A_1376 : vector<16xf32>
    %mul3A_1378 = arith.constant 5.000000e-01 : f32
    %mul3A_1379 = vector.broadcast %mul3A_1378 : f32 to vector<16xf32>
    %mul3A_1380 = arith.mulf %mul3A_1379, %add3A_1373 : vector<16xf32>
    %add3A_1381 = arith.addf %get3A_1357, %mul3A_1380 : vector<16xf32>
    %sub3A_1382 = arith.subf %gather3A_1346, %add3A_1377 : vector<16xf32>
    %div3A_1383 = arith.divf %sub3A_1382, %add3A_1369 : vector<16xf32>
    %swap3A_1384 = arith.constant 0 : i32
    %swap3A_1385 = arith.index_cast %swap3A_1384 : i32 to index
    %swap3A_1386 = arith.constant 80 : index
    %swap3A_1387 = tpu.vector_load %arg22[%swap3A_1385, %swap3A_1386] {strides = array<i32>} : memref<4x288xf32, #tpu.memory_space<vmem>>, vector<16xf32>,
    tpu.vector_store %arg22[%swap3A_1385, %swap3A_1386], %div3A_1383 {strides = array<i32>} : memref<4x288xf32, #tpu.memory_space<vmem>>, vector<16xf32>,
    %sub3A_1388 = arith.subf %gather3A_1347, %add3A_1381 : vector<16xf32>
    %div3A_1389 = arith.divf %sub3A_1388, %add3A_1373 : vector<16xf32>
    %swap3A_1390 = arith.constant 1 : i32
    %swap3A_1391 = arith.index_cast %swap3A_1390 : i32 to index
    %swap3A_1392 = arith.constant 80 : index
    %swap3A_1393 = tpu.vector_load %arg22[%swap3A_1391, %swap3A_1392] {strides = array<i32>} : memref<4x288xf32, #tpu.memory_space<vmem>>, vector<16xf32>,
    tpu.vector_store %arg22[%swap3A_1391, %swap3A_1392], %div3A_1389 {strides = array<i32>} : memref<4x288xf32, #tpu.memory_space<vmem>>, vector<16xf32>,
    %div3A_1394 = arith.divf %gather3A_1348, %add3A_1369 : vector<16xf32>
    %swap3A_1395 = arith.constant 2 : i32
    %swap3A_1396 = arith.index_cast %swap3A_1395 : i32 to index
    %swap3A_1397 = arith.constant 80 : index
    %swap3A_1398 = tpu.vector_load %arg22[%swap3A_1396, %swap3A_1397] {strides = array<i32>} : memref<4x288xf32, #tpu.memory_space<vmem>>, vector<16xf32>,
    tpu.vector_store %arg22[%swap3A_1396, %swap3A_1397], %div3A_1394 {strides = array<i32>} : memref<4x288xf32, #tpu.memory_space<vmem>>, vector<16xf32>,
    %div3A_1399 = arith.divf %gather3A_1349, %add3A_1373 : vector<16xf32>
    %swap3A_1400 = arith.constant 3 : i32
    %swap3A_1401 = arith.index_cast %swap3A_1400 : i32 to index
    %swap3A_1402 = arith.constant 80 : index
    %swap3A_1403 = tpu.vector_load %arg22[%swap3A_1401, %swap3A_1402] {strides = array<i32>} : memref<4x288xf32, #tpu.memory_space<vmem>>, vector<16xf32>,
    tpu.vector_store %arg22[%swap3A_1401, %swap3A_1402], %div3A_1399 {strides = array<i32>} : memref<4x288xf32, #tpu.memory_space<vmem>>, vector<16xf32>,
    %get3A_1404 = arith.constant 96 : index
    %get3A_1405 = tpu.vector_load %arg14[%get3A_1404] {strides = array<i32>} : memref<288xi32, #tpu.memory_space<vmem>>, vector<16xi32>,
    %gather3A_1406 = tpu.vector_load_idx %arg20[%get3A_1405] : memref<112xf32, #tpu.memory_space<vmem>>[vector<16xi32>], vector<16xf32>,
    %gather3A_1407 = tpu.vector_load_idx %arg21[%get3A_1405] : memref<112xf32, #tpu.memory_space<vmem>>[vector<16xi32>], vector<16xf32>,
    %gather3A_1408 = tpu.vector_load_idx %arg18[%get3A_1405] : memref<112xf32, #tpu.memory_space<vmem>>[vector<16xi32>], vector<16xf32>,
    %gather3A_1409 = tpu.vector_load_idx %arg19[%get3A_1405] : memref<112xf32, #tpu.memory_space<vmem>>[vector<16xi32>], vector<16xf32>,
    %get3A_1410 = arith.constant 0 : i32
    %get3A_1411 = arith.index_cast %get3A_1410 : i32 to index
    %get3A_1412 = arith.constant 96 : index
    %get3A_1413 = tpu.vector_load %arg9[%get3A_1411, %get3A_1412] {strides = array<i32>} : memref<4x288xf32, #tpu.memory_space<vmem>>, vector<16xf32>,
    %get3A_1414 = arith.constant 1 : i32
    %get3A_1415 = arith.index_cast %get3A_1414 : i32 to index
    %get3A_1416 = arith.constant 96 : index
    %get3A_1417 = tpu.vector_load %arg9[%get3A_1415, %get3A_1416] {strides = array<i32>} : memref<4x288xf32, #tpu.memory_space<vmem>>, vector<16xf32>,
    %get3A_1418 = arith.constant 2 : i32
    %get3A_1419 = arith.index_cast %get3A_1418 : i32 to index
    %get3A_1420 = arith.constant 96 : index
    %get3A_1421 = tpu.vector_load %arg9[%get3A_1419, %get3A_1420] {strides = array<i32>} : memref<4x288xf32, #tpu.memory_space<vmem>>, vector<16xf32>,
    %get3A_1422 = arith.constant 3 : i32
    %get3A_1423 = arith.index_cast %get3A_1422 : i32 to index
    %get3A_1424 = arith.constant 96 : index
    %get3A_1425 = tpu.vector_load %arg9[%get3A_1423, %get3A_1424] {strides = array<i32>} : memref<4x288xf32, #tpu.memory_space<vmem>>, vector<16xf32>,
    %sub3A_1426 = arith.subf %get3A_1421, %get3A_1413 : vector<16xf32>
    %add3A_1427 = arith.constant 1.000000e+00 : f32
    %add3A_1428 = vector.broadcast %add3A_1427 : f32 to vector<16xf32>
    %add3A_1429 = arith.addf %sub3A_1426, %add3A_1428 : vector<16xf32>
    %sub3A_1430 = arith.subf %get3A_1425, %get3A_1417 : vector<16xf32>
    %add3A_1431 = arith.constant 1.000000e+00 : f32
    %add3A_1432 = vector.broadcast %add3A_1431 : f32 to vector<16xf32>
    %add3A_1433 = arith.addf %sub3A_1430, %add3A_1432 : vector<16xf32>
    %mul3A_1434 = arith.constant 5.000000e-01 : f32
    %mul3A_1435 = vector.broadcast %mul3A_1434 : f32 to vector<16xf32>
    %mul3A_1436 = arith.mulf %mul3A_1435, %add3A_1429 : vector<16xf32>
    %add3A_1437 = arith.addf %get3A_1413, %mul3A_1436 : vector<16xf32>
    %mul3A_1438 = arith.constant 5.000000e-01 : f32
    %mul3A_1439 = vector.broadcast %mul3A_1438 : f32 to vector<16xf32>
    %mul3A_1440 = arith.mulf %mul3A_1439, %add3A_1433 : vector<16xf32>
    %add3A_1441 = arith.addf %get3A_1417, %mul3A_1440 : vector<16xf32>
    %sub3A_1442 = arith.subf %gather3A_1406, %add3A_1437 : vector<16xf32>
    %div3A_1443 = arith.divf %sub3A_1442, %add3A_1429 : vector<16xf32>
    %swap3A_1444 = arith.constant 0 : i32
    %swap3A_1445 = arith.index_cast %swap3A_1444 : i32 to index
    %swap3A_1446 = arith.constant 96 : index
    %swap3A_1447 = tpu.vector_load %arg22[%swap3A_1445, %swap3A_1446] {strides = array<i32>} : memref<4x288xf32, #tpu.memory_space<vmem>>, vector<16xf32>,
    tpu.vector_store %arg22[%swap3A_1445, %swap3A_1446], %div3A_1443 {strides = array<i32>} : memref<4x288xf32, #tpu.memory_space<vmem>>, vector<16xf32>,
    %sub3A_1448 = arith.subf %gather3A_1407, %add3A_1441 : vector<16xf32>
    %div3A_1449 = arith.divf %sub3A_1448, %add3A_1433 : vector<16xf32>
    %swap3A_1450 = arith.constant 1 : i32
    %swap3A_1451 = arith.index_cast %swap3A_1450 : i32 to index
    %swap3A_1452 = arith.constant 96 : index
    %swap3A_1453 = tpu.vector_load %arg22[%swap3A_1451, %swap3A_1452] {strides = array<i32>} : memref<4x288xf32, #tpu.memory_space<vmem>>, vector<16xf32>,
    tpu.vector_store %arg22[%swap3A_1451, %swap3A_1452], %div3A_1449 {strides = array<i32>} : memref<4x288xf32, #tpu.memory_space<vmem>>, vector<16xf32>,
    %div3A_1454 = arith.divf %gather3A_1408, %add3A_1429 : vector<16xf32>
    %swap3A_1455 = arith.constant 2 : i32
    %swap3A_1456 = arith.index_cast %swap3A_1455 : i32 to index
    %swap3A_1457 = arith.constant 96 : index
    %swap3A_1458 = tpu.vector_load %arg22[%swap3A_1456, %swap3A_1457] {strides = array<i32>} : memref<4x288xf32, #tpu.memory_space<vmem>>, vector<16xf32>,
    tpu.vector_store %arg22[%swap3A_1456, %swap3A_1457], %div3A_1454 {strides = array<i32>} : memref<4x288xf32, #tpu.memory_space<vmem>>, vector<16xf32>,
    %div3A_1459 = arith.divf %gather3A_1409, %add3A_1433 : vector<16xf32>
    %swap3A_1460 = arith.constant 3 : i32
    %swap3A_1461 = arith.index_cast %swap3A_1460 : i32 to index
    %swap3A_1462 = arith.constant 96 : index
    %swap3A_1463 = tpu.vector_load %arg22[%swap3A_1461, %swap3A_1462] {strides = array<i32>} : memref<4x288xf32, #tpu.memory_space<vmem>>, vector<16xf32>,
    tpu.vector_store %arg22[%swap3A_1461, %swap3A_1462], %div3A_1459 {strides = array<i32>} : memref<4x288xf32, #tpu.memory_space<vmem>>, vector<16xf32>,
    %get3A_1464 = arith.constant 112 : index
    %get3A_1465 = tpu.vector_load %arg14[%get3A_1464] {strides = array<i32>} : memref<288xi32, #tpu.memory_space<vmem>>, vector<16xi32>,
    %gather3A_1466 = tpu.vector_load_idx %arg20[%get3A_1465] : memref<112xf32, #tpu.memory_space<vmem>>[vector<16xi32>], vector<16xf32>,
    %gather3A_1467 = tpu.vector_load_idx %arg21[%get3A_1465] : memref<112xf32, #tpu.memory_space<vmem>>[vector<16xi32>], vector<16xf32>,
    %gather3A_1468 = tpu.vector_load_idx %arg18[%get3A_1465] : memref<112xf32, #tpu.memory_space<vmem>>[vector<16xi32>], vector<16xf32>,
    %gather3A_1469 = tpu.vector_load_idx %arg19[%get3A_1465] : memref<112xf32, #tpu.memory_space<vmem>>[vector<16xi32>], vector<16xf32>,
    %get3A_1470 = arith.constant 0 : i32
    %get3A_1471 = arith.index_cast %get3A_1470 : i32 to index
    %get3A_1472 = arith.constant 112 : index
    %get3A_1473 = tpu.vector_load %arg9[%get3A_1471, %get3A_1472] {strides = array<i32>} : memref<4x288xf32, #tpu.memory_space<vmem>>, vector<16xf32>,
    %get3A_1474 = arith.constant 1 : i32
    %get3A_1475 = arith.index_cast %get3A_1474 : i32 to index
    %get3A_1476 = arith.constant 112 : index
    %get3A_1477 = tpu.vector_load %arg9[%get3A_1475, %get3A_1476] {strides = array<i32>} : memref<4x288xf32, #tpu.memory_space<vmem>>, vector<16xf32>,
    %get3A_1478 = arith.constant 2 : i32
    %get3A_1479 = arith.index_cast %get3A_1478 : i32 to index
    %get3A_1480 = arith.constant 112 : index
    %get3A_1481 = tpu.vector_load %arg9[%get3A_1479, %get3A_1480] {strides = array<i32>} : memref<4x288xf32, #tpu.memory_space<vmem>>, vector<16xf32>,
    %get3A_1482 = arith.constant 3 : i32
    %get3A_1483 = arith.index_cast %get3A_1482 : i32 to index
    %get3A_1484 = arith.constant 112 : index
    %get3A_1485 = tpu.vector_load %arg9[%get3A_1483, %get3A_1484] {strides = array<i32>} : memref<4x288xf32, #tpu.memory_space<vmem>>, vector<16xf32>,
    %sub3A_1486 = arith.subf %get3A_1481, %get3A_1473 : vector<16xf32>
    %add3A_1487 = arith.constant 1.000000e+00 : f32
    %add3A_1488 = vector.broadcast %add3A_1487 : f32 to vector<16xf32>
    %add3A_1489 = arith.addf %sub3A_1486, %add3A_1488 : vector<16xf32>
    %sub3A_1490 = arith.subf %get3A_1485, %get3A_1477 : vector<16xf32>
    %add3A_1491 = arith.constant 1.000000e+00 : f32
    %add3A_1492 = vector.broadcast %add3A_1491 : f32 to vector<16xf32>
    %add3A_1493 = arith.addf %sub3A_1490, %add3A_1492 : vector<16xf32>
    %mul3A_1494 = arith.constant 5.000000e-01 : f32
    %mul3A_1495 = vector.broadcast %mul3A_1494 : f32 to vector<16xf32>
    %mul3A_1496 = arith.mulf %mul3A_1495, %add3A_1489 : vector<16xf32>
    %add3A_1497 = arith.addf %get3A_1473, %mul3A_1496 : vector<16xf32>
    %mul3A_1498 = arith.constant 5.000000e-01 : f32
    %mul3A_1499 = vector.broadcast %mul3A_1498 : f32 to vector<16xf32>
    %mul3A_1500 = arith.mulf %mul3A_1499, %add3A_1493 : vector<16xf32>
    %add3A_1501 = arith.addf %get3A_1477, %mul3A_1500 : vector<16xf32>
    %sub3A_1502 = arith.subf %gather3A_1466, %add3A_1497 : vector<16xf32>
    %div3A_1503 = arith.divf %sub3A_1502, %add3A_1489 : vector<16xf32>
    %swap3A_1504 = arith.constant 0 : i32
    %swap3A_1505 = arith.index_cast %swap3A_1504 : i32 to index
    %swap3A_1506 = arith.constant 112 : index
    %swap3A_1507 = tpu.vector_load %arg22[%swap3A_1505, %swap3A_1506] {strides = array<i32>} : memref<4x288xf32, #tpu.memory_space<vmem>>, vector<16xf32>,
    tpu.vector_store %arg22[%swap3A_1505, %swap3A_1506], %div3A_1503 {strides = array<i32>} : memref<4x288xf32, #tpu.memory_space<vmem>>, vector<16xf32>,
    %sub3A_1508 = arith.subf %gather3A_1467, %add3A_1501 : vector<16xf32>
    %div3A_1509 = arith.divf %sub3A_1508, %add3A_1493 : vector<16xf32>
    %swap3A_1510 = arith.constant 1 : i32
    %swap3A_1511 = arith.index_cast %swap3A_1510 : i32 to index
    %swap3A_1512 = arith.constant 112 : index
    %swap3A_1513 = tpu.vector_load %arg22[%swap3A_1511, %swap3A_1512] {strides = array<i32>} : memref<4x288xf32, #tpu.memory_space<vmem>>, vector<16xf32>,
    tpu.vector_store %arg22[%swap3A_1511, %swap3A_1512], %div3A_1509 {strides = array<i32>} : memref<4x288xf32, #tpu.memory_space<vmem>>, vector<16xf32>,
    %div3A_1514 = arith.divf %gather3A_1468, %add3A_1489 : vector<16xf32>
    %swap3A_1515 = arith.constant 2 : i32
    %swap3A_1516 = arith.index_cast %swap3A_1515 : i32 to index
    %swap3A_1517 = arith.constant 112 : index
    %swap3A_1518 = tpu.vector_load %arg22[%swap3A_1516, %swap3A_1517] {strides = array<i32>} : memref<4x288xf32, #tpu.memory_space<vmem>>, vector<16xf32>,
    tpu.vector_store %arg22[%swap3A_1516, %swap3A_1517], %div3A_1514 {strides = array<i32>} : memref<4x288xf32, #tpu.memory_space<vmem>>, vector<16xf32>,
    %div3A_1519 = arith.divf %gather3A_1469, %add3A_1493 : vector<16xf32>
    %swap3A_1520 = arith.constant 3 : i32
    %swap3A_1521 = arith.index_cast %swap3A_1520 : i32 to index
    %swap3A_1522 = arith.constant 112 : index
    %swap3A_1523 = tpu.vector_load %arg22[%swap3A_1521, %swap3A_1522] {strides = array<i32>} : memref<4x288xf32, #tpu.memory_space<vmem>>, vector<16xf32>,
    tpu.vector_store %arg22[%swap3A_1521, %swap3A_1522], %div3A_1519 {strides = array<i32>} : memref<4x288xf32, #tpu.memory_space<vmem>>, vector<16xf32>,
    %get3A_1524 = arith.constant 128 : index
    %get3A_1525 = tpu.vector_load %arg14[%get3A_1524] {strides = array<i32>} : memref<288xi32, #tpu.memory_space<vmem>>, vector<16xi32>,
    %gather3A_1526 = tpu.vector_load_idx %arg20[%get3A_1525] : memref<112xf32, #tpu.memory_space<vmem>>[vector<16xi32>], vector<16xf32>,
    %gather3A_1527 = tpu.vector_load_idx %arg21[%get3A_1525] : memref<112xf32, #tpu.memory_space<vmem>>[vector<16xi32>], vector<16xf32>,
    %gather3A_1528 = tpu.vector_load_idx %arg18[%get3A_1525] : memref<112xf32, #tpu.memory_space<vmem>>[vector<16xi32>], vector<16xf32>,
    %gather3A_1529 = tpu.vector_load_idx %arg19[%get3A_1525] : memref<112xf32, #tpu.memory_space<vmem>>[vector<16xi32>], vector<16xf32>,
    %get3A_1530 = arith.constant 0 : i32
    %get3A_1531 = arith.index_cast %get3A_1530 : i32 to index
    %get3A_1532 = arith.constant 128 : index
    %get3A_1533 = tpu.vector_load %arg9[%get3A_1531, %get3A_1532] {strides = array<i32>} : memref<4x288xf32, #tpu.memory_space<vmem>>, vector<16xf32>,
    %get3A_1534 = arith.constant 1 : i32
    %get3A_1535 = arith.index_cast %get3A_1534 : i32 to index
    %get3A_1536 = arith.constant 128 : index
    %get3A_1537 = tpu.vector_load %arg9[%get3A_1535, %get3A_1536] {strides = array<i32>} : memref<4x288xf32, #tpu.memory_space<vmem>>, vector<16xf32>,
    %get3A_1538 = arith.constant 2 : i32
    %get3A_1539 = arith.index_cast %get3A_1538 : i32 to index
    %get3A_1540 = arith.constant 128 : index
    %get3A_1541 = tpu.vector_load %arg9[%get3A_1539, %get3A_1540] {strides = array<i32>} : memref<4x288xf32, #tpu.memory_space<vmem>>, vector<16xf32>,
    %get3A_1542 = arith.constant 3 : i32
    %get3A_1543 = arith.index_cast %get3A_1542 : i32 to index
    %get3A_1544 = arith.constant 128 : index
    %get3A_1545 = tpu.vector_load %arg9[%get3A_1543, %get3A_1544] {strides = array<i32>} : memref<4x288xf32, #tpu.memory_space<vmem>>, vector<16xf32>,
    %sub3A_1546 = arith.subf %get3A_1541, %get3A_1533 : vector<16xf32>
    %add3A_1547 = arith.constant 1.000000e+00 : f32
    %add3A_1548 = vector.broadcast %add3A_1547 : f32 to vector<16xf32>
    %add3A_1549 = arith.addf %sub3A_1546, %add3A_1548 : vector<16xf32>
    %sub3A_1550 = arith.subf %get3A_1545, %get3A_1537 : vector<16xf32>
    %add3A_1551 = arith.constant 1.000000e+00 : f32
    %add3A_1552 = vector.broadcast %add3A_1551 : f32 to vector<16xf32>
    %add3A_1553 = arith.addf %sub3A_1550, %add3A_1552 : vector<16xf32>
    %mul3A_1554 = arith.constant 5.000000e-01 : f32
    %mul3A_1555 = vector.broadcast %mul3A_1554 : f32 to vector<16xf32>
    %mul3A_1556 = arith.mulf %mul3A_1555, %add3A_1549 : vector<16xf32>
    %add3A_1557 = arith.addf %get3A_1533, %mul3A_1556 : vector<16xf32>
    %mul3A_1558 = arith.constant 5.000000e-01 : f32
    %mul3A_1559 = vector.broadcast %mul3A_1558 : f32 to vector<16xf32>
    %mul3A_1560 = arith.mulf %mul3A_1559, %add3A_1553 : vector<16xf32>
    %add3A_1561 = arith.addf %get3A_1537, %mul3A_1560 : vector<16xf32>
    %sub3A_1562 = arith.subf %gather3A_1526, %add3A_1557 : vector<16xf32>
    %div3A_1563 = arith.divf %sub3A_1562, %add3A_1549 : vector<16xf32>
    %swap3A_1564 = arith.constant 0 : i32
    %swap3A_1565 = arith.index_cast %swap3A_1564 : i32 to index
    %swap3A_1566 = arith.constant 128 : index
    %swap3A_1567 = tpu.vector_load %arg22[%swap3A_1565, %swap3A_1566] {strides = array<i32>} : memref<4x288xf32, #tpu.memory_space<vmem>>, vector<16xf32>,
    tpu.vector_store %arg22[%swap3A_1565, %swap3A_1566], %div3A_1563 {strides = array<i32>} : memref<4x288xf32, #tpu.memory_space<vmem>>, vector<16xf32>,
    %sub3A_1568 = arith.subf %gather3A_1527, %add3A_1561 : vector<16xf32>
    %div3A_1569 = arith.divf %sub3A_1568, %add3A_1553 : vector<16xf32>
    %swap3A_1570 = arith.constant 1 : i32
    %swap3A_1571 = arith.index_cast %swap3A_1570 : i32 to index
    %swap3A_1572 = arith.constant 128 : index
    %swap3A_1573 = tpu.vector_load %arg22[%swap3A_1571, %swap3A_1572] {strides = array<i32>} : memref<4x288xf32, #tpu.memory_space<vmem>>, vector<16xf32>,
    tpu.vector_store %arg22[%swap3A_1571, %swap3A_1572], %div3A_1569 {strides = array<i32>} : memref<4x288xf32, #tpu.memory_space<vmem>>, vector<16xf32>,
    %div3A_1574 = arith.divf %gather3A_1528, %add3A_1549 : vector<16xf32>
    %swap3A_1575 = arith.constant 2 : i32
    %swap3A_1576 = arith.index_cast %swap3A_1575 : i32 to index
    %swap3A_1577 = arith.constant 128 : index
    %swap3A_1578 = tpu.vector_load %arg22[%swap3A_1576, %swap3A_1577] {strides = array<i32>} : memref<4x288xf32, #tpu.memory_space<vmem>>, vector<16xf32>,
    tpu.vector_store %arg22[%swap3A_1576, %swap3A_1577], %div3A_1574 {strides = array<i32>} : memref<4x288xf32, #tpu.memory_space<vmem>>, vector<16xf32>,
    %div3A_1579 = arith.divf %gather3A_1529, %add3A_1553 : vector<16xf32>
    %swap3A_1580 = arith.constant 3 : i32
    %swap3A_1581 = arith.index_cast %swap3A_1580 : i32 to index
    %swap3A_1582 = arith.constant 128 : index
    %swap3A_1583 = tpu.vector_load %arg22[%swap3A_1581, %swap3A_1582] {strides = array<i32>} : memref<4x288xf32, #tpu.memory_space<vmem>>, vector<16xf32>,
    tpu.vector_store %arg22[%swap3A_1581, %swap3A_1582], %div3A_1579 {strides = array<i32>} : memref<4x288xf32, #tpu.memory_space<vmem>>, vector<16xf32>,
    %get3A_1584 = arith.constant 144 : index
    %get3A_1585 = tpu.vector_load %arg14[%get3A_1584] {strides = array<i32>} : memref<288xi32, #tpu.memory_space<vmem>>, vector<16xi32>,
    %gather3A_1586 = tpu.vector_load_idx %arg20[%get3A_1585] : memref<112xf32, #tpu.memory_space<vmem>>[vector<16xi32>], vector<16xf32>,
    %gather3A_1587 = tpu.vector_load_idx %arg21[%get3A_1585] : memref<112xf32, #tpu.memory_space<vmem>>[vector<16xi32>], vector<16xf32>,
    %gather3A_1588 = tpu.vector_load_idx %arg18[%get3A_1585] : memref<112xf32, #tpu.memory_space<vmem>>[vector<16xi32>], vector<16xf32>,
    %gather3A_1589 = tpu.vector_load_idx %arg19[%get3A_1585] : memref<112xf32, #tpu.memory_space<vmem>>[vector<16xi32>], vector<16xf32>,
    %get3A_1590 = arith.constant 0 : i32
    %get3A_1591 = arith.index_cast %get3A_1590 : i32 to index
    %get3A_1592 = arith.constant 144 : index
    %get3A_1593 = tpu.vector_load %arg9[%get3A_1591, %get3A_1592] {strides = array<i32>} : memref<4x288xf32, #tpu.memory_space<vmem>>, vector<16xf32>,
    %get3A_1594 = arith.constant 1 : i32
    %get3A_1595 = arith.index_cast %get3A_1594 : i32 to index
    %get3A_1596 = arith.constant 144 : index
    %get3A_1597 = tpu.vector_load %arg9[%get3A_1595, %get3A_1596] {strides = array<i32>} : memref<4x288xf32, #tpu.memory_space<vmem>>, vector<16xf32>,
    %get3A_1598 = arith.constant 2 : i32
    %get3A_1599 = arith.index_cast %get3A_1598 : i32 to index
    %get3A_1600 = arith.constant 144 : index
    %get3A_1601 = tpu.vector_load %arg9[%get3A_1599, %get3A_1600] {strides = array<i32>} : memref<4x288xf32, #tpu.memory_space<vmem>>, vector<16xf32>,
    %get3A_1602 = arith.constant 3 : i32
    %get3A_1603 = arith.index_cast %get3A_1602 : i32 to index
    %get3A_1604 = arith.constant 144 : index
    %get3A_1605 = tpu.vector_load %arg9[%get3A_1603, %get3A_1604] {strides = array<i32>} : memref<4x288xf32, #tpu.memory_space<vmem>>, vector<16xf32>,
    %sub3A_1606 = arith.subf %get3A_1601, %get3A_1593 : vector<16xf32>
    %add3A_1607 = arith.constant 1.000000e+00 : f32
    %add3A_1608 = vector.broadcast %add3A_1607 : f32 to vector<16xf32>
    %add3A_1609 = arith.addf %sub3A_1606, %add3A_1608 : vector<16xf32>
    %sub3A_1610 = arith.subf %get3A_1605, %get3A_1597 : vector<16xf32>
    %add3A_1611 = arith.constant 1.000000e+00 : f32
    %add3A_1612 = vector.broadcast %add3A_1611 : f32 to vector<16xf32>
    %add3A_1613 = arith.addf %sub3A_1610, %add3A_1612 : vector<16xf32>
    %mul3A_1614 = arith.constant 5.000000e-01 : f32
    %mul3A_1615 = vector.broadcast %mul3A_1614 : f32 to vector<16xf32>
    %mul3A_1616 = arith.mulf %mul3A_1615, %add3A_1609 : vector<16xf32>
    %add3A_1617 = arith.addf %get3A_1593, %mul3A_1616 : vector<16xf32>
    %mul3A_1618 = arith.constant 5.000000e-01 : f32
    %mul3A_1619 = vector.broadcast %mul3A_1618 : f32 to vector<16xf32>
    %mul3A_1620 = arith.mulf %mul3A_1619, %add3A_1613 : vector<16xf32>
    %add3A_1621 = arith.addf %get3A_1597, %mul3A_1620 : vector<16xf32>
    %sub3A_1622 = arith.subf %gather3A_1586, %add3A_1617 : vector<16xf32>
    %div3A_1623 = arith.divf %sub3A_1622, %add3A_1609 : vector<16xf32>
    %swap3A_1624 = arith.constant 0 : i32
    %swap3A_1625 = arith.index_cast %swap3A_1624 : i32 to index
    %swap3A_1626 = arith.constant 144 : index
    %swap3A_1627 = tpu.vector_load %arg22[%swap3A_1625, %swap3A_1626] {strides = array<i32>} : memref<4x288xf32, #tpu.memory_space<vmem>>, vector<16xf32>,
    tpu.vector_store %arg22[%swap3A_1625, %swap3A_1626], %div3A_1623 {strides = array<i32>} : memref<4x288xf32, #tpu.memory_space<vmem>>, vector<16xf32>,
    %sub3A_1628 = arith.subf %gather3A_1587, %add3A_1621 : vector<16xf32>
    %div3A_1629 = arith.divf %sub3A_1628, %add3A_1613 : vector<16xf32>
    %swap3A_1630 = arith.constant 1 : i32
    %swap3A_1631 = arith.index_cast %swap3A_1630 : i32 to index
    %swap3A_1632 = arith.constant 144 : index
    %swap3A_1633 = tpu.vector_load %arg22[%swap3A_1631, %swap3A_1632] {strides = array<i32>} : memref<4x288xf32, #tpu.memory_space<vmem>>, vector<16xf32>,
    tpu.vector_store %arg22[%swap3A_1631, %swap3A_1632], %div3A_1629 {strides = array<i32>} : memref<4x288xf32, #tpu.memory_space<vmem>>, vector<16xf32>,
    %div3A_1634 = arith.divf %gather3A_1588, %add3A_1609 : vector<16xf32>
    %swap3A_1635 = arith.constant 2 : i32
    %swap3A_1636 = arith.index_cast %swap3A_1635 : i32 to index
    %swap3A_1637 = arith.constant 144 : index
    %swap3A_1638 = tpu.vector_load %arg22[%swap3A_1636, %swap3A_1637] {strides = array<i32>} : memref<4x288xf32, #tpu.memory_space<vmem>>, vector<16xf32>,
    tpu.vector_store %arg22[%swap3A_1636, %swap3A_1637], %div3A_1634 {strides = array<i32>} : memref<4x288xf32, #tpu.memory_space<vmem>>, vector<16xf32>,
    %div3A_1639 = arith.divf %gather3A_1589, %add3A_1613 : vector<16xf32>
    %swap3A_1640 = arith.constant 3 : i32
    %swap3A_1641 = arith.index_cast %swap3A_1640 : i32 to index
    %swap3A_1642 = arith.constant 144 : index
    %swap3A_1643 = tpu.vector_load %arg22[%swap3A_1641, %swap3A_1642] {strides = array<i32>} : memref<4x288xf32, #tpu.memory_space<vmem>>, vector<16xf32>,
    tpu.vector_store %arg22[%swap3A_1641, %swap3A_1642], %div3A_1639 {strides = array<i32>} : memref<4x288xf32, #tpu.memory_space<vmem>>, vector<16xf32>,
    %get3A_1644 = arith.constant 160 : index
    %get3A_1645 = tpu.vector_load %arg14[%get3A_1644] {strides = array<i32>} : memref<288xi32, #tpu.memory_space<vmem>>, vector<16xi32>,
    %gather3A_1646 = tpu.vector_load_idx %arg20[%get3A_1645] : memref<112xf32, #tpu.memory_space<vmem>>[vector<16xi32>], vector<16xf32>,
    %gather3A_1647 = tpu.vector_load_idx %arg21[%get3A_1645] : memref<112xf32, #tpu.memory_space<vmem>>[vector<16xi32>], vector<16xf32>,
    %gather3A_1648 = tpu.vector_load_idx %arg18[%get3A_1645] : memref<112xf32, #tpu.memory_space<vmem>>[vector<16xi32>], vector<16xf32>,
    %gather3A_1649 = tpu.vector_load_idx %arg19[%get3A_1645] : memref<112xf32, #tpu.memory_space<vmem>>[vector<16xi32>], vector<16xf32>,
    %get3A_1650 = arith.constant 0 : i32
    %get3A_1651 = arith.index_cast %get3A_1650 : i32 to index
    %get3A_1652 = arith.constant 160 : index
    %get3A_1653 = tpu.vector_load %arg9[%get3A_1651, %get3A_1652] {strides = array<i32>} : memref<4x288xf32, #tpu.memory_space<vmem>>, vector<16xf32>,
    %get3A_1654 = arith.constant 1 : i32
    %get3A_1655 = arith.index_cast %get3A_1654 : i32 to index
    %get3A_1656 = arith.constant 160 : index
    %get3A_1657 = tpu.vector_load %arg9[%get3A_1655, %get3A_1656] {strides = array<i32>} : memref<4x288xf32, #tpu.memory_space<vmem>>, vector<16xf32>,
    %get3A_1658 = arith.constant 2 : i32
    %get3A_1659 = arith.index_cast %get3A_1658 : i32 to index
    %get3A_1660 = arith.constant 160 : index
    %get3A_1661 = tpu.vector_load %arg9[%get3A_1659, %get3A_1660] {strides = array<i32>} : memref<4x288xf32, #tpu.memory_space<vmem>>, vector<16xf32>,
    %get3A_1662 = arith.constant 3 : i32
    %get3A_1663 = arith.index_cast %get3A_1662 : i32 to index
    %get3A_1664 = arith.constant 160 : index
    %get3A_1665 = tpu.vector_load %arg9[%get3A_1663, %get3A_1664] {strides = array<i32>} : memref<4x288xf32, #tpu.memory_space<vmem>>, vector<16xf32>,
    %sub3A_1666 = arith.subf %get3A_1661, %get3A_1653 : vector<16xf32>
    %add3A_1667 = arith.constant 1.000000e+00 : f32
    %add3A_1668 = vector.broadcast %add3A_1667 : f32 to vector<16xf32>
    %add3A_1669 = arith.addf %sub3A_1666, %add3A_1668 : vector<16xf32>
    %sub3A_1670 = arith.subf %get3A_1665, %get3A_1657 : vector<16xf32>
    %add3A_1671 = arith.constant 1.000000e+00 : f32
    %add3A_1672 = vector.broadcast %add3A_1671 : f32 to vector<16xf32>
    %add3A_1673 = arith.addf %sub3A_1670, %add3A_1672 : vector<16xf32>
    %mul3A_1674 = arith.constant 5.000000e-01 : f32
    %mul3A_1675 = vector.broadcast %mul3A_1674 : f32 to vector<16xf32>
    %mul3A_1676 = arith.mulf %mul3A_1675, %add3A_1669 : vector<16xf32>
    %add3A_1677 = arith.addf %get3A_1653, %mul3A_1676 : vector<16xf32>
    %mul3A_1678 = arith.constant 5.000000e-01 : f32
    %mul3A_1679 = vector.broadcast %mul3A_1678 : f32 to vector<16xf32>
    %mul3A_1680 = arith.mulf %mul3A_1679, %add3A_1673 : vector<16xf32>
    %add3A_1681 = arith.addf %get3A_1657, %mul3A_1680 : vector<16xf32>
    %sub3A_1682 = arith.subf %gather3A_1646, %add3A_1677 : vector<16xf32>
    %div3A_1683 = arith.divf %sub3A_1682, %add3A_1669 : vector<16xf32>
    %swap3A_1684 = arith.constant 0 : i32
    %swap3A_1685 = arith.index_cast %swap3A_1684 : i32 to index
    %swap3A_1686 = arith.constant 160 : index
    %swap3A_1687 = tpu.vector_load %arg22[%swap3A_1685, %swap3A_1686] {strides = array<i32>} : memref<4x288xf32, #tpu.memory_space<vmem>>, vector<16xf32>,
    tpu.vector_store %arg22[%swap3A_1685, %swap3A_1686], %div3A_1683 {strides = array<i32>} : memref<4x288xf32, #tpu.memory_space<vmem>>, vector<16xf32>,
    %sub3A_1688 = arith.subf %gather3A_1647, %add3A_1681 : vector<16xf32>
    %div3A_1689 = arith.divf %sub3A_1688, %add3A_1673 : vector<16xf32>
    %swap3A_1690 = arith.constant 1 : i32
    %swap3A_1691 = arith.index_cast %swap3A_1690 : i32 to index
    %swap3A_1692 = arith.constant 160 : index
    %swap3A_1693 = tpu.vector_load %arg22[%swap3A_1691, %swap3A_1692] {strides = array<i32>} : memref<4x288xf32, #tpu.memory_space<vmem>>, vector<16xf32>,
    tpu.vector_store %arg22[%swap3A_1691, %swap3A_1692], %div3A_1689 {strides = array<i32>} : memref<4x288xf32, #tpu.memory_space<vmem>>, vector<16xf32>,
    %div3A_1694 = arith.divf %gather3A_1648, %add3A_1669 : vector<16xf32>
    %swap3A_1695 = arith.constant 2 : i32
    %swap3A_1696 = arith.index_cast %swap3A_1695 : i32 to index
    %swap3A_1697 = arith.constant 160 : index
    %swap3A_1698 = tpu.vector_load %arg22[%swap3A_1696, %swap3A_1697] {strides = array<i32>} : memref<4x288xf32, #tpu.memory_space<vmem>>, vector<16xf32>,
    tpu.vector_store %arg22[%swap3A_1696, %swap3A_1697], %div3A_1694 {strides = array<i32>} : memref<4x288xf32, #tpu.memory_space<vmem>>, vector<16xf32>,
    %div3A_1699 = arith.divf %gather3A_1649, %add3A_1673 : vector<16xf32>
    %swap3A_1700 = arith.constant 3 : i32
    %swap3A_1701 = arith.index_cast %swap3A_1700 : i32 to index
    %swap3A_1702 = arith.constant 160 : index
    %swap3A_1703 = tpu.vector_load %arg22[%swap3A_1701, %swap3A_1702] {strides = array<i32>} : memref<4x288xf32, #tpu.memory_space<vmem>>, vector<16xf32>,
    tpu.vector_store %arg22[%swap3A_1701, %swap3A_1702], %div3A_1699 {strides = array<i32>} : memref<4x288xf32, #tpu.memory_space<vmem>>, vector<16xf32>,
    %get3A_1704 = arith.constant 176 : index
    %get3A_1705 = tpu.vector_load %arg14[%get3A_1704] {strides = array<i32>} : memref<288xi32, #tpu.memory_space<vmem>>, vector<16xi32>,
    %gather3A_1706 = tpu.vector_load_idx %arg20[%get3A_1705] : memref<112xf32, #tpu.memory_space<vmem>>[vector<16xi32>], vector<16xf32>,
    %gather3A_1707 = tpu.vector_load_idx %arg21[%get3A_1705] : memref<112xf32, #tpu.memory_space<vmem>>[vector<16xi32>], vector<16xf32>,
    %gather3A_1708 = tpu.vector_load_idx %arg18[%get3A_1705] : memref<112xf32, #tpu.memory_space<vmem>>[vector<16xi32>], vector<16xf32>,
    %gather3A_1709 = tpu.vector_load_idx %arg19[%get3A_1705] : memref<112xf32, #tpu.memory_space<vmem>>[vector<16xi32>], vector<16xf32>,
    %get3A_1710 = arith.constant 0 : i32
    %get3A_1711 = arith.index_cast %get3A_1710 : i32 to index
    %get3A_1712 = arith.constant 176 : index
    %get3A_1713 = tpu.vector_load %arg9[%get3A_1711, %get3A_1712] {strides = array<i32>} : memref<4x288xf32, #tpu.memory_space<vmem>>, vector<16xf32>,
    %get3A_1714 = arith.constant 1 : i32
    %get3A_1715 = arith.index_cast %get3A_1714 : i32 to index
    %get3A_1716 = arith.constant 176 : index
    %get3A_1717 = tpu.vector_load %arg9[%get3A_1715, %get3A_1716] {strides = array<i32>} : memref<4x288xf32, #tpu.memory_space<vmem>>, vector<16xf32>,
    %get3A_1718 = arith.constant 2 : i32
    %get3A_1719 = arith.index_cast %get3A_1718 : i32 to index
    %get3A_1720 = arith.constant 176 : index
    %get3A_1721 = tpu.vector_load %arg9[%get3A_1719, %get3A_1720] {strides = array<i32>} : memref<4x288xf32, #tpu.memory_space<vmem>>, vector<16xf32>,
    %get3A_1722 = arith.constant 3 : i32
    %get3A_1723 = arith.index_cast %get3A_1722 : i32 to index
    %get3A_1724 = arith.constant 176 : index
    %get3A_1725 = tpu.vector_load %arg9[%get3A_1723, %get3A_1724] {strides = array<i32>} : memref<4x288xf32, #tpu.memory_space<vmem>>, vector<16xf32>,
    %sub3A_1726 = arith.subf %get3A_1721, %get3A_1713 : vector<16xf32>
    %add3A_1727 = arith.constant 1.000000e+00 : f32
    %add3A_1728 = vector.broadcast %add3A_1727 : f32 to vector<16xf32>
    %add3A_1729 = arith.addf %sub3A_1726, %add3A_1728 : vector<16xf32>
    %sub3A_1730 = arith.subf %get3A_1725, %get3A_1717 : vector<16xf32>
    %add3A_1731 = arith.constant 1.000000e+00 : f32
    %add3A_1732 = vector.broadcast %add3A_1731 : f32 to vector<16xf32>
    %add3A_1733 = arith.addf %sub3A_1730, %add3A_1732 : vector<16xf32>
    %mul3A_1734 = arith.constant 5.000000e-01 : f32
    %mul3A_1735 = vector.broadcast %mul3A_1734 : f32 to vector<16xf32>
    %mul3A_1736 = arith.mulf %mul3A_1735, %add3A_1729 : vector<16xf32>
    %add3A_1737 = arith.addf %get3A_1713, %mul3A_1736 : vector<16xf32>
    %mul3A_1738 = arith.constant 5.000000e-01 : f32
    %mul3A_1739 = vector.broadcast %mul3A_1738 : f32 to vector<16xf32>
    %mul3A_1740 = arith.mulf %mul3A_1739, %add3A_1733 : vector<16xf32>
    %add3A_1741 = arith.addf %get3A_1717, %mul3A_1740 : vector<16xf32>
    %sub3A_1742 = arith.subf %gather3A_1706, %add3A_1737 : vector<16xf32>
    %div3A_1743 = arith.divf %sub3A_1742, %add3A_1729 : vector<16xf32>
    %swap3A_1744 = arith.constant 0 : i32
    %swap3A_1745 = arith.index_cast %swap3A_1744 : i32 to index
    %swap3A_1746 = arith.constant 176 : index
    %swap3A_1747 = tpu.vector_load %arg22[%swap3A_1745, %swap3A_1746] {strides = array<i32>} : memref<4x288xf32, #tpu.memory_space<vmem>>, vector<16xf32>,
    tpu.vector_store %arg22[%swap3A_1745, %swap3A_1746], %div3A_1743 {strides = array<i32>} : memref<4x288xf32, #tpu.memory_space<vmem>>, vector<16xf32>,
    %sub3A_1748 = arith.subf %gather3A_1707, %add3A_1741 : vector<16xf32>
    %div3A_1749 = arith.divf %sub3A_1748, %add3A_1733 : vector<16xf32>
    %swap3A_1750 = arith.constant 1 : i32
    %swap3A_1751 = arith.index_cast %swap3A_1750 : i32 to index
    %swap3A_1752 = arith.constant 176 : index
    %swap3A_1753 = tpu.vector_load %arg22[%swap3A_1751, %swap3A_1752] {strides = array<i32>} : memref<4x288xf32, #tpu.memory_space<vmem>>, vector<16xf32>,
    tpu.vector_store %arg22[%swap3A_1751, %swap3A_1752], %div3A_1749 {strides = array<i32>} : memref<4x288xf32, #tpu.memory_space<vmem>>, vector<16xf32>,
    %div3A_1754 = arith.divf %gather3A_1708, %add3A_1729 : vector<16xf32>
    %swap3A_1755 = arith.constant 2 : i32
    %swap3A_1756 = arith.index_cast %swap3A_1755 : i32 to index
    %swap3A_1757 = arith.constant 176 : index
    %swap3A_1758 = tpu.vector_load %arg22[%swap3A_1756, %swap3A_1757] {strides = array<i32>} : memref<4x288xf32, #tpu.memory_space<vmem>>, vector<16xf32>,
    tpu.vector_store %arg22[%swap3A_1756, %swap3A_1757], %div3A_1754 {strides = array<i32>} : memref<4x288xf32, #tpu.memory_space<vmem>>, vector<16xf32>,
    %div3A_1759 = arith.divf %gather3A_1709, %add3A_1733 : vector<16xf32>
    %swap3A_1760 = arith.constant 3 : i32
    %swap3A_1761 = arith.index_cast %swap3A_1760 : i32 to index
    %swap3A_1762 = arith.constant 176 : index
    %swap3A_1763 = tpu.vector_load %arg22[%swap3A_1761, %swap3A_1762] {strides = array<i32>} : memref<4x288xf32, #tpu.memory_space<vmem>>, vector<16xf32>,
    tpu.vector_store %arg22[%swap3A_1761, %swap3A_1762], %div3A_1759 {strides = array<i32>} : memref<4x288xf32, #tpu.memory_space<vmem>>, vector<16xf32>,
    %get3A_1764 = arith.constant 192 : index
    %get3A_1765 = tpu.vector_load %arg14[%get3A_1764] {strides = array<i32>} : memref<288xi32, #tpu.memory_space<vmem>>, vector<16xi32>,
    %gather3A_1766 = tpu.vector_load_idx %arg20[%get3A_1765] : memref<112xf32, #tpu.memory_space<vmem>>[vector<16xi32>], vector<16xf32>,
    %gather3A_1767 = tpu.vector_load_idx %arg21[%get3A_1765] : memref<112xf32, #tpu.memory_space<vmem>>[vector<16xi32>], vector<16xf32>,
    %gather3A_1768 = tpu.vector_load_idx %arg18[%get3A_1765] : memref<112xf32, #tpu.memory_space<vmem>>[vector<16xi32>], vector<16xf32>,
    %gather3A_1769 = tpu.vector_load_idx %arg19[%get3A_1765] : memref<112xf32, #tpu.memory_space<vmem>>[vector<16xi32>], vector<16xf32>,
    %get3A_1770 = arith.constant 0 : i32
    %get3A_1771 = arith.index_cast %get3A_1770 : i32 to index
    %get3A_1772 = arith.constant 192 : index
    %get3A_1773 = tpu.vector_load %arg9[%get3A_1771, %get3A_1772] {strides = array<i32>} : memref<4x288xf32, #tpu.memory_space<vmem>>, vector<16xf32>,
    %get3A_1774 = arith.constant 1 : i32
    %get3A_1775 = arith.index_cast %get3A_1774 : i32 to index
    %get3A_1776 = arith.constant 192 : index
    %get3A_1777 = tpu.vector_load %arg9[%get3A_1775, %get3A_1776] {strides = array<i32>} : memref<4x288xf32, #tpu.memory_space<vmem>>, vector<16xf32>,
    %get3A_1778 = arith.constant 2 : i32
    %get3A_1779 = arith.index_cast %get3A_1778 : i32 to index
    %get3A_1780 = arith.constant 192 : index
    %get3A_1781 = tpu.vector_load %arg9[%get3A_1779, %get3A_1780] {strides = array<i32>} : memref<4x288xf32, #tpu.memory_space<vmem>>, vector<16xf32>,
    %get3A_1782 = arith.constant 3 : i32
    %get3A_1783 = arith.index_cast %get3A_1782 : i32 to index
    %get3A_1784 = arith.constant 192 : index
    %get3A_1785 = tpu.vector_load %arg9[%get3A_1783, %get3A_1784] {strides = array<i32>} : memref<4x288xf32, #tpu.memory_space<vmem>>, vector<16xf32>,
    %sub3A_1786 = arith.subf %get3A_1781, %get3A_1773 : vector<16xf32>
    %add3A_1787 = arith.constant 1.000000e+00 : f32
    %add3A_1788 = vector.broadcast %add3A_1787 : f32 to vector<16xf32>
    %add3A_1789 = arith.addf %sub3A_1786, %add3A_1788 : vector<16xf32>
    %sub3A_1790 = arith.subf %get3A_1785, %get3A_1777 : vector<16xf32>
    %add3A_1791 = arith.constant 1.000000e+00 : f32
    %add3A_1792 = vector.broadcast %add3A_1791 : f32 to vector<16xf32>
    %add3A_1793 = arith.addf %sub3A_1790, %add3A_1792 : vector<16xf32>
    %mul3A_1794 = arith.constant 5.000000e-01 : f32
    %mul3A_1795 = vector.broadcast %mul3A_1794 : f32 to vector<16xf32>
    %mul3A_1796 = arith.mulf %mul3A_1795, %add3A_1789 : vector<16xf32>
    %add3A_1797 = arith.addf %get3A_1773, %mul3A_1796 : vector<16xf32>
    %mul3A_1798 = arith.constant 5.000000e-01 : f32
    %mul3A_1799 = vector.broadcast %mul3A_1798 : f32 to vector<16xf32>
    %mul3A_1800 = arith.mulf %mul3A_1799, %add3A_1793 : vector<16xf32>
    %add3A_1801 = arith.addf %get3A_1777, %mul3A_1800 : vector<16xf32>
    %sub3A_1802 = arith.subf %gather3A_1766, %add3A_1797 : vector<16xf32>
    %div3A_1803 = arith.divf %sub3A_1802, %add3A_1789 : vector<16xf32>
    %swap3A_1804 = arith.constant 0 : i32
    %swap3A_1805 = arith.index_cast %swap3A_1804 : i32 to index
    %swap3A_1806 = arith.constant 192 : index
    %swap3A_1807 = tpu.vector_load %arg22[%swap3A_1805, %swap3A_1806] {strides = array<i32>} : memref<4x288xf32, #tpu.memory_space<vmem>>, vector<16xf32>,
    tpu.vector_store %arg22[%swap3A_1805, %swap3A_1806], %div3A_1803 {strides = array<i32>} : memref<4x288xf32, #tpu.memory_space<vmem>>, vector<16xf32>,
    %sub3A_1808 = arith.subf %gather3A_1767, %add3A_1801 : vector<16xf32>
    %div3A_1809 = arith.divf %sub3A_1808, %add3A_1793 : vector<16xf32>
    %swap3A_1810 = arith.constant 1 : i32
    %swap3A_1811 = arith.index_cast %swap3A_1810 : i32 to index
    %swap3A_1812 = arith.constant 192 : index
    %swap3A_1813 = tpu.vector_load %arg22[%swap3A_1811, %swap3A_1812] {strides = array<i32>} : memref<4x288xf32, #tpu.memory_space<vmem>>, vector<16xf32>,
    tpu.vector_store %arg22[%swap3A_1811, %swap3A_1812], %div3A_1809 {strides = array<i32>} : memref<4x288xf32, #tpu.memory_space<vmem>>, vector<16xf32>,
    %div3A_1814 = arith.divf %gather3A_1768, %add3A_1789 : vector<16xf32>
    %swap3A_1815 = arith.constant 2 : i32
    %swap3A_1816 = arith.index_cast %swap3A_1815 : i32 to index
    %swap3A_1817 = arith.constant 192 : index
    %swap3A_1818 = tpu.vector_load %arg22[%swap3A_1816, %swap3A_1817] {strides = array<i32>} : memref<4x288xf32, #tpu.memory_space<vmem>>, vector<16xf32>,
    tpu.vector_store %arg22[%swap3A_1816, %swap3A_1817], %div3A_1814 {strides = array<i32>} : memref<4x288xf32, #tpu.memory_space<vmem>>, vector<16xf32>,
    %div3A_1819 = arith.divf %gather3A_1769, %add3A_1793 : vector<16xf32>
    %swap3A_1820 = arith.constant 3 : i32
    %swap3A_1821 = arith.index_cast %swap3A_1820 : i32 to index
    %swap3A_1822 = arith.constant 192 : index
    %swap3A_1823 = tpu.vector_load %arg22[%swap3A_1821, %swap3A_1822] {strides = array<i32>} : memref<4x288xf32, #tpu.memory_space<vmem>>, vector<16xf32>,
    tpu.vector_store %arg22[%swap3A_1821, %swap3A_1822], %div3A_1819 {strides = array<i32>} : memref<4x288xf32, #tpu.memory_space<vmem>>, vector<16xf32>,
    %get3A_1824 = arith.constant 208 : index
    %get3A_1825 = tpu.vector_load %arg14[%get3A_1824] {strides = array<i32>} : memref<288xi32, #tpu.memory_space<vmem>>, vector<16xi32>,
    %gather3A_1826 = tpu.vector_load_idx %arg20[%get3A_1825] : memref<112xf32, #tpu.memory_space<vmem>>[vector<16xi32>], vector<16xf32>,
    %gather3A_1827 = tpu.vector_load_idx %arg21[%get3A_1825] : memref<112xf32, #tpu.memory_space<vmem>>[vector<16xi32>], vector<16xf32>,
    %gather3A_1828 = tpu.vector_load_idx %arg18[%get3A_1825] : memref<112xf32, #tpu.memory_space<vmem>>[vector<16xi32>], vector<16xf32>,
    %gather3A_1829 = tpu.vector_load_idx %arg19[%get3A_1825] : memref<112xf32, #tpu.memory_space<vmem>>[vector<16xi32>], vector<16xf32>,
    %get3A_1830 = arith.constant 0 : i32
    %get3A_1831 = arith.index_cast %get3A_1830 : i32 to index
    %get3A_1832 = arith.constant 208 : index
    %get3A_1833 = tpu.vector_load %arg9[%get3A_1831, %get3A_1832] {strides = array<i32>} : memref<4x288xf32, #tpu.memory_space<vmem>>, vector<16xf32>,
    %get3A_1834 = arith.constant 1 : i32
    %get3A_1835 = arith.index_cast %get3A_1834 : i32 to index
    %get3A_1836 = arith.constant 208 : index
    %get3A_1837 = tpu.vector_load %arg9[%get3A_1835, %get3A_1836] {strides = array<i32>} : memref<4x288xf32, #tpu.memory_space<vmem>>, vector<16xf32>,
    %get3A_1838 = arith.constant 2 : i32
    %get3A_1839 = arith.index_cast %get3A_1838 : i32 to index
    %get3A_1840 = arith.constant 208 : index
    %get3A_1841 = tpu.vector_load %arg9[%get3A_1839, %get3A_1840] {strides = array<i32>} : memref<4x288xf32, #tpu.memory_space<vmem>>, vector<16xf32>,
    %get3A_1842 = arith.constant 3 : i32
    %get3A_1843 = arith.index_cast %get3A_1842 : i32 to index
    %get3A_1844 = arith.constant 208 : index
    %get3A_1845 = tpu.vector_load %arg9[%get3A_1843, %get3A_1844] {strides = array<i32>} : memref<4x288xf32, #tpu.memory_space<vmem>>, vector<16xf32>,
    %sub3A_1846 = arith.subf %get3A_1841, %get3A_1833 : vector<16xf32>
    %add3A_1847 = arith.constant 1.000000e+00 : f32
    %add3A_1848 = vector.broadcast %add3A_1847 : f32 to vector<16xf32>
    %add3A_1849 = arith.addf %sub3A_1846, %add3A_1848 : vector<16xf32>
    %sub3A_1850 = arith.subf %get3A_1845, %get3A_1837 : vector<16xf32>
    %add3A_1851 = arith.constant 1.000000e+00 : f32
    %add3A_1852 = vector.broadcast %add3A_1851 : f32 to vector<16xf32>
    %add3A_1853 = arith.addf %sub3A_1850, %add3A_1852 : vector<16xf32>
    %mul3A_1854 = arith.constant 5.000000e-01 : f32
    %mul3A_1855 = vector.broadcast %mul3A_1854 : f32 to vector<16xf32>
    %mul3A_1856 = arith.mulf %mul3A_1855, %add3A_1849 : vector<16xf32>
    %add3A_1857 = arith.addf %get3A_1833, %mul3A_1856 : vector<16xf32>
    %mul3A_1858 = arith.constant 5.000000e-01 : f32
    %mul3A_1859 = vector.broadcast %mul3A_1858 : f32 to vector<16xf32>
    %mul3A_1860 = arith.mulf %mul3A_1859, %add3A_1853 : vector<16xf32>
    %add3A_1861 = arith.addf %get3A_1837, %mul3A_1860 : vector<16xf32>
    %sub3A_1862 = arith.subf %gather3A_1826, %add3A_1857 : vector<16xf32>
    %div3A_1863 = arith.divf %sub3A_1862, %add3A_1849 : vector<16xf32>
    %swap3A_1864 = arith.constant 0 : i32
    %swap3A_1865 = arith.index_cast %swap3A_1864 : i32 to index
    %swap3A_1866 = arith.constant 208 : index
    %swap3A_1867 = tpu.vector_load %arg22[%swap3A_1865, %swap3A_1866] {strides = array<i32>} : memref<4x288xf32, #tpu.memory_space<vmem>>, vector<16xf32>,
    tpu.vector_store %arg22[%swap3A_1865, %swap3A_1866], %div3A_1863 {strides = array<i32>} : memref<4x288xf32, #tpu.memory_space<vmem>>, vector<16xf32>,
    %sub3A_1868 = arith.subf %gather3A_1827, %add3A_1861 : vector<16xf32>
    %div3A_1869 = arith.divf %sub3A_1868, %add3A_1853 : vector<16xf32>
    %swap3A_1870 = arith.constant 1 : i32
    %swap3A_1871 = arith.index_cast %swap3A_1870 : i32 to index
    %swap3A_1872 = arith.constant 208 : index
    %swap3A_1873 = tpu.vector_load %arg22[%swap3A_1871, %swap3A_1872] {strides = array<i32>} : memref<4x288xf32, #tpu.memory_space<vmem>>, vector<16xf32>,
    tpu.vector_store %arg22[%swap3A_1871, %swap3A_1872], %div3A_1869 {strides = array<i32>} : memref<4x288xf32, #tpu.memory_space<vmem>>, vector<16xf32>,
    %div3A_1874 = arith.divf %gather3A_1828, %add3A_1849 : vector<16xf32>
    %swap3A_1875 = arith.constant 2 : i32
    %swap3A_1876 = arith.index_cast %swap3A_1875 : i32 to index
    %swap3A_1877 = arith.constant 208 : index
    %swap3A_1878 = tpu.vector_load %arg22[%swap3A_1876, %swap3A_1877] {strides = array<i32>} : memref<4x288xf32, #tpu.memory_space<vmem>>, vector<16xf32>,
    tpu.vector_store %arg22[%swap3A_1876, %swap3A_1877], %div3A_1874 {strides = array<i32>} : memref<4x288xf32, #tpu.memory_space<vmem>>, vector<16xf32>,
    %div3A_1879 = arith.divf %gather3A_1829, %add3A_1853 : vector<16xf32>
    %swap3A_1880 = arith.constant 3 : i32
    %swap3A_1881 = arith.index_cast %swap3A_1880 : i32 to index
    %swap3A_1882 = arith.constant 208 : index
    %swap3A_1883 = tpu.vector_load %arg22[%swap3A_1881, %swap3A_1882] {strides = array<i32>} : memref<4x288xf32, #tpu.memory_space<vmem>>, vector<16xf32>,
    tpu.vector_store %arg22[%swap3A_1881, %swap3A_1882], %div3A_1879 {strides = array<i32>} : memref<4x288xf32, #tpu.memory_space<vmem>>, vector<16xf32>,
    %get3A_1884 = arith.constant 224 : index
    %get3A_1885 = tpu.vector_load %arg14[%get3A_1884] {strides = array<i32>} : memref<288xi32, #tpu.memory_space<vmem>>, vector<16xi32>,
    %gather3A_1886 = tpu.vector_load_idx %arg20[%get3A_1885] : memref<112xf32, #tpu.memory_space<vmem>>[vector<16xi32>], vector<16xf32>,
    %gather3A_1887 = tpu.vector_load_idx %arg21[%get3A_1885] : memref<112xf32, #tpu.memory_space<vmem>>[vector<16xi32>], vector<16xf32>,
    %gather3A_1888 = tpu.vector_load_idx %arg18[%get3A_1885] : memref<112xf32, #tpu.memory_space<vmem>>[vector<16xi32>], vector<16xf32>,
    %gather3A_1889 = tpu.vector_load_idx %arg19[%get3A_1885] : memref<112xf32, #tpu.memory_space<vmem>>[vector<16xi32>], vector<16xf32>,
    %get3A_1890 = arith.constant 0 : i32
    %get3A_1891 = arith.index_cast %get3A_1890 : i32 to index
    %get3A_1892 = arith.constant 224 : index
    %get3A_1893 = tpu.vector_load %arg9[%get3A_1891, %get3A_1892] {strides = array<i32>} : memref<4x288xf32, #tpu.memory_space<vmem>>, vector<16xf32>,
    %get3A_1894 = arith.constant 1 : i32
    %get3A_1895 = arith.index_cast %get3A_1894 : i32 to index
    %get3A_1896 = arith.constant 224 : index
    %get3A_1897 = tpu.vector_load %arg9[%get3A_1895, %get3A_1896] {strides = array<i32>} : memref<4x288xf32, #tpu.memory_space<vmem>>, vector<16xf32>,
    %get3A_1898 = arith.constant 2 : i32
    %get3A_1899 = arith.index_cast %get3A_1898 : i32 to index
    %get3A_1900 = arith.constant 224 : index
    %get3A_1901 = tpu.vector_load %arg9[%get3A_1899, %get3A_1900] {strides = array<i32>} : memref<4x288xf32, #tpu.memory_space<vmem>>, vector<16xf32>,
    %get3A_1902 = arith.constant 3 : i32
    %get3A_1903 = arith.index_cast %get3A_1902 : i32 to index
    %get3A_1904 = arith.constant 224 : index
    %get3A_1905 = tpu.vector_load %arg9[%get3A_1903, %get3A_1904] {strides = array<i32>} : memref<4x288xf32, #tpu.memory_space<vmem>>, vector<16xf32>,
    %sub3A_1906 = arith.subf %get3A_1901, %get3A_1893 : vector<16xf32>
    %add3A_1907 = arith.constant 1.000000e+00 : f32
    %add3A_1908 = vector.broadcast %add3A_1907 : f32 to vector<16xf32>
    %add3A_1909 = arith.addf %sub3A_1906, %add3A_1908 : vector<16xf32>
    %sub3A_1910 = arith.subf %get3A_1905, %get3A_1897 : vector<16xf32>
    %add3A_1911 = arith.constant 1.000000e+00 : f32
    %add3A_1912 = vector.broadcast %add3A_1911 : f32 to vector<16xf32>
    %add3A_1913 = arith.addf %sub3A_1910, %add3A_1912 : vector<16xf32>
    %mul3A_1914 = arith.constant 5.000000e-01 : f32
    %mul3A_1915 = vector.broadcast %mul3A_1914 : f32 to vector<16xf32>
    %mul3A_1916 = arith.mulf %mul3A_1915, %add3A_1909 : vector<16xf32>
    %add3A_1917 = arith.addf %get3A_1893, %mul3A_1916 : vector<16xf32>
    %mul3A_1918 = arith.constant 5.000000e-01 : f32
    %mul3A_1919 = vector.broadcast %mul3A_1918 : f32 to vector<16xf32>
    %mul3A_1920 = arith.mulf %mul3A_1919, %add3A_1913 : vector<16xf32>
    %add3A_1921 = arith.addf %get3A_1897, %mul3A_1920 : vector<16xf32>
    %sub3A_1922 = arith.subf %gather3A_1886, %add3A_1917 : vector<16xf32>
    %div3A_1923 = arith.divf %sub3A_1922, %add3A_1909 : vector<16xf32>
    %swap3A_1924 = arith.constant 0 : i32
    %swap3A_1925 = arith.index_cast %swap3A_1924 : i32 to index
    %swap3A_1926 = arith.constant 224 : index
    %swap3A_1927 = tpu.vector_load %arg22[%swap3A_1925, %swap3A_1926] {strides = array<i32>} : memref<4x288xf32, #tpu.memory_space<vmem>>, vector<16xf32>,
    tpu.vector_store %arg22[%swap3A_1925, %swap3A_1926], %div3A_1923 {strides = array<i32>} : memref<4x288xf32, #tpu.memory_space<vmem>>, vector<16xf32>,
    %sub3A_1928 = arith.subf %gather3A_1887, %add3A_1921 : vector<16xf32>
    %div3A_1929 = arith.divf %sub3A_1928, %add3A_1913 : vector<16xf32>
    %swap3A_1930 = arith.constant 1 : i32
    %swap3A_1931 = arith.index_cast %swap3A_1930 : i32 to index
    %swap3A_1932 = arith.constant 224 : index
    %swap3A_1933 = tpu.vector_load %arg22[%swap3A_1931, %swap3A_1932] {strides = array<i32>} : memref<4x288xf32, #tpu.memory_space<vmem>>, vector<16xf32>,
    tpu.vector_store %arg22[%swap3A_1931, %swap3A_1932], %div3A_1929 {strides = array<i32>} : memref<4x288xf32, #tpu.memory_space<vmem>>, vector<16xf32>,
    %div3A_1934 = arith.divf %gather3A_1888, %add3A_1909 : vector<16xf32>
    %swap3A_1935 = arith.constant 2 : i32
    %swap3A_1936 = arith.index_cast %swap3A_1935 : i32 to index
    %swap3A_1937 = arith.constant 224 : index
    %swap3A_1938 = tpu.vector_load %arg22[%swap3A_1936, %swap3A_1937] {strides = array<i32>} : memref<4x288xf32, #tpu.memory_space<vmem>>, vector<16xf32>,
    tpu.vector_store %arg22[%swap3A_1936, %swap3A_1937], %div3A_1934 {strides = array<i32>} : memref<4x288xf32, #tpu.memory_space<vmem>>, vector<16xf32>,
    %div3A_1939 = arith.divf %gather3A_1889, %add3A_1913 : vector<16xf32>
    %swap3A_1940 = arith.constant 3 : i32
    %swap3A_1941 = arith.index_cast %swap3A_1940 : i32 to index
    %swap3A_1942 = arith.constant 224 : index
    %swap3A_1943 = tpu.vector_load %arg22[%swap3A_1941, %swap3A_1942] {strides = array<i32>} : memref<4x288xf32, #tpu.memory_space<vmem>>, vector<16xf32>,
    tpu.vector_store %arg22[%swap3A_1941, %swap3A_1942], %div3A_1939 {strides = array<i32>} : memref<4x288xf32, #tpu.memory_space<vmem>>, vector<16xf32>,
    %get3A_1944 = arith.constant 240 : index
    %get3A_1945 = tpu.vector_load %arg14[%get3A_1944] {strides = array<i32>} : memref<288xi32, #tpu.memory_space<vmem>>, vector<16xi32>,
    %gather3A_1946 = tpu.vector_load_idx %arg20[%get3A_1945] : memref<112xf32, #tpu.memory_space<vmem>>[vector<16xi32>], vector<16xf32>,
    %gather3A_1947 = tpu.vector_load_idx %arg21[%get3A_1945] : memref<112xf32, #tpu.memory_space<vmem>>[vector<16xi32>], vector<16xf32>,
    %gather3A_1948 = tpu.vector_load_idx %arg18[%get3A_1945] : memref<112xf32, #tpu.memory_space<vmem>>[vector<16xi32>], vector<16xf32>,
    %gather3A_1949 = tpu.vector_load_idx %arg19[%get3A_1945] : memref<112xf32, #tpu.memory_space<vmem>>[vector<16xi32>], vector<16xf32>,
    %get3A_1950 = arith.constant 0 : i32
    %get3A_1951 = arith.index_cast %get3A_1950 : i32 to index
    %get3A_1952 = arith.constant 240 : index
    %get3A_1953 = tpu.vector_load %arg9[%get3A_1951, %get3A_1952] {strides = array<i32>} : memref<4x288xf32, #tpu.memory_space<vmem>>, vector<16xf32>,
    %get3A_1954 = arith.constant 1 : i32
    %get3A_1955 = arith.index_cast %get3A_1954 : i32 to index
    %get3A_1956 = arith.constant 240 : index
    %get3A_1957 = tpu.vector_load %arg9[%get3A_1955, %get3A_1956] {strides = array<i32>} : memref<4x288xf32, #tpu.memory_space<vmem>>, vector<16xf32>,
    %get3A_1958 = arith.constant 2 : i32
    %get3A_1959 = arith.index_cast %get3A_1958 : i32 to index
    %get3A_1960 = arith.constant 240 : index
    %get3A_1961 = tpu.vector_load %arg9[%get3A_1959, %get3A_1960] {strides = array<i32>} : memref<4x288xf32, #tpu.memory_space<vmem>>, vector<16xf32>,
    %get3A_1962 = arith.constant 3 : i32
    %get3A_1963 = arith.index_cast %get3A_1962 : i32 to index
    %get3A_1964 = arith.constant 240 : index
    %get3A_1965 = tpu.vector_load %arg9[%get3A_1963, %get3A_1964] {strides = array<i32>} : memref<4x288xf32, #tpu.memory_space<vmem>>, vector<16xf32>,
    %sub3A_1966 = arith.subf %get3A_1961, %get3A_1953 : vector<16xf32>
    %add3A_1967 = arith.constant 1.000000e+00 : f32
    %add3A_1968 = vector.broadcast %add3A_1967 : f32 to vector<16xf32>
    %add3A_1969 = arith.addf %sub3A_1966, %add3A_1968 : vector<16xf32>
    %sub3A_1970 = arith.subf %get3A_1965, %get3A_1957 : vector<16xf32>
    %add3A_1971 = arith.constant 1.000000e+00 : f32
    %add3A_1972 = vector.broadcast %add3A_1971 : f32 to vector<16xf32>
    %add3A_1973 = arith.addf %sub3A_1970, %add3A_1972 : vector<16xf32>
    %mul3A_1974 = arith.constant 5.000000e-01 : f32
    %mul3A_1975 = vector.broadcast %mul3A_1974 : f32 to vector<16xf32>
    %mul3A_1976 = arith.mulf %mul3A_1975, %add3A_1969 : vector<16xf32>
    %add3A_1977 = arith.addf %get3A_1953, %mul3A_1976 : vector<16xf32>
    %mul3A_1978 = arith.constant 5.000000e-01 : f32
    %mul3A_1979 = vector.broadcast %mul3A_1978 : f32 to vector<16xf32>
    %mul3A_1980 = arith.mulf %mul3A_1979, %add3A_1973 : vector<16xf32>
    %add3A_1981 = arith.addf %get3A_1957, %mul3A_1980 : vector<16xf32>
    %sub3A_1982 = arith.subf %gather3A_1946, %add3A_1977 : vector<16xf32>
    %div3A_1983 = arith.divf %sub3A_1982, %add3A_1969 : vector<16xf32>
    %swap3A_1984 = arith.constant 0 : i32
    %swap3A_1985 = arith.index_cast %swap3A_1984 : i32 to index
    %swap3A_1986 = arith.constant 240 : index
    %swap3A_1987 = tpu.vector_load %arg22[%swap3A_1985, %swap3A_1986] {strides = array<i32>} : memref<4x288xf32, #tpu.memory_space<vmem>>, vector<16xf32>,
    tpu.vector_store %arg22[%swap3A_1985, %swap3A_1986], %div3A_1983 {strides = array<i32>} : memref<4x288xf32, #tpu.memory_space<vmem>>, vector<16xf32>,
    %sub3A_1988 = arith.subf %gather3A_1947, %add3A_1981 : vector<16xf32>
    %div3A_1989 = arith.divf %sub3A_1988, %add3A_1973 : vector<16xf32>
    %swap3A_1990 = arith.constant 1 : i32
    %swap3A_1991 = arith.index_cast %swap3A_1990 : i32 to index
    %swap3A_1992 = arith.constant 240 : index
    %swap3A_1993 = tpu.vector_load %arg22[%swap3A_1991, %swap3A_1992] {strides = array<i32>} : memref<4x288xf32, #tpu.memory_space<vmem>>, vector<16xf32>,
    tpu.vector_store %arg22[%swap3A_1991, %swap3A_1992], %div3A_1989 {strides = array<i32>} : memref<4x288xf32, #tpu.memory_space<vmem>>, vector<16xf32>,
    %div3A_1994 = arith.divf %gather3A_1948, %add3A_1969 : vector<16xf32>
    %swap3A_1995 = arith.constant 2 : i32
    %swap3A_1996 = arith.index_cast %swap3A_1995 : i32 to index
    %swap3A_1997 = arith.constant 240 : index
    %swap3A_1998 = tpu.vector_load %arg22[%swap3A_1996, %swap3A_1997] {strides = array<i32>} : memref<4x288xf32, #tpu.memory_space<vmem>>, vector<16xf32>,
    tpu.vector_store %arg22[%swap3A_1996, %swap3A_1997], %div3A_1994 {strides = array<i32>} : memref<4x288xf32, #tpu.memory_space<vmem>>, vector<16xf32>,
    %div3A_1999 = arith.divf %gather3A_1949, %add3A_1973 : vector<16xf32>
    %swap3A_2000 = arith.constant 3 : i32
    %swap3A_2001 = arith.index_cast %swap3A_2000 : i32 to index
    %swap3A_2002 = arith.constant 240 : index
    %swap3A_2003 = tpu.vector_load %arg22[%swap3A_2001, %swap3A_2002] {strides = array<i32>} : memref<4x288xf32, #tpu.memory_space<vmem>>, vector<16xf32>,
    tpu.vector_store %arg22[%swap3A_2001, %swap3A_2002], %div3A_1999 {strides = array<i32>} : memref<4x288xf32, #tpu.memory_space<vmem>>, vector<16xf32>,
    %get3A_2004 = arith.constant 256 : index
    %get3A_2005 = tpu.vector_load %arg14[%get3A_2004] {strides = array<i32>} : memref<288xi32, #tpu.memory_space<vmem>>, vector<16xi32>,
    %gather3A_2006 = tpu.vector_load_idx %arg20[%get3A_2005] : memref<112xf32, #tpu.memory_space<vmem>>[vector<16xi32>], vector<16xf32>,
    %gather3A_2007 = tpu.vector_load_idx %arg21[%get3A_2005] : memref<112xf32, #tpu.memory_space<vmem>>[vector<16xi32>], vector<16xf32>,
    %gather3A_2008 = tpu.vector_load_idx %arg18[%get3A_2005] : memref<112xf32, #tpu.memory_space<vmem>>[vector<16xi32>], vector<16xf32>,
    %gather3A_2009 = tpu.vector_load_idx %arg19[%get3A_2005] : memref<112xf32, #tpu.memory_space<vmem>>[vector<16xi32>], vector<16xf32>,
    %get3A_2010 = arith.constant 0 : i32
    %get3A_2011 = arith.index_cast %get3A_2010 : i32 to index
    %get3A_2012 = arith.constant 256 : index
    %get3A_2013 = tpu.vector_load %arg9[%get3A_2011, %get3A_2012] {strides = array<i32>} : memref<4x288xf32, #tpu.memory_space<vmem>>, vector<16xf32>,
    %get3A_2014 = arith.constant 1 : i32
    %get3A_2015 = arith.index_cast %get3A_2014 : i32 to index
    %get3A_2016 = arith.constant 256 : index
    %get3A_2017 = tpu.vector_load %arg9[%get3A_2015, %get3A_2016] {strides = array<i32>} : memref<4x288xf32, #tpu.memory_space<vmem>>, vector<16xf32>,
    %get3A_2018 = arith.constant 2 : i32
    %get3A_2019 = arith.index_cast %get3A_2018 : i32 to index
    %get3A_2020 = arith.constant 256 : index
    %get3A_2021 = tpu.vector_load %arg9[%get3A_2019, %get3A_2020] {strides = array<i32>} : memref<4x288xf32, #tpu.memory_space<vmem>>, vector<16xf32>,
    %get3A_2022 = arith.constant 3 : i32
    %get3A_2023 = arith.index_cast %get3A_2022 : i32 to index
    %get3A_2024 = arith.constant 256 : index
    %get3A_2025 = tpu.vector_load %arg9[%get3A_2023, %get3A_2024] {strides = array<i32>} : memref<4x288xf32, #tpu.memory_space<vmem>>, vector<16xf32>,
    %sub3A_2026 = arith.subf %get3A_2021, %get3A_2013 : vector<16xf32>
    %add3A_2027 = arith.constant 1.000000e+00 : f32
    %add3A_2028 = vector.broadcast %add3A_2027 : f32 to vector<16xf32>
    %add3A_2029 = arith.addf %sub3A_2026, %add3A_2028 : vector<16xf32>
    %sub3A_2030 = arith.subf %get3A_2025, %get3A_2017 : vector<16xf32>
    %add3A_2031 = arith.constant 1.000000e+00 : f32
    %add3A_2032 = vector.broadcast %add3A_2031 : f32 to vector<16xf32>
    %add3A_2033 = arith.addf %sub3A_2030, %add3A_2032 : vector<16xf32>
    %mul3A_2034 = arith.constant 5.000000e-01 : f32
    %mul3A_2035 = vector.broadcast %mul3A_2034 : f32 to vector<16xf32>
    %mul3A_2036 = arith.mulf %mul3A_2035, %add3A_2029 : vector<16xf32>
    %add3A_2037 = arith.addf %get3A_2013, %mul3A_2036 : vector<16xf32>
    %mul3A_2038 = arith.constant 5.000000e-01 : f32
    %mul3A_2039 = vector.broadcast %mul3A_2038 : f32 to vector<16xf32>
    %mul3A_2040 = arith.mulf %mul3A_2039, %add3A_2033 : vector<16xf32>
    %add3A_2041 = arith.addf %get3A_2017, %mul3A_2040 : vector<16xf32>
    %sub3A_2042 = arith.subf %gather3A_2006, %add3A_2037 : vector<16xf32>
    %div3A_2043 = arith.divf %sub3A_2042, %add3A_2029 : vector<16xf32>
    %swap3A_2044 = arith.constant 0 : i32
    %swap3A_2045 = arith.index_cast %swap3A_2044 : i32 to index
    %swap3A_2046 = arith.constant 256 : index
    %swap3A_2047 = tpu.vector_load %arg22[%swap3A_2045, %swap3A_2046] {strides = array<i32>} : memref<4x288xf32, #tpu.memory_space<vmem>>, vector<16xf32>,
    tpu.vector_store %arg22[%swap3A_2045, %swap3A_2046], %div3A_2043 {strides = array<i32>} : memref<4x288xf32, #tpu.memory_space<vmem>>, vector<16xf32>,
    %sub3A_2048 = arith.subf %gather3A_2007, %add3A_2041 : vector<16xf32>
    %div3A_2049 = arith.divf %sub3A_2048, %add3A_2033 : vector<16xf32>
    %swap3A_2050 = arith.constant 1 : i32
    %swap3A_2051 = arith.index_cast %swap3A_2050 : i32 to index
    %swap3A_2052 = arith.constant 256 : index
    %swap3A_2053 = tpu.vector_load %arg22[%swap3A_2051, %swap3A_2052] {strides = array<i32>} : memref<4x288xf32, #tpu.memory_space<vmem>>, vector<16xf32>,
    tpu.vector_store %arg22[%swap3A_2051, %swap3A_2052], %div3A_2049 {strides = array<i32>} : memref<4x288xf32, #tpu.memory_space<vmem>>, vector<16xf32>,
    %div3A_2054 = arith.divf %gather3A_2008, %add3A_2029 : vector<16xf32>
    %swap3A_2055 = arith.constant 2 : i32
    %swap3A_2056 = arith.index_cast %swap3A_2055 : i32 to index
    %swap3A_2057 = arith.constant 256 : index
    %swap3A_2058 = tpu.vector_load %arg22[%swap3A_2056, %swap3A_2057] {strides = array<i32>} : memref<4x288xf32, #tpu.memory_space<vmem>>, vector<16xf32>,
    tpu.vector_store %arg22[%swap3A_2056, %swap3A_2057], %div3A_2054 {strides = array<i32>} : memref<4x288xf32, #tpu.memory_space<vmem>>, vector<16xf32>,
    %div3A_2059 = arith.divf %gather3A_2009, %add3A_2033 : vector<16xf32>
    %swap3A_2060 = arith.constant 3 : i32
    %swap3A_2061 = arith.index_cast %swap3A_2060 : i32 to index
    %swap3A_2062 = arith.constant 256 : index
    %swap3A_2063 = tpu.vector_load %arg22[%swap3A_2061, %swap3A_2062] {strides = array<i32>} : memref<4x288xf32, #tpu.memory_space<vmem>>, vector<16xf32>,
    tpu.vector_store %arg22[%swap3A_2061, %swap3A_2062], %div3A_2059 {strides = array<i32>} : memref<4x288xf32, #tpu.memory_space<vmem>>, vector<16xf32>,
    %get3A_2064 = arith.constant 272 : index
    %get3A_2065 = tpu.vector_load %arg14[%get3A_2064] {strides = array<i32>} : memref<288xi32, #tpu.memory_space<vmem>>, vector<16xi32>,
    %gather3A_2066 = tpu.vector_load_idx %arg20[%get3A_2065] : memref<112xf32, #tpu.memory_space<vmem>>[vector<16xi32>], vector<16xf32>,
    %gather3A_2067 = tpu.vector_load_idx %arg21[%get3A_2065] : memref<112xf32, #tpu.memory_space<vmem>>[vector<16xi32>], vector<16xf32>,
    %gather3A_2068 = tpu.vector_load_idx %arg18[%get3A_2065] : memref<112xf32, #tpu.memory_space<vmem>>[vector<16xi32>], vector<16xf32>,
    %gather3A_2069 = tpu.vector_load_idx %arg19[%get3A_2065] : memref<112xf32, #tpu.memory_space<vmem>>[vector<16xi32>], vector<16xf32>,
    %get3A_2070 = arith.constant 0 : i32
    %get3A_2071 = arith.index_cast %get3A_2070 : i32 to index
    %get3A_2072 = arith.constant 272 : index
    %get3A_2073 = tpu.vector_load %arg9[%get3A_2071, %get3A_2072] {strides = array<i32>} : memref<4x288xf32, #tpu.memory_space<vmem>>, vector<16xf32>,
    %get3A_2074 = arith.constant 1 : i32
    %get3A_2075 = arith.index_cast %get3A_2074 : i32 to index
    %get3A_2076 = arith.constant 272 : index
    %get3A_2077 = tpu.vector_load %arg9[%get3A_2075, %get3A_2076] {strides = array<i32>} : memref<4x288xf32, #tpu.memory_space<vmem>>, vector<16xf32>,
    %get3A_2078 = arith.constant 2 : i32
    %get3A_2079 = arith.index_cast %get3A_2078 : i32 to index
    %get3A_2080 = arith.constant 272 : index
    %get3A_2081 = tpu.vector_load %arg9[%get3A_2079, %get3A_2080] {strides = array<i32>} : memref<4x288xf32, #tpu.memory_space<vmem>>, vector<16xf32>,
    %get3A_2082 = arith.constant 3 : i32
    %get3A_2083 = arith.index_cast %get3A_2082 : i32 to index
    %get3A_2084 = arith.constant 272 : index
    %get3A_2085 = tpu.vector_load %arg9[%get3A_2083, %get3A_2084] {strides = array<i32>} : memref<4x288xf32, #tpu.memory_space<vmem>>, vector<16xf32>,
    %sub3A_2086 = arith.subf %get3A_2081, %get3A_2073 : vector<16xf32>
    %add3A_2087 = arith.constant 1.000000e+00 : f32
    %add3A_2088 = vector.broadcast %add3A_2087 : f32 to vector<16xf32>
    %add3A_2089 = arith.addf %sub3A_2086, %add3A_2088 : vector<16xf32>
    %sub3A_2090 = arith.subf %get3A_2085, %get3A_2077 : vector<16xf32>
    %add3A_2091 = arith.constant 1.000000e+00 : f32
    %add3A_2092 = vector.broadcast %add3A_2091 : f32 to vector<16xf32>
    %add3A_2093 = arith.addf %sub3A_2090, %add3A_2092 : vector<16xf32>
    %mul3A_2094 = arith.constant 5.000000e-01 : f32
    %mul3A_2095 = vector.broadcast %mul3A_2094 : f32 to vector<16xf32>
    %mul3A_2096 = arith.mulf %mul3A_2095, %add3A_2089 : vector<16xf32>
    %add3A_2097 = arith.addf %get3A_2073, %mul3A_2096 : vector<16xf32>
    %mul3A_2098 = arith.constant 5.000000e-01 : f32
    %mul3A_2099 = vector.broadcast %mul3A_2098 : f32 to vector<16xf32>
    %mul3A_2100 = arith.mulf %mul3A_2099, %add3A_2093 : vector<16xf32>
    %add3A_2101 = arith.addf %get3A_2077, %mul3A_2100 : vector<16xf32>
    %sub3A_2102 = arith.subf %gather3A_2066, %add3A_2097 : vector<16xf32>
    %div3A_2103 = arith.divf %sub3A_2102, %add3A_2089 : vector<16xf32>
    %swap3A_2104 = arith.constant 0 : i32
    %swap3A_2105 = arith.index_cast %swap3A_2104 : i32 to index
    %swap3A_2106 = arith.constant 272 : index
    %swap3A_2107 = tpu.vector_load %arg22[%swap3A_2105, %swap3A_2106] {strides = array<i32>} : memref<4x288xf32, #tpu.memory_space<vmem>>, vector<16xf32>,
    tpu.vector_store %arg22[%swap3A_2105, %swap3A_2106], %div3A_2103 {strides = array<i32>} : memref<4x288xf32, #tpu.memory_space<vmem>>, vector<16xf32>,
    %sub3A_2108 = arith.subf %gather3A_2067, %add3A_2101 : vector<16xf32>
    %div3A_2109 = arith.divf %sub3A_2108, %add3A_2093 : vector<16xf32>
    %swap3A_2110 = arith.constant 1 : i32
    %swap3A_2111 = arith.index_cast %swap3A_2110 : i32 to index
    %swap3A_2112 = arith.constant 272 : index
    %swap3A_2113 = tpu.vector_load %arg22[%swap3A_2111, %swap3A_2112] {strides = array<i32>} : memref<4x288xf32, #tpu.memory_space<vmem>>, vector<16xf32>,
    tpu.vector_store %arg22[%swap3A_2111, %swap3A_2112], %div3A_2109 {strides = array<i32>} : memref<4x288xf32, #tpu.memory_space<vmem>>, vector<16xf32>,
    %div3A_2114 = arith.divf %gather3A_2068, %add3A_2089 : vector<16xf32>
    %swap3A_2115 = arith.constant 2 : i32
    %swap3A_2116 = arith.index_cast %swap3A_2115 : i32 to index
    %swap3A_2117 = arith.constant 272 : index
    %swap3A_2118 = tpu.vector_load %arg22[%swap3A_2116, %swap3A_2117] {strides = array<i32>} : memref<4x288xf32, #tpu.memory_space<vmem>>, vector<16xf32>,
    tpu.vector_store %arg22[%swap3A_2116, %swap3A_2117], %div3A_2114 {strides = array<i32>} : memref<4x288xf32, #tpu.memory_space<vmem>>, vector<16xf32>,
    %div3A_2119 = arith.divf %gather3A_2069, %add3A_2093 : vector<16xf32>
    %swap3A_2120 = arith.constant 3 : i32
    %swap3A_2121 = arith.index_cast %swap3A_2120 : i32 to index
    %swap3A_2122 = arith.constant 272 : index
    %swap3A_2123 = tpu.vector_load %arg22[%swap3A_2121, %swap3A_2122] {strides = array<i32>} : memref<4x288xf32, #tpu.memory_space<vmem>>, vector<16xf32>,
    tpu.vector_store %arg22[%swap3A_2121, %swap3A_2122], %div3A_2119 {strides = array<i32>} : memref<4x288xf32, #tpu.memory_space<vmem>>, vector<16xf32>,
    "tpu.region"() ({
      %run_scoped3A = tpu.sem_alloc : memref<!tpu.dma_semaphore, #tpu.memory_space<semaphore_mem>>
      %dma_start3A = arith.constant 0 : i32
      %dma_start3A_2124 = tpu.memref_slice %arg5[%add3A, %dma_start3A] : memref<32x288xf32, #tpu.memory_space<hbm>> -> memref<1x288xf32, #tpu.memory_space<hbm>>
      %dma_start3A_2125 = tpu.memref_squeeze %dma_start3A_2124 : memref<1x288xf32, #tpu.memory_space<hbm>> -> memref<288xf32, #tpu.memory_space<hbm>>
      %dma_start3A_2126 = arith.constant 0 : i32
      %dma_start3A_2127 = tpu.memref_slice %arg5[%add3A, %dma_start3A_2126] : memref<32x288xf32, #tpu.memory_space<hbm>> -> memref<1x288xf32, #tpu.memory_space<hbm>>
      %dma_start3A_2128 = tpu.memref_squeeze %dma_start3A_2127 : memref<1x288xf32, #tpu.memory_space<hbm>> -> memref<288xf32, #tpu.memory_space<hbm>>
      tpu.enqueue_dma source(%arg13 : memref<288xf32, #tpu.memory_space<vmem>>) target(%dma_start3A_2128 : memref<288xf32, #tpu.memory_space<hbm>>) target_semaphore(%run_scoped3A : memref<!tpu.dma_semaphore, #tpu.memory_space<semaphore_mem>>)
      %dma_wait3A = arith.constant 0 : i32
      %dma_wait3A_2129 = tpu.memref_slice %arg5[%add3A, %dma_wait3A] : memref<32x288xf32, #tpu.memory_space<hbm>> -> memref<1x288xf32, #tpu.memory_space<hbm>>
      %dma_wait3A_2130 = tpu.memref_squeeze %dma_wait3A_2129 : memref<1x288xf32, #tpu.memory_space<hbm>> -> memref<288xf32, #tpu.memory_space<hbm>>
      %dma_wait3A_2131 = arith.constant 0 : i32
      %dma_wait3A_2132 = tpu.memref_slice %arg5[%add3A, %dma_wait3A_2131] : memref<32x288xf32, #tpu.memory_space<hbm>> -> memref<1x288xf32, #tpu.memory_space<hbm>>
      %dma_wait3A_2133 = tpu.memref_squeeze %dma_wait3A_2132 : memref<1x288xf32, #tpu.memory_space<hbm>> -> memref<288xf32, #tpu.memory_space<hbm>>
      tpu.wait_dma2 semaphore(%run_scoped3A : memref<!tpu.dma_semaphore, #tpu.memory_space<semaphore_mem>>) src(%arg13 : memref<288xf32, #tpu.memory_space<vmem>>) dst(%dma_wait3A_2133 : memref<288xf32, #tpu.memory_space<hbm>>)
      tpu.yield
    }) : () -> ()
    "tpu.region"() ({
      %run_scoped3A = tpu.sem_alloc : memref<!tpu.dma_semaphore, #tpu.memory_space<semaphore_mem>>
      %dma_start3A = arith.constant 0 : i32
      %dma_start3A_2124 = arith.constant 0 : i32
      %dma_start3A_2125 = tpu.memref_slice %arg6[%add3A, %dma_start3A, %dma_start3A_2124] : memref<32x4x288xf32, #tpu.memory_space<hbm>> -> memref<1x4x288xf32, #tpu.memory_space<hbm>>
      %dma_start3A_2126 = tpu.memref_squeeze %dma_start3A_2125 : memref<1x4x288xf32, #tpu.memory_space<hbm>> -> memref<4x288xf32, #tpu.memory_space<hbm>>
      %dma_start3A_2127 = arith.constant 0 : i32
      %dma_start3A_2128 = arith.constant 0 : i32
      %dma_start3A_2129 = tpu.memref_slice %arg6[%add3A, %dma_start3A_2127, %dma_start3A_2128] : memref<32x4x288xf32, #tpu.memory_space<hbm>> -> memref<1x4x288xf32, #tpu.memory_space<hbm>>
      %dma_start3A_2130 = tpu.memref_squeeze %dma_start3A_2129 : memref<1x4x288xf32, #tpu.memory_space<hbm>> -> memref<4x288xf32, #tpu.memory_space<hbm>>
      tpu.enqueue_dma source(%arg22 : memref<4x288xf32, #tpu.memory_space<vmem>>) target(%dma_start3A_2130 : memref<4x288xf32, #tpu.memory_space<hbm>>) target_semaphore(%run_scoped3A : memref<!tpu.dma_semaphore, #tpu.memory_space<semaphore_mem>>)
      %dma_wait3A = arith.constant 0 : i32
      %dma_wait3A_2131 = arith.constant 0 : i32
      %dma_wait3A_2132 = tpu.memref_slice %arg6[%add3A, %dma_wait3A, %dma_wait3A_2131] : memref<32x4x288xf32, #tpu.memory_space<hbm>> -> memref<1x4x288xf32, #tpu.memory_space<hbm>>
      %dma_wait3A_2133 = tpu.memref_squeeze %dma_wait3A_2132 : memref<1x4x288xf32, #tpu.memory_space<hbm>> -> memref<4x288xf32, #tpu.memory_space<hbm>>
      %dma_wait3A_2134 = arith.constant 0 : i32
      %dma_wait3A_2135 = arith.constant 0 : i32
      %dma_wait3A_2136 = tpu.memref_slice %arg6[%add3A, %dma_wait3A_2134, %dma_wait3A_2135] : memref<32x4x288xf32, #tpu.memory_space<hbm>> -> memref<1x4x288xf32, #tpu.memory_space<hbm>>
      %dma_wait3A_2137 = tpu.memref_squeeze %dma_wait3A_2136 : memref<1x4x288xf32, #tpu.memory_space<hbm>> -> memref<4x288xf32, #tpu.memory_space<hbm>>
      tpu.wait_dma2 semaphore(%run_scoped3A : memref<!tpu.dma_semaphore, #tpu.memory_space<semaphore_mem>>) src(%arg22 : memref<4x288xf32, #tpu.memory_space<vmem>>) dst(%dma_wait3A_2137 : memref<4x288xf32, #tpu.memory_space<hbm>>)
      tpu.yield
    }) : () -> ()
    "tpu.region"() ({
      %run_scoped3A = tpu.sem_alloc : memref<!tpu.dma_semaphore, #tpu.memory_space<semaphore_mem>>
      %dma_start3A = arith.constant 0 : i32
      %dma_start3A_2124 = arith.constant 0 : i32
      %dma_start3A_2125 = tpu.memref_slice %arg7[%add3A, %dma_start3A, %dma_start3A_2124] : memref<32x100x16xf32, #tpu.memory_space<hbm>> -> memref<1x100x16xf32, #tpu.memory_space<hbm>>
      %dma_start3A_2126 = tpu.memref_squeeze %dma_start3A_2125 : memref<1x100x16xf32, #tpu.memory_space<hbm>> -> memref<100x16xf32, #tpu.memory_space<hbm>>
      %dma_start3A_2127 = arith.constant 0 : i32
      %dma_start3A_2128 = arith.constant 0 : i32
      %dma_start3A_2129 = tpu.memref_slice %arg7[%add3A, %dma_start3A_2127, %dma_start3A_2128] : memref<32x100x16xf32, #tpu.memory_space<hbm>> -> memref<1x100x16xf32, #tpu.memory_space<hbm>>
      %dma_start3A_2130 = tpu.memref_squeeze %dma_start3A_2129 : memref<1x100x16xf32, #tpu.memory_space<hbm>> -> memref<100x16xf32, #tpu.memory_space<hbm>>
      tpu.enqueue_dma source(%arg15 : memref<100x16xf32, #tpu.memory_space<vmem>>) target(%dma_start3A_2130 : memref<100x16xf32, #tpu.memory_space<hbm>>) target_semaphore(%run_scoped3A : memref<!tpu.dma_semaphore, #tpu.memory_space<semaphore_mem>>)
      %dma_wait3A = arith.constant 0 : i32
      %dma_wait3A_2131 = arith.constant 0 : i32
      %dma_wait3A_2132 = tpu.memref_slice %arg7[%add3A, %dma_wait3A, %dma_wait3A_2131] : memref<32x100x16xf32, #tpu.memory_space<hbm>> -> memref<1x100x16xf32, #tpu.memory_space<hbm>>
      %dma_wait3A_2133 = tpu.memref_squeeze %dma_wait3A_2132 : memref<1x100x16xf32, #tpu.memory_space<hbm>> -> memref<100x16xf32, #tpu.memory_space<hbm>>
      %dma_wait3A_2134 = arith.constant 0 : i32
      %dma_wait3A_2135 = arith.constant 0 : i32
      %dma_wait3A_2136 = tpu.memref_slice %arg7[%add3A, %dma_wait3A_2134, %dma_wait3A_2135] : memref<32x100x16xf32, #tpu.memory_space<hbm>> -> memref<1x100x16xf32, #tpu.memory_space<hbm>>
      %dma_wait3A_2137 = tpu.memref_squeeze %dma_wait3A_2136 : memref<1x100x16xf32, #tpu.memory_space<hbm>> -> memref<100x16xf32, #tpu.memory_space<hbm>>
      tpu.wait_dma2 semaphore(%run_scoped3A : memref<!tpu.dma_semaphore, #tpu.memory_space<semaphore_mem>>) src(%arg15 : memref<100x16xf32, #tpu.memory_space<vmem>>) dst(%dma_wait3A_2137 : memref<100x16xf32, #tpu.memory_space<hbm>>)
      tpu.yield
    }) : () -> ()
    "tpu.region"() ({
      %run_scoped3A = tpu.sem_alloc : memref<!tpu.dma_semaphore, #tpu.memory_space<semaphore_mem>>
      %dma_start3A = arith.constant 0 : i32
      %dma_start3A_2124 = arith.constant 0 : i32
      %dma_start3A_2125 = tpu.memref_slice %arg8[%add3A, %dma_start3A, %dma_start3A_2124] : memref<32x100x16xi32, #tpu.memory_space<hbm>> -> memref<1x100x16xi32, #tpu.memory_space<hbm>>
      %dma_start3A_2126 = tpu.memref_squeeze %dma_start3A_2125 : memref<1x100x16xi32, #tpu.memory_space<hbm>> -> memref<100x16xi32, #tpu.memory_space<hbm>>
      %dma_start3A_2127 = arith.constant 0 : i32
      %dma_start3A_2128 = arith.constant 0 : i32
      %dma_start3A_2129 = tpu.memref_slice %arg8[%add3A, %dma_start3A_2127, %dma_start3A_2128] : memref<32x100x16xi32, #tpu.memory_space<hbm>> -> memref<1x100x16xi32, #tpu.memory_space<hbm>>
      %dma_start3A_2130 = tpu.memref_squeeze %dma_start3A_2129 : memref<1x100x16xi32, #tpu.memory_space<hbm>> -> memref<100x16xi32, #tpu.memory_space<hbm>>
      tpu.enqueue_dma source(%arg16 : memref<100x16xi32, #tpu.memory_space<vmem>>) target(%dma_start3A_2130 : memref<100x16xi32, #tpu.memory_space<hbm>>) target_semaphore(%run_scoped3A : memref<!tpu.dma_semaphore, #tpu.memory_space<semaphore_mem>>)
      %dma_wait3A = arith.constant 0 : i32
      %dma_wait3A_2131 = arith.constant 0 : i32
      %dma_wait3A_2132 = tpu.memref_slice %arg8[%add3A, %dma_wait3A, %dma_wait3A_2131] : memref<32x100x16xi32, #tpu.memory_space<hbm>> -> memref<1x100x16xi32, #tpu.memory_space<hbm>>
      %dma_wait3A_2133 = tpu.memref_squeeze %dma_wait3A_2132 : memref<1x100x16xi32, #tpu.memory_space<hbm>> -> memref<100x16xi32, #tpu.memory_space<hbm>>
      %dma_wait3A_2134 = arith.constant 0 : i32
      %dma_wait3A_2135 = arith.constant 0 : i32
      %dma_wait3A_2136 = tpu.memref_slice %arg8[%add3A, %dma_wait3A_2134, %dma_wait3A_2135] : memref<32x100x16xi32, #tpu.memory_space<hbm>> -> memref<1x100x16xi32, #tpu.memory_space<hbm>>
      %dma_wait3A_2137 = tpu.memref_squeeze %dma_wait3A_2136 : memref<1x100x16xi32, #tpu.memory_space<hbm>> -> memref<100x16xi32, #tpu.memory_space<hbm>>
      tpu.wait_dma2 semaphore(%run_scoped3A : memref<!tpu.dma_semaphore, #tpu.memory_space<semaphore_mem>>) src(%arg16 : memref<100x16xi32, #tpu.memory_space<vmem>>) dst(%dma_wait3A_2137 : memref<100x16xi32, #tpu.memory_space<hbm>>)
      tpu.yield
    }) : () -> ()
    return
  }
}

module attributes {stable_mosaic.version = 14 : i64} {
  func.func @_tc_merge_body(%arg0: memref<9216x1xf32, #tpu.memory_space<vmem>>, %arg1: memref<9216x4xf32, #tpu.memory_space<vmem>>, %arg2: memref<512x100xf32, #tpu.memory_space<vmem>>, %arg3: memref<512x100xi32, #tpu.memory_space<vmem>>, %arg4: memref<9216x4xf32, #tpu.memory_space<vmem>>, %arg5: memref<1x3xf32, #tpu.memory_space<smem>>, %arg6: memref<9216x1xf32, #tpu.memory_space<vmem>>, %arg7: memref<9216x4xf32, #tpu.memory_space<vmem>>) attributes {dimension_semantics = [], scalar_prefetch = 0 : i64, scratch_operands = 0 : i64, tpu.core_type = #tpu.core_type<tc>} {
    %get3A = arith.constant 0 : index
    %get3A_0 = arith.constant 0 : index
    %get3A_1 = vector.load %arg2[%get3A, %get3A_0] : memref<512x100xf32, #tpu.memory_space<vmem>>, vector<512x100xf32>
    %reduce_max3A = arith.constant dense<0xFF800000> : vector<100xf32>
    %reduce_max3A_2 = vector.multi_reduction <maximumf>, %get3A_1, %reduce_max3A [0] : vector<512x100xf32> to vector<100xf32>
    %broadcast_in_dim3A = vector.shape_cast %reduce_max3A_2 : vector<100xf32> to vector<1x100xf32>
    %eq3A = vector.broadcast %broadcast_in_dim3A : vector<1x100xf32> to vector<512x100xf32>
    %eq3A_3 = arith.cmpf oeq, %get3A_1, %eq3A : vector<512x100xf32>
    %get3A_4 = arith.constant 0 : index
    %get3A_5 = arith.constant 0 : index
    %get3A_6 = vector.load %arg3[%get3A_4, %get3A_5] : memref<512x100xi32, #tpu.memory_space<vmem>>, vector<512x100xi32>
    %jit3A = arith.constant 1073741824 : i32
    %broadcast_in_dim3A_7 = vector.broadcast %jit3A : i32 to vector<512x100xi32>
    %select_n3A = arith.select %eq3A_3, %get3A_6, %broadcast_in_dim3A_7 : vector<512x100xi1>, vector<512x100xi32>
    %reduce_min3A = arith.constant dense<2147483647> : vector<100xi32>
    %reduce_min3A_8 = vector.multi_reduction <minsi>, %select_n3A, %reduce_min3A [0] : vector<512x100xi32> to vector<100xi32>
    %broadcast_in_dim3A_9 = vector.shape_cast %reduce_min3A_8 : vector<100xi32> to vector<1x100xi32>
    %iota3A = tpu.iota {dimensions = array<i32: 0>} : vector<9216x100xi32>
    %eq3A_10 = vector.broadcast %broadcast_in_dim3A_9 : vector<1x100xi32> to vector<9216x100xi32>
    %eq3A_11 = arith.cmpi eq, %iota3A, %eq3A_10 : vector<9216x100xi32>
    %reduce_or3A = arith.constant 1.000000e+00 : f32
    %reduce_or3A_12 = arith.constant 0.000000e+00 : f32
    %reduce_or3A_13 = vector.broadcast %reduce_or3A : f32 to vector<9216x100xf32>
    %reduce_or3A_14 = vector.broadcast %reduce_or3A_12 : f32 to vector<9216x100xf32>
    %reduce_or3A_15 = arith.select %eq3A_11, %reduce_or3A_13, %reduce_or3A_14 : vector<9216x100xi1>, vector<9216x100xf32>
    %reduce_or3A_16 = arith.constant dense<0xFF800000> : vector<9216xf32>
    %reduce_or3A_17 = vector.multi_reduction <maximumf>, %reduce_or3A_15, %reduce_or3A_16 [1] : vector<9216x100xf32> to vector<9216xf32>
    %reduce_or3A_18 = arith.constant 0.000000e+00 : f32
    %reduce_or3A_19 = vector.broadcast %reduce_or3A_18 : f32 to vector<9216xf32>
    %reduce_or3A_20 = arith.cmpf ogt, %reduce_or3A_17, %reduce_or3A_19 : vector<9216xf32>
    %broadcast_in_dim3A_21 = vector.shape_cast %reduce_or3A_20 : vector<9216xi1> to vector<9216x1xi1>
    %get3A_22 = arith.constant 0 : index
    %get3A_23 = arith.constant 0 : index
    %get3A_24 = vector.load %arg0[%get3A_22, %get3A_23] : memref<9216x1xf32, #tpu.memory_space<vmem>>, vector<9216x1xf32>
    %lt3A = arith.constant 3.000000e-01 : f32
    %lt3A_25 = vector.broadcast %lt3A : f32 to vector<9216x1xf32>
    %lt3A_26 = arith.cmpf olt, %get3A_24, %lt3A_25 : vector<9216x1xf32>
    %jit3A_27 = arith.constant 0.000000e+00 : f32
    %jit3A_28 = arith.constant -1.000000e+00 : f32
    %broadcast_in_dim3A_29 = vector.broadcast %jit3A_27 : f32 to vector<9216x1xf32>
    %broadcast_in_dim3A_30 = vector.broadcast %jit3A_28 : f32 to vector<9216x1xf32>
    %select_n3A_31 = arith.select %lt3A_26, %broadcast_in_dim3A_29, %broadcast_in_dim3A_30 : vector<9216x1xi1>, vector<9216x1xf32>
    %jit3A_32 = arith.constant 1.000000e+00 : f32
    %broadcast_in_dim3A_33 = vector.broadcast %jit3A_32 : f32 to vector<9216x1xf32>
    %select_n3A_34 = arith.select %broadcast_in_dim3A_21, %broadcast_in_dim3A_33, %select_n3A_31 : vector<9216x1xi1>, vector<9216x1xf32>
    %ge3A = arith.constant 0.699999988 : f32
    %ge3A_35 = vector.broadcast %ge3A : f32 to vector<9216x1xf32>
    %ge3A_36 = arith.cmpf oge, %get3A_24, %ge3A_35 : vector<9216x1xf32>
    %jit3A_37 = arith.constant 1.000000e+00 : f32
    %broadcast_in_dim3A_38 = vector.broadcast %jit3A_37 : f32 to vector<9216x1xf32>
    %select_n3A_39 = arith.select %ge3A_36, %broadcast_in_dim3A_38, %select_n3A_34 : vector<9216x1xi1>, vector<9216x1xf32>
    %get3A_40 = arith.constant 0 : index
    %get3A_41 = arith.constant 0 : index
    %get3A_42 = memref.load %arg5[%get3A_40, %get3A_41] : memref<1x3xf32, #tpu.memory_space<smem>>
    %get3A_43 = arith.constant 0 : index
    %get3A_44 = arith.constant 1 : index
    %get3A_45 = memref.load %arg5[%get3A_43, %get3A_44] : memref<1x3xf32, #tpu.memory_space<smem>>
    %get3A_46 = arith.constant 0 : index
    %get3A_47 = arith.constant 0 : index
    %get3A_48 = vector.load %arg4[%get3A_46, %get3A_47] : memref<9216x4xf32, #tpu.memory_space<vmem>>, vector<9216x1xf32>
    %ge3A_49 = arith.constant 0.000000e+00 : f32
    %ge3A_50 = vector.broadcast %ge3A_49 : f32 to vector<9216x1xf32>
    %ge3A_51 = arith.cmpf oge, %get3A_48, %ge3A_50 : vector<9216x1xf32>
    %get3A_52 = arith.constant 0 : index
    %get3A_53 = arith.constant 1 : index
    %get3A_54 = vector.load %arg4[%get3A_52, %get3A_53] : memref<9216x4xf32, #tpu.memory_space<vmem>>, vector<9216x1xf32>
    %ge3A_55 = arith.constant 0.000000e+00 : f32
    %ge3A_56 = vector.broadcast %ge3A_55 : f32 to vector<9216x1xf32>
    %ge3A_57 = arith.cmpf oge, %get3A_54, %ge3A_56 : vector<9216x1xf32>
    %and3A = arith.andi %ge3A_51, %ge3A_57 : vector<9216x1xi1>
    %get3A_58 = arith.constant 0 : index
    %get3A_59 = arith.constant 2 : index
    %get3A_60 = vector.load %arg4[%get3A_58, %get3A_59] : memref<9216x4xf32, #tpu.memory_space<vmem>>, vector<9216x1xf32>
    %lt3A_61 = vector.broadcast %get3A_45 : f32 to vector<9216x1xf32>
    %lt3A_62 = arith.cmpf olt, %get3A_60, %lt3A_61 : vector<9216x1xf32>
    %and3A_63 = arith.andi %and3A, %lt3A_62 : vector<9216x1xi1>
    %get3A_64 = arith.constant 0 : index
    %get3A_65 = arith.constant 3 : index
    %get3A_66 = vector.load %arg4[%get3A_64, %get3A_65] : memref<9216x4xf32, #tpu.memory_space<vmem>>, vector<9216x1xf32>
    %lt3A_67 = vector.broadcast %get3A_42 : f32 to vector<9216x1xf32>
    %lt3A_68 = arith.cmpf olt, %get3A_66, %lt3A_67 : vector<9216x1xf32>
    %and3A_69 = arith.andi %and3A_63, %lt3A_68 : vector<9216x1xi1>
    %jit3A_70 = arith.constant -1.000000e+00 : f32
    %broadcast_in_dim3A_71 = vector.broadcast %jit3A_70 : f32 to vector<9216x1xf32>
    %select_n3A_72 = arith.select %and3A_69, %select_n3A_39, %broadcast_in_dim3A_71 : vector<9216x1xi1>, vector<9216x1xf32>
    %swap3A = arith.constant 0 : index
    %swap3A_73 = arith.constant 0 : index
    %swap3A_74 = vector.load %arg6[%swap3A, %swap3A_73] : memref<9216x1xf32, #tpu.memory_space<vmem>>, vector<9216x1xf32>
    tpu.vector_store %arg6[%swap3A, %swap3A_73], %select_n3A_72 {strides = array<i32>} : memref<9216x1xf32, #tpu.memory_space<vmem>>, vector<9216x1xf32>,
    %get3A_75 = arith.constant 0 : index
    %get3A_76 = arith.constant 0 : index
    %get3A_77 = vector.load %arg1[%get3A_75, %get3A_76] : memref<9216x4xf32, #tpu.memory_space<vmem>>, vector<9216x2xf32>
    %swap3A_78 = arith.constant 0 : index
    %swap3A_79 = arith.constant 0 : index
    %swap3A_80 = vector.load %arg7[%swap3A_78, %swap3A_79] : memref<9216x4xf32, #tpu.memory_space<vmem>>, vector<9216x2xf32>
    tpu.vector_store %arg7[%swap3A_78, %swap3A_79], %get3A_77 {strides = array<i32>} : memref<9216x4xf32, #tpu.memory_space<vmem>>, vector<9216x2xf32>,
    %get3A_81 = arith.constant 0 : index
    %get3A_82 = arith.constant 2 : index
    %get3A_83 = vector.load %arg1[%get3A_81, %get3A_82] : memref<9216x4xf32, #tpu.memory_space<vmem>>, vector<9216x1xf32>
    %log3A = math.log %get3A_83 : vector<9216x1xf32>
    %swap3A_84 = arith.constant 0 : index
    %swap3A_85 = arith.constant 2 : index
    %swap3A_86 = vector.load %arg7[%swap3A_84, %swap3A_85] : memref<9216x4xf32, #tpu.memory_space<vmem>>, vector<9216x1xf32>
    tpu.vector_store %arg7[%swap3A_84, %swap3A_85], %log3A {strides = array<i32>} : memref<9216x4xf32, #tpu.memory_space<vmem>>, vector<9216x1xf32>,
    %get3A_87 = arith.constant 0 : index
    %get3A_88 = arith.constant 3 : index
    %get3A_89 = vector.load %arg1[%get3A_87, %get3A_88] : memref<9216x4xf32, #tpu.memory_space<vmem>>, vector<9216x1xf32>
    %log3A_90 = math.log %get3A_89 : vector<9216x1xf32>
    %swap3A_91 = arith.constant 0 : index
    %swap3A_92 = arith.constant 3 : index
    %swap3A_93 = vector.load %arg7[%swap3A_91, %swap3A_92] : memref<9216x4xf32, #tpu.memory_space<vmem>>, vector<9216x1xf32>
    tpu.vector_store %arg7[%swap3A_91, %swap3A_92], %log3A_90 {strides = array<i32>} : memref<9216x4xf32, #tpu.memory_space<vmem>>, vector<9216x1xf32>,
    return
  }
}

</mosaic_0001>

<sc_bundles>
// kernel: _run.4.cloned.1.call-start
scs
__scs_entry_jumppad:
0x0: {  	(pc) =	sbr.rel $0x88, $3  }
0x1: {  	(tag) =	ssettag $0x0;
	lr =	simm.s32 $0x1  }
0x2: {  	[smem:$0x3F9D] =	sst lr;
	_ =	strace $0xD0000000  }
0x3: {  	_ = 	snop  }
0x4: {  	_ = 	snop  }
0x5: {  	_ = 	snop  }
0x6: {  	_ = 	snop  }
0x7: {  	_ = 	snop  }
__scs_overlays_trampoline_lowered:
0x8: {  	[smem:$0x3FAC] =	sst s0  }
0x9: {  	[smem:$0x3FAD] =	sst s1  }
0xa: {  	[smem:$0x3FAE] =	sst s2  }
0xb: {  	[smem:$0x3FAF] =	sst s3  }
0xc: {  	[smem:$0x3FB0] =	sst s4  }
0xd: {  	[smem:$0x3FB1] =	sst s5  }
0xe: {  	[smem:$0x3FB2] =	sst s6  }
0xf: {  	[smem:$0x3FB3] =	sst s7  }
0x10: {  	[smem:$0x3FB4] =	sst s8  }
0x11: {  	[smem:$0x3FB5] =	sst s9;
	s0 =	simm.s32 @!p0 $0x0  }
0x12: {  	s1 =	sld [smem:$0x3F9B];
	s0 =	simm.s32 @p0 $0x1  }
0x13: {  	[smem:$0x3FB6] =	sst s0;
	s0 =	simm.s32 @!p1 $0x0  }
0x14: {  	s2 =	sld [smem:$0x3F9A];
	s0 =	simm.s32 @p1 $0x1  }
0x15: {  	[smem:$0x3FB7] =	sst s0;
	s0 =	simm.s32 @!p2 $0x0  }
0x16: {  	s3 =	sld [smem:$0x3FDB];
	s0 =	simm.s32 @p2 $0x1  }
0x17: {  	s4 =	simm.s32 $0x1BF5;
	[smem:$0x3FB9] =	sst s0  }
0x18: {  	s0 =	sld [smem:$0x3F9C];
	_ =	swait.ge [sflag:s4], $0x0  }
0x19: {  	s7 =	sld [smem:$0x3F9D]  }
0x1a: {  	s8 =	sadd.s32 $0xFFFFE003, lr  }
0x1b: {  	s9 =	sadd.s32 $0xFFFFFEF7, lr;
	s5 =	simm.s32 $0xFFFFFFFF;
	p2 =	slt.u32 s8, $0xFFFFF086  }
0x1c: {  	p1 =	slt.u32 s9, $0xF7A;
	s5 =	simm.s32 @!p2 $0x0  }
0x1d: {  	s5 =	simm.s32 @p1 $0x1;
	p0 =	seq.s32 s7, s2  }
0x1e: {  	s7 =	smul.u32 @!p0 $0xF7A, s2;
	p2 =	seq.s32 @!p0 s5, $0x0  }
0x1f: {  	s9 =	smul.u32 $0xF7A, s1;
	s8 =	simm.s32 @!p0 $0x1BF5;
	p2 =	por !p2, p0  }
0x20: {  	[sflag:s8] =	ssyncset.s32 @!p0 $0xFFFFF086;
	s6 =	sadd.s32 @!p0 s3, s7;
	s7 =	simm.s32 @!p0 $0x108  }
0x21: {  	s3 =	sadd.s32 s3, s9;
	s6 =	sadd.s32 @!p0 $0x88, s6;
	s7 =	simm.s32 @p2 $0x1082  }
0x22: {  	[simem:s7], [sflag:s8] =	dma.local @!p0 [hbm:s6], $0xF7A  }
0x23: {  	s9 =	sor.u32 $0xD0000000, s2;
	s6 =	simm.s32 $0x108;
	_ =	swait.ge @!p0 [sflag:s8], $0x0  }
0x24: {  	s3 =	sadd.s32 $0x88, s3;
	s6 =	simm.s32 @!p1 $0x1082;
	[sflag:s4] =	ssyncset.s32 $0xFFFFF086  }
0x25: {  	[simem:s6], [sflag:s4] =	dma.local [hbm:s3], $0xF7A  }
0x26: {  	[smem:$0x3F9D] =	sst s1;
	(tag) =	ssettag s2;
	_ =	strace s9  }
0x27: {  	s1 =	sld [smem:$0x3FAD]  }
0x28: {  	s2 =	sld [smem:$0x3FAE]  }
0x29: {  	s4 =	sld [smem:$0x3FB0]  }
0x2a: {  	p0 =	seq.s32 s5, $0x0;
	s5 =	sld [smem:$0x3FB1]  }
0x2b: {  	s6 =	sld [smem:$0x3FB2]  }
0x2c: {  	s7 =	sld [smem:$0x3FB3]  }
0x2d: {  	s3 =	simm.s32 $0x108;
	s8 =	sld [smem:$0x3FB4]  }
0x2e: {  	s3 =	simm.s32 @!p0 $0x1082;
	s9 =	sld [smem:$0x3FB5]  }
0x2f: {  	lr =	sadd.s32 s0, s3;
	s0 =	sld [smem:$0x3FAC]  }
0x30: {  	s3 =	sld [smem:$0x3FAF]  }
0x31: {  	[smem:$0x3FB8] =	sst s10  }
0x32: {  	s10 =	sld [smem:$0x3FB6];
	_ =	sdelay $0x3  }
0x33: {  	p0 =	seq.s32 s10, $0x1;
	s10 =	sld [smem:$0x3FB8];
	_ =	sdelay $0x3  }
0x34: {  	[smem:$0x3FB8] =	sst s10  }
0x35: {  	s10 =	sld [smem:$0x3FB7];
	_ =	sdelay $0x3  }
0x36: {  	p1 =	seq.s32 s10, $0x1;
	s10 =	sld [smem:$0x3FB8];
	_ =	sdelay $0x3  }
0x37: {  	[smem:$0x3FB8] =	sst s10  }
0x38: {  	s10 =	sld [smem:$0x3FB9]  }
0x39: {  	_ = 	snop;
	(pc) =	sbr.ind lr, $3  }
0x3a: {  	_ = 	snop  }
0x3b: {  	_ = 	snop  }
0x3c: {  	p2 =	seq.s32 s10, $0x1;
	s10 =	sld [smem:$0x3FB8]  }
0x3d: {  	_ =	shalt  }
0x3e: {  	_ =	shalt  }
0x3f: {  	_ =	shalt  }
0x40: {  	_ =	shalt  }
0x41: {  	_ =	shalt  }
0x42: {  	_ =	shalt  }
0x43: {  	_ =	shalt  }
0x44: {  	_ =	shalt  }
0x45: {  	_ =	shalt  }
0x46: {  	_ =	shalt  }
0x47: {  	_ =	shalt  }
0x48: {  	_ =	shalt  }
0x49: {  	_ =	shalt  }
0x4a: {  	_ =	shalt  }
0x4b: {  	_ =	shalt  }
0x4c: {  	_ =	shalt  }
0x4d: {  	_ =	shalt  }
0x4e: {  	_ =	shalt  }
0x4f: {  	_ =	shalt  }
0x50: {  	_ =	shalt  }
0x51: {  	_ =	shalt  }
0x52: {  	_ =	shalt  }
0x53: {  	_ =	shalt  }
0x54: {  	_ =	shalt  }
0x55: {  	_ =	shalt  }
0x56: {  	_ =	shalt  }
0x57: {  	_ =	shalt  }
0x58: {  	_ =	shalt  }
0x59: {  	_ =	shalt  }
0x5a: {  	_ =	shalt  }
0x5b: {  	_ =	shalt  }
0x5c: {  	_ =	shalt  }
0x5d: {  	_ =	shalt  }
0x5e: {  	_ =	shalt  }
0x5f: {  	_ =	shalt  }
0x60: {  	_ =	shalt  }
0x61: {  	_ =	shalt  }
0x62: {  	_ =	shalt  }
0x63: {  	_ =	shalt  }
0x64: {  	_ =	shalt  }
0x65: {  	_ =	shalt  }
0x66: {  	_ =	shalt  }
0x67: {  	_ =	shalt  }
0x68: {  	_ =	shalt  }
0x69: {  	_ =	shalt  }
0x6a: {  	_ =	shalt  }
0x6b: {  	_ =	shalt  }
0x6c: {  	_ =	shalt  }
0x6d: {  	_ =	shalt  }
0x6e: {  	_ =	shalt  }
0x6f: {  	_ =	shalt  }
0x70: {  	_ =	shalt  }
0x71: {  	_ =	shalt  }
0x72: {  	_ =	shalt  }
0x73: {  	_ =	shalt  }
0x74: {  	_ =	shalt  }
0x75: {  	_ =	shalt  }
0x76: {  	_ =	shalt  }
0x77: {  	_ =	shalt  }
0x78: {  	_ =	shalt  }
0x79: {  	_ =	shalt  }
0x7a: {  	_ =	shalt  }
0x7b: {  	_ =	shalt  }
0x7c: {  	_ =	shalt  }
0x7d: {  	_ =	shalt  }
0x7e: {  	_ =	shalt  }
0x7f: {  	_ =	shalt  }
0x80: {  	_ =	shalt  }
0x81: {  	_ =	shalt  }
0x82: {  	_ =	shalt  }
0x83: {  	_ =	shalt  }
0x84: {  	_ =	shalt  }
0x85: {  	_ =	shalt  }
0x86: {  	_ =	shalt  }
0x87: {  	_ =	shalt  }
.Lfunc_end0:
.L_simem_size_0:
called_computation_lowered:
.L_overlay_start_0:
0x88: {  	s2 =	sld [smem:$0x3FD9]  }
0x89: {  	s3 =	sld [smem:$0x3FFE];
	_ =	sdelay $0x1  }
0x8a: {  	s1 =	srdreg.scid  }
0x8b: {  	s0 =	sand.u32 $0x1, s1  }
0x8c: {  	s14 =	sshll.u32 s0, $0xA;
	s2 =	sadd.s32 s3, s2  }
0x8d: {  	s2 =	sadd.s32 s2, s14  }
0x8e: {  	[smem:$0x3FC4] =	sst s2  }
0x8f: {  	_ = 	snop  }
0x90: {  	s2 =	sld [smem:$0x3FD0];
	_ =	sdelay $0x2  }
0x91: {  	s4 =	simm.s32 $0xA;
	s5 =	simm.s32 $0x10;
	s15 =	sld [smem:$0x3FC9]  }
0x92: {  	[smem:s5], [sflag:s4] =	dma.local [hbm:s2], $0x1  }
0x93: {  	_ =	swait.eq [sflag:s4], $0x1  }
0x94: {  	[sflag:s4] =	ssyncset.done $0x0  }
0x95: {  	s16 =	sld [smem:$0x10];
	[sflag:s4] =	ssyncadd.s32 $0xFFFFFFFF  }
0x96: {  	s17 =	sld [smem:$0x11];
	(tm) =	ssettm $0x1  }
0x97: {  	s18 =	sld [smem:$0x3FFB];
	_ =	sdelay $0x3  }
0x98: {  	_ =	strace s18  }
0x99: {  	s5 =	sld [smem:$0x3FFC];
	_ =	sdelay $0x3  }
0x9a: {  	_ =	strace s5  }
0x9b: {  	s5 =	sld [smem:$0x3FFD];
	_ =	sdelay $0x3  }
0x9c: {  	_ =	strace s5  }
0x9d: {  	_ =	strace $0x8FFFFFFF  }
0x9e: {  	s19 =	sld [smem:$0x3FDB];
	_ =	sdelay $0x1  }
0x9f: {  	s6 =	simm.s32 $_scs_section_size  }
0xa0: {  	s7 =	simm.s32 $_size__tile_overlayer_lowered;
	s8 =	simm.s32 $_tile_overlayer_lowered  }
0xa1: {  	s22 =	simm.s32 $0x1BFF;
	s21 =	sshll.u32 s8, $0x1;
	s5 =	sadd.s32 s6, s19  }
0xa2: {  	s9 =	simm.s32 $0x0;
	s20 =	sshll.u32 s7, $0x1;
	s7 =	sadd.s32 s21, s5  }
0xa3: {  	[timem:s9], [sflag:s22] =	dma.local [hbm:s7], s20  }
0xa4: {  	_ =	swait.ge [sflag:s22], s20  }
0xa5: {  	s6 =	ssub.s32 $0x0, s20;
	[sflag:s22] =	ssyncset.done $0x0  }
0xa6: {  	[sflag:s22] =	ssyncadd.s32 s6;
	_ =	sdelay $0x1  }
0xa7: {  	s23 =	simm.s32 $0x1B8B  }
0xa8: {  	_ =	swait.ge [sflag:s23], $0x1  }
0xa9: {  	[sflag:s23] =	ssyncset.done $0x0  }
0xaa: {  	s25 =	simm.s32 $0x1B8E;
	s24 =	sld [smem:$0x3FFE];
	[sflag:s23] =	ssyncadd.s32 $0xFFFFFFFF  }
0xab: {  	s26 =	simm.s32 $execute0_lowered;
	[smem:$0x3FD2] =	sst s25  }
0xac: {  	s7 =	sshll.u32 s26, $0x1;
	_ =	strace $0x80000046;
	[dreg:$0x1] =	wrdreg $0xFFFFFFFF  }
0xad: {  	s28 =	simm.s32 $_size_execute0_lowered;
	s5 =	sadd.s32 s5, s7;
	[dreg:$0x0] =	wrdreg $0x0  }
0xae: {  	s7 =	sshll.u32 s28, $0x1;
	[dreg:$0x2] =	wrdreg s5  }
0xaf: {  	[dreg:$0x3] =	wrdreg s7  }
0xb0: {  	[dreg:$0x4] =	wrdreg $0xC0  }
0xb1: {  	_ =	task [dreg:s9], $0x5FFFF  }
0xb2: {  	[dreg:$0x1] =	wrdreg $0xFFFFFFFF  }
0xb3: {  	[dreg:$0x0] =	wrdreg $0x60  }
0xb4: {  	[dreg:$0x2] =	wrdreg s15  }
0xb5: {  	[dreg:$0x3] =	wrdreg s24  }
0xb6: {  	[dreg:$0x4] =	wrdreg s16  }
0xb7: {  	[dreg:$0x5] =	wrdreg s17  }
0xb8: {  	[dreg:$0x6] =	wrdreg $0x9  }
0xb9: {  	_ =	task.clear_ibuf [dreg:s9], $0x7FFFF;
	_ =	strace $0x90000046  }
0xba: {  	s29 =	simm.s32 $0x9;
	_ =	strace $0x80000048  }
0xbb: {  	_ =	swait.ge [sflag:s29], $0x1  }
0xbc: {  	[sflag:s29] =	ssyncadd.s32 $0xFFFFFFFF  }
0xbd: {  	_ =	strace $0x90000048  }
0xbe: {  	_ =	sfence  }
0xbf: {  	s30 =	sld [smem:$0x0];
	_ =	sdelay $0x2  }
0xc0: {  	s31 =	sshll.u32 s1, $0xD;
	s1 =	sshrl.u32 s1, $0x2  }
0xc1: {  	s3 =	sand.u32 $0x4000, s31;
	s1 =	sadd.s32 s1, s30  }
0xc2: {  	s0 =	sor.u32 s3, s0;
	s1 =	sshll.u32 s1, $0x11  }
0xc3: {  	s0 =	sor.u32 s1, s0  }
0xc4: {  	s0 =	sadd.s32 $0x8F2B, s0  }
0xc5: {  	[sflag:s0] =	ssyncadd.remote.s32 $0x1  }
0xc6: {  	_ =	sfence.sel $0xFFFF  }
0xc7: {  	[dreg:$0x0] =	wrdreg $0xFFFFFFFF;
	(pc) =	sbr.abs _section_cstart, $3  }
0xc8: {  	[dreg:$0x1] =	wrdreg $0xFFFFFFFF  }
0xc9: {  	_ =	task.clear_ibuf [dreg:s9], $0x2FFFF;
	_ =	strace $0x9FFFFFFF  }
0xca: {  	(tm) =	ssettm $0x7FFFFFFF  }
0xcb: {  	_ =	shalt  }
tec
execute0_lowered:
.L_overlay_start_1:
0x0: {  	(tag) =	ssettag $0x1  }
0x1: {  	s5 =	rddreg [dreg:$0x0]  }
0x2: {  	s6 =	rddreg [dreg:$0x1]  }
0x3: {  	s2 =	rddreg [dreg:$0x2];
	s1 =	srdreg.scid  }
0x4: {  	s0 =	stileid.u32;
	s7 =	rddreg [dreg:$0x3];
	s3 =	simm.s32 $0x0  }
0x5: {  	s15 =	simm.s32 $0x13E80;
	s16 =	simm.s32 $0x13D00;
	s17 =	simm.s32 $0x13D80  }
0x6: {  	s18 =	simm.s32 $0x80;
	s19 =	simm.s32 $0x400;
	s20 =	simm.s32 $0xD180  }
0x7: {  	s21 =	simm.s32 $0x1;
	s22 =	simm.s32 $0x13F00;
	s24 =	simm.s32 $0x10880  }
0x8: {  	s25 =	simm.s32 $0x0;
	s8 =	sand.u32 $0x1, s1;
	s1 =	rddreg [dreg:$0x4]  }
0x9: {  	s4 =	sshll.u32 s0, $0x1;
	[smem:$0x7FF] =	sst s3;
	s12 =	sshrl.u32 s0, $0x2  }
0xa: {  	s9 =	sor.u32 s8, s4;
	_ =	strace $0x80000047;
	s12 =	smul.u32 $0xC00, s12  }
0xb: {  	s4 =	sadd.s32 $0x400, s6;
	s8 =	ssub.s32 $0x2, s8;
	s10 =	smul.u32 $0xC0, s9  }
0xc: {  	s11 =	smul.u32 $0x680, s9;
	s13 =	sshll.u32 s9, $0x7;
	s29 =	sshrl.u32 s8, $0x1  }
0xd: {  	s23 =	smul.u32 $0x120, s9;
	s13 =	sand.u32 $0x380, s13;
	s30 =	ssub.s32 s8, s29  }
0xe: {  	s14 =	sadd.s32 s10, s6;
	s11 =	sadd.s32 s11, s6;
	s12 =	sor.u32 s12, s13  }
0xf: {  	v0 =	vlaneseq.u32;
	s5 =	sadd.s32 s5, s10;
	s10 =	smax.u32 s30, $0x1;
	s13 =	simm.s32 $0x13C80  }
0x10: {  	v32 =	vor.u32 s23, v0;
	s23 =	simm.s32 $0xD480;
	s31 =	sshrl.u32 s12, $0x3;
	s8 =	sadd.s32 $0x1E00, s11  }
0x11: {  	s9 =	sadd.s32 $0xEE00, s11;
	s11 =	simm.s32 $0x600;
	s12 =	simm.s32 $0xCE00  }
0x12: {  	v48 =	vimm.s32 $0x0;
	[tilespmem:$0x1FFF0] =	vst v32;
	s6 =	sadd.s32 s7, s31;
	s7 =	sadd.s32 $0x1BE00, s14;
	s14 =	simm.s32 $0x13E00  }
.LBB2_1:
0x13: {  	[tilespmem:s3], [sflag:$0x1] =	stream.linear.gather [hbm4b:s5+s3], $0x600, $0x38;
	[tilespmem:$0x14500] =	vst v63  }
0x14: {  	_ =	swait.ge [sflag:s21], $0x600  }
0x15: {  	[sflag:s21] =	ssyncset.done $0x0  }
0x16: {  	[sflag:s21] =	ssyncadd.s32 $0xFFFFFA00  }
0x17: {  	[tilespmem:s11], [sflag:$0x1] =	stream.linear.gather [hbm4b:s4+s3], $0xC800, $0x38;
	[tilespmem:$0x14500] =	vst v63  }
0x18: {  	_ =	swait.ge [sflag:s21], $0xC800  }
0x19: {  	[sflag:s21] =	ssyncset.done $0x0  }
0x1a: {  	[sflag:s21] =	ssyncadd.s32 $0xFFFF3800  }
0x1b: {  	[tilespmem:s12], [sflag:$0x1] =	stream.linear.gather [hbm4b:s2+s3], $0x200, $0x38;
	[tilespmem:$0x14500] =	vst v63  }
0x1c: {  	_ =	swait.ge [sflag:s21], $0x200  }
0x1d: {  	[sflag:s21] =	ssyncset.done $0x0  }
0x1e: {  	[sflag:s21] =	ssyncadd.s32 $0xFFFFFE00  }
0x1f: {  	v3 =	vld [tilespmem:$0x0]  }
0x20: {  	v4 =	vld [tilespmem:$0x80]  }
0x21: {  	v5 =	vld [tilespmem:$0x100]  }
0x22: {  	v6 =	vld [tilespmem:$0x180]  }
0x23: {  	v7 =	vld [tilespmem:$0x10]  }
0x24: {  	v8 =	vld [tilespmem:$0x90]  }
0x25: {  	v9 =	vld [tilespmem:$0x110]  }
0x26: {  	v10 =	vld [tilespmem:$0x190]  }
0x27: {  	v11 =	vld [tilespmem:$0x20]  }
0x28: {  	v12 =	vld [tilespmem:$0xA0]  }
0x29: {  	v13 =	vld [tilespmem:$0x120]  }
0x2a: {  	v14 =	vld [tilespmem:$0x1A0]  }
0x2b: {  	v15 =	vld [tilespmem:$0x30]  }
0x2c: {  	v16 =	vld [tilespmem:$0xB0]  }
0x2d: {  	v17 =	vld [tilespmem:$0x130]  }
0x2e: {  	v18 =	vld [tilespmem:$0x1B0]  }
0x2f: {  	v19 =	vld [tilespmem:$0x40]  }
0x30: {  	v20 =	vld [tilespmem:$0xC0]  }
0x31: {  	v21 =	vld [tilespmem:$0x140]  }
0x32: {  	v22 =	vld [tilespmem:$0x1C0]  }
0x33: {  	v23 =	vld [tilespmem:$0x50]  }
0x34: {  	v24 =	vld [tilespmem:$0xD0]  }
0x35: {  	v25 =	vld [tilespmem:$0x150]  }
0x36: {  	v26 =	vld [tilespmem:$0x1D0]  }
0x37: {  	v27 =	vld [tilespmem:$0x60]  }
0x38: {  	v28 =	vld [tilespmem:$0xE0]  }
0x39: {  	v29 =	vld [tilespmem:$0x160]  }
0x3a: {  	v30 =	vld [tilespmem:$0x1E0]  }
0x3b: {  	v49 =	vld [tilespmem:$0x70]  }
0x3c: {  	v31 =	vld [tilespmem:$0x170]  }
0x3d: {  	v0 =	vimm.f32 $-3.000000010e+38;
	v53 =	vld [tilespmem:$0x380]  }
0x3e: {  	[tilespmem:$0xD180] =	vst v0;
	v56 =	vld [tilespmem:$0x210]  }
0x3f: {  	[tilespmem:$0xD300] =	vst v48;
	v59 =	vld [tilespmem:$0x310]  }
0x40: {  	[tilespmem:$0xD190] =	vst v0;
	v60 =	vld [tilespmem:$0x390]  }
0x41: {  	v63 =	vld [tilespmem:$0x220];
	[tilespmem:$0xD310] =	vst v48  }
0x42: {  	v32 =	vld [tilespmem:$0x2A0];
	[tilespmem:$0xD1A0] =	vst v0  }
0x43: {  	v35 =	vld [tilespmem:$0x320];
	[tilespmem:$0xD320] =	vst v48  }
0x44: {  	v36 =	vld [tilespmem:$0x3A0];
	[tilespmem:$0xD1B0] =	vst v0  }
0x45: {  	v39 =	vld [tilespmem:$0x230];
	[tilespmem:$0xD330] =	vst v48  }
0x46: {  	v42 =	vld [tilespmem:$0x2B0];
	[tilespmem:$0xD1C0] =	vst v0  }
0x47: {  	v43 =	vld [tilespmem:$0x330];
	[tilespmem:$0xD340] =	vst v48  }
0x48: {  	v46 =	vld [tilespmem:$0x3B0];
	[tilespmem:$0xD1D0] =	vst v0  }
0x49: {  	v47 =	vld [tilespmem:$0x240];
	[tilespmem:$0xD350] =	vst v48  }
0x4a: {  	[tilespmem:$0xD1E0] =	vst v0;
	v4 =	vsub.f32 v6, v4;
	v6 =	vld [tilespmem:$0xF0]  }
0x4b: {  	[tilespmem:$0xD360] =	vst v48;
	v7 =	vsub.f32 v9, v7;
	v9 =	vld [tilespmem:$0x1F0]  }
0x4c: {  	[tilespmem:$0xD1F0] =	vst v0;
	v8 =	vsub.f32 v10, v8;
	v10 =	vld [tilespmem:$0x200]  }
0x4d: {  	[tilespmem:$0xD370] =	vst v48;
	v11 =	vsub.f32 v13, v11;
	v13 =	vld [tilespmem:$0x300]  }
0x4e: {  	[tilespmem:$0xD200] =	vst v0;
	v3 =	vsub.f32 v5, v3;
	v5 =	vsub.f32 v31, v49;
	v49 =	vld [tilespmem:$0x2C0]  }
0x4f: {  	[tilespmem:$0xD380] =	vst v48;
	v12 =	vsub.f32 v14, v12;
	v14 =	vsub.f32 v35, v63;
	v63 =	vld [tilespmem:$0x3E0]  }
0x50: {  	[tilespmem:$0xD210] =	vst v0;
	v34 =	vsub.f32 v26, v24;
	v26 =	vld [tilespmem:$0x270]  }
0x51: {  	[tilespmem:$0xD390] =	vst v48;
	v40 =	vsub.f32 v29, v27;
	v27 =	vld [tilespmem:$0x2F0]  }
0x52: {  	[tilespmem:$0xD220] =	vst v0;
	v57 =	vsub.f32 v17, v15;
	v58 =	vsub.f32 v18, v16;
	v29 =	vld [tilespmem:$0x370]  }
0x53: {  	[tilespmem:$0xD3A0] =	vst v48;
	v1 =	vsub.f32 v21, v19;
	v41 =	vsub.f32 v30, v28;
	v30 =	vld [tilespmem:$0x3F0]  }
0x54: {  	[tilespmem:$0xD230] =	vst v0;
	v2 =	vsub.f32 v22, v20;
	v33 =	vsub.f32 v25, v23;
	v35 =	vld [tilespmem:$0x480]  }
0x55: {  	[tilespmem:$0xD3B0] =	vst v48;
	v28 =	vsub.f32 v46, v42;
	v24 =	vld [tilespmem:$0xCE30];
	v3 =	vadd.f32 $1.000000000e+00, v3  }
0x56: {  	[tilespmem:$0xD240] =	vst v0;
	v4 =	vadd.f32 $1.000000000e+00, v4;
	v51 =	vadd.f32 $1.000000000e+00, v8;
	v8 =	vld [tilespmem:$0x280]  }
0x57: {  	[tilespmem:$0xD3C0] =	vst v48;
	v50 =	vadd.f32 $1.000000000e+00, v7;
	v61 =	vadd.f32 $1.000000000e+00, v57;
	v57 =	vld [tilespmem:$0x3D0]  }
0x58: {  	[tilespmem:$0xD250] =	vst v0;
	v54 =	vadd.f32 $1.000000000e+00, v11;
	v62 =	vadd.f32 $1.000000000e+00, v58;
	v58 =	vld [tilespmem:$0x260]  }
0x59: {  	[tilespmem:$0xD3D0] =	vst v48;
	v55 =	vadd.f32 $1.000000000e+00, v12;
	v37 =	vadd.f32 $1.000000000e+00, v33;
	v33 =	vld [tilespmem:$0x400]  }
0x5a: {  	[tilespmem:$0xD260] =	vst v0;
	v17 =	vadd.f32 $1.000000000e+00, v1;
	v18 =	vadd.f32 $1.000000000e+00, v2;
	v52 =	vmul.f32 v51, v50;
	v50 =	vld [tilespmem:$0x340]  }
0x5b: {  	[tilespmem:$0xD3E0] =	vst v48;
	v38 =	vadd.f32 $1.000000000e+00, v34;
	v44 =	vadd.f32 $1.000000000e+00, v40;
	v3 =	vmul.f32 v4, v3;
	v51 =	vld [tilespmem:$0x3C0]  }
0x5c: {  	[tilespmem:$0xD270] =	vst v0;
	v11 =	vsub.f32 v43, v39;
	v7 =	vmul.f32 v55, v54;
	v55 =	vsub.f32 v59, v56;
	v56 =	vld [tilespmem:$0x350]  }
0x5d: {  	v45 =	vadd.f32 $1.000000000e+00, v41;
	v5 =	vadd.f32 $1.000000000e+00, v5;
	[tilespmem:$0xD000] =	vst v3;
	v3 =	vld [tilespmem:$0x290]  }
0x5e: {  	v22 =	vadd.f32 $1.000000000e+00, v14;
	v17 =	vmul.f32 v18, v17;
	v31 =	vadd.f32 $1.000000000e+00, v11;
	[tilespmem:$0xD010] =	vst v52;
	v52 =	vld [tilespmem:$0x250]  }
0x5f: {  	v6 =	vsub.f32 v9, v6;
	v10 =	vsub.f32 v13, v10;
	[tilespmem:$0xD020] =	vst v7;
	v7 =	vmul.f32 v62, v61;
	v62 =	vld [tilespmem:$0x360]  }
0x60: {  	[tilespmem:$0xD3F0] =	vst v48;
	v59 =	vadd.f32 $1.000000000e+00, v55;
	v61 =	vsub.f32 v36, v32;
	v55 =	vld [tilespmem:$0xCF10]  }
0x61: {  	[tilespmem:$0xD040] =	vst v17;
	v17 =	vmul.f32 v45, v44;
	v32 =	vadd.f32 $1.000000000e+00, v28;
	v45 =	vsub.f32 v29, v26;
	v28 =	vld [tilespmem:$0xCF30]  }
0x62: {  	[tilespmem:$0xD280] =	vst v0;
	v6 =	vadd.f32 $1.000000000e+00, v6;
	v4 =	vsub.f32 v53, v8;
	v53 =	vld [tilespmem:$0x2D0]  }
0x63: {  	v54 =	vadd.f32 $1.000000000e+00, v10;
	[tilespmem:$0xD030] =	vst v7;
	v7 =	vmul.f32 v38, v37;
	v25 =	vadd.f32 $1.000000000e+00, v61;
	v37 =	vld [tilespmem:$0x500]  }
0x64: {  	[tilespmem:$0xD400] =	vst v48;
	v38 =	vld [tilespmem:$0x580];
	v10 =	vadd.f32 $1.000000000e+00, v45;
	v4 =	vadd.f32 $1.000000000e+00, v4  }
0x65: {  	v5 =	vmul.f32 v6, v5;
	v34 =	vsub.f32 v51, v49;
	v51 =	vld [tilespmem:$0xCF80];
	[tilespmem:$0xD050] =	vst v7;
	v7 =	vsub.f32 v50, v47  }
0x66: {  	[tilespmem:$0xD290] =	vst v0;
	v50 =	vld [tilespmem:$0xCE80];
	v3 =	vsub.f32 v60, v3;
	v36 =	vsub.f32 v56, v52  }
0x67: {  	v6 =	vmul.f32 v25, v22;
	[tilespmem:$0xD070] =	vst v5;
	v60 =	vld [tilespmem:$0x2E0];
	v9 =	vadd.f32 $1.000000000e+00, v34;
	v5 =	vsub.f32 v62, v58  }
0x68: {  	[tilespmem:$0xD410] =	vst v48;
	v4 =	vmul.f32 v4, v54;
	v54 =	vld [tilespmem:$0xCE10];
	v13 =	vsub.f32 v28, v24;
	v8 =	vsub.f32 v57, v53  }
0x69: {  	v42 =	vld [tilespmem:$0x510];
	[tilespmem:$0xD060] =	vst v17;
	v7 =	vadd.f32 $1.000000000e+00, v7;
	v3 =	vadd.f32 $1.000000000e+00, v3  }
0x6a: {  	v43 =	vld [tilespmem:$0xCE00];
	[tilespmem:$0xD0A0] =	vst v6;
	v6 =	vmul.f32 v32, v31;
	v39 =	vadd.f32 $1.000000000e+00, v36;
	v5 =	vadd.f32 $1.000000000e+00, v5  }
0x6b: {  	v44 =	vld [tilespmem:$0xCF00];
	[tilespmem:$0xD080] =	vst v4;
	v47 =	vsub.f32 v37, v33;
	v8 =	vadd.f32 $1.000000000e+00, v8;
	v7 =	vmul.f32 v9, v7  }
0x6c: {  	v46 =	vld [tilespmem:$0x590];
	v49 =	vsub.f32 v38, v35;
	[tilespmem:$0xD0B0] =	vst v6;
	v3 =	vmul.f32 v3, v59;
	v59 =	vsub.f32 v51, v50  }
0x6d: {  	v16 =	vld [tilespmem:$0xCF20];
	v6 =	vmul.f32 v8, v39;
	v4 =	vsub.f32 v63, v60;
	[tilespmem:$0xD0C0] =	vst v7;
	v15 =	vsub.f32 v55, v54  }
0x6e: {  	v41 =	vld [tilespmem:$0x490];
	v39 =	vadd.f32 $1.000000000e+00, v13;
	[tilespmem:$0xD090] =	vst v3;
	v3 =	vsub.f32 v30, v27  }
0x6f: {  	v40 =	vld [tilespmem:$0x410];
	v63 =	vadd.f32 $1.000000000e+00, v59;
	[tilespmem:$0xD0D0] =	vst v6;
	v4 =	vadd.f32 $1.000000000e+00, v4  }
0x70: {  	v62 =	vld [tilespmem:$0xCE20];
	v6 =	vsub.f32 v44, v43;
	v18 =	vadd.f32 $1.000000000e+00, v15;
	[tilespmem:$0x13D30] =	vst v39  }
0x71: {  	v34 =	vld [tilespmem:$0xCEC0];
	v52 =	vadd.f32 $1.000000000e+00, v47;
	v3 =	vadd.f32 $1.000000000e+00, v3;
	[tilespmem:$0x13D80] =	vst v63;
	v4 =	vmul.f32 v4, v5  }
0x72: {  	v38 =	vld [tilespmem:$0xCFC0];
	v53 =	vadd.f32 $1.000000000e+00, v49;
	v6 =	vadd.f32 $1.000000000e+00, v6;
	[tilespmem:$0x13D10] =	vst v18  }
0x73: {  	v9 =	vsub.f32 v46, v41;
	v3 =	vmul.f32 v3, v10;
	[tilespmem:$0xD0E0] =	vst v4  }
0x74: {  	v57 =	vld [tilespmem:$0xCE90];
	v8 =	vsub.f32 v42, v40;
	v22 =	vmul.f32 $5.000000000e-01, v18;
	v4 =	vmul.f32 v53, v52;
	[tilespmem:$0x13D00] =	vst v6  }
0x75: {  	v58 =	vadd.f32 $1.000000000e+00, v9;
	v60 =	vld [tilespmem:$0xCF90];
	v23 =	vsub.f32 v16, v62;
	v5 =	vmul.f32 v63, v6;
	[tilespmem:$0xD0F0] =	vst v3  }
0x76: {  	v19 =	vld [tilespmem:$0xCEA0];
	v56 =	vadd.f32 $1.000000000e+00, v8;
	v25 =	vadd.f32 v22, v54;
	[tilespmem:$0xD100] =	vst v4  }
0x77: {  	v21 =	vld [tilespmem:$0xCFA0];
	v10 =	vsub.f32 v38, v34;
	v61 =	vmul.f32 $5.000000000e-01, v6;
	v6 =	vadd.f32 $1.000000000e+00, v23;
	[tilespmem:$0x13C80] =	vst v5  }
0x78: {  	v26 =	vld [tilespmem:$0xCEB0];
	v3 =	vmul.f32 v58, v56;
	[tilespmem:$0x13E10] =	vst v25  }
0x79: {  	v32 =	vld [tilespmem:$0xCE40];
	v17 =	vmul.f32 $5.000000000e-01, v63;
	v46 =	vadd.f32 $1.000000000e+00, v10;
	[tilespmem:$0x13D20] =	vst v6  }
0x7a: {  	v36 =	vld [tilespmem:$0xCF40];
	v20 =	vsub.f32 v60, v57;
	v4 =	vadd.f32 v61, v43;
	[tilespmem:$0xD110] =	vst v3  }
0x7b: {  	v59 =	vld [tilespmem:$0xCFE0];
	v31 =	vmul.f32 $5.000000000e-01, v6;
	v3 =	vadd.f32 v17, v50;
	[tilespmem:$0x13DC0] =	vst v46  }
0x7c: {  	v29 =	vsub.f32 v21, v19;
	v56 =	vld [tilespmem:$0xCEE0];
	[tilespmem:$0x13E00] =	vst v4;
	v4 =	vadd.f32 $1.000000000e+00, v20  }
0x7d: {  	v30 =	vld [tilespmem:$0xCFB0];
	v33 =	vadd.f32 v31, v62;
	[tilespmem:$0x13E80] =	vst v3  }
0x7e: {  	v44 =	vld [tilespmem:$0xCF50];
	v3 =	vadd.f32 $1.000000000e+00, v29;
	[tilespmem:$0x13D90] =	vst v4  }
0x7f: {  	v42 =	vsub.f32 v36, v32;
	v43 =	vld [tilespmem:$0xCE50];
	v27 =	vmul.f32 $5.000000000e-01, v4;
	v4 =	vmul.f32 v4, v18;
	[tilespmem:$0x13E20] =	vst v33  }
0x80: {  	v35 =	vmul.f32 $5.000000000e-01, v3;
	[tilespmem:$0x13DA0] =	vst v3;
	v3 =	vmul.f32 v3, v6  }
0x81: {  	v10 =	vsub.f32 v59, v56;
	v6 =	vadd.f32 $1.000000000e+00, v42;
	[tilespmem:$0x13C90] =	vst v4  }
0x82: {  	v5 =	vadd.f32 v27, v57;
	[tilespmem:$0x13CA0] =	vst v3  }
0x83: {  	v37 =	vsub.f32 v30, v26;
	v61 =	vadd.f32 $1.000000000e+00, v10;
	[tilespmem:$0x13D40] =	vst v6  }
0x84: {  	v49 =	vld [tilespmem:$0xCED0];
	v52 =	vsub.f32 v44, v43;
	v4 =	vadd.f32 v35, v19;
	[tilespmem:$0x13E90] =	vst v5  }
0x85: {  	v40 =	vmul.f32 $5.000000000e-01, v39;
	v53 =	vld [tilespmem:$0xCE60];
	v54 =	vmul.f32 v46, v6;
	[tilespmem:$0x13DE0] =	vst v61  }
0x86: {  	v57 =	vld [tilespmem:$0xCF60];
	v55 =	vadd.f32 $1.000000000e+00, v52;
	v5 =	vadd.f32 $1.000000000e+00, v37;
	[tilespmem:$0x13EA0] =	vst v4  }
0x87: {  	v51 =	vld [tilespmem:$0xCFD0];
	v50 =	vmul.f32 $5.000000000e-01, v46;
	v4 =	vadd.f32 v40, v24;
	[tilespmem:$0x13CC0] =	vst v54  }
0x88: {  	[tilespmem:$0x13D50] =	vst v55;
	v41 =	vmul.f32 $5.000000000e-01, v5  }
0x89: {  	[tilespmem:$0x13E30] =	vst v4;
	v4 =	vadd.f32 v50, v34  }
0x8a: {  	v47 =	vmul.f32 $5.000000000e-01, v6;
	[tilespmem:$0x13DB0] =	vst v5;
	v3 =	vadd.f32 v41, v26  }
0x8b: {  	v7 =	vmul.f32 $5.000000000e-01, v55;
	v45 =	vmul.f32 v5, v39;
	[tilespmem:$0x13EC0] =	vst v4;
	v4 =	vsub.f32 v57, v53  }
0x8c: {  	v58 =	vsub.f32 v51, v49;
	[tilespmem:$0x13EB0] =	vst v3;
	v3 =	vadd.f32 v47, v32  }
0x8d: {  	v7 =	vadd.f32 v7, v43;
	[tilespmem:$0x13CB0] =	vst v45;
	v4 =	vadd.f32 $1.000000000e+00, v4  }
0x8e: {  	[tilespmem:$0x13E40] =	vst v3;
	v3 =	vadd.f32 $1.000000000e+00, v58  }
0x8f: {  	[tilespmem:$0x13E50] =	vst v7;
	v62 =	vmul.f32 $5.000000000e-01, v4  }
0x90: {  	[tilespmem:$0x13D60] =	vst v4;
	v4 =	vmul.f32 v61, v4;
	v60 =	vmul.f32 $5.000000000e-01, v3  }
0x91: {  	v63 =	vmul.f32 $5.000000000e-01, v61;
	[tilespmem:$0x13DD0] =	vst v3;
	v3 =	vmul.f32 v3, v55  }
0x92: {  	[tilespmem:$0x13CE0] =	vst v4;
	v7 =	vadd.f32 v60, v49  }
0x93: {  	[tilespmem:$0x13CD0] =	vst v3;
	v3 =	vadd.f32 v63, v56  }
0x94: {  	[tilespmem:$0x13ED0] =	vst v7;
	v7 =	vadd.f32 v62, v53  }
0x95: {  	s26 =	simm.s32 $0x10900;
	[tilespmem:$0x13EE0] =	vst v3  }
0x96: {  	s28 =	simm.s32 $0xD500;
	s29 =	simm.s32 $0x800;
	s30 =	simm.s32 $0x1;
	[tilespmem:$0x13E60] =	vst v7  }
.LBB2_2:
0x97: {  	v1 =	vld [tilespmem:s29+$0xFFFFFE00]  }
0x98: {  	v4 =	vld [tilespmem:s29+$0xFFFFFE80]  }
0x99: {  	v7 =	vld [tilespmem:s29+$0xFFFFFF00]  }
0x9a: {  	v8 =	vld [tilespmem:s29+$0xFFFFFF80]  }
0x9b: {  	v14 =	vld [tilespmem:$0x0]  }
0x9c: {  	v15 =	vld [tilespmem:$0x80]  }
0x9d: {  	v16 =	vld [tilespmem:$0x100]  }
0x9e: {  	v17 =	vld [tilespmem:$0x180]  }
0x9f: {  	v11 =	vld [tilespmem:s29+$0x0]  }
0xa0: {  	v12 =	vld [tilespmem:s29+$0x80]  }
0xa1: {  	v9 =	vld [tilespmem:s29+$0x100]  }
0xa2: {  	v2 =	vld [tilespmem:s29+$0x180]  }
0xa3: {  	v28 =	vld [tilespmem:$0x10]  }
0xa4: {  	v29 =	vld [tilespmem:$0x90]  }
0xa5: {  	v30 =	vld [tilespmem:$0x110]  }
0xa6: {  	v23 =	vld [tilespmem:$0x190]  }
0xa7: {  	s31 =	sadd.s32 $0xFFFFFFFF, s30;
	v37 =	vld [tilespmem:$0x20]  }
0xa8: {  	v5 =	vmov s30;
	v40 =	vld [tilespmem:$0xA0];
	v0 =	vmov s31  }
0xa9: {  	v42 =	vld [tilespmem:$0x120];
	v18 =	vmax.f32 v14, v1;
	v19 =	vmax.f32 v15, v4;
	v20 =	vmin.f32 v16, v7  }
0xaa: {  	v43 =	vld [tilespmem:$0x1A0];
	v21 =	vmin.f32 v17, v8;
	v14 =	vmax.f32 v14, v11;
	v16 =	vmin.f32 v16, v9  }
0xab: {  	v15 =	vmax.f32 v15, v12;
	v17 =	vmin.f32 v17, v2;
	v34 =	vmax.f32 v28, v1  }
0xac: {  	v24 =	vmax.f32 v29, v4;
	v25 =	vmin.f32 v30, v7;
	v26 =	vmin.f32 v23, v8  }
0xad: {  	v10 =	vld [tilespmem:$0xB0];
	v23 =	vmin.f32 v23, v2;
	v47 =	vmax.f32 v37, v1;
	v48 =	vmax.f32 v40, v4  }
0xae: {  	v49 =	vmin.f32 v42, v7;
	v18 =	vsub.f32 v20, v18;
	v19 =	vsub.f32 v21, v19  }
0xaf: {  	v27 =	vmin.f32 v43, v8;
	v14 =	vsub.f32 v16, v14;
	v15 =	vsub.f32 v17, v15  }
0xb0: {  	v24 =	vsub.f32 v26, v24;
	v20 =	vmax.f32 v28, v11;
	v21 =	vmax.f32 v29, v12  }
0xb1: {  	v22 =	vld [tilespmem:$0xD000];
	v16 =	vmin.f32 v30, v9;
	v50 =	vsub.f32 v49, v47;
	v51 =	vsub.f32 v27, v48  }
0xb2: {  	v35 =	vld [tilespmem:$0xD010];
	v26 =	vmax.f32 v10, v12;
	v16 =	vsub.f32 v16, v20;
	v36 =	vsub.f32 v23, v21  }
0xb3: {  	v13 =	vld.idx.msk [tilespmem:v5+s13+$0x0], $0xffff;
	v21 =	vmax.f32 v37, v11;
	v18 =	vadd.f32 $1.000000000e+00, v18;
	v19 =	vadd.f32 $1.000000000e+00, v19  }
0xb4: {  	v52 =	vld [tilespmem:$0xD020];
	v20 =	vmin.f32 v42, v9;
	v14 =	vadd.f32 $1.000000000e+00, v14;
	v15 =	vadd.f32 $1.000000000e+00, v15  }
0xb5: {  	v6 =	vld.idx.msk [tilespmem:v0+s13+$0x0], $0xffff;
	v23 =	vmax.f32 v40, v12;
	v39 =	vadd.f32 $1.000000000e+00, v24;
	v20 =	vsub.f32 v20, v21  }
0xb6: {  	v24 =	vmin.f32 v43, v2;
	v16 =	vadd.f32 $1.000000000e+00, v16;
	v41 =	vadd.f32 $1.000000000e+00, v36  }
0xb7: {  	v53 =	vsub.f32 v24, v23;
	v18 =	vmax.f32 v18, $0.0e+00;
	v19 =	vmax.f32 v19, $0.0e+00  }
0xb8: {  	v14 =	vmax.f32 v14, $0.0e+00;
	v33 =	vadd.f32 v22, v13;
	v45 =	vadd.f32 v35, v13  }
0xb9: {  	v15 =	vmax.f32 v15, $0.0e+00;
	v20 =	vadd.f32 $1.000000000e+00, v20;
	v62 =	vadd.f32 v52, v13  }
0xba: {  	v63 =	vld [tilespmem:$0x30];
	v18 =	vmul.f32 v19, v18;
	v31 =	vadd.f32 v22, v6;
	v22 =	vsub.f32 v25, v34  }
0xbb: {  	v14 =	vmul.f32 v15, v14;
	v16 =	vmax.f32 v16, $0.0e+00;
	v44 =	vadd.f32 v35, v6  }
0xbc: {  	v17 =	vmax.f32 v41, $0.0e+00;
	v21 =	vadd.f32 $1.000000000e+00, v53;
	v38 =	vadd.f32 $1.000000000e+00, v22  }
0xbd: {  	v57 =	vadd.f32 v52, v6;
	v16 =	vmul.f32 v17, v16;
	v32 =	vsub.f32 v31, v18  }
0xbe: {  	v19 =	vsub.f32 v33, v14;
	v22 =	vmax.f32 v39, $0.0e+00;
	v15 =	vmax.f32 v38, $0.0e+00  }
0xbf: {  	v30 =	vld [tilespmem:$0x1B0];
	v53 =	vmax.f32 v63, v11;
	(erf) = vrcp.f32 v32;
	v15 =	vmul.f32 v22, v15  }
0xc0: {  	(erf) = vrcp.f32 v19;
	v19 =	vadd.f32 $1.000000000e+00, v50;
	v22 =	vadd.f32 $1.000000000e+00, v51  }
0xc1: {  	v28 =	vld [tilespmem:$0x130];
	v59 =	vmax.f32 v20, $0.0e+00;
	v60 =	vmax.f32 v21, $0.0e+00;
	v31 =	vmax.f32 v10, v4  }
0xc2: {  	v52 =	vld [tilespmem:$0x40];
	v46 =	vsub.f32 v44, v15;
	v19 =	vmax.f32 v19, $0.0e+00;
	v22 =	vmax.f32 v22, $0.0e+00  }
0xc3: {  	v3 =	vmovc v2;
	v17 =	vsub.f32 v45, v16;
	v20 =	vmul.f32 v60, v59;
	v59 =	vld [tilespmem:$0x1C0];
	v19 =	vmul.f32 v22, v19  }
0xc4: {  	v34 =	vld [tilespmem:$0xD030];
	v33 =	vmin.f32 v30, v8;
	v30 =	vmin.f32 v30, v3;
	(erf) = vrcp.f32 v46  }
0xc5: {  	v31 =	vsub.f32 v33, v31;
	(erf) = vrcp.f32 v17;
	v61 =	vsub.f32 v57, v19;
	v57 =	vld [tilespmem:$0x140]  }
0xc6: {  	v60 =	vsub.f32 v30, v26;
	v32 =	vmin.f32 v28, v7;
	v37 =	vsub.f32 v62, v20  }
0xc7: {  	v51 =	vadd.f32 $1.000000000e+00, v31;
	v62 =	vmax.f32 v52, v1;
	v31 =	vmax.f32 v52, v11  }
0xc8: {  	v10 =	vmin.f32 v59, v8;
	v46 =	vmax.f32 v63, v1;
	(erf) = vrcp.f32 v61;
	v54 =	vpop (erf)  }
0xc9: {  	v56 =	vld [tilespmem:$0xD180];
	v61 =	vadd.f32 v34, v13;
	(erf) = vrcp.f32 v37;
	v18 =	vmul.f32 v54, v18;
	v55 =	vpop (erf)  }
0xca: {  	v58 =	vld [tilespmem:$0xD300];
	v54 =	vmin.f32 v28, v9;
	v23 =	vmul.f32 v55, v14;
	v2 =	vmin.f32 v57, v7  }
0xcb: {  	v55 =	vld [tilespmem:$0xC0];
	v22 =	vmin.f32 v57, v9;
	vm8 =	vgt.f32 v18, $-3.000000010e+38;
	v26 =	vsub.f32 v2, v62  }
0xcc: {  	v14 =	vld [tilespmem:$0xD040];
	v22 =	vsub.f32 v22, v31;
	vm0 =	vgt.f32 v23, v18;
	vm1 =	vgt.f32 v23, $-3.000000010e+38  }
0xcd: {  	v35 =	vsel vm0, v23, v18;
	v36 =	vpop (erf);
	v29 =	vsel vm0, s30, v0;
	v18 =	vnsel vm8, $0xFF61B1E6, v18  }
0xce: {  	v23 =	vnsel vm1, $0xFF61B1E6, v23;
	vm7 =	vgt.f32 v35, v56;
	v27 =	vmul.f32 v36, v15;
	v38 =	vpop (erf)  }
0xcf: {  	v39 =	vsel vm7, v35, v56;
	v40 =	vmul.f32 v38, v16;
	v42 =	vsel vm7, v29, v58  }
0xd0: {  	v29 =	vsub.f32 v32, v46;
	v58 =	vadd.f32 v34, v6;
	v63 =	vmax.f32 v55, v4  }
0xd1: {  	v28 =	vmax.f32 v55, v12;
	v52 =	vadd.f32 v14, v13;
	vm1 =	vgt.f32 v27, v18  }
0xd2: {  	v41 =	vld [tilespmem:$0xD190];
	[tilespmem:$0x1FF90] =	vst v42;
	v49 =	vpop (erf);
	v30 =	vsub.f32 v10, v63;
	v42 =	vadd.f32 $1.000000000e+00, v26;
	vm9 =	vgt.f32 v40, v27  }
0xd3: {  	v15 =	vld [tilespmem:$0x50];
	vm0 =	vgt.f32 v40, v23;
	v50 =	vadd.f32 $1.000000000e+00, v29;
	v21 =	vmul.f32 v49, v19  }
0xd4: {  	v43 =	vld [tilespmem:$0xD310];
	v56 =	vpop (erf);
	v29 =	vmax.f32 v51, $0.0e+00;
	v19 =	vsub.f32 v54, v53;
	v51 =	vadd.f32 v14, v6  }
0xd5: {  	v44 =	vsel vm9, v40, v27;
	v45 =	vsel vm9, s30, v0;
	v32 =	vmul.f32 v56, v20  }
0xd6: {  	v27 =	vsel vm1, v27, v18;
	v23 =	vsel vm0, v40, v23;
	v18 =	vadd.f32 $1.000000000e+00, v60  }
0xd7: {  	vm10 =	vgt.f32 v44, v41;
	v25 =	vmax.f32 v50, $0.0e+00;
	v19 =	vadd.f32 $1.000000000e+00, v19  }
0xd8: {  	v56 =	vmax.f32 v15, v1;
	v57 =	vmax.f32 v15, v11;
	vm3 =	vgt.f32 v21, v27  }
0xd9: {  	v47 =	vsel vm10, v44, v41;
	v48 =	vsel vm10, v45, v43;
	v25 =	vmul.f32 v29, v25  }
0xda: {  	v35 =	vld [tilespmem:$0xD1A0];
	vm2 =	vgt.f32 v32, v21;
	v29 =	vmin.f32 v59, v3;
	v18 =	vmax.f32 v18, $0.0e+00  }
0xdb: {  	[tilespmem:$0x1FF80] =	vst v39;
	v39 =	vld [tilespmem:$0xD320];
	v43 =	vadd.f32 $1.000000000e+00, v30;
	v45 =	vadd.f32 $1.000000000e+00, v22;
	v27 =	vsel vm3, v21, v27  }
0xdc: {  	v44 =	vld [tilespmem:$0xD0];
	v19 =	vmax.f32 v19, $0.0e+00;
	v28 =	vsub.f32 v29, v28;
	v53 =	vsel vm2, v32, v21  }
0xdd: {  	v41 =	vld [tilespmem:$0xD060];
	v54 =	vsel vm2, s30, v0;
	vm2 =	vgt.f32 v32, v23;
	v20 =	vsub.f32 v58, v25  }
0xde: {  	[tilespmem:$0x1FFA0] =	vst v47;
	v47 =	vld [tilespmem:$0x150];
	v19 =	vmul.f32 v18, v19;
	v18 =	vmax.f32 v42, $0.0e+00;
	v26 =	vmax.f32 v43, $0.0e+00  }
0xdf: {  	[tilespmem:$0x1FFB0] =	vst v48;
	v48 =	vld [tilespmem:$0x1D0];
	v49 =	vmax.f32 v45, $0.0e+00;
	vm11 =	vgt.f32 v53, v35;
	v46 =	vadd.f32 $1.000000000e+00, v28  }
0xe0: {  	v26 =	vmul.f32 v26, v18;
	v59 =	vsel vm11, v53, v35;
	v43 =	vsel vm11, v54, v39  }
0xe1: {  	v58 =	vld [tilespmem:$0xD050];
	(erf) = vrcp.f32 v20;
	v24 =	vsub.f32 v61, v19;
	v50 =	vmax.f32 v46, $0.0e+00  }
0xe2: {  	v22 =	vsub.f32 v51, v26;
	v36 =	vmax.f32 v44, v4;
	v30 =	vmax.f32 v44, v12  }
0xe3: {  	v35 =	vld [tilespmem:$0x1E0];
	[tilespmem:$0x1FFC0] =	vst v59;
	v59 =	vadd.f32 v41, v6;
	v34 =	vmul.f32 v50, v49;
	v37 =	vmin.f32 v47, v7  }
0xe4: {  	v38 =	vmin.f32 v48, v8;
	v28 =	vmin.f32 v47, v9;
	v37 =	vsub.f32 v37, v56  }
0xe5: {  	v31 =	vmin.f32 v48, v3;
	v36 =	vsub.f32 v38, v36;
	v28 =	vsub.f32 v28, v57  }
0xe6: {  	(erf) = vrcp.f32 v24;
	v30 =	vsub.f32 v31, v30;
	v18 =	vadd.f32 v58, v6  }
0xe7: {  	v31 =	vld [tilespmem:$0x60];
	(erf) = vrcp.f32 v22;
	v42 =	vadd.f32 v58, v13;
	v55 =	vsub.f32 v52, v34  }
0xe8: {  	[tilespmem:$0x1FFD0] =	vst v43;
	v43 =	vld [tilespmem:$0x200];
	v51 =	vmin.f32 v35, v8;
	v60 =	vadd.f32 $1.000000000e+00, v37;
	v61 =	vadd.f32 $1.000000000e+00, v36  }
0xe9: {  	v35 =	vmin.f32 v35, v3;
	v62 =	vadd.f32 $1.000000000e+00, v28;
	v63 =	vadd.f32 $1.000000000e+00, v30;
	v30 =	vld [tilespmem:$0x160]  }
0xea: {  	v36 =	vld [tilespmem:$0xE0];
	(erf) = vrcp.f32 v55;
	v20 =	vmax.f32 v60, $0.0e+00;
	v2 =	vmax.f32 v61, $0.0e+00  }
0xeb: {  	v14 =	vmax.f32 v62, $0.0e+00;
	v15 =	vmax.f32 v63, $0.0e+00;
	v38 =	vmul.f32 v2, v20  }
0xec: {  	v40 =	vmul.f32 v15, v14;
	v48 =	vmax.f32 v31, v1;
	v31 =	vmax.f32 v31, v11;
	v10 =	vpop (erf)  }
0xed: {  	v20 =	vmax.f32 v43, v1;
	v43 =	vmax.f32 v43, v11;
	v44 =	vmul.f32 v10, v25  }
0xee: {  	v47 =	vsub.f32 v18, v38;
	v22 =	vsub.f32 v42, v40;
	v50 =	vmin.f32 v30, v7  }
0xef: {  	v49 =	vmax.f32 v36, v4;
	v30 =	vmin.f32 v30, v9;
	v28 =	vsub.f32 v50, v48  }
0xf0: {  	v17 =	vpop (erf);
	v33 =	vsub.f32 v51, v49;
	v30 =	vsub.f32 v30, v31;
	(erf) = vrcp.f32 v47  }
0xf1: {  	v46 =	vld [tilespmem:$0xD1B0];
	v45 =	vmul.f32 v17, v19;
	v56 =	vpop (erf);
	v17 =	vmax.f32 v36, v12;
	(erf) = vrcp.f32 v22  }
0xf2: {  	v50 =	vld [tilespmem:$0xF0];
	v53 =	vadd.f32 $1.000000000e+00, v28;
	v54 =	vadd.f32 $1.000000000e+00, v33;
	v57 =	vmul.f32 v56, v26  }
0xf3: {  	v51 =	vld [tilespmem:$0x170];
	v49 =	vsub.f32 v35, v17;
	v30 =	vadd.f32 $1.000000000e+00, v30;
	vm4 =	vgt.f32 v45, v44  }
0xf4: {  	v56 =	vadd.f32 v41, v13;
	v52 =	vsel vm4, v45, v44;
	v22 =	vmax.f32 v53, $0.0e+00  }
0xf5: {  	v55 =	vld [tilespmem:$0xD330];
	v25 =	vmax.f32 v54, $0.0e+00;
	v60 =	vsel vm4, s30, v0;
	vm4 =	vgt.f32 v44, v27  }
0xf6: {  	v19 =	vld [tilespmem:$0x70];
	v58 =	vpop (erf);
	v31 =	vadd.f32 $1.000000000e+00, v49;
	v30 =	vmax.f32 v30, $0.0e+00;
	vm5 =	vgt.f32 v52, v46  }
0xf7: {  	v21 =	vmul.f32 v58, v34;
	v39 =	vmul.f32 v25, v22;
	v22 =	vsel vm2, v32, v23  }
0xf8: {  	v5 =	vmovc v9;
	v17 =	vld [tilespmem:$0xD070];
	v63 =	vsel vm4, v44, v27;
	v58 =	vmin.f32 v51, v7;
	v44 =	vmax.f32 v50, v4  }
0xf9: {  	v32 =	vmin.f32 v51, v5;
	v35 =	vmax.f32 v50, v12;
	v24 =	vsel vm5, v52, v46  }
0xfa: {  	v61 =	vld [tilespmem:$0xD1C0];
	v25 =	vsel vm5, v60, v55;
	vm5 =	vgt.f32 v57, v63;
	v31 =	vmax.f32 v31, $0.0e+00  }
0xfb: {  	v10 =	vld [tilespmem:$0xD340];
	v36 =	vmax.f32 v19, v11;
	vm6 =	vgt.f32 v21, v57;
	v62 =	vsub.f32 v59, v39  }
0xfc: {  	v52 =	vld [tilespmem:$0x1F0];
	v37 =	vsel vm5, v57, v63;
	v31 =	vmul.f32 v31, v30;
	v32 =	vsub.f32 v32, v36  }
0xfd: {  	v51 =	vadd.f32 v17, v6;
	v2 =	vsel vm6, v21, v57;
	v57 =	vmax.f32 v19, v1  }
0xfe: {  	v46 =	vld [tilespmem:$0x280];
	v14 =	vsel vm6, s30, v0;
	(erf) = vrcp.f32 v62;
	v41 =	vsub.f32 v58, v57  }
0xff: {  	vm12 =	vgt.f32 v2, v61;
	v62 =	vsub.f32 v56, v31;
	v32 =	vadd.f32 $1.000000000e+00, v32;
	v57 =	vld [tilespmem:$0x310];
	v15 =	vpop (erf)  }
0x100: {  	v58 =	vld [tilespmem:$0x390];
	v26 =	vsel vm12, v2, v61;
	v27 =	vsel vm12, v14, v10;
	v34 =	vmul.f32 v15, v38  }
0x101: {  	[tilespmem:$0x1FFE0] =	vst v45;
	v61 =	vld [tilespmem:$0x300];
	v48 =	vpop (erf);
	v45 =	vmin.f32 v52, v8;
	v63 =	vadd.f32 $1.000000000e+00, v41;
	(erf) = vrcp.f32 v62  }
0x102: {  	v2 =	vld [tilespmem:$0x380];
	v19 =	vmin.f32 v52, v3;
	v32 =	vmax.f32 v32, $0.0e+00;
	v23 =	vmul.f32 v48, v40  }
0x103: {  	v42 =	vld [tilespmem:$0xD1D0];
	v60 =	vsub.f32 v45, v44;
	v35 =	vsub.f32 v19, v35;
	v48 =	vmax.f32 v46, v4  }
0x104: {  	v9 =	vmovc v7;
	v40 =	vmax.f32 v63, $0.0e+00;
	vm6 =	vgt.f32 v34, v37;
	vm13 =	vgt.f32 v23, v34  }
0x105: {  	v53 =	vld [tilespmem:$0xD350];
	v33 =	vadd.f32 $1.000000000e+00, v60;
	v35 =	vadd.f32 $1.000000000e+00, v35;
	v47 =	vmin.f32 v57, v9  }
0x106: {  	v15 =	vmovc v8;
	v52 =	vld [tilespmem:$0xD080];
	v45 =	vmin.f32 v58, v3;
	v54 =	vsel vm13, v23, v34;
	v55 =	vsel vm13, s30, v0  }
0x107: {  	v49 =	vmin.f32 v61, v9;
	v50 =	vmin.f32 v2, v15;
	v41 =	vmin.f32 v2, v3  }
0x108: {  	vm14 =	vgt.f32 v54, v42;
	v33 =	vmax.f32 v33, $0.0e+00;
	v36 =	vsub.f32 v49, v20  }
0x109: {  	v38 =	vsub.f32 v50, v48;
	v35 =	vmax.f32 v35, $0.0e+00;
	v49 =	vmin.f32 v58, v15  }
0x10a: {  	v19 =	vld [tilespmem:$0x2A0];
	v29 =	vsel vm14, v54, v42;
	v28 =	vsel vm14, v55, v53;
	v33 =	vmul.f32 v33, v40  }
0x10b: {  	v2 =	vld [tilespmem:$0x220];
	v42 =	vmin.f32 v61, v5;
	v61 =	vadd.f32 v52, v13;
	v36 =	vadd.f32 $1.000000000e+00, v36  }
0x10c: {  	v20 =	vld [tilespmem:$0x320];
	v53 =	vmax.f32 v46, v12;
	v38 =	vadd.f32 $1.000000000e+00, v38;
	v42 =	vsub.f32 v42, v43  }
0x10d: {  	v54 =	vld [tilespmem:$0x210];
	v32 =	vmul.f32 v35, v32;
	v59 =	vpop (erf);
	v41 =	vsub.f32 v41, v53;
	v40 =	vsub.f32 v51, v33  }
0x10e: {  	v55 =	vld [tilespmem:$0x290];
	v30 =	vmul.f32 v59, v39;
	v39 =	vadd.f32 v17, v13;
	v59 =	vadd.f32 v52, v6  }
0x10f: {  	v62 =	vld [tilespmem:$0xD090];
	v56 =	vmax.f32 v36, $0.0e+00;
	v38 =	vmax.f32 v38, $0.0e+00;
	v42 =	vadd.f32 $1.000000000e+00, v42  }
0x110: {  	v41 =	vadd.f32 $1.000000000e+00, v41;
	v36 =	vmin.f32 v57, v5;
	v57 =	vmax.f32 v19, v4  }
0x111: {  	v35 =	vmul.f32 v38, v56;
	(erf) = vrcp.f32 v40;
	v39 =	vsub.f32 v39, v32  }
0x112: {  	v53 =	vld [tilespmem:$0x3A0];
	v56 =	vmax.f32 v2, v1;
	v58 =	vmin.f32 v20, v9;
	v60 =	vmax.f32 v42, $0.0e+00  }
0x113: {  	v41 =	vmax.f32 v41, $0.0e+00;
	v63 =	vmax.f32 v54, v1;
	v48 =	vmax.f32 v55, v4  }
0x114: {  	v46 =	vmax.f32 v54, v11;
	v43 =	vmax.f32 v55, v12;
	v54 =	vadd.f32 v62, v6  }
0x115: {  	v38 =	vsub.f32 v59, v35;
	v40 =	vmul.f32 v41, v60;
	v44 =	vsub.f32 v47, v63  }
0x116: {  	(erf) = vrcp.f32 v39;
	v17 =	vsub.f32 v49, v48;
	v36 =	vsub.f32 v36, v46  }
0x117: {  	v43 =	vsub.f32 v45, v43;
	v50 =	vmin.f32 v53, v15;
	v59 =	vadd.f32 v62, v13  }
0x118: {  	v48 =	vmax.f32 v19, v12;
	v41 =	vmin.f32 v53, v3;
	v45 =	vsub.f32 v50, v57  }
0x119: {  	v62 =	vmax.f32 v2, v11;
	v41 =	vsub.f32 v41, v48;
	v10 =	vsub.f32 v61, v40  }
0x11a: {  	v49 =	vmin.f32 v20, v5;
	v44 =	vadd.f32 $1.000000000e+00, v44;
	v52 =	vadd.f32 $1.000000000e+00, v17  }
0x11b: {  	v48 =	vsel vm6, v34, v37;
	v36 =	vadd.f32 $1.000000000e+00, v36;
	v55 =	vadd.f32 $1.000000000e+00, v43  }
0x11c: {  	v2 =	vld [tilespmem:$0xD0A0];
	(erf) = vrcp.f32 v38;
	v43 =	vsub.f32 v58, v56;
	v63 =	vpop (erf);
	v61 =	vadd.f32 $1.000000000e+00, v45  }
0x11d: {  	v31 =	vmul.f32 v63, v31;
	v41 =	vadd.f32 $1.000000000e+00, v41;
	v44 =	vmax.f32 v44, $0.0e+00  }
0x11e: {  	v38 =	vmax.f32 v52, $0.0e+00;
	(erf) = vrcp.f32 v10;
	v36 =	vmax.f32 v36, $0.0e+00  }
0x11f: {  	v39 =	vmax.f32 v55, $0.0e+00;
	v60 =	vadd.f32 $1.000000000e+00, v43;
	v43 =	vsub.f32 v49, v62  }
0x120: {  	v44 =	vmul.f32 v38, v44;
	v46 =	vmul.f32 v39, v36;
	v42 =	vmax.f32 v61, $0.0e+00  }
0x121: {  	v56 =	vadd.f32 v2, v6;
	v41 =	vmax.f32 v41, $0.0e+00;
	vm7 =	vgt.f32 v31, v30  }
0x122: {  	v17 =	vld [tilespmem:$0xD1E0];
	v10 =	vmax.f32 v60, $0.0e+00;
	v43 =	vadd.f32 $1.000000000e+00, v43;
	v38 =	vsub.f32 v54, v44  }
0x123: {  	v60 =	vsel vm7, v31, v30;
	v61 =	vsel vm7, s30, v0;
	v36 =	vsub.f32 v59, v46;
	v54 =	vld [tilespmem:$0x230]  }
0x124: {  	v19 =	vld [tilespmem:$0xD360];
	v49 =	vmul.f32 v42, v10;
	v58 =	vpop (erf);
	v57 =	vmax.f32 v43, $0.0e+00;
	(erf) = vrcp.f32 v38  }
0x125: {  	v20 =	vld [tilespmem:$0xD1F0];
	v59 =	vadd.f32 v2, v13;
	v51 =	vmul.f32 v41, v57;
	v62 =	vpop (erf);
	(erf) = vrcp.f32 v36  }
0x126: {  	v53 =	vsub.f32 v56, v49;
	v56 =	vld [tilespmem:$0x3B0];
	v36 =	vmul.f32 v58, v33;
	v32 =	vmul.f32 v62, v32;
	v63 =	vpop (erf)  }
0x127: {  	v50 =	vld [tilespmem:$0xD370];
	vm15 =	vgt.f32 v60, v17;
	v38 =	vsub.f32 v59, v51;
	v35 =	vmul.f32 v63, v35  }
0x128: {  	v55 =	vld [tilespmem:$0x330];
	vm8 =	vgt.f32 v32, v36;
	v63 =	vmax.f32 v54, v1;
	v54 =	vmax.f32 v54, v11;
	v2 =	vpop (erf)  }
0x129: {  	v52 =	vld [tilespmem:$0xD200];
	(erf) = vrcp.f32 v53;
	v10 =	vsel vm8, v32, v36;
	v33 =	vmul.f32 v2, v40  }
0x12a: {  	v53 =	vld [tilespmem:$0x2B0];
	(erf) = vrcp.f32 v38;
	v40 =	vsel vm15, v60, v17;
	v38 =	vsel vm15, v61, v19  }
0x12b: {  	v17 =	vsel vm8, s30, v0;
	vm12 =	vgt.f32 v10, v20;
	v57 =	vmin.f32 v56, v15  }
0x12c: {  	v56 =	vmin.f32 v56, v3;
	v41 =	vsel vm12, v10, v20;
	v39 =	vsel vm12, v17, v50  }
0x12d: {  	v20 =	vld [tilespmem:$0xD380];
	v10 =	vmin.f32 v55, v9;
	v55 =	vmin.f32 v55, v5;
	vm13 =	vgt.f32 v33, v35  }
0x12e: {  	v50 =	vsub.f32 v10, v63;
	v54 =	vsub.f32 v55, v54;
	v19 =	vsel vm13, v33, v35  }
0x12f: {  	v61 =	vsel vm13, s30, v0;
	v60 =	vpop (erf);
	vm14 =	vgt.f32 v19, v52;
	v2 =	vmax.f32 v53, v4  }
0x130: {  	v58 =	vld [tilespmem:$0xD390];
	v50 =	vadd.f32 $1.000000000e+00, v50;
	v53 =	vmax.f32 v53, v12;
	v54 =	vadd.f32 $1.000000000e+00, v54;
	v62 =	vpop (erf)  }
0x131: {  	v43 =	vmul.f32 v60, v44;
	v47 =	vsub.f32 v57, v2;
	v57 =	vld [tilespmem:$0xD0B0];
	v34 =	vmul.f32 v62, v46  }
0x132: {  	v44 =	vsel vm14, v19, v52;
	v53 =	vsub.f32 v56, v53;
	v46 =	vld [tilespmem:$0xD210];
	v42 =	vsel vm14, v61, v20  }
0x133: {  	v52 =	vld [tilespmem:$0xD220];
	v50 =	vmax.f32 v50, $0.0e+00;
	v60 =	vadd.f32 $1.000000000e+00, v47;
	vm15 =	vgt.f32 v34, v43  }
0x134: {  	v61 =	vld [tilespmem:$0x240];
	v54 =	vmax.f32 v54, $0.0e+00;
	v53 =	vadd.f32 $1.000000000e+00, v53;
	v19 =	vpop (erf);
	v17 =	vsel vm15, v34, v43  }
0x135: {  	v20 =	vsel vm15, s30, v0;
	v59 =	vpop (erf);
	v47 =	vmul.f32 v19, v49;
	v49 =	vld [tilespmem:$0x2C0];
	v63 =	vmax.f32 v60, $0.0e+00  }
0x136: {  	v53 =	vmax.f32 v53, $0.0e+00;
	v37 =	vmul.f32 v59, v51;
	v59 =	vld [tilespmem:$0x340];
	v51 =	vmul.f32 v63, v50  }
0x137: {  	v50 =	vld [tilespmem:$0x3C0];
	v2 =	vadd.f32 v57, v6;
	v57 =	vadd.f32 v57, v13;
	vm11 =	vgt.f32 v17, v46  }
0x138: {  	v46 =	vsel vm11, v17, v46;
	v45 =	vsel vm11, v20, v58;
	vm12 =	vgt.f32 v37, v47  }
0x139: {  	v55 =	vld [tilespmem:$0xD0C0];
	v10 =	vsub.f32 v2, v51;
	v17 =	vmax.f32 v61, v1;
	v60 =	vsel vm12, v37, v47  }
0x13a: {  	v61 =	vmax.f32 v61, v11;
	v19 =	vmax.f32 v49, v4;
	vm13 =	vgt.f32 v60, v52  }
0x13b: {  	(erf) = vrcp.f32 v10;
	v49 =	vmax.f32 v49, v12;
	v63 =	vmin.f32 v59, v9  }
0x13c: {  	v20 =	vmin.f32 v50, v15;
	v59 =	vmin.f32 v59, v5;
	v56 =	vsub.f32 v63, v17  }
0x13d: {  	v7 =	vmovc v1;
	v58 =	vld [tilespmem:$0xD3A0];
	v50 =	vmin.f32 v50, v3;
	v1 =	vsub.f32 v20, v19;
	v59 =	vsub.f32 v59, v61  }
0x13e: {  	v63 =	vld [tilespmem:$0x250];
	v50 =	vsub.f32 v50, v49;
	v49 =	vsel vm13, v60, v52;
	v20 =	vadd.f32 v55, v6  }
0x13f: {  	v61 =	vld [tilespmem:$0x2D0];
	v52 =	vmul.f32 v53, v54;
	v55 =	vadd.f32 v55, v13;
	v56 =	vadd.f32 $1.000000000e+00, v56  }
0x140: {  	v60 =	vld [tilespmem:$0x3D0];
	v1 =	vadd.f32 $1.000000000e+00, v1;
	v17 =	vadd.f32 $1.000000000e+00, v59  }
0x141: {  	v62 =	vsel vm12, s30, v0;
	v19 =	vadd.f32 $1.000000000e+00, v50;
	v57 =	vsub.f32 v57, v52  }
0x142: {  	v50 =	vsel vm13, v62, v58;
	v59 =	vld [tilespmem:$0x260];
	v10 =	vmax.f32 v56, $0.0e+00;
	v1 =	vmax.f32 v1, $0.0e+00  }
0x143: {  	v56 =	vld [tilespmem:$0x350];
	v54 =	vmax.f32 v17, $0.0e+00;
	(erf) = vrcp.f32 v57;
	v53 =	vmul.f32 v1, v10  }
0x144: {  	v8 =	vmovc v4;
	v10 =	vmax.f32 v19, $0.0e+00;
	v17 =	vmax.f32 v63, v7;
	v4 =	vmax.f32 v61, v4  }
0x145: {  	v16 =	vmovc v3;
	v61 =	vmax.f32 v61, v12;
	v54 =	vmul.f32 v10, v54;
	v10 =	vmin.f32 v60, v15  }
0x146: {  	v18 =	vmovc v0;
	v62 =	vld [tilespmem:$0x3E0];
	v60 =	vmin.f32 v60, v3;
	v1 =	vsub.f32 v20, v53;
	v0 =	vsub.f32 v10, v4  }
0x147: {  	v20 =	vpop (erf);
	v61 =	vsub.f32 v60, v61;
	v3 =	vmax.f32 v59, v7;
	v59 =	vmax.f32 v59, v11  }
0x148: {  	v57 =	vld [tilespmem:$0x360];
	v51 =	vmul.f32 v20, v51;
	v20 =	vmax.f32 v63, v11;
	v19 =	vmin.f32 v56, v9  }
0x149: {  	v63 =	vld [tilespmem:$0xD0D0];
	(erf) = vrcp.f32 v1;
	v0 =	vadd.f32 $1.000000000e+00, v0;
	v2 =	vadd.f32 $1.000000000e+00, v61  }
0x14a: {  	v4 =	vld [tilespmem:$0x2E0];
	v56 =	vmin.f32 v56, v5;
	v58 =	vsub.f32 v19, v17;
	v17 =	vsub.f32 v55, v54  }
0x14b: {  	v56 =	vsub.f32 v56, v20;
	v20 =	vmin.f32 v62, v15;
	v62 =	vmin.f32 v62, v16  }
0x14c: {  	v0 =	vmax.f32 v0, $0.0e+00;
	v2 =	vmax.f32 v2, $0.0e+00;
	v19 =	vadd.f32 $1.000000000e+00, v58  }
0x14d: {  	v60 =	vld [tilespmem:$0x270];
	(erf) = vrcp.f32 v17;
	v1 =	vadd.f32 $1.000000000e+00, v56;
	v17 =	vmin.f32 v57, v9  }
0x14e: {  	v57 =	vmin.f32 v57, v5;
	v58 =	vsub.f32 v17, v3;
	v17 =	vadd.f32 v63, v6  }
0x14f: {  	v3 =	vld [tilespmem:$0x2F0];
	v55 =	vmax.f32 v19, $0.0e+00;
	v19 =	vmax.f32 v4, v8;
	v1 =	vmax.f32 v1, $0.0e+00  }
0x150: {  	v4 =	vmax.f32 v4, v12;
	v55 =	vmul.f32 v0, v55;
	v0 =	vld [tilespmem:$0x370];
	v61 =	vsub.f32 v20, v19  }
0x151: {  	v20 =	vmul.f32 v2, v1;
	v2 =	vsub.f32 v57, v59;
	v57 =	vld [tilespmem:$0x3F0];
	v4 =	vsub.f32 v62, v4  }
0x152: {  	v19 =	vmax.f32 v60, v7;
	v58 =	vadd.f32 $1.000000000e+00, v58;
	v56 =	vsub.f32 v17, v55  }
0x153: {  	v60 =	vmax.f32 v60, v11;
	v17 =	vadd.f32 v63, v13;
	v61 =	vadd.f32 $1.000000000e+00, v61  }
0x154: {  	v58 =	vmax.f32 v58, $0.0e+00;
	v2 =	vadd.f32 $1.000000000e+00, v2;
	(erf) = vrcp.f32 v56  }
0x155: {  	v59 =	vsub.f32 v17, v20;
	v61 =	vmax.f32 v61, $0.0e+00;
	v1 =	vmin.f32 v0, v9  }
0x156: {  	v10 =	vmovc v5;
	v0 =	vmin.f32 v0, v5;
	v5 =	vmax.f32 v3, v8;
	v17 =	vmin.f32 v57, v15  }
0x157: {  	v3 =	vmax.f32 v3, v12;
	v58 =	vmul.f32 v61, v58;
	v61 =	vld [tilespmem:$0x480];
	v56 =	vsub.f32 v1, v19  }
0x158: {  	v57 =	vmin.f32 v57, v16;
	v19 =	vsub.f32 v17, v5;
	v0 =	vsub.f32 v0, v60;
	v60 =	vld [tilespmem:$0xD0E0]  }
0x159: {  	v4 =	vadd.f32 $1.000000000e+00, v4;
	v2 =	vmax.f32 v2, $0.0e+00;
	v3 =	vsub.f32 v57, v3;
	v5 =	vld [tilespmem:$0x580]  }
0x15a: {  	v62 =	vld [tilespmem:$0xD0F0];
	(erf) = vrcp.f32 v59;
	v56 =	vadd.f32 $1.000000000e+00, v56;
	v59 =	vadd.f32 $1.000000000e+00, v19  }
0x15b: {  	v4 =	vmax.f32 v4, $0.0e+00;
	v57 =	vld [tilespmem:$0x400];
	v0 =	vadd.f32 $1.000000000e+00, v0;
	v3 =	vadd.f32 $1.000000000e+00, v3  }
0x15c: {  	v19 =	vmul.f32 v4, v2;
	v4 =	vmax.f32 v56, $0.0e+00;
	v59 =	vmax.f32 v59, $0.0e+00  }
0x15d: {  	v63 =	vld [tilespmem:$0x500];
	v0 =	vmax.f32 v0, $0.0e+00;
	v3 =	vmax.f32 v3, $0.0e+00;
	v17 =	vadd.f32 v60, v6  }
0x15e: {  	v2 =	vmax.f32 v61, v8;
	v56 =	vadd.f32 v60, v13;
	v1 =	vmin.f32 v5, v15  }
0x15f: {  	v14 =	vmovc v12;
	v59 =	vmul.f32 v59, v4;
	v1 =	vsub.f32 v1, v2;
	v17 =	vsub.f32 v17, v58  }
0x160: {  	v12 =	vmovc v6;
	v6 =	vadd.f32 v62, v6;
	v60 =	vmax.f32 v57, v7;
	v5 =	vmin.f32 v5, v16  }
0x161: {  	v1 =	vadd.f32 $1.000000000e+00, v1;
	(erf) = vrcp.f32 v17;
	v17 =	vmul.f32 v3, v0  }
0x162: {  	v4 =	vld [tilespmem:$0x490];
	v3 =	vsub.f32 v56, v19;
	v56 =	vadd.f32 v62, v13;
	v0 =	vmin.f32 v63, v9  }
0x163: {  	v6 =	vsub.f32 v6, v59;
	v62 =	vld [tilespmem:$0x410];
	v0 =	vsub.f32 v0, v60;
	v60 =	vpop (erf);
	v1 =	vmax.f32 v1, $0.0e+00  }
0x164: {  	(erf) = vrcp.f32 v3;
	v52 =	vmul.f32 v60, v52;
	v2 =	vsub.f32 v56, v17  }
0x165: {  	v3 =	vld [tilespmem:$0x510];
	v56 =	vmax.f32 v57, v11;
	v57 =	vmax.f32 v61, v14;
	v60 =	vmin.f32 v63, v10  }
0x166: {  	(erf) = vrcp.f32 v6;
	v6 =	vld [tilespmem:$0x590];
	v0 =	vadd.f32 $1.000000000e+00, v0;
	v5 =	vsub.f32 v5, v57  }
0x167: {  	v63 =	vld [tilespmem:$0xD110];
	(erf) = vrcp.f32 v2;
	v2 =	vsub.f32 v60, v56;
	vm14 =	vgt.f32 v52, v51  }
0x168: {  	v56 =	vld [tilespmem:$0xD100];
	v0 =	vmax.f32 v0, $0.0e+00;
	v57 =	vmax.f32 v62, v7;
	v7 =	vmax.f32 v4, v8  }
0x169: {  	v61 =	vmax.f32 v62, v11;
	v4 =	vmax.f32 v4, v14;
	v5 =	vadd.f32 $1.000000000e+00, v5  }
0x16a: {  	v0 =	vmul.f32 v1, v0;
	v2 =	vadd.f32 $1.000000000e+00, v2;
	v8 =	vmin.f32 v3, v9  }
0x16b: {  	v3 =	vmin.f32 v3, v10;
	v9 =	vmin.f32 v6, v15;
	v15 =	vsub.f32 v8, v57  }
0x16c: {  	v6 =	vmin.f32 v6, v16;
	v3 =	vsub.f32 v3, v61;
	v16 =	vadd.f32 v63, v12  }
0x16d: {  	v5 =	vmax.f32 v5, $0.0e+00;
	v7 =	vsub.f32 v9, v7;
	v62 =	vadd.f32 v56, v12  }
0x16e: {  	v2 =	vmax.f32 v2, $0.0e+00;
	v4 =	vsub.f32 v6, v4;
	v14 =	vadd.f32 v56, v13  }
0x16f: {  	v2 =	vmul.f32 v5, v2;
	v1 =	vadd.f32 $1.000000000e+00, v15;
	v3 =	vadd.f32 $1.000000000e+00, v3  }
0x170: {  	v60 =	vld [tilespmem:$0xD230];
	v57 =	vsel vm14, s30, v18;
	v11 =	vsub.f32 v62, v0;
	v7 =	vadd.f32 $1.000000000e+00, v7  }
0x171: {  	v9 =	vsel vm14, v52, v51;
	v4 =	vadd.f32 $1.000000000e+00, v4;
	v5 =	vsub.f32 v14, v2  }
0x172: {  	v6 =	vpop (erf);
	v62 =	vadd.f32 v63, v13;
	v1 =	vmax.f32 v1, $0.0e+00;
	v3 =	vmax.f32 v3, $0.0e+00  }
0x173: {  	v10 =	vld [tilespmem:$0xD260];
	v61 =	vpop (erf);
	v53 =	vmul.f32 v6, v53;
	v15 =	vmax.f32 v7, $0.0e+00;
	(erf) = vrcp.f32 v11  }
0x174: {  	v7 =	vld [tilespmem:$0xD3B0];
	v4 =	vmax.f32 v4, $0.0e+00;
	v63 =	vpop (erf);
	v1 =	vmul.f32 v15, v1;
	(erf) = vrcp.f32 v5  }
0x175: {  	v56 =	vld [tilespmem:$0xD240];
	vm15 =	vgt.f32 v9, v60;
	v3 =	vmul.f32 v4, v3;
	v4 =	vmul.f32 v61, v54;
	v61 =	vpop (erf)  }
0x176: {  	v6 =	vld [tilespmem:$0xD3C0];
	v11 =	vsel vm15, v9, v60;
	v12 =	vmul.f32 v63, v55;
	v5 =	vmul.f32 v61, v20  }
0x177: {  	v9 =	vld [tilespmem:$0xD250];
	v20 =	vpop (erf);
	v16 =	vsub.f32 v16, v1;
	v62 =	vsub.f32 v62, v3;
	vm12 =	vgt.f32 v4, v53  }
0x178: {  	v8 =	vld [tilespmem:$0xD3D0];
	v54 =	vmul.f32 v20, v58;
	v63 =	vsel vm12, v4, v53;
	v55 =	vsel vm12, s30, v18  }
0x179: {  	vm14 =	vgt.f32 v5, v12;
	(erf) = vrcp.f32 v16;
	v13 =	vsel vm15, v57, v7;
	v16 =	vld [tilespmem:$0xD3E0]  }
0x17a: {  	v14 =	vpop (erf);
	vm13 =	vgt.f32 v63, v56;
	v60 =	vsel vm14, v5, v12;
	(erf) = vrcp.f32 v62;
	v62 =	vld [tilespmem:$0xD270]  }
0x17b: {  	v57 =	vpop (erf);
	v7 =	vmul.f32 v14, v19;
	v20 =	vsel vm14, s30, v18;
	v56 =	vsel vm13, v63, v56;
	v63 =	vld [tilespmem:$0x1FF90]  }
0x17c: {  	v58 =	vpop (erf);
	vm15 =	vgt.f32 v60, v9;
	v61 =	vsel vm13, v55, v6;
	v55 =	vmul.f32 v57, v59;
	v59 =	vld [tilespmem:$0x1FF80]  }
0x17d: {  	v15 =	vsel vm15, v20, v8;
	v8 =	vmul.f32 v58, v17;
	v17 =	vld [tilespmem:$0x1FFA0];
	v19 =	vpop (erf)  }
0x17e: {  	v60 =	vsel vm15, v60, v9;
	vm12 =	vgt.f32 v7, v54;
	v58 =	vld [tilespmem:$0xD3F0];
	v20 =	vpop (erf)  }
0x17f: {  	v9 =	vmul.f32 v19, v0;
	v0 =	vsel vm12, v7, v54;
	v6 =	vmul.f32 v20, v2;
	v2 =	vld [tilespmem:$0xD280]  }
0x180: {  	v14 =	vsel vm12, s30, v18;
	vm14 =	vgt.f32 v8, v55;
	vm13 =	vgt.f32 v0, v10;
	[tilespmem:$0xD300] =	vst v63;
	v63 =	vld [tilespmem:$0xD400]  }
0x181: {  	[tilespmem:$0xD180] =	vst v59;
	v59 =	vsel vm14, v8, v55;
	v0 =	vsel vm13, v0, v10;
	v16 =	vsel vm13, v14, v16  }
0x182: {  	[tilespmem:$0xD190] =	vst v17;
	v17 =	vsel vm14, s30, v18;
	vm12 =	vgt.f32 v59, v62;
	vm15 =	vgt.f32 v6, v9;
	v20 =	vpop (erf)  }
0x183: {  	v57 =	vld [tilespmem:$0xD290];
	v59 =	vsel vm12, v59, v62;
	v14 =	vmul.f32 v20, v1;
	v1 =	vsel vm15, v6, v9  }
0x184: {  	v17 =	vsel vm12, v17, v58;
	v58 =	vld [tilespmem:$0x1FFD0];
	v62 =	vsel vm15, s30, v18;
	vm13 =	vgt.f32 v1, v2  }
0x185: {  	[tilespmem:$0xD1B0] =	vst v24;
	v19 =	vpop (erf);
	v1 =	vsel vm13, v1, v2;
	v2 =	vsel vm13, v62, v63;
	v62 =	vld [tilespmem:$0x1FFE0]  }
0x186: {  	[tilespmem:$0xD330] =	vst v25;
	v20 =	vld [tilespmem:$0x1FFB0];
	v10 =	vmul.f32 v19, v3  }
0x187: {  	[tilespmem:$0xD1C0] =	vst v26;
	vm15 =	vgt.f32 v30, v48;
	v3 =	vld [tilespmem:$0xD410]  }
0x188: {  	[tilespmem:$0xD340] =	vst v27;
	v19 =	vld [tilespmem:$0x1FFC0];
	v24 =	vsel vm15, v30, v48;
	v48 =	vimm.s32 $0x0;
	vm14 =	vgt.f32 v10, v14  }
0x189: {  	[tilespmem:$0xD1E0] =	vst v40;
	v30 =	vsel vm1, $0x10, v48;
	vm9 =	vgt.f32 v36, v24;
	v63 =	vsel vm14, v10, v14  }
0x18a: {  	[tilespmem:$0xD220] =	vst v49;
	v49 =	vsel vm0, $0x10, v48;
	vm11 =	vgt.f32 v63, v57;
	vm7 =	vgt.f32 v62, v22  }
0x18b: {  	v24 =	vsel vm9, v36, v24;
	[tilespmem:$0xD310] =	vst v20;
	v20 =	vsel vm11, v63, v57;
	v63 =	vsel vm7, v62, v22  }
0x18c: {  	[tilespmem:$0xD320] =	vst v58;
	v58 =	vsel vm14, s30, v18;
	vm10 =	vgt.f32 v35, v24;
	vm1 =	vgt.f32 v21, v63  }
0x18d: {  	v40 =	vsel vm10, v35, v24;
	[tilespmem:$0xD1A0] =	vst v19;
	v3 =	vsel vm11, v58, v3;
	v19 =	vsel vm1, v21, v63  }
0x18e: {  	[tilespmem:$0xD1D0] =	vst v29;
	vm12 =	vgt.f32 v43, v40;
	v22 =	vsel vm3, $0x20, v30;
	vm3 =	vgt.f32 v23, v19  }
0x18f: {  	[tilespmem:$0xD350] =	vst v28;
	v36 =	vsel vm4, $0x30, v22;
	v22 =	vsel vm12, v43, v40;
	v19 =	vsel vm3, v23, v19  }
0x190: {  	[tilespmem:$0xD360] =	vst v38;
	v21 =	vsel vm5, $0x40, v36;
	vm13 =	vgt.f32 v47, v22;
	vm4 =	vgt.f32 v31, v19  }
0x191: {  	[tilespmem:$0xD1F0] =	vst v41;
	v21 =	vsel vm6, $0x50, v21;
	v22 =	vsel vm13, v47, v22;
	v19 =	vsel vm4, v31, v19  }
0x192: {  	[tilespmem:$0xD370] =	vst v39;
	v21 =	vsel vm15, $0x60, v21;
	vm14 =	vgt.f32 v51, v22;
	vm5 =	vgt.f32 v32, v19  }
0x193: {  	[tilespmem:$0xD200] =	vst v44;
	v21 =	vsel vm9, $0x70, v21;
	v22 =	vsel vm14, v51, v22;
	v19 =	vsel vm5, v32, v19  }
0x194: {  	[tilespmem:$0xD380] =	vst v42;
	v51 =	vsel vm2, $0x20, v49;
	v21 =	vsel vm10, $0x80, v21;
	vm6 =	vgt.f32 v33, v19  }
0x195: {  	[tilespmem:$0xD210] =	vst v46;
	vm15 =	vgt.f32 v53, v22;
	v21 =	vsel vm12, $0x90, v21;
	v19 =	vsel vm6, v33, v19  }
0x196: {  	[tilespmem:$0xD390] =	vst v45;
	v22 =	vsel vm15, v53, v22;
	v21 =	vsel vm13, $0xA0, v21;
	vm8 =	vgt.f32 v34, v19  }
0x197: {  	[tilespmem:$0xD3A0] =	vst v50;
	vm10 =	vgt.f32 v12, v22;
	v21 =	vsel vm14, $0xB0, v21;
	v19 =	vsel vm8, v34, v19  }
0x198: {  	[tilespmem:$0xD230] =	vst v11;
	v50 =	vsel vm10, v12, v22;
	v12 =	vsel vm7, $0x30, v51;
	vm11 =	vgt.f32 v37, v19  }
0x199: {  	[tilespmem:$0xD3B0] =	vst v13;
	v21 =	vsel vm15, $0xC0, v21;
	v12 =	vsel vm1, $0x40, v12;
	v19 =	vsel vm11, v37, v19  }
0x19a: {  	[tilespmem:$0xD240] =	vst v56;
	vm13 =	vgt.f32 v54, v50;
	v21 =	vsel vm10, $0xD0, v21;
	vm12 =	vgt.f32 v52, v19  }
0x19b: {  	[tilespmem:$0xD3C0] =	vst v61;
	v12 =	vsel vm3, $0x50, v12;
	v11 =	vsel vm13, v54, v50;
	v53 =	vsel vm12, v52, v19  }
0x19c: {  	[tilespmem:$0xD250] =	vst v60;
	v54 =	vsel vm13, $0xE0, v21;
	v12 =	vsel vm4, $0x60, v12;
	vm14 =	vgt.f32 v4, v53  }
0x19d: {  	[tilespmem:$0xD3D0] =	vst v15;
	vm15 =	vgt.f32 v55, v11;
	v12 =	vsel vm5, $0x70, v12;
	v4 =	vsel vm14, v4, v53  }
0x19e: {  	[tilespmem:$0xD260] =	vst v0;
	v55 =	vsel vm15, v55, v11;
	v12 =	vsel vm6, $0x80, v12;
	vm9 =	vgt.f32 v5, v4  }
0x19f: {  	[tilespmem:$0xD3E0] =	vst v16;
	v56 =	vsel vm15, $0xF0, v54;
	v57 =	vsel vm8, $0x90, v12;
	v4 =	vsel vm9, v5, v4  }
0x1a0: {  	[tilespmem:$0xD270] =	vst v59;
	v5 =	vsel vm11, $0xA0, v57;
	vm11 =	vgt.f32 v9, v55;
	vm10 =	vgt.f32 v7, v4  }
0x1a1: {  	[tilespmem:$0xD3F0] =	vst v17;
	v47 =	vld [tilespmem:$0x1FFF0];
	v5 =	vsel vm12, $0xB0, v5;
	v0 =	vsel vm11, v9, v55;
	v4 =	vsel vm10, v7, v4  }
0x1a2: {  	[tilespmem:$0xD280] =	vst v1;
	v58 =	vsel vm11, $0x100, v56;
	v5 =	vsel vm14, $0xC0, v5;
	vm12 =	vgt.f32 v8, v4  }
0x1a3: {  	[tilespmem:$0xD400] =	vst v2;
	vm13 =	vgt.f32 v14, v0;
	v60 =	vsel vm9, $0xD0, v5;
	v59 =	vsel vm12, v8, v4  }
0x1a4: {  	p0 =	sne.s32 s30, $0x63;
	[tilespmem:$0xD290] =	vst v20;
	v0 =	vsel vm13, v14, v0;
	v2 =	vsel vm10, $0xE0, v60;
	vm14 =	vgt.f32 v6, v59  }
.Ltmp0:
0x1a5: {  	[tilespmem:$0xD410] =	vst v3;
	v61 =	vsel vm13, $0x110, v58;
	v2 =	vsel vm12, $0xF0, v2;
	v1 =	vsel vm14, v6, v59;
	(pc) =	sbr.rel @p0 .LBB2_2-.Ltmp0, $4  }
0x1a6: {  	[tilespmem:s28+$0xFFFFFF80] =	vst v0;
	v62 =	vadd.s32 v61, v47;
	v2 =	vsel vm14, $0x100, v2;
	vm15 =	vgt.f32 v10, v1  }
0x1a7: {  	[tilespmem:s26+$0xFFFFFF80] =	vst v62;
	v1 =	vsel vm15, v10, v1;
	v2 =	vsel vm15, $0x110, v2  }
0x1a8: {  	s29 =	sadd.s32 $0x400, s29;
	[tilespmem:s28+$0x0] =	vst v1;
	v63 =	vadd.s32 v2, v47  }
0x1a9: {  	s30 =	sadd.s32 $0x2, s30;
	s28 =	sadd.s32 $0x100, s28;
	[tilespmem:s26+$0x0] =	vst v63;
	s26 =	sadd.s32 $0x100, s26  }
0x1aa: {  	v1 =	vld [tilespmem:$0x0]  }
0x1ab: {  	v3 =	vld [tilespmem:$0x100]  }
0x1ac: {  	v2 =	vld [tilespmem:$0x80]  }
0x1ad: {  	v4 =	vld [tilespmem:$0x180];
	_ =	sdelay $0x1  }
0x1ae: {  	v0 =	vld [tilespmem:$0xD300]  }
0x1af: {  	v3 =	vsub.f32 v3, v1;
	_ =	sdelay $0x1  }
0x1b0: {  	v4 =	vsub.f32 v4, v2;
	v3 =	vadd.f32 $1.000000000e+00, v3;
	_ =	sdelay $0x1  }
0x1b1: {  	v9 =	vld [tilespmem:$0x10];
	v4 =	vadd.f32 $1.000000000e+00, v4;
	(erf) = vrcp.f32 v3  }
0x1b2: {  	v54 =	vld [tilespmem:$0x90]  }
0x1b3: {  	v55 =	vld [tilespmem:$0x110];
	(erf) = vrcp.f32 v4  }
0x1b4: {  	v5 =	vld.idx.msk [tilespmem:v0+s14+$0x0], $0xffff  }
0x1b5: {  	v56 =	vld [tilespmem:$0x190];
	v3 =	vmul.f32 $5.000000000e-01, v3  }
0x1b6: {  	v6 =	vld.idx.msk [tilespmem:v0+s15+$0x0], $0xffff  }
0x1b7: {  	v7 =	vld.idx.msk [tilespmem:v0+s16+$0x0], $0xffff;
	v4 =	vmul.f32 $5.000000000e-01, v4;
	v1 =	vadd.f32 v3, v1  }
0x1b8: {  	v8 =	vld [tilespmem:$0xD310]  }
0x1b9: {  	v0 =	vld.idx.msk [tilespmem:v0+s17+$0x0], $0xffff;
	v2 =	vadd.f32 v4, v2;
	v1 =	vsub.f32 v5, v1  }
0x1ba: {  	v4 =	vsub.f32 v55, v9;
	v10 =	vpop (erf)  }
0x1bb: {  	v59 =	vsub.f32 v56, v54;
	v2 =	vsub.f32 v6, v2;
	v1 =	vmul.f32 v1, v10  }
0x1bc: {  	v60 =	vadd.f32 $1.000000000e+00, v4;
	v57 =	vpop (erf);
	v58 =	vmul.f32 v10, v7  }
0x1bd: {  	v15 =	vld [tilespmem:$0x20];
	v61 =	vadd.f32 $1.000000000e+00, v59;
	v2 =	vmul.f32 v2, v57;
	[tilespmem:$0x13F00] =	vst v1  }
0x1be: {  	v16 =	vld [tilespmem:$0xA0];
	(erf) = vrcp.f32 v60;
	v0 =	vmul.f32 v57, v0;
	[tilespmem:$0x14000] =	vst v58  }
0x1bf: {  	v17 =	vld [tilespmem:$0x120];
	(erf) = vrcp.f32 v61;
	[tilespmem:$0x13F80] =	vst v2  }
0x1c0: {  	v18 =	vld [tilespmem:$0x1A0];
	[tilespmem:$0x14080] =	vst v0  }
0x1c1: {  	v62 =	vld.idx.msk [tilespmem:v8+s14+$0x0], $0xffff  }
0x1c2: {  	v63 =	vld.idx.msk [tilespmem:v8+s15+$0x0], $0xffff  }
0x1c3: {  	v12 =	vld.idx.msk [tilespmem:v8+s16+$0x0], $0xffff  }
0x1c4: {  	v1 =	vmul.f32 $5.000000000e-01, v60;
	v13 =	vld.idx.msk [tilespmem:v8+s17+$0x0], $0xffff  }
0x1c5: {  	v0 =	vmul.f32 $5.000000000e-01, v61  }
0x1c6: {  	v14 =	vld [tilespmem:$0xD320];
	v1 =	vadd.f32 v1, v9  }
0x1c7: {  	v3 =	vsub.f32 v17, v15;
	v0 =	vadd.f32 v0, v54;
	v19 =	vpop (erf)  }
0x1c8: {  	v2 =	vsub.f32 v18, v16;
	v1 =	vsub.f32 v62, v1;
	v20 =	vpop (erf);
	v21 =	vmul.f32 v19, v12  }
0x1c9: {  	v23 =	vadd.f32 $1.000000000e+00, v3;
	v0 =	vsub.f32 v63, v0;
	v22 =	vmul.f32 v20, v13  }
0x1ca: {  	v30 =	vld [tilespmem:$0x30];
	v24 =	vadd.f32 $1.000000000e+00, v2;
	v1 =	vmul.f32 v1, v19;
	[tilespmem:$0x14010] =	vst v21  }
0x1cb: {  	v31 =	vld [tilespmem:$0xB0];
	(erf) = vrcp.f32 v23;
	v0 =	vmul.f32 v0, v20;
	[tilespmem:$0x14090] =	vst v22  }
0x1cc: {  	v32 =	vld [tilespmem:$0x130];
	(erf) = vrcp.f32 v24;
	[tilespmem:$0x13F10] =	vst v1  }
0x1cd: {  	v33 =	vld [tilespmem:$0x1B0];
	[tilespmem:$0x13F90] =	vst v0  }
0x1ce: {  	v25 =	vld.idx.msk [tilespmem:v14+s14+$0x0], $0xffff  }
0x1cf: {  	v26 =	vld.idx.msk [tilespmem:v14+s15+$0x0], $0xffff  }
0x1d0: {  	v27 =	vld.idx.msk [tilespmem:v14+s16+$0x0], $0xffff  }
0x1d1: {  	v1 =	vmul.f32 $5.000000000e-01, v23;
	v28 =	vld.idx.msk [tilespmem:v14+s17+$0x0], $0xffff  }
0x1d2: {  	v0 =	vmul.f32 $5.000000000e-01, v24  }
0x1d3: {  	v29 =	vld [tilespmem:$0xD330];
	v1 =	vadd.f32 v1, v15  }
0x1d4: {  	v37 =	vsub.f32 v32, v30;
	v0 =	vadd.f32 v0, v16;
	v34 =	vpop (erf)  }
0x1d5: {  	v2 =	vsub.f32 v33, v31;
	v35 =	vpop (erf);
	v1 =	vsub.f32 v25, v1;
	v36 =	vmul.f32 v34, v27  }
0x1d6: {  	v39 =	vadd.f32 $1.000000000e+00, v37;
	v0 =	vsub.f32 v26, v0;
	v38 =	vmul.f32 v35, v28  }
0x1d7: {  	v46 =	vld [tilespmem:$0x40];
	v40 =	vadd.f32 $1.000000000e+00, v2;
	v1 =	vmul.f32 v1, v34;
	[tilespmem:$0x14020] =	vst v36  }
0x1d8: {  	v47 =	vld [tilespmem:$0xC0];
	(erf) = vrcp.f32 v39;
	v0 =	vmul.f32 v0, v35;
	[tilespmem:$0x140A0] =	vst v38  }
0x1d9: {  	v49 =	vld [tilespmem:$0x140];
	(erf) = vrcp.f32 v40;
	[tilespmem:$0x13F20] =	vst v1  }
0x1da: {  	v50 =	vld [tilespmem:$0x1C0];
	[tilespmem:$0x13FA0] =	vst v0  }
0x1db: {  	v41 =	vld.idx.msk [tilespmem:v29+s14+$0x0], $0xffff  }
0x1dc: {  	v42 =	vld.idx.msk [tilespmem:v29+s15+$0x0], $0xffff  }
0x1dd: {  	v43 =	vld.idx.msk [tilespmem:v29+s16+$0x0], $0xffff  }
0x1de: {  	v1 =	vmul.f32 $5.000000000e-01, v39;
	v44 =	vld.idx.msk [tilespmem:v29+s17+$0x0], $0xffff  }
0x1df: {  	v0 =	vmul.f32 $5.000000000e-01, v40  }
0x1e0: {  	v45 =	vld [tilespmem:$0xD340];
	v1 =	vadd.f32 v1, v30  }
0x1e1: {  	v54 =	vsub.f32 v49, v46;
	v0 =	vadd.f32 v0, v31;
	v51 =	vpop (erf)  }
0x1e2: {  	v2 =	vsub.f32 v50, v47;
	v52 =	vpop (erf);
	v1 =	vsub.f32 v41, v1;
	v53 =	vmul.f32 v51, v43  }
0x1e3: {  	v56 =	vadd.f32 $1.000000000e+00, v54;
	v0 =	vsub.f32 v42, v0;
	v55 =	vmul.f32 v52, v44  }
0x1e4: {  	v57 =	vadd.f32 $1.000000000e+00, v2;
	v63 =	vld [tilespmem:$0x50];
	v1 =	vmul.f32 v1, v51;
	[tilespmem:$0x14030] =	vst v53  }
0x1e5: {  	v12 =	vld [tilespmem:$0xD0];
	(erf) = vrcp.f32 v56;
	v0 =	vmul.f32 v0, v52;
	[tilespmem:$0x140B0] =	vst v55  }
0x1e6: {  	v13 =	vld [tilespmem:$0x150];
	(erf) = vrcp.f32 v57;
	[tilespmem:$0x13F30] =	vst v1  }
0x1e7: {  	v14 =	vld [tilespmem:$0x1D0];
	[tilespmem:$0x13FB0] =	vst v0  }
0x1e8: {  	v58 =	vld.idx.msk [tilespmem:v45+s14+$0x0], $0xffff  }
0x1e9: {  	v59 =	vld.idx.msk [tilespmem:v45+s15+$0x0], $0xffff  }
0x1ea: {  	v60 =	vld.idx.msk [tilespmem:v45+s16+$0x0], $0xffff  }
0x1eb: {  	v1 =	vmul.f32 $5.000000000e-01, v56;
	v61 =	vld.idx.msk [tilespmem:v45+s17+$0x0], $0xffff  }
0x1ec: {  	v0 =	vmul.f32 $5.000000000e-01, v57  }
0x1ed: {  	v62 =	vld [tilespmem:$0xD350];
	v1 =	vadd.f32 v1, v46  }
0x1ee: {  	v18 =	vsub.f32 v13, v63;
	v0 =	vadd.f32 v0, v47;
	v15 =	vpop (erf)  }
0x1ef: {  	v2 =	vsub.f32 v14, v12;
	v16 =	vpop (erf);
	v1 =	vsub.f32 v58, v1;
	v17 =	vmul.f32 v15, v60  }
0x1f0: {  	v20 =	vadd.f32 $1.000000000e+00, v18;
	v0 =	vsub.f32 v59, v0;
	v19 =	vmul.f32 v16, v61  }
0x1f1: {  	v27 =	vld [tilespmem:$0x60];
	v21 =	vadd.f32 $1.000000000e+00, v2;
	v1 =	vmul.f32 v1, v15;
	[tilespmem:$0x14040] =	vst v17  }
0x1f2: {  	v28 =	vld [tilespmem:$0xE0];
	(erf) = vrcp.f32 v20;
	v0 =	vmul.f32 v0, v16;
	[tilespmem:$0x140C0] =	vst v19  }
0x1f3: {  	v29 =	vld [tilespmem:$0x160];
	(erf) = vrcp.f32 v21;
	[tilespmem:$0x13F40] =	vst v1  }
0x1f4: {  	v30 =	vld [tilespmem:$0x1E0];
	[tilespmem:$0x13FC0] =	vst v0  }
0x1f5: {  	v22 =	vld.idx.msk [tilespmem:v62+s14+$0x0], $0xffff  }
0x1f6: {  	v23 =	vld.idx.msk [tilespmem:v62+s15+$0x0], $0xffff  }
0x1f7: {  	v24 =	vld.idx.msk [tilespmem:v62+s16+$0x0], $0xffff  }
0x1f8: {  	v1 =	vmul.f32 $5.000000000e-01, v20;
	v25 =	vld.idx.msk [tilespmem:v62+s17+$0x0], $0xffff  }
0x1f9: {  	v0 =	vmul.f32 $5.000000000e-01, v21  }
0x1fa: {  	v26 =	vld [tilespmem:$0xD360];
	v1 =	vadd.f32 v1, v63  }
0x1fb: {  	v34 =	vsub.f32 v29, v27;
	v31 =	vpop (erf);
	v0 =	vadd.f32 v0, v12  }
0x1fc: {  	v2 =	vsub.f32 v30, v28;
	v32 =	vpop (erf);
	v1 =	vsub.f32 v22, v1;
	v33 =	vmul.f32 v31, v24  }
0x1fd: {  	v36 =	vadd.f32 $1.000000000e+00, v34;
	v0 =	vsub.f32 v23, v0;
	v35 =	vmul.f32 v32, v25  }
0x1fe: {  	v43 =	vld [tilespmem:$0x70];
	v37 =	vadd.f32 $1.000000000e+00, v2;
	v1 =	vmul.f32 v1, v31;
	[tilespmem:$0x14050] =	vst v33  }
0x1ff: {  	v44 =	vld [tilespmem:$0xF0];
	(erf) = vrcp.f32 v36;
	v0 =	vmul.f32 v0, v32;
	[tilespmem:$0x140D0] =	vst v35  }
0x200: {  	v45 =	vld [tilespmem:$0x170];
	(erf) = vrcp.f32 v37;
	[tilespmem:$0x13F50] =	vst v1  }
0x201: {  	v46 =	vld [tilespmem:$0x1F0];
	[tilespmem:$0x13FD0] =	vst v0  }
0x202: {  	v38 =	vld.idx.msk [tilespmem:v26+s14+$0x0], $0xffff  }
0x203: {  	v39 =	vld.idx.msk [tilespmem:v26+s15+$0x0], $0xffff  }
0x204: {  	v40 =	vld.idx.msk [tilespmem:v26+s16+$0x0], $0xffff  }
0x205: {  	v1 =	vmul.f32 $5.000000000e-01, v36;
	v41 =	vld.idx.msk [tilespmem:v26+s17+$0x0], $0xffff  }
0x206: {  	v0 =	vmul.f32 $5.000000000e-01, v37  }
0x207: {  	v42 =	vld [tilespmem:$0xD370];
	v1 =	vadd.f32 v1, v27  }
0x208: {  	v51 =	vsub.f32 v45, v43;
	v47 =	vpop (erf);
	v0 =	vadd.f32 v0, v28  }
0x209: {  	v2 =	vsub.f32 v46, v44;
	v49 =	vpop (erf);
	v1 =	vsub.f32 v38, v1;
	v50 =	vmul.f32 v47, v40  }
0x20a: {  	v53 =	vadd.f32 $1.000000000e+00, v51;
	v0 =	vsub.f32 v39, v0;
	v52 =	vmul.f32 v49, v41  }
0x20b: {  	v60 =	vld [tilespmem:$0x200];
	v54 =	vadd.f32 $1.000000000e+00, v2;
	v1 =	vmul.f32 v1, v47;
	[tilespmem:$0x14060] =	vst v50  }
0x20c: {  	v61 =	vld [tilespmem:$0x280];
	(erf) = vrcp.f32 v53;
	v0 =	vmul.f32 v0, v49;
	[tilespmem:$0x140E0] =	vst v52  }
0x20d: {  	v62 =	vld [tilespmem:$0x300];
	(erf) = vrcp.f32 v54;
	[tilespmem:$0x13F60] =	vst v1  }
0x20e: {  	v63 =	vld [tilespmem:$0x380];
	[tilespmem:$0x13FE0] =	vst v0  }
0x20f: {  	v55 =	vld.idx.msk [tilespmem:v42+s14+$0x0], $0xffff  }
0x210: {  	v56 =	vld.idx.msk [tilespmem:v42+s15+$0x0], $0xffff  }
0x211: {  	v57 =	vld.idx.msk [tilespmem:v42+s16+$0x0], $0xffff  }
0x212: {  	v1 =	vmul.f32 $5.000000000e-01, v53;
	v58 =	vld.idx.msk [tilespmem:v42+s17+$0x0], $0xffff  }
0x213: {  	v0 =	vmul.f32 $5.000000000e-01, v54  }
0x214: {  	v59 =	vld [tilespmem:$0xD380];
	v1 =	vadd.f32 v1, v43  }
0x215: {  	v15 =	vsub.f32 v62, v60;
	v12 =	vpop (erf);
	v0 =	vadd.f32 v0, v44  }
0x216: {  	v2 =	vsub.f32 v63, v61;
	v13 =	vpop (erf);
	v1 =	vsub.f32 v55, v1;
	v14 =	vmul.f32 v12, v57  }
0x217: {  	v17 =	vadd.f32 $1.000000000e+00, v15;
	v0 =	vsub.f32 v56, v0;
	v16 =	vmul.f32 v13, v58  }
0x218: {  	v24 =	vld [tilespmem:$0x210];
	v18 =	vadd.f32 $1.000000000e+00, v2;
	v1 =	vmul.f32 v1, v12;
	[tilespmem:$0x14070] =	vst v14  }
0x219: {  	v25 =	vld [tilespmem:$0x290];
	(erf) = vrcp.f32 v17;
	v0 =	vmul.f32 v0, v13;
	[tilespmem:$0x140F0] =	vst v16  }
0x21a: {  	v26 =	vld [tilespmem:$0x310];
	(erf) = vrcp.f32 v18;
	[tilespmem:$0x13F70] =	vst v1  }
0x21b: {  	v27 =	vld [tilespmem:$0x390];
	[tilespmem:$0x13FF0] =	vst v0  }
0x21c: {  	v19 =	vld.idx.msk [tilespmem:v59+s14+$0x0], $0xffff  }
0x21d: {  	v20 =	vld.idx.msk [tilespmem:v59+s15+$0x0], $0xffff  }
0x21e: {  	v21 =	vld.idx.msk [tilespmem:v59+s16+$0x0], $0xffff  }
0x21f: {  	v1 =	vmul.f32 $5.000000000e-01, v17;
	v22 =	vld.idx.msk [tilespmem:v59+s17+$0x0], $0xffff  }
0x220: {  	v0 =	vmul.f32 $5.000000000e-01, v18  }
0x221: {  	v23 =	vld [tilespmem:$0xD390];
	v1 =	vadd.f32 v1, v60  }
0x222: {  	v31 =	vsub.f32 v26, v24;
	v28 =	vpop (erf);
	v0 =	vadd.f32 v0, v61  }
0x223: {  	v2 =	vsub.f32 v27, v25;
	v29 =	vpop (erf);
	v1 =	vsub.f32 v19, v1;
	v30 =	vmul.f32 v28, v21  }
0x224: {  	v33 =	vadd.f32 $1.000000000e+00, v31;
	v0 =	vsub.f32 v20, v0;
	v32 =	vmul.f32 v29, v22  }
0x225: {  	v40 =	vld [tilespmem:$0x220];
	v34 =	vadd.f32 $1.000000000e+00, v2;
	v1 =	vmul.f32 v1, v28;
	[tilespmem:$0x14200] =	vst v30  }
0x226: {  	v41 =	vld [tilespmem:$0x2A0];
	(erf) = vrcp.f32 v33;
	v0 =	vmul.f32 v0, v29;
	[tilespmem:$0x14280] =	vst v32  }
0x227: {  	v42 =	vld [tilespmem:$0x320];
	(erf) = vrcp.f32 v34;
	[tilespmem:$0x14100] =	vst v1  }
0x228: {  	v43 =	vld [tilespmem:$0x3A0];
	[tilespmem:$0x14180] =	vst v0  }
0x229: {  	v35 =	vld.idx.msk [tilespmem:v23+s14+$0x0], $0xffff  }
0x22a: {  	v36 =	vld.idx.msk [tilespmem:v23+s15+$0x0], $0xffff  }
0x22b: {  	v37 =	vld.idx.msk [tilespmem:v23+s16+$0x0], $0xffff  }
0x22c: {  	v1 =	vmul.f32 $5.000000000e-01, v33;
	v38 =	vld.idx.msk [tilespmem:v23+s17+$0x0], $0xffff  }
0x22d: {  	v0 =	vmul.f32 $5.000000000e-01, v34  }
0x22e: {  	v39 =	vld [tilespmem:$0xD3A0];
	v1 =	vadd.f32 v1, v24  }
0x22f: {  	v47 =	vsub.f32 v42, v40;
	v44 =	vpop (erf);
	v0 =	vadd.f32 v0, v25  }
0x230: {  	v2 =	vsub.f32 v43, v41;
	v45 =	vpop (erf);
	v1 =	vsub.f32 v35, v1;
	v46 =	vmul.f32 v44, v37  }
0x231: {  	v50 =	vadd.f32 $1.000000000e+00, v47;
	v0 =	vsub.f32 v36, v0;
	v49 =	vmul.f32 v45, v38  }
0x232: {  	v57 =	vld [tilespmem:$0x230];
	v51 =	vadd.f32 $1.000000000e+00, v2;
	v1 =	vmul.f32 v1, v44;
	[tilespmem:$0x14210] =	vst v46  }
0x233: {  	v58 =	vld [tilespmem:$0x2B0];
	(erf) = vrcp.f32 v50;
	v0 =	vmul.f32 v0, v45;
	[tilespmem:$0x14290] =	vst v49  }
0x234: {  	v59 =	vld [tilespmem:$0x330];
	(erf) = vrcp.f32 v51;
	[tilespmem:$0x14110] =	vst v1  }
0x235: {  	v60 =	vld [tilespmem:$0x3B0];
	[tilespmem:$0x14190] =	vst v0  }
0x236: {  	v52 =	vld.idx.msk [tilespmem:v39+s14+$0x0], $0xffff  }
0x237: {  	v53 =	vld.idx.msk [tilespmem:v39+s15+$0x0], $0xffff  }
0x238: {  	v54 =	vld.idx.msk [tilespmem:v39+s16+$0x0], $0xffff  }
0x239: {  	v1 =	vmul.f32 $5.000000000e-01, v50;
	v55 =	vld.idx.msk [tilespmem:v39+s17+$0x0], $0xffff  }
0x23a: {  	v0 =	vmul.f32 $5.000000000e-01, v51  }
0x23b: {  	v56 =	vld [tilespmem:$0xD3B0];
	v1 =	vadd.f32 v1, v40  }
0x23c: {  	v10 =	vsub.f32 v59, v57;
	v61 =	vpop (erf);
	v0 =	vadd.f32 v0, v41  }
0x23d: {  	v2 =	vsub.f32 v60, v58;
	v62 =	vpop (erf);
	v1 =	vsub.f32 v52, v1;
	v63 =	vmul.f32 v61, v54  }
0x23e: {  	v12 =	vadd.f32 $1.000000000e+00, v10;
	v0 =	vsub.f32 v53, v0;
	v11 =	vmul.f32 v62, v55  }
0x23f: {  	v19 =	vld [tilespmem:$0x240];
	v13 =	vadd.f32 $1.000000000e+00, v2;
	v1 =	vmul.f32 v1, v61;
	[tilespmem:$0x14220] =	vst v63  }
0x240: {  	v20 =	vld [tilespmem:$0x2C0];
	(erf) = vrcp.f32 v12;
	v0 =	vmul.f32 v0, v62;
	[tilespmem:$0x142A0] =	vst v11  }
0x241: {  	v21 =	vld [tilespmem:$0x340];
	(erf) = vrcp.f32 v13;
	[tilespmem:$0x14120] =	vst v1  }
0x242: {  	v22 =	vld [tilespmem:$0x3C0];
	[tilespmem:$0x141A0] =	vst v0  }
0x243: {  	v14 =	vld.idx.msk [tilespmem:v56+s14+$0x0], $0xffff  }
0x244: {  	v15 =	vld.idx.msk [tilespmem:v56+s15+$0x0], $0xffff  }
0x245: {  	v16 =	vld.idx.msk [tilespmem:v56+s16+$0x0], $0xffff  }
0x246: {  	v1 =	vmul.f32 $5.000000000e-01, v12;
	v17 =	vld.idx.msk [tilespmem:v56+s17+$0x0], $0xffff  }
0x247: {  	v0 =	vmul.f32 $5.000000000e-01, v13  }
0x248: {  	v18 =	vld [tilespmem:$0xD3C0];
	v1 =	vadd.f32 v1, v57  }
0x249: {  	v26 =	vsub.f32 v21, v19;
	v23 =	vpop (erf);
	v0 =	vadd.f32 v0, v58  }
0x24a: {  	v2 =	vsub.f32 v22, v20;
	v24 =	vpop (erf);
	v1 =	vsub.f32 v14, v1;
	v25 =	vmul.f32 v23, v16  }
0x24b: {  	v28 =	vadd.f32 $1.000000000e+00, v26;
	v0 =	vsub.f32 v15, v0;
	v27 =	vmul.f32 v24, v17  }
0x24c: {  	v29 =	vadd.f32 $1.000000000e+00, v2;
	v35 =	vld [tilespmem:$0x250];
	v1 =	vmul.f32 v1, v23;
	[tilespmem:$0x14230] =	vst v25  }
0x24d: {  	v36 =	vld [tilespmem:$0x2D0];
	(erf) = vrcp.f32 v28;
	v0 =	vmul.f32 v0, v24;
	[tilespmem:$0x142B0] =	vst v27  }
0x24e: {  	v37 =	vld [tilespmem:$0x350];
	(erf) = vrcp.f32 v29;
	[tilespmem:$0x14130] =	vst v1  }
0x24f: {  	v38 =	vld [tilespmem:$0x3D0];
	[tilespmem:$0x141B0] =	vst v0  }
0x250: {  	v30 =	vld.idx.msk [tilespmem:v18+s14+$0x0], $0xffff  }
0x251: {  	v31 =	vld.idx.msk [tilespmem:v18+s15+$0x0], $0xffff  }
0x252: {  	v32 =	vld.idx.msk [tilespmem:v18+s16+$0x0], $0xffff  }
0x253: {  	v1 =	vmul.f32 $5.000000000e-01, v28;
	v33 =	vld.idx.msk [tilespmem:v18+s17+$0x0], $0xffff  }
0x254: {  	v0 =	vmul.f32 $5.000000000e-01, v29  }
0x255: {  	v34 =	vld [tilespmem:$0xD3D0];
	v1 =	vadd.f32 v1, v19  }
0x256: {  	v42 =	vsub.f32 v37, v35;
	v39 =	vpop (erf);
	v0 =	vadd.f32 v0, v20  }
0x257: {  	v2 =	vsub.f32 v38, v36;
	v40 =	vpop (erf);
	v1 =	vsub.f32 v30, v1;
	v41 =	vmul.f32 v39, v32  }
0x258: {  	v44 =	vadd.f32 $1.000000000e+00, v42;
	v0 =	vsub.f32 v31, v0;
	v43 =	vmul.f32 v40, v33  }
0x259: {  	v45 =	vadd.f32 $1.000000000e+00, v2;
	v52 =	vld [tilespmem:$0x260];
	v1 =	vmul.f32 v1, v39;
	[tilespmem:$0x14240] =	vst v41  }
0x25a: {  	v53 =	vld [tilespmem:$0x2E0];
	(erf) = vrcp.f32 v44;
	v0 =	vmul.f32 v0, v40;
	[tilespmem:$0x142C0] =	vst v43  }
0x25b: {  	v54 =	vld [tilespmem:$0x360];
	(erf) = vrcp.f32 v45;
	[tilespmem:$0x14140] =	vst v1  }
0x25c: {  	v55 =	vld [tilespmem:$0x3E0];
	[tilespmem:$0x141C0] =	vst v0  }
0x25d: {  	v46 =	vld.idx.msk [tilespmem:v34+s14+$0x0], $0xffff  }
0x25e: {  	v47 =	vld.idx.msk [tilespmem:v34+s15+$0x0], $0xffff  }
0x25f: {  	v49 =	vld.idx.msk [tilespmem:v34+s16+$0x0], $0xffff  }
0x260: {  	v1 =	vmul.f32 $5.000000000e-01, v44;
	v50 =	vld.idx.msk [tilespmem:v34+s17+$0x0], $0xffff  }
0x261: {  	v0 =	vmul.f32 $5.000000000e-01, v45  }
0x262: {  	v51 =	vld [tilespmem:$0xD3E0];
	v1 =	vadd.f32 v1, v35  }
0x263: {  	v59 =	vsub.f32 v54, v52;
	v56 =	vpop (erf);
	v0 =	vadd.f32 v0, v36  }
0x264: {  	v2 =	vsub.f32 v55, v53;
	v57 =	vpop (erf);
	v1 =	vsub.f32 v46, v1;
	v58 =	vmul.f32 v56, v49  }
0x265: {  	v61 =	vadd.f32 $1.000000000e+00, v59;
	v0 =	vsub.f32 v47, v0;
	v60 =	vmul.f32 v57, v50  }
0x266: {  	v62 =	vadd.f32 $1.000000000e+00, v2;
	v16 =	vld [tilespmem:$0x270];
	v1 =	vmul.f32 v1, v56;
	[tilespmem:$0x14250] =	vst v58  }
0x267: {  	v17 =	vld [tilespmem:$0x2F0];
	(erf) = vrcp.f32 v61;
	v0 =	vmul.f32 v0, v57;
	[tilespmem:$0x142D0] =	vst v60  }
0x268: {  	v18 =	vld [tilespmem:$0x370];
	(erf) = vrcp.f32 v62;
	[tilespmem:$0x14150] =	vst v1  }
0x269: {  	v19 =	vld [tilespmem:$0x3F0];
	[tilespmem:$0x141D0] =	vst v0  }
0x26a: {  	v63 =	vld.idx.msk [tilespmem:v51+s14+$0x0], $0xffff  }
0x26b: {  	v12 =	vld.idx.msk [tilespmem:v51+s15+$0x0], $0xffff  }
0x26c: {  	v13 =	vld.idx.msk [tilespmem:v51+s16+$0x0], $0xffff  }
0x26d: {  	v1 =	vmul.f32 $5.000000000e-01, v61;
	v14 =	vld.idx.msk [tilespmem:v51+s17+$0x0], $0xffff  }
0x26e: {  	v0 =	vmul.f32 $5.000000000e-01, v62  }
0x26f: {  	v15 =	vld [tilespmem:$0xD3F0];
	v1 =	vadd.f32 v1, v52  }
0x270: {  	v23 =	vsub.f32 v18, v16;
	v20 =	vpop (erf);
	v0 =	vadd.f32 v0, v53  }
0x271: {  	v2 =	vsub.f32 v19, v17;
	v21 =	vpop (erf);
	v1 =	vsub.f32 v63, v1;
	v22 =	vmul.f32 v20, v13  }
0x272: {  	v25 =	vadd.f32 $1.000000000e+00, v23;
	v0 =	vsub.f32 v12, v0;
	v24 =	vmul.f32 v21, v14  }
0x273: {  	v32 =	vld [tilespmem:$0x400];
	v26 =	vadd.f32 $1.000000000e+00, v2;
	v1 =	vmul.f32 v1, v20;
	[tilespmem:$0x14260] =	vst v22  }
0x274: {  	v33 =	vld [tilespmem:$0x480];
	(erf) = vrcp.f32 v25;
	v0 =	vmul.f32 v0, v21;
	[tilespmem:$0x142E0] =	vst v24  }
0x275: {  	v34 =	vld [tilespmem:$0x500];
	(erf) = vrcp.f32 v26;
	[tilespmem:$0x14160] =	vst v1  }
0x276: {  	v35 =	vld [tilespmem:$0x580];
	[tilespmem:$0x141E0] =	vst v0  }
0x277: {  	v27 =	vld.idx.msk [tilespmem:v15+s14+$0x0], $0xffff  }
0x278: {  	v28 =	vld.idx.msk [tilespmem:v15+s15+$0x0], $0xffff  }
0x279: {  	v29 =	vld.idx.msk [tilespmem:v15+s16+$0x0], $0xffff  }
0x27a: {  	v1 =	vmul.f32 $5.000000000e-01, v25;
	v30 =	vld.idx.msk [tilespmem:v15+s17+$0x0], $0xffff  }
0x27b: {  	v0 =	vmul.f32 $5.000000000e-01, v26  }
0x27c: {  	v31 =	vld [tilespmem:$0xD400];
	v1 =	vadd.f32 v1, v16  }
0x27d: {  	v39 =	vsub.f32 v34, v32;
	v36 =	vpop (erf);
	v0 =	vadd.f32 v0, v17  }
0x27e: {  	v2 =	vsub.f32 v35, v33;
	v37 =	vpop (erf);
	v1 =	vsub.f32 v27, v1;
	v38 =	vmul.f32 v36, v29  }
0x27f: {  	v41 =	vadd.f32 $1.000000000e+00, v39;
	v0 =	vsub.f32 v28, v0;
	v40 =	vmul.f32 v37, v30  }
0x280: {  	v45 =	vld [tilespmem:$0x410];
	v42 =	vadd.f32 $1.000000000e+00, v2;
	v1 =	vmul.f32 v1, v36;
	[tilespmem:$0x14270] =	vst v38  }
0x281: {  	v46 =	vld [tilespmem:$0x490];
	(erf) = vrcp.f32 v41;
	v0 =	vmul.f32 v0, v37;
	[tilespmem:$0x142F0] =	vst v40  }
0x282: {  	v47 =	vld [tilespmem:$0x510];
	(erf) = vrcp.f32 v42;
	[tilespmem:$0x14170] =	vst v1  }
0x283: {  	v49 =	vld [tilespmem:$0x590];
	[tilespmem:$0x141F0] =	vst v0  }
0x284: {  	v43 =	vld.idx.msk [tilespmem:v31+s14+$0x0], $0xffff  }
0x285: {  	v44 =	vld.idx.msk [tilespmem:v31+s15+$0x0], $0xffff  }
0x286: {  	v50 =	vld.idx.msk [tilespmem:v31+s16+$0x0], $0xffff  }
0x287: {  	v1 =	vmul.f32 $5.000000000e-01, v41;
	v6 =	vld.idx.msk [tilespmem:v31+s17+$0x0], $0xffff  }
0x288: {  	v0 =	vmul.f32 $5.000000000e-01, v42  }
0x289: {  	v51 =	vld [tilespmem:$0xD410];
	v1 =	vadd.f32 v1, v32  }
0x28a: {  	v53 =	vsub.f32 v47, v45;
	v52 =	vpop (erf);
	v0 =	vadd.f32 v0, v33  }
0x28b: {  	v10 =	vsub.f32 v49, v46;
	v54 =	vpop (erf);
	v1 =	vsub.f32 v43, v1;
	v55 =	vmul.f32 v52, v50  }
0x28c: {  	v3 =	vadd.f32 $1.000000000e+00, v53;
	v0 =	vsub.f32 v44, v0;
	v57 =	vmul.f32 v54, v6  }
0x28d: {  	v56 =	vadd.f32 $1.000000000e+00, v10;
	v1 =	vmul.f32 v1, v52;
	[tilespmem:$0x14400] =	vst v55  }
0x28e: {  	(erf) = vrcp.f32 v3;
	v0 =	vmul.f32 v0, v54;
	[tilespmem:$0x14480] =	vst v57  }
0x28f: {  	(erf) = vrcp.f32 v56;
	[tilespmem:$0x14300] =	vst v1  }
0x290: {  	[tilespmem:$0x14380] =	vst v0  }
0x291: {  	v0 =	vld.idx.msk [tilespmem:v51+s14+$0x0], $0xffff  }
0x292: {  	v1 =	vld.idx.msk [tilespmem:v51+s15+$0x0], $0xffff  }
0x293: {  	v59 =	vld.idx.msk [tilespmem:v51+s16+$0x0], $0xffff  }
0x294: {  	v3 =	vmul.f32 $5.000000000e-01, v3;
	v2 =	vld.idx.msk [tilespmem:v51+s17+$0x0], $0xffff  }
0x295: {  	v58 =	vmul.f32 $5.000000000e-01, v56  }
0x296: {  	v3 =	vadd.f32 v3, v45  }
0x297: {  	v5 =	vadd.f32 v58, v46;
	v60 =	vpop (erf)  }
0x298: {  	v61 =	vpop (erf);
	v0 =	vsub.f32 v0, v3;
	v62 =	vmul.f32 v60, v59  }
0x299: {  	v1 =	vsub.f32 v1, v5;
	v63 =	vmul.f32 v61, v2  }
0x29a: {  	v0 =	vmul.f32 v0, v60;
	[tilespmem:$0x14410] =	vst v62  }
0x29b: {  	v1 =	vmul.f32 v1, v61;
	[tilespmem:$0x14490] =	vst v63  }
0x29c: {  	[tilespmem:$0x14310] =	vst v0  }
0x29d: {  	[tilespmem:$0x14390] =	vst v1  }
0x29e: {  	[hbm4b:s6+s18] =	stream.strided.scatter [tilespmem:s20], [sflag:$0x1], $0x180, s19, s18, $0x38;
	[tilespmem:$0x14500] =	vst v63  }
0x29f: {  	_ =	swait.ge [sflag:s21], $0x180  }
0x2a0: {  	[sflag:s21] =	ssyncset.done $0x0  }
0x2a1: {  	[sflag:s21] =	ssyncadd.s32 $0xFFFFFE80  }
0x2a2: {  	[hbm4b:s7+s3] =	stream.linear.scatter [tilespmem:s22], [sflag:$0x1], $0x600, $0x38;
	[tilespmem:$0x14500] =	vst v63  }
0x2a3: {  	_ =	swait.ge [sflag:s21], $0x600  }
0x2a4: {  	[sflag:s21] =	ssyncset.done $0x0  }
0x2a5: {  	[sflag:s21] =	ssyncadd.s32 $0xFFFFFA00  }
0x2a6: {  	[hbm4b:s8+s3] =	stream.linear.scatter [tilespmem:s23], [sflag:$0x1], $0x3200, $0x38;
	[tilespmem:$0x14500] =	vst v63  }
0x2a7: {  	s25 =	sadd.s32 $0x1, s25;
	_ =	swait.ge [sflag:s21], $0x3200  }
0x2a8: {  	p0 =	sne.s32 s25, s10;
	[sflag:s21] =	ssyncset.done $0x0  }
.Ltmp1:
0x2a9: {  	[sflag:s21] =	ssyncadd.s32 $0xFFFFCE00;
	(pc) =	sbr.rel @p0 .LBB2_1-.Ltmp1, $4  }
0x2aa: {  	[hbm4b:s9+s3] =	stream.linear.scatter [tilespmem:s24], [sflag:$0x1], $0x3200, $0x38;
	[tilespmem:$0x14500] =	vst v63  }
0x2ab: {  	_ =	swait.ge [sflag:s21], $0x3200  }
0x2ac: {  	[sflag:s21] =	ssyncset.done $0x0  }
0x2ad: {  	[sflag:s21] =	ssyncadd.s32 $0xFFFFCE00  }
0x2ae: {  	_ =	sfence.sel $0x180000  }
0x2af: {  	[bflag:$0x0] =	sbarrier.arrive $0xFFFF  }
0x2b0: {  	p0 =	sne.s32 s0, $0x0;
	_ =	strace $0x90000047  }
0x2b1: {  	s0 =	sadd.s32 @!p0 $0x100000, s1;
	[bflag:$0x2] =	sbarrier.arrive $0xFFFF  }
0x2b2: {  	[sflag:s0] =	ssyncadd.tile.s32 @!p0 $0x1;
	_ =	shalt  }
.Lfunc_end2:
_tile_overlayer_lowered:
.L_overlay_start_2:
0x2b3: {  	(tag) =	ssettag $0x2  }
0x2b4: {  	s0 =	rddreg [dreg:$0x0];
	s2 =	stileid.u32  }
0x2b5: {  	s1 =	rddreg [dreg:$0x1];
	p0 =	sne.s32 s2, $0x0  }
0x2b6: {  	s3 =	rddreg [dreg:$0x2];
	[bflag:$0x3] =	sbarrier.arrive $0xFFFF;
	s2 =	simm.s32 @!p0 $0x1C01  }
0x2b7: {  	[timem:s3], [sflag:s2] =	dma.local @!p0 [hbm:s0], s1  }
0x2b8: {  	s0 =	simm.s32 @!p0 $0x1  }
0x2b9: {  	_ =	swait.ge @!p0 [sflag:s0], s1  }
0x2ba: {  	s1 =	ssub.s32 @!p0 $0x0, s1;
	[sflag:s0] =	ssyncset.done @!p0 $0x0  }
0x2bb: {  	[sflag:s0] =	ssyncadd.s32 @!p0 s1  }
0x2bc: {  	[bflag:$0x3] =	sbarrier.arrive $0xFFFF  }
0x2bd: {  	_ =	shalt  }

</sc_bundles>
